<compile_context>
chip_gen: v7x
topology: tpu7x:2x2x1
jax: 0.10.2.dev20260603
libtpu: 0.0.44.dev20260713+nightly
codegen_flags: <defaults>
</compile_context>

<pallas_src>
import functools

import jax
import jax.numpy as jnp
from jax import lax
from jax.experimental import pallas as pl
from jax.experimental.pallas import tpu as pltpu
from jax.experimental.pallas import tpu_sc as plsc

N_NODES = 10000
N_EDGES = 320000
D = 128
D_OUT = 64

NP = 10240
EP = 327680
PAD_NODE = 10100

NW = 32
EDGES_PER_TILE = EP // NW
K = 64
SB = 2
CH0 = 246
CH1 = 74
AL_R = 80
CHUNKS = EDGES_PER_TILE // K
ROWS_PER_TILE = NP // 16
ZR = 128

_R = 2048
_G = NP // _R
_AR = _R // D



def _tc_first_body(x_ref, ws_ref, wd_ref, as_ref, ad_ref, hs_ref, als_ref, ald_ref):
    x = x_ref[...]
    hs = jnp.dot(x, ws_ref[...], preferred_element_type=jnp.float32)
    hs_ref[...] = hs
    als = jnp.dot(hs, as_ref[...], preferred_element_type=jnp.float32)
    als_ref[...] = als.reshape(_AR, D)
    v = jnp.dot(wd_ref[...], ad_ref[...], preferred_element_type=jnp.float32)
    ald_ref[...] = jnp.dot(x, v, preferred_element_type=jnp.float32).reshape(_AR, D)


def _tc_mid_body(acc_ref, s_ref, b_ref, w_ref, as_ref, ad_ref, hs_ref, als_ref, ald_ref):
    num = acc_ref[0] + acc_ref[1]
    s = jnp.sum(s_ref[...], axis=1, keepdims=True)
    h = jnp.maximum(jnp.where(s > 0.0, num / s, 0.0) + b_ref[...], 0.0)
    hs = jnp.dot(h, w_ref[...], preferred_element_type=jnp.float32)
    hs_ref[...] = hs
    als = jnp.dot(hs, as_ref[...], preferred_element_type=jnp.float32)
    als_ref[...] = als.reshape(_AR, D)
    v = jnp.dot(w_ref[...], ad_ref[...], preferred_element_type=jnp.float32)
    ald_ref[...] = jnp.dot(h, v, preferred_element_type=jnp.float32).reshape(_AR, D)


def _tc_last_body(acc_ref, s_ref, b_ref, w1_ref, b1_ref, w2_ref, b2_ref, out_ref):
    num = acc_ref[0] + acc_ref[1]
    s = jnp.sum(s_ref[...], axis=1, keepdims=True)
    h = jnp.maximum(jnp.where(s > 0.0, num / s, 0.0) + b_ref[...], 0.0)
    h = jnp.maximum(jnp.dot(h, w1_ref[...], preferred_element_type=jnp.float32)
                    + b1_ref[...], 0.0)
    out_ref[...] = jnp.dot(h, w2_ref[...], preferred_element_type=jnp.float32) + b2_ref[...]


def _row_blk(i):
    return (i, 0)


def _acc_blk(i):
    return (0, i, 0)


def _full_blk(i):
    return (0, 0)


_W_SPEC = pl.BlockSpec((D, D), _full_blk)
_A_SPEC = pl.BlockSpec((D, 1), _full_blk)
_B_SPEC = pl.BlockSpec((1, D), _full_blk)
_H_SPEC = pl.BlockSpec((_R, D), _row_blk)
_AL_SPEC = pl.BlockSpec((_AR, D), _row_blk)
_ACC_SPEC = pl.BlockSpec((2, _R, D), _acc_blk)
_S_SPEC = pl.BlockSpec((_R, NW), _row_blk)

_PROJ_OUT = (jax.ShapeDtypeStruct((NP, D), jnp.float32),
             jax.ShapeDtypeStruct((NP // D, D), jnp.float32),
             jax.ShapeDtypeStruct((NP // D, D), jnp.float32))

_tc_first = pl.pallas_call(
    _tc_first_body, grid=(_G,),
    in_specs=[_H_SPEC, _W_SPEC, _W_SPEC, _A_SPEC, _A_SPEC],
    out_specs=[_H_SPEC, _AL_SPEC, _AL_SPEC],
    out_shape=_PROJ_OUT)

_tc_mid = pl.pallas_call(
    _tc_mid_body, grid=(_G,),
    in_specs=[_ACC_SPEC, _S_SPEC, _B_SPEC, _W_SPEC, _A_SPEC, _A_SPEC],
    out_specs=[_H_SPEC, _AL_SPEC, _AL_SPEC],
    out_shape=_PROJ_OUT)

_tc_last = pl.pallas_call(
    _tc_last_body, grid=(_G,),
    in_specs=[_ACC_SPEC, _S_SPEC, _B_SPEC, _W_SPEC, _B_SPEC, _W_SPEC, _B_SPEC],
    out_specs=_H_SPEC,
    out_shape=jax.ShapeDtypeStruct((NP, D), jnp.float32))



def _sc_edge_body(hs_hbm, src_hbm, dst_hbm, as_hbm, ad_hbm, out_hbm, s_hbm,
                  src_sb, dst_sb, as_v, ad_v, ee_v, rows_v, s_loc, acc_sp,
                  gsem, ssem, isem):
    cid = lax.axis_index("c")
    sid = lax.axis_index("s")
    tile_base = sid * (CH0 + CH1) + cid * CH0
    nsb = jnp.where(cid == 0, CH0 // SB, CH1 // SB)

    pltpu.sync_copy(as_hbm.at[pl.ds(0, AL_R)], as_v)
    pltpu.sync_copy(ad_hbm.at[pl.ds(0, AL_R)], ad_v)

    zero16 = jnp.zeros((16,), jnp.float32)

    def _z(r, carry):
        for c in range(D // 16):
            rows_v[0, r, pl.ds(c * 16, 16)] = zero16
        return carry
    lax.fori_loop(0, K, _z, 0)

    def _zs(r, carry):
        for c in range(128 // 16):
            s_loc[r, pl.ds(c * 16, 16)] = zero16
        return carry
    lax.fori_loop(0, AL_R, _zs, 0)

    def _za(t, carry):
        pltpu.async_copy(rows_v.at[0],
                         acc_sp.at[pl.ds(sid * ROWS_PER_TILE + t * K, K)], gsem)
        return carry
    lax.fori_loop(0, ROWS_PER_TILE // K, _za, 0)

    def _zw(t, carry):
        pltpu.make_async_copy(
            rows_v.at[0],
            acc_sp.at[pl.ds(sid * ROWS_PER_TILE + t * K, K)], gsem).wait()
        return carry
    lax.fori_loop(0, ROWS_PER_TILE // K, _zw, 0)
    plsc.subcore_barrier()

    def _stage_idx(sb, islot):
        base = tile_base + sb * SB
        pltpu.async_copy(src_hbm.at[pl.ds(base, SB)], src_sb.at[islot], isem)
        pltpu.async_copy(dst_hbm.at[pl.ds(base, SB)], dst_sb.at[islot], isem)

    def _wait_idx():
        pltpu.make_async_copy(src_hbm.at[pl.ds(0, SB)], src_sb.at[0],
                              isem).wait()
        pltpu.make_async_copy(dst_hbm.at[pl.ds(0, SB)], dst_sb.at[0],
                              isem).wait()

    def _wait_gather(b):
        pltpu.make_async_copy(hs_hbm.at[src_sb.at[0, 0]], rows_v.at[b],
                              gsem).wait()

    def _wait_scatter(b):
        pltpu.make_async_copy(rows_v.at[b], acc_sp.at[dst_sb.at[0, 0]],
                              ssem).wait()

    nch = jnp.where(cid == 0, CH0, CH1)
    nsb = nch // SB

    _stage_idx(0, 0)
    _wait_idx()
    pltpu.async_copy(hs_hbm.at[src_sb.at[0, 0]], rows_v.at[0], gsem)

    def _chunk(gj, carry):
        b = gj % 2
        sb = gj // SB
        jj = gj % SB
        islot = sb % 2

        @pl.when(gj >= 1)
        def _():
            _wait_scatter(1 - b)

        @pl.when((jj == 0) & (sb + 1 <= nsb - 1))
        def _():
            _stage_idx(sb + 1, 1 - islot)

        def _ee(t, c2):
            sv = src_sb[islot, jj, pl.ds(t * 16, 16)]
            dv = dst_sb[islot, jj, pl.ds(t * 16, 16)]
            e = (plsc.load_gather(as_v, [sv >> 7, sv & 127])
                 + plsc.load_gather(ad_v, [dv >> 7, dv & 127]))
            e = jnp.where(e > 0.0, e, 0.2 * e)
            ee = jnp.exp(e)
            ee_v[t] = ee
            plsc.addupdate_scatter(s_loc, [dv >> 7, dv & 127], ee)
            return c2
        lax.fori_loop(0, K // 16, _ee, 0)

        @pl.when((jj == SB - 1) & (gj + 1 < nch))
        def _():
            _wait_idx()

        @pl.when(gj + 1 < nch)
        def _():
            islot1 = ((gj + 1) // SB) % 2
            jj1 = (gj + 1) % SB
            pltpu.async_copy(hs_hbm.at[src_sb.at[islot1, jj1]],
                             rows_v.at[1 - b], gsem)

        _wait_gather(b)

        def _row(i):
            w = plsc.load_gather(
                ee_v, [jnp.broadcast_to(i >> 4, (16,)),
                       jnp.broadcast_to(i & 15, (16,))])
            for c in range(D // 16):
                rows_v[b, i, pl.ds(c * 16, 16)] = (
                    rows_v[b, i, pl.ds(c * 16, 16)] * w)
        plsc.parallel_loop(0, K, 1, unroll=4)(_row)

        pltpu.async_copy(rows_v.at[b], acc_sp.at[dst_sb.at[islot, jj]],
                         ssem, add=True)
        return carry
    lax.fori_loop(0, nch, _chunk, 0)
    _wait_scatter((nch - 1) % 2)

    pltpu.sync_copy(s_loc, s_hbm.at[sid * 2 + cid])
    plsc.subcore_barrier()

    def _wb(t, carry):
        pltpu.sync_copy(
            acc_sp.at[pl.ds(sid * ROWS_PER_TILE + t * ZR, ZR)],
            out_hbm.at[cid, pl.ds(sid * ROWS_PER_TILE + t * ZR, ZR)])
        return carry
    lax.fori_loop(0, ROWS_PER_TILE // ZR, _wb, 0)


_sc_edge = functools.partial(
    pl.kernel,
    out_type=(jax.ShapeDtypeStruct((2, NP, D), jnp.float32),
              jax.ShapeDtypeStruct((NW, AL_R, 128), jnp.float32)),
    mesh=plsc.VectorSubcoreMesh(core_axis_name="c", subcore_axis_name="s"),
    scratch_types=[
        pltpu.VMEM((2, SB, K), jnp.int32),
        pltpu.VMEM((2, SB, K), jnp.int32),
        pltpu.VMEM((AL_R, 128), jnp.float32),
        pltpu.VMEM((AL_R, 128), jnp.float32),
        pltpu.VMEM((K // 16, 16), jnp.float32),
        pltpu.VMEM((2, K, D), jnp.float32),
        pltpu.VMEM((AL_R, 128), jnp.float32),
        pltpu.VMEM_SHARED((NP, D), jnp.float32),
        pltpu.SemaphoreType.DMA,
        pltpu.SemaphoreType.DMA,
        pltpu.SemaphoreType.DMA,
    ],
    compiler_params=pltpu.CompilerParams(needs_layout_passes=False),
    )(_sc_edge_body)



def kernel(x, edge_index, W1s, W1d, a1s, a1d, b1, W2, a2s, a2d, b2,
           W3, a3s, a3d, b3, lin1_W, lin1_b, lin2_W, lin2_b):
    f32 = jnp.float32
    x_p = jnp.zeros((NP, D), f32).at[:N_NODES].set(x)
    pad = jnp.full((EP - N_EDGES,), PAD_NODE, jnp.int32)
    src = jnp.concatenate([edge_index[0], pad]).reshape(EP // K, K)
    dst = jnp.concatenate([edge_index[1], pad]).reshape(EP // K, K)

    def col(a):
        return a.reshape(D, 1)

    def row(a, w=D):
        return a.reshape(1, w)

    def tr(sv):
        svt = sv.reshape(NW, AL_R * 128).transpose(1, 0)
        return jnp.zeros((NP, NW), jnp.float32).at[:AL_R * 128].set(svt)

    hs, als, ald = _tc_first(x_p, W1s, W1d, col(a1s), col(a1d))
    acc, sv = _sc_edge(hs, src, dst, als, ald)
    hs, als, ald = _tc_mid(acc, tr(sv), row(b1), W2, col(a2s), col(a2d))
    acc, sv = _sc_edge(hs, src, dst, als, ald)
    hs, als, ald = _tc_mid(acc, tr(sv), row(b2), W3, col(a3s), col(a3d))
    acc, sv = _sc_edge(hs, src, dst, als, ald)

    w2p = jnp.zeros((D, D), f32).at[:, :D_OUT].set(lin2_W)
    b2p = jnp.zeros((D,), f32).at[:D_OUT].set(lin2_b)
    out = _tc_last(acc, tr(sv), row(b3), lin1_W, row(lin1_b), w2p, row(b2p))
    return out[:N_NODES, :D_OUT]

# --- scband reference (transcript-rebuilt; emitter-appended) ---
"""Pipeline reference for scband-gcn-13297218748796 (READ-ONLY COPY).

The authoritative reference and input builder live on the scoring server;
editing this copy changes nothing except your own understanding.
"""

import jax, jax.numpy as jnp
import numpy as np

N_NODES = 10000
N_EDGES = 320000
D_IN = 128
D_HID = 128
D_OUT = 64


def _gat_conv(x_src, x_dst, W_src, W_dst, a_src, a_dst, b, src, dst, n_nodes):
    # GATConv, heads=1, add_self_loops=False, negative_slope=0.2
    hs = x_src @ W_src              # [N, C]
    hd = x_dst @ W_dst              # [N, C]
    alpha_src = hs @ a_src          # [N]
    alpha_dst = hd @ a_dst          # [N]
    e = alpha_src[src] + alpha_dst[dst]            # [E]
    e = jnp.where(e > 0, e, 0.2 * e)               # leaky_relu
    m = jax.ops.segment_max(e, dst, num_segments=n_nodes)
    m = jnp.where(jnp.isfinite(m), m, 0.0)
    ee = jnp.exp(e - m[dst])
    s = jax.ops.segment_sum(ee, dst, num_segments=n_nodes)
    coef = ee / s[dst]                              # softmax over incoming edges
    msg = coef[:, None] * hs[src]                   # [E, C]
    out = jax.ops.segment_sum(msg, dst, num_segments=n_nodes)
    return out + b


def setup_inputs(seed: int = 0) -> dict:
    key = jax.random.key(seed)
    ks = jax.random.split(key, 24)
    sc_in = 1.0 / np.sqrt(D_IN)
    sc_h = 1.0 / np.sqrt(D_HID)
    inp = {}
    inp["x"] = jax.random.normal(ks[0], (N_NODES, D_IN), jnp.float32)
    inp["edge_index"] = jax.random.randint(ks[1], (2, N_EDGES), 0, N_NODES, dtype=jnp.int32)
    # conv1: bipartite-style (-1,-1) -> separate src/dst linear layers
    inp["W1s"] = jax.random.normal(ks[2], (D_IN, D_HID), jnp.float32) * sc_in
    inp["W1d"] = jax.random.normal(ks[3], (D_IN, D_HID), jnp.float32) * sc_in
    inp["a1s"] = jax.random.normal(ks[4], (D_HID,), jnp.float32) * sc_h
    inp["a1d"] = jax.random.normal(ks[5], (D_HID,), jnp.float32) * sc_h
    inp["b1"] = jnp.zeros((D_HID,), jnp.float32)
    # conv2: shared linear
    inp["W2"] = jax.random.normal(ks[6], (D_HID, D_HID), jnp.float32) * sc_h
    inp["a2s"] = jax.random.normal(ks[7], (D_HID,), jnp.float32) * sc_h
    inp["a2d"] = jax.random.normal(ks[8], (D_HID,), jnp.float32) * sc_h
    inp["b2"] = jnp.zeros((D_HID,), jnp.float32)
    # conv3: shared linear
    inp["W3"] = jax.random.normal(ks[9], (D_HID, D_HID), jnp.float32) * sc_h
    inp["a3s"] = jax.random.normal(ks[10], (D_HID,), jnp.float32) * sc_h
    inp["a3d"] = jax.random.normal(ks[11], (D_HID,), jnp.float32) * sc_h
    inp["b3"] = jnp.zeros((D_HID,), jnp.float32)
    # lin1, lin2
    inp["lin1_W"] = jax.random.normal(ks[12], (D_HID, D_HID), jnp.float32) * sc_h
    inp["lin1_b"] = jnp.zeros((D_HID,), jnp.float32)
    inp["lin2_W"] = jax.random.normal(ks[13], (D_HID, D_OUT), jnp.float32) * sc_h
    inp["lin2_b"] = jnp.zeros((D_OUT,), jnp.float32)
    return inp


def reference(x, edge_index, W1s, W1d, a1s, a1d, b1, W2, a2s, a2d, b2, W3, a3s, a3d, b3, lin1_W, lin1_b, lin2_W, lin2_b):
    src = edge_index[0]
    dst = edge_index[1]
    h = _gat_conv(x, x, W1s, W1d, a1s, a1d, b1, src, dst, N_NODES)
    h = jax.nn.relu(h)
    h = _gat_conv(h, h, W2, W2, a2s, a2d, b2, src, dst, N_NODES)
    h = jax.nn.relu(h)
    h = _gat_conv(h, h, W3, W3, a3s, a3d, b3, src, dst, N_NODES)
    h = jax.nn.relu(h)
    h = jax.nn.relu(h @ lin1_W + lin1_b)
    out = h @ lin2_W + lin2_b
    return out

if __name__ == "__main__":
    import jax
    _d = setup_inputs()
    print(jax.jit(kernel)(*tuple(_d.values())))

</pallas_src>

<mosaic_0001>
#map = affine_map<(d0, d1) -> (0, 0)>
#map1 = affine_map<(d0, d1) -> (0, 0, 0)>
module attributes {stable_mosaic.version = 14 : i64} {
  func.func @_sc_edge_body(%arg0: i32, %arg1: i32, %arg2: memref<10240x128xf32, #tpu.memory_space<hbm>>, %arg3: memref<5120x64xi32, #tpu.memory_space<hbm>>, %arg4: memref<5120x64xi32, #tpu.memory_space<hbm>>, %arg5: memref<80x128xf32, #tpu.memory_space<hbm>>, %arg6: memref<80x128xf32, #tpu.memory_space<hbm>>, %arg7: memref<2x10240x128xf32, #tpu.memory_space<hbm>>, %arg8: memref<32x80x128xf32, #tpu.memory_space<hbm>>, %arg9: memref<2x2x64xi32, #tpu.memory_space<vmem>>, %arg10: memref<2x2x64xi32, #tpu.memory_space<vmem>>, %arg11: memref<80x128xf32, #tpu.memory_space<vmem>>, %arg12: memref<80x128xf32, #tpu.memory_space<vmem>>, %arg13: memref<4x16xf32, #tpu.memory_space<vmem>>, %arg14: memref<2x64x128xf32, #tpu.memory_space<vmem>>, %arg15: memref<80x128xf32, #tpu.memory_space<vmem>>, %arg16: memref<10240x128xf32, #tpu.memory_space<vmem_shared>>, %arg17: memref<!tpu.dma_semaphore, #tpu.memory_space<semaphore_mem>>, %arg18: memref<!tpu.dma_semaphore, #tpu.memory_space<semaphore_mem>>, %arg19: memref<!tpu.dma_semaphore, #tpu.memory_space<semaphore_mem>>) attributes {dimension_semantics = [#tpu.dimension_semantics<core_parallel>, #tpu.dimension_semantics<subcore_parallel>], iteration_bounds = array<i64: 2, 16>, scalar_prefetch = 0 : i64, scratch_operands = 11 : i64, tpu.core_type = #tpu.core_type<sc_vector_subcore>, window_params = [{transform_indices = #map}, {transform_indices = #map}, {transform_indices = #map}, {transform_indices = #map}, {transform_indices = #map}, {transform_indices = #map1}, {transform_indices = #map1}]} {
    %mul3A = arith.constant 320 : i32
    %mul3A_0 = arith.muli %arg1, %mul3A : i32
    %mul3A_1 = arith.constant 246 : i32
    %mul3A_2 = arith.muli %arg0, %mul3A_1 : i32
    %add3A = arith.addi %mul3A_0, %mul3A_2 : i32
    %eq3A = arith.constant 0 : i32
    %eq3A_3 = arith.cmpi eq, %arg0, %eq3A : i32
    %jit3A = arith.constant 123 : i32
    %jit3A_4 = arith.constant 37 : i32
    %select_n3A = arith.select %eq3A_3, %jit3A, %jit3A_4 : i32
    "tpu.region"() ({
      %run_scoped3A = tpu.sem_alloc : memref<!tpu.dma_semaphore, #tpu.memory_space<semaphore_mem>>
      %dma_start3A_169 = arith.constant 0 : i32
      %dma_start3A_170 = arith.constant 0 : i32
      %dma_start3A_171 = tpu.memref_slice %arg5[%dma_start3A_169, %dma_start3A_170] : memref<80x128xf32, #tpu.memory_space<hbm>> -> memref<80x128xf32, #tpu.memory_space<hbm>>
      %dma_start3A_172 = arith.constant 0 : i32
      %dma_start3A_173 = arith.constant 0 : i32
      %dma_start3A_174 = tpu.memref_slice %arg5[%dma_start3A_172, %dma_start3A_173] : memref<80x128xf32, #tpu.memory_space<hbm>> -> memref<80x128xf32, #tpu.memory_space<hbm>>
      tpu.enqueue_dma source(%dma_start3A_174 : memref<80x128xf32, #tpu.memory_space<hbm>>) target(%arg11 : memref<80x128xf32, #tpu.memory_space<vmem>>) target_semaphore(%run_scoped3A : memref<!tpu.dma_semaphore, #tpu.memory_space<semaphore_mem>>)
      %dma_wait3A_175 = arith.constant 0 : i32
      %dma_wait3A_176 = arith.constant 0 : i32
      %dma_wait3A_177 = tpu.memref_slice %arg5[%dma_wait3A_175, %dma_wait3A_176] : memref<80x128xf32, #tpu.memory_space<hbm>> -> memref<80x128xf32, #tpu.memory_space<hbm>>
      %dma_wait3A_178 = arith.constant 0 : i32
      %dma_wait3A_179 = arith.constant 0 : i32
      %dma_wait3A_180 = tpu.memref_slice %arg5[%dma_wait3A_178, %dma_wait3A_179] : memref<80x128xf32, #tpu.memory_space<hbm>> -> memref<80x128xf32, #tpu.memory_space<hbm>>
      tpu.wait_dma2 semaphore(%run_scoped3A : memref<!tpu.dma_semaphore, #tpu.memory_space<semaphore_mem>>) src(%dma_wait3A_180 : memref<80x128xf32, #tpu.memory_space<hbm>>) dst(%arg11 : memref<80x128xf32, #tpu.memory_space<vmem>>)
      tpu.yield
    }) : () -> ()
    "tpu.region"() ({
      %run_scoped3A = tpu.sem_alloc : memref<!tpu.dma_semaphore, #tpu.memory_space<semaphore_mem>>
      %dma_start3A_169 = arith.constant 0 : i32
      %dma_start3A_170 = arith.constant 0 : i32
      %dma_start3A_171 = tpu.memref_slice %arg6[%dma_start3A_169, %dma_start3A_170] : memref<80x128xf32, #tpu.memory_space<hbm>> -> memref<80x128xf32, #tpu.memory_space<hbm>>
      %dma_start3A_172 = arith.constant 0 : i32
      %dma_start3A_173 = arith.constant 0 : i32
      %dma_start3A_174 = tpu.memref_slice %arg6[%dma_start3A_172, %dma_start3A_173] : memref<80x128xf32, #tpu.memory_space<hbm>> -> memref<80x128xf32, #tpu.memory_space<hbm>>
      tpu.enqueue_dma source(%dma_start3A_174 : memref<80x128xf32, #tpu.memory_space<hbm>>) target(%arg12 : memref<80x128xf32, #tpu.memory_space<vmem>>) target_semaphore(%run_scoped3A : memref<!tpu.dma_semaphore, #tpu.memory_space<semaphore_mem>>)
      %dma_wait3A_175 = arith.constant 0 : i32
      %dma_wait3A_176 = arith.constant 0 : i32
      %dma_wait3A_177 = tpu.memref_slice %arg6[%dma_wait3A_175, %dma_wait3A_176] : memref<80x128xf32, #tpu.memory_space<hbm>> -> memref<80x128xf32, #tpu.memory_space<hbm>>
      %dma_wait3A_178 = arith.constant 0 : i32
      %dma_wait3A_179 = arith.constant 0 : i32
      %dma_wait3A_180 = tpu.memref_slice %arg6[%dma_wait3A_178, %dma_wait3A_179] : memref<80x128xf32, #tpu.memory_space<hbm>> -> memref<80x128xf32, #tpu.memory_space<hbm>>
      tpu.wait_dma2 semaphore(%run_scoped3A : memref<!tpu.dma_semaphore, #tpu.memory_space<semaphore_mem>>) src(%dma_wait3A_180 : memref<80x128xf32, #tpu.memory_space<hbm>>) dst(%arg12 : memref<80x128xf32, #tpu.memory_space<vmem>>)
      tpu.yield
    }) : () -> ()
    %broadcast_in_dim3A = arith.constant 0.000000e+00 : f32
    %broadcast_in_dim3A_5 = vector.broadcast %broadcast_in_dim3A : f32 to vector<16xf32>
    %scan3A = arith.constant 0 : i32
    %scan3A_6 = arith.constant 0 : i32
    %scan3A_7 = arith.constant 64 : i32
    %scan3A_8 = arith.addi %scan3A_6, %scan3A_7 : i32
    %scan3A_9 = arith.constant 1 : i32
    scf.for %scan3A_169 = %scan3A_6 to %scan3A_8 step %scan3A_9  : i32 {
      %swap3A = arith.constant 0 : i32
      %swap3A_170 = arith.index_cast %swap3A : i32 to index
      %swap3A_171 = arith.index_cast %scan3A_169 : i32 to index
      %swap3A_172 = arith.constant 0 : index
      %swap3A_173 = tpu.vector_load %arg14[%swap3A_170, %swap3A_171, %swap3A_172] {strides = array<i32>} : memref<2x64x128xf32, #tpu.memory_space<vmem>>, vector<16xf32>,
      tpu.vector_store %arg14[%swap3A_170, %swap3A_171, %swap3A_172], %broadcast_in_dim3A_5 {strides = array<i32>} : memref<2x64x128xf32, #tpu.memory_space<vmem>>, vector<16xf32>,
      %swap3A_174 = arith.constant 0 : i32
      %swap3A_175 = arith.index_cast %swap3A_174 : i32 to index
      %swap3A_176 = arith.index_cast %scan3A_169 : i32 to index
      %swap3A_177 = arith.constant 16 : index
      %swap3A_178 = tpu.vector_load %arg14[%swap3A_175, %swap3A_176, %swap3A_177] {strides = array<i32>} : memref<2x64x128xf32, #tpu.memory_space<vmem>>, vector<16xf32>,
      tpu.vector_store %arg14[%swap3A_175, %swap3A_176, %swap3A_177], %broadcast_in_dim3A_5 {strides = array<i32>} : memref<2x64x128xf32, #tpu.memory_space<vmem>>, vector<16xf32>,
      %swap3A_179 = arith.constant 0 : i32
      %swap3A_180 = arith.index_cast %swap3A_179 : i32 to index
      %swap3A_181 = arith.index_cast %scan3A_169 : i32 to index
      %swap3A_182 = arith.constant 32 : index
      %swap3A_183 = tpu.vector_load %arg14[%swap3A_180, %swap3A_181, %swap3A_182] {strides = array<i32>} : memref<2x64x128xf32, #tpu.memory_space<vmem>>, vector<16xf32>,
      tpu.vector_store %arg14[%swap3A_180, %swap3A_181, %swap3A_182], %broadcast_in_dim3A_5 {strides = array<i32>} : memref<2x64x128xf32, #tpu.memory_space<vmem>>, vector<16xf32>,
      %swap3A_184 = arith.constant 0 : i32
      %swap3A_185 = arith.index_cast %swap3A_184 : i32 to index
      %swap3A_186 = arith.index_cast %scan3A_169 : i32 to index
      %swap3A_187 = arith.constant 48 : index
      %swap3A_188 = tpu.vector_load %arg14[%swap3A_185, %swap3A_186, %swap3A_187] {strides = array<i32>} : memref<2x64x128xf32, #tpu.memory_space<vmem>>, vector<16xf32>,
      tpu.vector_store %arg14[%swap3A_185, %swap3A_186, %swap3A_187], %broadcast_in_dim3A_5 {strides = array<i32>} : memref<2x64x128xf32, #tpu.memory_space<vmem>>, vector<16xf32>,
      %swap3A_189 = arith.constant 0 : i32
      %swap3A_190 = arith.index_cast %swap3A_189 : i32 to index
      %swap3A_191 = arith.index_cast %scan3A_169 : i32 to index
      %swap3A_192 = arith.constant 64 : index
      %swap3A_193 = tpu.vector_load %arg14[%swap3A_190, %swap3A_191, %swap3A_192] {strides = array<i32>} : memref<2x64x128xf32, #tpu.memory_space<vmem>>, vector<16xf32>,
      tpu.vector_store %arg14[%swap3A_190, %swap3A_191, %swap3A_192], %broadcast_in_dim3A_5 {strides = array<i32>} : memref<2x64x128xf32, #tpu.memory_space<vmem>>, vector<16xf32>,
      %swap3A_194 = arith.constant 0 : i32
      %swap3A_195 = arith.index_cast %swap3A_194 : i32 to index
      %swap3A_196 = arith.index_cast %scan3A_169 : i32 to index
      %swap3A_197 = arith.constant 80 : index
      %swap3A_198 = tpu.vector_load %arg14[%swap3A_195, %swap3A_196, %swap3A_197] {strides = array<i32>} : memref<2x64x128xf32, #tpu.memory_space<vmem>>, vector<16xf32>,
      tpu.vector_store %arg14[%swap3A_195, %swap3A_196, %swap3A_197], %broadcast_in_dim3A_5 {strides = array<i32>} : memref<2x64x128xf32, #tpu.memory_space<vmem>>, vector<16xf32>,
      %swap3A_199 = arith.constant 0 : i32
      %swap3A_200 = arith.index_cast %swap3A_199 : i32 to index
      %swap3A_201 = arith.index_cast %scan3A_169 : i32 to index
      %swap3A_202 = arith.constant 96 : index
      %swap3A_203 = tpu.vector_load %arg14[%swap3A_200, %swap3A_201, %swap3A_202] {strides = array<i32>} : memref<2x64x128xf32, #tpu.memory_space<vmem>>, vector<16xf32>,
      tpu.vector_store %arg14[%swap3A_200, %swap3A_201, %swap3A_202], %broadcast_in_dim3A_5 {strides = array<i32>} : memref<2x64x128xf32, #tpu.memory_space<vmem>>, vector<16xf32>,
      %swap3A_204 = arith.constant 0 : i32
      %swap3A_205 = arith.index_cast %swap3A_204 : i32 to index
      %swap3A_206 = arith.index_cast %scan3A_169 : i32 to index
      %swap3A_207 = arith.constant 112 : index
      %swap3A_208 = tpu.vector_load %arg14[%swap3A_205, %swap3A_206, %swap3A_207] {strides = array<i32>} : memref<2x64x128xf32, #tpu.memory_space<vmem>>, vector<16xf32>,
      tpu.vector_store %arg14[%swap3A_205, %swap3A_206, %swap3A_207], %broadcast_in_dim3A_5 {strides = array<i32>} : memref<2x64x128xf32, #tpu.memory_space<vmem>>, vector<16xf32>,
    }
    %scan3A_10 = arith.constant 64 : i32
    %scan3A_11 = arith.constant 0 : i32
    %scan3A_12 = arith.constant 0 : i32
    %scan3A_13 = arith.constant 80 : i32
    %scan3A_14 = arith.addi %scan3A_12, %scan3A_13 : i32
    %scan3A_15 = arith.constant 1 : i32
    scf.for %scan3A_169 = %scan3A_12 to %scan3A_14 step %scan3A_15  : i32 {
      %swap3A = arith.index_cast %scan3A_169 : i32 to index
      %swap3A_170 = arith.constant 0 : index
      %swap3A_171 = tpu.vector_load %arg15[%swap3A, %swap3A_170] {strides = array<i32>} : memref<80x128xf32, #tpu.memory_space<vmem>>, vector<16xf32>,
      tpu.vector_store %arg15[%swap3A, %swap3A_170], %broadcast_in_dim3A_5 {strides = array<i32>} : memref<80x128xf32, #tpu.memory_space<vmem>>, vector<16xf32>,
      %swap3A_172 = arith.index_cast %scan3A_169 : i32 to index
      %swap3A_173 = arith.constant 16 : index
      %swap3A_174 = tpu.vector_load %arg15[%swap3A_172, %swap3A_173] {strides = array<i32>} : memref<80x128xf32, #tpu.memory_space<vmem>>, vector<16xf32>,
      tpu.vector_store %arg15[%swap3A_172, %swap3A_173], %broadcast_in_dim3A_5 {strides = array<i32>} : memref<80x128xf32, #tpu.memory_space<vmem>>, vector<16xf32>,
      %swap3A_175 = arith.index_cast %scan3A_169 : i32 to index
      %swap3A_176 = arith.constant 32 : index
      %swap3A_177 = tpu.vector_load %arg15[%swap3A_175, %swap3A_176] {strides = array<i32>} : memref<80x128xf32, #tpu.memory_space<vmem>>, vector<16xf32>,
      tpu.vector_store %arg15[%swap3A_175, %swap3A_176], %broadcast_in_dim3A_5 {strides = array<i32>} : memref<80x128xf32, #tpu.memory_space<vmem>>, vector<16xf32>,
      %swap3A_178 = arith.index_cast %scan3A_169 : i32 to index
      %swap3A_179 = arith.constant 48 : index
      %swap3A_180 = tpu.vector_load %arg15[%swap3A_178, %swap3A_179] {strides = array<i32>} : memref<80x128xf32, #tpu.memory_space<vmem>>, vector<16xf32>,
      tpu.vector_store %arg15[%swap3A_178, %swap3A_179], %broadcast_in_dim3A_5 {strides = array<i32>} : memref<80x128xf32, #tpu.memory_space<vmem>>, vector<16xf32>,
      %swap3A_181 = arith.index_cast %scan3A_169 : i32 to index
      %swap3A_182 = arith.constant 64 : index
      %swap3A_183 = tpu.vector_load %arg15[%swap3A_181, %swap3A_182] {strides = array<i32>} : memref<80x128xf32, #tpu.memory_space<vmem>>, vector<16xf32>,
      tpu.vector_store %arg15[%swap3A_181, %swap3A_182], %broadcast_in_dim3A_5 {strides = array<i32>} : memref<80x128xf32, #tpu.memory_space<vmem>>, vector<16xf32>,
      %swap3A_184 = arith.index_cast %scan3A_169 : i32 to index
      %swap3A_185 = arith.constant 80 : index
      %swap3A_186 = tpu.vector_load %arg15[%swap3A_184, %swap3A_185] {strides = array<i32>} : memref<80x128xf32, #tpu.memory_space<vmem>>, vector<16xf32>,
      tpu.vector_store %arg15[%swap3A_184, %swap3A_185], %broadcast_in_dim3A_5 {strides = array<i32>} : memref<80x128xf32, #tpu.memory_space<vmem>>, vector<16xf32>,
      %swap3A_187 = arith.index_cast %scan3A_169 : i32 to index
      %swap3A_188 = arith.constant 96 : index
      %swap3A_189 = tpu.vector_load %arg15[%swap3A_187, %swap3A_188] {strides = array<i32>} : memref<80x128xf32, #tpu.memory_space<vmem>>, vector<16xf32>,
      tpu.vector_store %arg15[%swap3A_187, %swap3A_188], %broadcast_in_dim3A_5 {strides = array<i32>} : memref<80x128xf32, #tpu.memory_space<vmem>>, vector<16xf32>,
      %swap3A_190 = arith.index_cast %scan3A_169 : i32 to index
      %swap3A_191 = arith.constant 112 : index
      %swap3A_192 = tpu.vector_load %arg15[%swap3A_190, %swap3A_191] {strides = array<i32>} : memref<80x128xf32, #tpu.memory_space<vmem>>, vector<16xf32>,
      tpu.vector_store %arg15[%swap3A_190, %swap3A_191], %broadcast_in_dim3A_5 {strides = array<i32>} : memref<80x128xf32, #tpu.memory_space<vmem>>, vector<16xf32>,
    }
    %scan3A_16 = arith.constant 80 : i32
    %scan3A_17 = arith.constant 0 : i32
    %scan3A_18 = arith.constant 0 : i32
    %scan3A_19 = arith.constant 10 : i32
    %scan3A_20 = arith.addi %scan3A_18, %scan3A_19 : i32
    %scan3A_21 = arith.constant 1 : i32
    scf.for %scan3A_169 = %scan3A_18 to %scan3A_20 step %scan3A_21  : i32 {
      %mul3A_170 = arith.constant 640 : i32
      %mul3A_171 = arith.muli %arg1, %mul3A_170 : i32
      %mul3A_172 = arith.constant 64 : i32
      %mul3A_173 = arith.muli %scan3A_169, %mul3A_172 : i32
      %add3A_174 = arith.addi %mul3A_171, %mul3A_173 : i32
      %dma_start3A_175 = arith.constant 0 : i32
      %dma_start3A_176 = arith.constant 0 : i32
      %dma_start3A_177 = arith.constant 0 : i32
      %dma_start3A_178 = tpu.memref_slice %arg14[%dma_start3A_175, %dma_start3A_176, %dma_start3A_177] : memref<2x64x128xf32, #tpu.memory_space<vmem>> -> memref<1x64x128xf32, #tpu.memory_space<vmem>>
      %dma_start3A_179 = tpu.memref_squeeze %dma_start3A_178 : memref<1x64x128xf32, #tpu.memory_space<vmem>> -> memref<64x128xf32, #tpu.memory_space<vmem>>
      %dma_start3A_180 = arith.constant 0 : i32
      %dma_start3A_181 = tpu.memref_slice %arg16[%add3A_174, %dma_start3A_180] : memref<10240x128xf32, #tpu.memory_space<vmem_shared>> -> memref<64x128xf32, #tpu.memory_space<vmem_shared>>
      %dma_start3A_182 = arith.constant 0 : i32
      %dma_start3A_183 = tpu.memref_slice %arg16[%add3A_174, %dma_start3A_182] : memref<10240x128xf32, #tpu.memory_space<vmem_shared>> -> memref<64x128xf32, #tpu.memory_space<vmem_shared>>
      %dma_start3A_184 = arith.constant 0 : i32
      %dma_start3A_185 = arith.constant 0 : i32
      %dma_start3A_186 = tpu.memref_slice %arg14[%dma_start3A_175, %dma_start3A_184, %dma_start3A_185] : memref<2x64x128xf32, #tpu.memory_space<vmem>> -> memref<1x64x128xf32, #tpu.memory_space<vmem>>
      %dma_start3A_187 = tpu.memref_squeeze %dma_start3A_186 : memref<1x64x128xf32, #tpu.memory_space<vmem>> -> memref<64x128xf32, #tpu.memory_space<vmem>>
      tpu.enqueue_dma source(%dma_start3A_187 : memref<64x128xf32, #tpu.memory_space<vmem>>) target(%dma_start3A_183 : memref<64x128xf32, #tpu.memory_space<vmem_shared>>) target_semaphore(%arg17 : memref<!tpu.dma_semaphore, #tpu.memory_space<semaphore_mem>>)
    }
    %scan3A_22 = arith.constant 10 : i32
    %scan3A_23 = arith.constant 0 : i32
    %scan3A_24 = arith.constant 0 : i32
    %scan3A_25 = arith.constant 10 : i32
    %scan3A_26 = arith.addi %scan3A_24, %scan3A_25 : i32
    %scan3A_27 = arith.constant 1 : i32
    scf.for %scan3A_169 = %scan3A_24 to %scan3A_26 step %scan3A_27  : i32 {
      %mul3A_170 = arith.constant 640 : i32
      %mul3A_171 = arith.muli %arg1, %mul3A_170 : i32
      %mul3A_172 = arith.constant 64 : i32
      %mul3A_173 = arith.muli %scan3A_169, %mul3A_172 : i32
      %add3A_174 = arith.addi %mul3A_171, %mul3A_173 : i32
      %dma_wait3A_175 = arith.constant 0 : i32
      %dma_wait3A_176 = arith.constant 0 : i32
      %dma_wait3A_177 = arith.constant 0 : i32
      %dma_wait3A_178 = tpu.memref_slice %arg14[%dma_wait3A_175, %dma_wait3A_176, %dma_wait3A_177] : memref<2x64x128xf32, #tpu.memory_space<vmem>> -> memref<1x64x128xf32, #tpu.memory_space<vmem>>
      %dma_wait3A_179 = tpu.memref_squeeze %dma_wait3A_178 : memref<1x64x128xf32, #tpu.memory_space<vmem>> -> memref<64x128xf32, #tpu.memory_space<vmem>>
      %dma_wait3A_180 = arith.constant 0 : i32
      %dma_wait3A_181 = tpu.memref_slice %arg16[%add3A_174, %dma_wait3A_180] : memref<10240x128xf32, #tpu.memory_space<vmem_shared>> -> memref<64x128xf32, #tpu.memory_space<vmem_shared>>
      %dma_wait3A_182 = arith.constant 0 : i32
      %dma_wait3A_183 = tpu.memref_slice %arg16[%add3A_174, %dma_wait3A_182] : memref<10240x128xf32, #tpu.memory_space<vmem_shared>> -> memref<64x128xf32, #tpu.memory_space<vmem_shared>>
      %dma_wait3A_184 = arith.constant 0 : i32
      %dma_wait3A_185 = arith.constant 0 : i32
      %dma_wait3A_186 = tpu.memref_slice %arg14[%dma_wait3A_175, %dma_wait3A_184, %dma_wait3A_185] : memref<2x64x128xf32, #tpu.memory_space<vmem>> -> memref<1x64x128xf32, #tpu.memory_space<vmem>>
      %dma_wait3A_187 = tpu.memref_squeeze %dma_wait3A_186 : memref<1x64x128xf32, #tpu.memory_space<vmem>> -> memref<64x128xf32, #tpu.memory_space<vmem>>
      tpu.wait_dma2 semaphore(%arg17 : memref<!tpu.dma_semaphore, #tpu.memory_space<semaphore_mem>>) src(%dma_wait3A_187 : memref<64x128xf32, #tpu.memory_space<vmem>>) dst(%dma_wait3A_183 : memref<64x128xf32, #tpu.memory_space<vmem_shared>>)
    }
    %scan3A_28 = arith.constant 10 : i32
    %barrier3A = arith.constant 0 : index
    tpu.barrier barrier_id(%barrier3A)
    %eq3A_29 = arith.constant 0 : i32
    %eq3A_30 = arith.cmpi eq, %arg0, %eq3A_29 : i32
    %jit3A_31 = arith.constant 246 : i32
    %jit3A_32 = arith.constant 74 : i32
    %select_n3A_33 = arith.select %eq3A_30, %jit3A_31, %jit3A_32 : i32
    %jit3A_34 = arith.constant 2 : i32
    %div3A = arith.divsi %select_n3A_33, %jit3A_34 : i32
    %sign3A = arith.constant 0 : i32
    %sign3A_35 = arith.cmpi sgt, %select_n3A_33, %sign3A : i32
    %sign3A_36 = arith.extui %sign3A_35 : i1 to i32
    %sign3A_37 = arith.constant 0 : i32
    %sign3A_38 = arith.cmpi slt, %select_n3A_33, %sign3A_37 : i32
    %sign3A_39 = arith.extui %sign3A_38 : i1 to i32
    %sign3A_40 = arith.subi %sign3A_36, %sign3A_39 : i32
    %sign3A_41 = arith.constant 0 : i32
    %sign3A_42 = arith.cmpi sgt, %jit3A_34, %sign3A_41 : i32
    %sign3A_43 = arith.extui %sign3A_42 : i1 to i32
    %sign3A_44 = arith.constant 0 : i32
    %sign3A_45 = arith.cmpi slt, %jit3A_34, %sign3A_44 : i32
    %sign3A_46 = arith.extui %sign3A_45 : i1 to i32
    %sign3A_47 = arith.subi %sign3A_43, %sign3A_46 : i32
    %ne3A = arith.cmpi ne, %sign3A_40, %sign3A_47 : i32
    %rem3A = arith.remsi %select_n3A_33, %jit3A_34 : i32
    %ne3A_48 = arith.constant 0 : i32
    %ne3A_49 = arith.cmpi ne, %rem3A, %ne3A_48 : i32
    %and3A = arith.andi %ne3A, %ne3A_49 : i1
    %sub3A = arith.constant 1 : i32
    %sub3A_50 = arith.subi %div3A, %sub3A : i32
    %select_n3A_51 = arith.select %and3A, %sub3A_50, %div3A : i32
    %add3A_52 = arith.constant 0 : i32
    %add3A_53 = arith.addi %add3A, %add3A_52 : i32
    %dma_start3A = arith.constant 0 : i32
    %dma_start3A_54 = arith.constant 0 : i32
    %dma_start3A_55 = arith.constant 0 : i32
    %dma_start3A_56 = tpu.memref_slice %arg9[%dma_start3A, %dma_start3A_54, %dma_start3A_55] : memref<2x2x64xi32, #tpu.memory_space<vmem>> -> memref<1x2x64xi32, #tpu.memory_space<vmem>>
    %dma_start3A_57 = tpu.memref_squeeze %dma_start3A_56 : memref<1x2x64xi32, #tpu.memory_space<vmem>> -> memref<2x64xi32, #tpu.memory_space<vmem>>
    %dma_start3A_58 = arith.constant 0 : i32
    %dma_start3A_59 = tpu.memref_slice %arg3[%add3A_53, %dma_start3A_58] : memref<5120x64xi32, #tpu.memory_space<hbm>> -> memref<2x64xi32, #tpu.memory_space<hbm>>
    %dma_start3A_60 = arith.constant 0 : i32
    %dma_start3A_61 = arith.constant 0 : i32
    %dma_start3A_62 = tpu.memref_slice %arg9[%dma_start3A, %dma_start3A_60, %dma_start3A_61] : memref<2x2x64xi32, #tpu.memory_space<vmem>> -> memref<1x2x64xi32, #tpu.memory_space<vmem>>
    %dma_start3A_63 = tpu.memref_squeeze %dma_start3A_62 : memref<1x2x64xi32, #tpu.memory_space<vmem>> -> memref<2x64xi32, #tpu.memory_space<vmem>>
    %dma_start3A_64 = arith.constant 0 : i32
    %dma_start3A_65 = tpu.memref_slice %arg3[%add3A_53, %dma_start3A_64] : memref<5120x64xi32, #tpu.memory_space<hbm>> -> memref<2x64xi32, #tpu.memory_space<hbm>>
    tpu.enqueue_dma source(%dma_start3A_65 : memref<2x64xi32, #tpu.memory_space<hbm>>) target(%dma_start3A_63 : memref<2x64xi32, #tpu.memory_space<vmem>>) target_semaphore(%arg19 : memref<!tpu.dma_semaphore, #tpu.memory_space<semaphore_mem>>)
    %dma_start3A_66 = arith.constant 0 : i32
    %dma_start3A_67 = arith.constant 0 : i32
    %dma_start3A_68 = arith.constant 0 : i32
    %dma_start3A_69 = tpu.memref_slice %arg10[%dma_start3A_66, %dma_start3A_67, %dma_start3A_68] : memref<2x2x64xi32, #tpu.memory_space<vmem>> -> memref<1x2x64xi32, #tpu.memory_space<vmem>>
    %dma_start3A_70 = tpu.memref_squeeze %dma_start3A_69 : memref<1x2x64xi32, #tpu.memory_space<vmem>> -> memref<2x64xi32, #tpu.memory_space<vmem>>
    %dma_start3A_71 = arith.constant 0 : i32
    %dma_start3A_72 = tpu.memref_slice %arg4[%add3A_53, %dma_start3A_71] : memref<5120x64xi32, #tpu.memory_space<hbm>> -> memref<2x64xi32, #tpu.memory_space<hbm>>
    %dma_start3A_73 = arith.constant 0 : i32
    %dma_start3A_74 = arith.constant 0 : i32
    %dma_start3A_75 = tpu.memref_slice %arg10[%dma_start3A_66, %dma_start3A_73, %dma_start3A_74] : memref<2x2x64xi32, #tpu.memory_space<vmem>> -> memref<1x2x64xi32, #tpu.memory_space<vmem>>
    %dma_start3A_76 = tpu.memref_squeeze %dma_start3A_75 : memref<1x2x64xi32, #tpu.memory_space<vmem>> -> memref<2x64xi32, #tpu.memory_space<vmem>>
    %dma_start3A_77 = arith.constant 0 : i32
    %dma_start3A_78 = tpu.memref_slice %arg4[%add3A_53, %dma_start3A_77] : memref<5120x64xi32, #tpu.memory_space<hbm>> -> memref<2x64xi32, #tpu.memory_space<hbm>>
    tpu.enqueue_dma source(%dma_start3A_78 : memref<2x64xi32, #tpu.memory_space<hbm>>) target(%dma_start3A_76 : memref<2x64xi32, #tpu.memory_space<vmem>>) target_semaphore(%arg19 : memref<!tpu.dma_semaphore, #tpu.memory_space<semaphore_mem>>)
    %dma_wait3A = arith.constant 0 : i32
    %dma_wait3A_79 = arith.constant 0 : i32
    %dma_wait3A_80 = arith.constant 0 : i32
    %dma_wait3A_81 = tpu.memref_slice %arg9[%dma_wait3A, %dma_wait3A_79, %dma_wait3A_80] : memref<2x2x64xi32, #tpu.memory_space<vmem>> -> memref<1x2x64xi32, #tpu.memory_space<vmem>>
    %dma_wait3A_82 = tpu.memref_squeeze %dma_wait3A_81 : memref<1x2x64xi32, #tpu.memory_space<vmem>> -> memref<2x64xi32, #tpu.memory_space<vmem>>
    %dma_wait3A_83 = arith.constant 0 : i32
    %dma_wait3A_84 = arith.constant 0 : i32
    %dma_wait3A_85 = tpu.memref_slice %arg3[%dma_wait3A_83, %dma_wait3A_84] : memref<5120x64xi32, #tpu.memory_space<hbm>> -> memref<2x64xi32, #tpu.memory_space<hbm>>
    %dma_wait3A_86 = arith.constant 0 : i32
    %dma_wait3A_87 = arith.constant 0 : i32
    %dma_wait3A_88 = tpu.memref_slice %arg9[%dma_wait3A, %dma_wait3A_86, %dma_wait3A_87] : memref<2x2x64xi32, #tpu.memory_space<vmem>> -> memref<1x2x64xi32, #tpu.memory_space<vmem>>
    %dma_wait3A_89 = tpu.memref_squeeze %dma_wait3A_88 : memref<1x2x64xi32, #tpu.memory_space<vmem>> -> memref<2x64xi32, #tpu.memory_space<vmem>>
    %dma_wait3A_90 = arith.constant 0 : i32
    %dma_wait3A_91 = arith.constant 0 : i32
    %dma_wait3A_92 = tpu.memref_slice %arg3[%dma_wait3A_90, %dma_wait3A_91] : memref<5120x64xi32, #tpu.memory_space<hbm>> -> memref<2x64xi32, #tpu.memory_space<hbm>>
    tpu.wait_dma2 semaphore(%arg19 : memref<!tpu.dma_semaphore, #tpu.memory_space<semaphore_mem>>) src(%dma_wait3A_92 : memref<2x64xi32, #tpu.memory_space<hbm>>) dst(%dma_wait3A_89 : memref<2x64xi32, #tpu.memory_space<vmem>>)
    %dma_wait3A_93 = arith.constant 0 : i32
    %dma_wait3A_94 = arith.constant 0 : i32
    %dma_wait3A_95 = arith.constant 0 : i32
    %dma_wait3A_96 = tpu.memref_slice %arg10[%dma_wait3A_93, %dma_wait3A_94, %dma_wait3A_95] : memref<2x2x64xi32, #tpu.memory_space<vmem>> -> memref<1x2x64xi32, #tpu.memory_space<vmem>>
    %dma_wait3A_97 = tpu.memref_squeeze %dma_wait3A_96 : memref<1x2x64xi32, #tpu.memory_space<vmem>> -> memref<2x64xi32, #tpu.memory_space<vmem>>
    %dma_wait3A_98 = arith.constant 0 : i32
    %dma_wait3A_99 = arith.constant 0 : i32
    %dma_wait3A_100 = tpu.memref_slice %arg4[%dma_wait3A_98, %dma_wait3A_99] : memref<5120x64xi32, #tpu.memory_space<hbm>> -> memref<2x64xi32, #tpu.memory_space<hbm>>
    %dma_wait3A_101 = arith.constant 0 : i32
    %dma_wait3A_102 = arith.constant 0 : i32
    %dma_wait3A_103 = tpu.memref_slice %arg10[%dma_wait3A_93, %dma_wait3A_101, %dma_wait3A_102] : memref<2x2x64xi32, #tpu.memory_space<vmem>> -> memref<1x2x64xi32, #tpu.memory_space<vmem>>
    %dma_wait3A_104 = tpu.memref_squeeze %dma_wait3A_103 : memref<1x2x64xi32, #tpu.memory_space<vmem>> -> memref<2x64xi32, #tpu.memory_space<vmem>>
    %dma_wait3A_105 = arith.constant 0 : i32
    %dma_wait3A_106 = arith.constant 0 : i32
    %dma_wait3A_107 = tpu.memref_slice %arg4[%dma_wait3A_105, %dma_wait3A_106] : memref<5120x64xi32, #tpu.memory_space<hbm>> -> memref<2x64xi32, #tpu.memory_space<hbm>>
    tpu.wait_dma2 semaphore(%arg19 : memref<!tpu.dma_semaphore, #tpu.memory_space<semaphore_mem>>) src(%dma_wait3A_107 : memref<2x64xi32, #tpu.memory_space<hbm>>) dst(%dma_wait3A_104 : memref<2x64xi32, #tpu.memory_space<vmem>>)
    %dma_start3A_108 = arith.constant 0 : i32
    %dma_start3A_109 = arith.constant 0 : i32
    %dma_start3A_110 = arith.constant 0 : i32
    %dma_start3A_111 = arith.constant 0 : i32
    %dma_start3A_112 = arith.constant 0 : i32
    %dma_start3A_113 = tpu.memref_slice %arg14[%dma_start3A_110, %dma_start3A_111, %dma_start3A_112] : memref<2x64x128xf32, #tpu.memory_space<vmem>> -> memref<1x64x128xf32, #tpu.memory_space<vmem>>
    %dma_start3A_114 = tpu.memref_squeeze %dma_start3A_113 : memref<1x64x128xf32, #tpu.memory_space<vmem>> -> memref<64x128xf32, #tpu.memory_space<vmem>>
    %dma_start3A_115 = arith.constant 0 : i32
    %dma_start3A_116 = tpu.memref_slice %arg9[%dma_start3A_108, %dma_start3A_109, %dma_start3A_115] : memref<2x2x64xi32, #tpu.memory_space<vmem>> -> memref<1x1x64xi32, #tpu.memory_space<vmem>>
    %dma_start3A_117 = tpu.memref_squeeze %dma_start3A_116 : memref<1x1x64xi32, #tpu.memory_space<vmem>> -> memref<64xi32, #tpu.memory_space<vmem>>
    %dma_start3A_118 = arith.constant 0 : i32
    %dma_start3A_119 = arith.constant 0 : i32
    %dma_start3A_120 = tpu.memref_slice %arg2[%dma_start3A_118, %dma_start3A_119] : memref<10240x128xf32, #tpu.memory_space<hbm>> -> memref<10240x128xf32, #tpu.memory_space<hbm>>
    tpu.enqueue_indirect_dma source(%dma_start3A_120 : memref<10240x128xf32, #tpu.memory_space<hbm>>) target(%dma_start3A_114 : memref<64x128xf32, #tpu.memory_space<vmem>>) offsets(%dma_start3A_117 : memref<64xi32, #tpu.memory_space<vmem>>) semaphore(%arg17 : memref<!tpu.dma_semaphore, #tpu.memory_space<semaphore_mem>>)
    %while3A = arith.constant 0 : i32
    %while3A_121 = arith.constant 0 : i32
    %while3A_122 = arith.subi %select_n3A_33, %while3A_121 : i32
    %while3A_123 = arith.addi %while3A_121, %while3A_122 : i32
    %while3A_124 = arith.constant 1 : i32
    %while3A_125 = arith.divsi %while3A_122, %while3A_124 : i32
    %while3A_126 = arith.muli %while3A_125, %while3A_124 : i32
    %while3A_127 = arith.addi %while3A_121, %while3A_126 : i32
    %while3A_128 = arith.constant 1 : i32
    scf.for %while3A_169 = %while3A_121 to %while3A_127 step %while3A_128  : i32 {
      %jit3A_170 = arith.constant 2 : i32
      %eq3A_171 = arith.constant 0 : i32
      %eq3A_172 = arith.cmpi eq, %jit3A_170, %eq3A_171 : i32
      %jit3A_173 = arith.constant 1 : i32
      %select_n3A_174 = arith.select %eq3A_172, %jit3A_173, %jit3A_170 : i32
      %rem3A_175 = arith.remsi %while3A_169, %select_n3A_174 : i32
      %ne3A_176 = arith.constant 0 : i32
      %ne3A_177 = arith.cmpi ne, %rem3A_175, %ne3A_176 : i32
      %lt3A_178 = arith.constant 0 : i32
      %lt3A_179 = arith.cmpi slt, %rem3A_175, %lt3A_178 : i32
      %lt3A_180 = arith.constant 0 : i32
      %lt3A_181 = arith.cmpi slt, %select_n3A_174, %lt3A_180 : i32
      %ne3A_182 = arith.xori %lt3A_179, %lt3A_181 : i1
      %and3A_183 = arith.andi %ne3A_182, %ne3A_177 : i1
      %add3A_184 = arith.addi %rem3A_175, %select_n3A_174 : i32
      %select_n3A_185 = arith.select %and3A_183, %add3A_184, %rem3A_175 : i32
      %jit3A_186 = arith.constant 2 : i32
      %div3A_187 = arith.divsi %while3A_169, %jit3A_186 : i32
      %sign3A_188 = arith.constant 0 : i32
      %sign3A_189 = arith.cmpi sgt, %while3A_169, %sign3A_188 : i32
      %sign3A_190 = arith.extui %sign3A_189 : i1 to i32
      %sign3A_191 = arith.constant 0 : i32
      %sign3A_192 = arith.cmpi slt, %while3A_169, %sign3A_191 : i32
      %sign3A_193 = arith.extui %sign3A_192 : i1 to i32
      %sign3A_194 = arith.subi %sign3A_190, %sign3A_193 : i32
      %sign3A_195 = arith.constant 0 : i32
      %sign3A_196 = arith.cmpi sgt, %jit3A_186, %sign3A_195 : i32
      %sign3A_197 = arith.extui %sign3A_196 : i1 to i32
      %sign3A_198 = arith.constant 0 : i32
      %sign3A_199 = arith.cmpi slt, %jit3A_186, %sign3A_198 : i32
      %sign3A_200 = arith.extui %sign3A_199 : i1 to i32
      %sign3A_201 = arith.subi %sign3A_197, %sign3A_200 : i32
      %ne3A_202 = arith.cmpi ne, %sign3A_194, %sign3A_201 : i32
      %rem3A_203 = arith.remsi %while3A_169, %jit3A_186 : i32
      %ne3A_204 = arith.constant 0 : i32
      %ne3A_205 = arith.cmpi ne, %rem3A_203, %ne3A_204 : i32
      %and3A_206 = arith.andi %ne3A_202, %ne3A_205 : i1
      %sub3A_207 = arith.constant 1 : i32
      %sub3A_208 = arith.subi %div3A_187, %sub3A_207 : i32
      %select_n3A_209 = arith.select %and3A_206, %sub3A_208, %div3A_187 : i32
      %jit3A_210 = arith.constant 2 : i32
      %eq3A_211 = arith.constant 0 : i32
      %eq3A_212 = arith.cmpi eq, %jit3A_210, %eq3A_211 : i32
      %jit3A_213 = arith.constant 1 : i32
      %select_n3A_214 = arith.select %eq3A_212, %jit3A_213, %jit3A_210 : i32
      %rem3A_215 = arith.remsi %while3A_169, %select_n3A_214 : i32
      %ne3A_216 = arith.constant 0 : i32
      %ne3A_217 = arith.cmpi ne, %rem3A_215, %ne3A_216 : i32
      %lt3A_218 = arith.constant 0 : i32
      %lt3A_219 = arith.cmpi slt, %rem3A_215, %lt3A_218 : i32
      %lt3A_220 = arith.constant 0 : i32
      %lt3A_221 = arith.cmpi slt, %select_n3A_214, %lt3A_220 : i32
      %ne3A_222 = arith.xori %lt3A_219, %lt3A_221 : i1
      %and3A_223 = arith.andi %ne3A_222, %ne3A_217 : i1
      %add3A_224 = arith.addi %rem3A_215, %select_n3A_214 : i32
      %select_n3A_225 = arith.select %and3A_223, %add3A_224, %rem3A_215 : i32
      %jit3A_226 = arith.constant 2 : i32
      %eq3A_227 = arith.constant 0 : i32
      %eq3A_228 = arith.cmpi eq, %jit3A_226, %eq3A_227 : i32
      %jit3A_229 = arith.constant 1 : i32
      %select_n3A_230 = arith.select %eq3A_228, %jit3A_229, %jit3A_226 : i32
      %rem3A_231 = arith.remsi %select_n3A_209, %select_n3A_230 : i32
      %ne3A_232 = arith.constant 0 : i32
      %ne3A_233 = arith.cmpi ne, %rem3A_231, %ne3A_232 : i32
      %lt3A_234 = arith.constant 0 : i32
      %lt3A_235 = arith.cmpi slt, %rem3A_231, %lt3A_234 : i32
      %lt3A_236 = arith.constant 0 : i32
      %lt3A_237 = arith.cmpi slt, %select_n3A_230, %lt3A_236 : i32
      %ne3A_238 = arith.xori %lt3A_235, %lt3A_237 : i1
      %and3A_239 = arith.andi %ne3A_238, %ne3A_233 : i1
      %add3A_240 = arith.addi %rem3A_231, %select_n3A_230 : i32
      %select_n3A_241 = arith.select %and3A_239, %add3A_240, %rem3A_231 : i32
      %ge3A = arith.constant 1 : i32
      %ge3A_242 = arith.cmpi sge, %while3A_169, %ge3A : i32
      %convert_element_type3A = arith.extui %ge3A_242 : i1 to i32
      %cond3A = arith.constant 0 : i32
      %cond3A_243 = arith.cmpi ne, %convert_element_type3A, %cond3A : i32
      scf.if %cond3A_243 {
        %sub3A_299 = arith.constant 1 : i32
        %sub3A_300 = arith.subi %sub3A_299, %select_n3A_185 : i32
        %dma_wait3A_301 = arith.constant 0 : i32
        %dma_wait3A_302 = arith.constant 0 : i32
        %dma_wait3A_303 = arith.constant 0 : i32
        %dma_wait3A_304 = arith.constant 0 : i32
        %dma_wait3A_305 = tpu.memref_slice %arg14[%sub3A_300, %dma_wait3A_303, %dma_wait3A_304] : memref<2x64x128xf32, #tpu.memory_space<vmem>> -> memref<1x64x128xf32, #tpu.memory_space<vmem>>
        %dma_wait3A_306 = tpu.memref_squeeze %dma_wait3A_305 : memref<1x64x128xf32, #tpu.memory_space<vmem>> -> memref<64x128xf32, #tpu.memory_space<vmem>>
        %dma_wait3A_307 = arith.constant 0 : i32
        %dma_wait3A_308 = tpu.memref_slice %arg10[%dma_wait3A_301, %dma_wait3A_302, %dma_wait3A_307] : memref<2x2x64xi32, #tpu.memory_space<vmem>> -> memref<1x1x64xi32, #tpu.memory_space<vmem>>
        %dma_wait3A_309 = tpu.memref_squeeze %dma_wait3A_308 : memref<1x1x64xi32, #tpu.memory_space<vmem>> -> memref<64xi32, #tpu.memory_space<vmem>>
        %dma_wait3A_310 = arith.constant 0 : i32
        %dma_wait3A_311 = arith.constant 0 : i32
        %dma_wait3A_312 = tpu.memref_slice %arg16[%dma_wait3A_310, %dma_wait3A_311] : memref<10240x128xf32, #tpu.memory_space<vmem_shared>> -> memref<10240x128xf32, #tpu.memory_space<vmem_shared>>
        tpu.wait_indirect_dma semaphore(%arg18 : memref<!tpu.dma_semaphore, #tpu.memory_space<semaphore_mem>>) src(%dma_wait3A_306 : memref<64x128xf32, #tpu.memory_space<vmem>>) dst(%dma_wait3A_312 : memref<10240x128xf32, #tpu.memory_space<vmem_shared>>)
      } else {
      }
      %eq3A_244 = arith.constant 0 : i32
      %eq3A_245 = arith.cmpi eq, %select_n3A_225, %eq3A_244 : i32
      %add3A_246 = arith.constant 1 : i32
      %add3A_247 = arith.addi %select_n3A_209, %add3A_246 : i32
      %sub3A_248 = arith.constant 1 : i32
      %sub3A_249 = arith.subi %select_n3A_51, %sub3A_248 : i32
      %le3A = arith.cmpi sle, %add3A_247, %sub3A_249 : i32
      %and3A_250 = arith.andi %eq3A_245, %le3A : i1
      %convert_element_type3A_251 = arith.extui %and3A_250 : i1 to i32
      %cond3A_252 = arith.constant 0 : i32
      %cond3A_253 = arith.cmpi ne, %convert_element_type3A_251, %cond3A_252 : i32
      scf.if %cond3A_253 {
        %add3A_299 = arith.constant 1 : i32
        %add3A_300 = arith.addi %select_n3A_209, %add3A_299 : i32
        %sub3A_301 = arith.constant 1 : i32
        %sub3A_302 = arith.subi %sub3A_301, %select_n3A_241 : i32
        %mul3A_303 = arith.constant 2 : i32
        %mul3A_304 = arith.muli %add3A_300, %mul3A_303 : i32
        %add3A_305 = arith.addi %add3A, %mul3A_304 : i32
        %dma_start3A_306 = arith.constant 0 : i32
        %dma_start3A_307 = arith.constant 0 : i32
        %dma_start3A_308 = tpu.memref_slice %arg9[%sub3A_302, %dma_start3A_306, %dma_start3A_307] : memref<2x2x64xi32, #tpu.memory_space<vmem>> -> memref<1x2x64xi32, #tpu.memory_space<vmem>>
        %dma_start3A_309 = tpu.memref_squeeze %dma_start3A_308 : memref<1x2x64xi32, #tpu.memory_space<vmem>> -> memref<2x64xi32, #tpu.memory_space<vmem>>
        %dma_start3A_310 = arith.constant 0 : i32
        %dma_start3A_311 = tpu.memref_slice %arg3[%add3A_305, %dma_start3A_310] : memref<5120x64xi32, #tpu.memory_space<hbm>> -> memref<2x64xi32, #tpu.memory_space<hbm>>
        %dma_start3A_312 = arith.constant 0 : i32
        %dma_start3A_313 = arith.constant 0 : i32
        %dma_start3A_314 = tpu.memref_slice %arg9[%sub3A_302, %dma_start3A_312, %dma_start3A_313] : memref<2x2x64xi32, #tpu.memory_space<vmem>> -> memref<1x2x64xi32, #tpu.memory_space<vmem>>
        %dma_start3A_315 = tpu.memref_squeeze %dma_start3A_314 : memref<1x2x64xi32, #tpu.memory_space<vmem>> -> memref<2x64xi32, #tpu.memory_space<vmem>>
        %dma_start3A_316 = arith.constant 0 : i32
        %dma_start3A_317 = tpu.memref_slice %arg3[%add3A_305, %dma_start3A_316] : memref<5120x64xi32, #tpu.memory_space<hbm>> -> memref<2x64xi32, #tpu.memory_space<hbm>>
        tpu.enqueue_dma source(%dma_start3A_317 : memref<2x64xi32, #tpu.memory_space<hbm>>) target(%dma_start3A_315 : memref<2x64xi32, #tpu.memory_space<vmem>>) target_semaphore(%arg19 : memref<!tpu.dma_semaphore, #tpu.memory_space<semaphore_mem>>)
        %dma_start3A_318 = arith.constant 0 : i32
        %dma_start3A_319 = arith.constant 0 : i32
        %dma_start3A_320 = tpu.memref_slice %arg10[%sub3A_302, %dma_start3A_318, %dma_start3A_319] : memref<2x2x64xi32, #tpu.memory_space<vmem>> -> memref<1x2x64xi32, #tpu.memory_space<vmem>>
        %dma_start3A_321 = tpu.memref_squeeze %dma_start3A_320 : memref<1x2x64xi32, #tpu.memory_space<vmem>> -> memref<2x64xi32, #tpu.memory_space<vmem>>
        %dma_start3A_322 = arith.constant 0 : i32
        %dma_start3A_323 = tpu.memref_slice %arg4[%add3A_305, %dma_start3A_322] : memref<5120x64xi32, #tpu.memory_space<hbm>> -> memref<2x64xi32, #tpu.memory_space<hbm>>
        %dma_start3A_324 = arith.constant 0 : i32
        %dma_start3A_325 = arith.constant 0 : i32
        %dma_start3A_326 = tpu.memref_slice %arg10[%sub3A_302, %dma_start3A_324, %dma_start3A_325] : memref<2x2x64xi32, #tpu.memory_space<vmem>> -> memref<1x2x64xi32, #tpu.memory_space<vmem>>
        %dma_start3A_327 = tpu.memref_squeeze %dma_start3A_326 : memref<1x2x64xi32, #tpu.memory_space<vmem>> -> memref<2x64xi32, #tpu.memory_space<vmem>>
        %dma_start3A_328 = arith.constant 0 : i32
        %dma_start3A_329 = tpu.memref_slice %arg4[%add3A_305, %dma_start3A_328] : memref<5120x64xi32, #tpu.memory_space<hbm>> -> memref<2x64xi32, #tpu.memory_space<hbm>>
        tpu.enqueue_dma source(%dma_start3A_329 : memref<2x64xi32, #tpu.memory_space<hbm>>) target(%dma_start3A_327 : memref<2x64xi32, #tpu.memory_space<vmem>>) target_semaphore(%arg19 : memref<!tpu.dma_semaphore, #tpu.memory_space<semaphore_mem>>)
      } else {
      }
      %scan3A_254 = arith.constant 0 : i32
      %scan3A_255 = arith.constant 0 : i32
      %scan3A_256 = arith.constant 4 : i32
      %scan3A_257 = arith.addi %scan3A_255, %scan3A_256 : i32
      %scan3A_258 = arith.constant 1 : i32
      scf.for %scan3A_299 = %scan3A_255 to %scan3A_257 step %scan3A_258  : i32 {
        %mul3A_300 = arith.constant 16 : i32
        %mul3A_301 = arith.muli %scan3A_299, %mul3A_300 : i32
        %get3A = arith.index_cast %select_n3A_241 : i32 to index
        %get3A_302 = arith.index_cast %select_n3A_225 : i32 to index
        %get3A_303 = arith.index_cast %mul3A_301 : i32 to index
        %get3A_304 = tpu.vector_load %arg9[%get3A, %get3A_302, %get3A_303] {strides = array<i32>} : memref<2x2x64xi32, #tpu.memory_space<vmem>>, vector<16xi32>,
        %mul3A_305 = arith.constant 16 : i32
        %mul3A_306 = arith.muli %scan3A_299, %mul3A_305 : i32
        %get3A_307 = arith.index_cast %select_n3A_241 : i32 to index
        %get3A_308 = arith.index_cast %select_n3A_225 : i32 to index
        %get3A_309 = arith.index_cast %mul3A_306 : i32 to index
        %get3A_310 = tpu.vector_load %arg10[%get3A_307, %get3A_308, %get3A_309] {strides = array<i32>} : memref<2x2x64xi32, #tpu.memory_space<vmem>>, vector<16xi32>,
        %shift_right_arithmetic3A = arith.constant 7 : i32
        %shift_right_arithmetic3A_311 = vector.broadcast %shift_right_arithmetic3A : i32 to vector<16xi32>
        %shift_right_arithmetic3A_312 = arith.shrsi %get3A_304, %shift_right_arithmetic3A_311 : vector<16xi32>
        %and3A_313 = arith.constant 127 : i32
        %and3A_314 = vector.broadcast %and3A_313 : i32 to vector<16xi32>
        %and3A_315 = arith.andi %get3A_304, %and3A_314 : vector<16xi32>
        %gather3A = tpu.vector_load_idx %arg11[%shift_right_arithmetic3A_312, %and3A_315] : memref<80x128xf32, #tpu.memory_space<vmem>>[vector<16xi32>, vector<16xi32>], vector<16xf32>,
        %shift_right_arithmetic3A_316 = arith.constant 7 : i32
        %shift_right_arithmetic3A_317 = vector.broadcast %shift_right_arithmetic3A_316 : i32 to vector<16xi32>
        %shift_right_arithmetic3A_318 = arith.shrsi %get3A_310, %shift_right_arithmetic3A_317 : vector<16xi32>
        %and3A_319 = arith.constant 127 : i32
        %and3A_320 = vector.broadcast %and3A_319 : i32 to vector<16xi32>
        %and3A_321 = arith.andi %get3A_310, %and3A_320 : vector<16xi32>
        %gather3A_322 = tpu.vector_load_idx %arg12[%shift_right_arithmetic3A_318, %and3A_321] : memref<80x128xf32, #tpu.memory_space<vmem>>[vector<16xi32>, vector<16xi32>], vector<16xf32>,
        %add3A_323 = arith.addf %gather3A, %gather3A_322 : vector<16xf32>
        %gt3A = arith.constant 0.000000e+00 : f32
        %gt3A_324 = vector.broadcast %gt3A : f32 to vector<16xf32>
        %gt3A_325 = arith.cmpf ogt, %add3A_323, %gt3A_324 : vector<16xf32>
        %mul3A_326 = arith.constant 2.000000e-01 : f32
        %mul3A_327 = vector.broadcast %mul3A_326 : f32 to vector<16xf32>
        %mul3A_328 = arith.mulf %mul3A_327, %add3A_323 : vector<16xf32>
        %select_n3A_329 = arith.select %gt3A_325, %add3A_323, %mul3A_328 : vector<16xi1>, vector<16xf32>
        %exp3A = math.exp %select_n3A_329 : vector<16xf32>
        %swap3A = arith.index_cast %scan3A_299 : i32 to index
        %swap3A_330 = arith.constant 0 : index
        %swap3A_331 = tpu.vector_load %arg13[%swap3A, %swap3A_330] {strides = array<i32>} : memref<4x16xf32, #tpu.memory_space<vmem>>, vector<16xf32>,
        tpu.vector_store %arg13[%swap3A, %swap3A_330], %exp3A {strides = array<i32>} : memref<4x16xf32, #tpu.memory_space<vmem>>, vector<16xf32>,
        %shift_right_arithmetic3A_332 = arith.constant 7 : i32
        %shift_right_arithmetic3A_333 = vector.broadcast %shift_right_arithmetic3A_332 : i32 to vector<16xi32>
        %shift_right_arithmetic3A_334 = arith.shrsi %get3A_310, %shift_right_arithmetic3A_333 : vector<16xi32>
        %and3A_335 = arith.constant 127 : i32
        %and3A_336 = vector.broadcast %and3A_335 : i32 to vector<16xi32>
        %and3A_337 = arith.andi %get3A_310, %and3A_336 : vector<16xi32>
        tpu.vector_store_idx %arg15[%shift_right_arithmetic3A_334, %and3A_337], %exp3A {add = true} : memref<80x128xf32, #tpu.memory_space<vmem>>[vector<16xi32>, vector<16xi32>], vector<16xf32>,
      }
      %scan3A_259 = arith.constant 4 : i32
      %eq3A_260 = arith.constant 1 : i32
      %eq3A_261 = arith.cmpi eq, %select_n3A_225, %eq3A_260 : i32
      %add3A_262 = arith.constant 1 : i32
      %add3A_263 = arith.addi %while3A_169, %add3A_262 : i32
      %lt3A_264 = arith.cmpi slt, %add3A_263, %select_n3A_33 : i32
      %and3A_265 = arith.andi %eq3A_261, %lt3A_264 : i1
      %convert_element_type3A_266 = arith.extui %and3A_265 : i1 to i32
      %cond3A_267 = arith.constant 0 : i32
      %cond3A_268 = arith.cmpi ne, %convert_element_type3A_266, %cond3A_267 : i32
      scf.if %cond3A_268 {
        %dma_wait3A_299 = arith.constant 0 : i32
        %dma_wait3A_300 = arith.constant 0 : i32
        %dma_wait3A_301 = arith.constant 0 : i32
        %dma_wait3A_302 = tpu.memref_slice %arg9[%dma_wait3A_299, %dma_wait3A_300, %dma_wait3A_301] : memref<2x2x64xi32, #tpu.memory_space<vmem>> -> memref<1x2x64xi32, #tpu.memory_space<vmem>>
        %dma_wait3A_303 = tpu.memref_squeeze %dma_wait3A_302 : memref<1x2x64xi32, #tpu.memory_space<vmem>> -> memref<2x64xi32, #tpu.memory_space<vmem>>
        %dma_wait3A_304 = arith.constant 0 : i32
        %dma_wait3A_305 = arith.constant 0 : i32
        %dma_wait3A_306 = tpu.memref_slice %arg3[%dma_wait3A_304, %dma_wait3A_305] : memref<5120x64xi32, #tpu.memory_space<hbm>> -> memref<2x64xi32, #tpu.memory_space<hbm>>
        %dma_wait3A_307 = arith.constant 0 : i32
        %dma_wait3A_308 = arith.constant 0 : i32
        %dma_wait3A_309 = tpu.memref_slice %arg9[%dma_wait3A_299, %dma_wait3A_307, %dma_wait3A_308] : memref<2x2x64xi32, #tpu.memory_space<vmem>> -> memref<1x2x64xi32, #tpu.memory_space<vmem>>
        %dma_wait3A_310 = tpu.memref_squeeze %dma_wait3A_309 : memref<1x2x64xi32, #tpu.memory_space<vmem>> -> memref<2x64xi32, #tpu.memory_space<vmem>>
        %dma_wait3A_311 = arith.constant 0 : i32
        %dma_wait3A_312 = arith.constant 0 : i32
        %dma_wait3A_313 = tpu.memref_slice %arg3[%dma_wait3A_311, %dma_wait3A_312] : memref<5120x64xi32, #tpu.memory_space<hbm>> -> memref<2x64xi32, #tpu.memory_space<hbm>>
        tpu.wait_dma2 semaphore(%arg19 : memref<!tpu.dma_semaphore, #tpu.memory_space<semaphore_mem>>) src(%dma_wait3A_313 : memref<2x64xi32, #tpu.memory_space<hbm>>) dst(%dma_wait3A_310 : memref<2x64xi32, #tpu.memory_space<vmem>>)
        %dma_wait3A_314 = arith.constant 0 : i32
        %dma_wait3A_315 = arith.constant 0 : i32
        %dma_wait3A_316 = arith.constant 0 : i32
        %dma_wait3A_317 = tpu.memref_slice %arg10[%dma_wait3A_314, %dma_wait3A_315, %dma_wait3A_316] : memref<2x2x64xi32, #tpu.memory_space<vmem>> -> memref<1x2x64xi32, #tpu.memory_space<vmem>>
        %dma_wait3A_318 = tpu.memref_squeeze %dma_wait3A_317 : memref<1x2x64xi32, #tpu.memory_space<vmem>> -> memref<2x64xi32, #tpu.memory_space<vmem>>
        %dma_wait3A_319 = arith.constant 0 : i32
        %dma_wait3A_320 = arith.constant 0 : i32
        %dma_wait3A_321 = tpu.memref_slice %arg4[%dma_wait3A_319, %dma_wait3A_320] : memref<5120x64xi32, #tpu.memory_space<hbm>> -> memref<2x64xi32, #tpu.memory_space<hbm>>
        %dma_wait3A_322 = arith.constant 0 : i32
        %dma_wait3A_323 = arith.constant 0 : i32
        %dma_wait3A_324 = tpu.memref_slice %arg10[%dma_wait3A_314, %dma_wait3A_322, %dma_wait3A_323] : memref<2x2x64xi32, #tpu.memory_space<vmem>> -> memref<1x2x64xi32, #tpu.memory_space<vmem>>
        %dma_wait3A_325 = tpu.memref_squeeze %dma_wait3A_324 : memref<1x2x64xi32, #tpu.memory_space<vmem>> -> memref<2x64xi32, #tpu.memory_space<vmem>>
        %dma_wait3A_326 = arith.constant 0 : i32
        %dma_wait3A_327 = arith.constant 0 : i32
        %dma_wait3A_328 = tpu.memref_slice %arg4[%dma_wait3A_326, %dma_wait3A_327] : memref<5120x64xi32, #tpu.memory_space<hbm>> -> memref<2x64xi32, #tpu.memory_space<hbm>>
        tpu.wait_dma2 semaphore(%arg19 : memref<!tpu.dma_semaphore, #tpu.memory_space<semaphore_mem>>) src(%dma_wait3A_328 : memref<2x64xi32, #tpu.memory_space<hbm>>) dst(%dma_wait3A_325 : memref<2x64xi32, #tpu.memory_space<vmem>>)
      } else {
      }
      %add3A_269 = arith.constant 1 : i32
      %add3A_270 = arith.addi %while3A_169, %add3A_269 : i32
      %lt3A_271 = arith.cmpi slt, %add3A_270, %select_n3A_33 : i32
      %convert_element_type3A_272 = arith.extui %lt3A_271 : i1 to i32
      %cond3A_273 = arith.constant 0 : i32
      %cond3A_274 = arith.cmpi ne, %convert_element_type3A_272, %cond3A_273 : i32
      scf.if %cond3A_274 {
        %add3A_299 = arith.constant 1 : i32
        %add3A_300 = arith.addi %while3A_169, %add3A_299 : i32
        %jit3A_301 = arith.constant 2 : i32
        %div3A_302 = arith.divsi %add3A_300, %jit3A_301 : i32
        %sign3A_303 = arith.constant 0 : i32
        %sign3A_304 = arith.cmpi sgt, %add3A_300, %sign3A_303 : i32
        %sign3A_305 = arith.extui %sign3A_304 : i1 to i32
        %sign3A_306 = arith.constant 0 : i32
        %sign3A_307 = arith.cmpi slt, %add3A_300, %sign3A_306 : i32
        %sign3A_308 = arith.extui %sign3A_307 : i1 to i32
        %sign3A_309 = arith.subi %sign3A_305, %sign3A_308 : i32
        %sign3A_310 = arith.constant 0 : i32
        %sign3A_311 = arith.cmpi sgt, %jit3A_301, %sign3A_310 : i32
        %sign3A_312 = arith.extui %sign3A_311 : i1 to i32
        %sign3A_313 = arith.constant 0 : i32
        %sign3A_314 = arith.cmpi slt, %jit3A_301, %sign3A_313 : i32
        %sign3A_315 = arith.extui %sign3A_314 : i1 to i32
        %sign3A_316 = arith.subi %sign3A_312, %sign3A_315 : i32
        %ne3A_317 = arith.cmpi ne, %sign3A_309, %sign3A_316 : i32
        %rem3A_318 = arith.remsi %add3A_300, %jit3A_301 : i32
        %ne3A_319 = arith.constant 0 : i32
        %ne3A_320 = arith.cmpi ne, %rem3A_318, %ne3A_319 : i32
        %and3A_321 = arith.andi %ne3A_317, %ne3A_320 : i1
        %sub3A_322 = arith.constant 1 : i32
        %sub3A_323 = arith.subi %div3A_302, %sub3A_322 : i32
        %select_n3A_324 = arith.select %and3A_321, %sub3A_323, %div3A_302 : i32
        %jit3A_325 = arith.constant 2 : i32
        %eq3A_326 = arith.constant 0 : i32
        %eq3A_327 = arith.cmpi eq, %jit3A_325, %eq3A_326 : i32
        %jit3A_328 = arith.constant 1 : i32
        %select_n3A_329 = arith.select %eq3A_327, %jit3A_328, %jit3A_325 : i32
        %rem3A_330 = arith.remsi %select_n3A_324, %select_n3A_329 : i32
        %ne3A_331 = arith.constant 0 : i32
        %ne3A_332 = arith.cmpi ne, %rem3A_330, %ne3A_331 : i32
        %lt3A_333 = arith.constant 0 : i32
        %lt3A_334 = arith.cmpi slt, %rem3A_330, %lt3A_333 : i32
        %lt3A_335 = arith.constant 0 : i32
        %lt3A_336 = arith.cmpi slt, %select_n3A_329, %lt3A_335 : i32
        %ne3A_337 = arith.xori %lt3A_334, %lt3A_336 : i1
        %and3A_338 = arith.andi %ne3A_337, %ne3A_332 : i1
        %add3A_339 = arith.addi %rem3A_330, %select_n3A_329 : i32
        %select_n3A_340 = arith.select %and3A_338, %add3A_339, %rem3A_330 : i32
        %add3A_341 = arith.constant 1 : i32
        %add3A_342 = arith.addi %while3A_169, %add3A_341 : i32
        %jit3A_343 = arith.constant 2 : i32
        %eq3A_344 = arith.constant 0 : i32
        %eq3A_345 = arith.cmpi eq, %jit3A_343, %eq3A_344 : i32
        %jit3A_346 = arith.constant 1 : i32
        %select_n3A_347 = arith.select %eq3A_345, %jit3A_346, %jit3A_343 : i32
        %rem3A_348 = arith.remsi %add3A_342, %select_n3A_347 : i32
        %ne3A_349 = arith.constant 0 : i32
        %ne3A_350 = arith.cmpi ne, %rem3A_348, %ne3A_349 : i32
        %lt3A_351 = arith.constant 0 : i32
        %lt3A_352 = arith.cmpi slt, %rem3A_348, %lt3A_351 : i32
        %lt3A_353 = arith.constant 0 : i32
        %lt3A_354 = arith.cmpi slt, %select_n3A_347, %lt3A_353 : i32
        %ne3A_355 = arith.xori %lt3A_352, %lt3A_354 : i1
        %and3A_356 = arith.andi %ne3A_355, %ne3A_350 : i1
        %add3A_357 = arith.addi %rem3A_348, %select_n3A_347 : i32
        %select_n3A_358 = arith.select %and3A_356, %add3A_357, %rem3A_348 : i32
        %sub3A_359 = arith.constant 1 : i32
        %sub3A_360 = arith.subi %sub3A_359, %select_n3A_185 : i32
        %dma_start3A_361 = arith.constant 0 : i32
        %dma_start3A_362 = arith.constant 0 : i32
        %dma_start3A_363 = tpu.memref_slice %arg14[%sub3A_360, %dma_start3A_361, %dma_start3A_362] : memref<2x64x128xf32, #tpu.memory_space<vmem>> -> memref<1x64x128xf32, #tpu.memory_space<vmem>>
        %dma_start3A_364 = tpu.memref_squeeze %dma_start3A_363 : memref<1x64x128xf32, #tpu.memory_space<vmem>> -> memref<64x128xf32, #tpu.memory_space<vmem>>
        %dma_start3A_365 = arith.constant 0 : i32
        %dma_start3A_366 = tpu.memref_slice %arg9[%select_n3A_340, %select_n3A_358, %dma_start3A_365] : memref<2x2x64xi32, #tpu.memory_space<vmem>> -> memref<1x1x64xi32, #tpu.memory_space<vmem>>
        %dma_start3A_367 = tpu.memref_squeeze %dma_start3A_366 : memref<1x1x64xi32, #tpu.memory_space<vmem>> -> memref<64xi32, #tpu.memory_space<vmem>>
        %dma_start3A_368 = arith.constant 0 : i32
        %dma_start3A_369 = arith.constant 0 : i32
        %dma_start3A_370 = tpu.memref_slice %arg2[%dma_start3A_368, %dma_start3A_369] : memref<10240x128xf32, #tpu.memory_space<hbm>> -> memref<10240x128xf32, #tpu.memory_space<hbm>>
        tpu.enqueue_indirect_dma source(%dma_start3A_370 : memref<10240x128xf32, #tpu.memory_space<hbm>>) target(%dma_start3A_364 : memref<64x128xf32, #tpu.memory_space<vmem>>) offsets(%dma_start3A_367 : memref<64xi32, #tpu.memory_space<vmem>>) semaphore(%arg17 : memref<!tpu.dma_semaphore, #tpu.memory_space<semaphore_mem>>)
      } else {
      }
      %dma_wait3A_275 = arith.constant 0 : i32
      %dma_wait3A_276 = arith.constant 0 : i32
      %dma_wait3A_277 = arith.constant 0 : i32
      %dma_wait3A_278 = arith.constant 0 : i32
      %dma_wait3A_279 = tpu.memref_slice %arg14[%select_n3A_185, %dma_wait3A_277, %dma_wait3A_278] : memref<2x64x128xf32, #tpu.memory_space<vmem>> -> memref<1x64x128xf32, #tpu.memory_space<vmem>>
      %dma_wait3A_280 = tpu.memref_squeeze %dma_wait3A_279 : memref<1x64x128xf32, #tpu.memory_space<vmem>> -> memref<64x128xf32, #tpu.memory_space<vmem>>
      %dma_wait3A_281 = arith.constant 0 : i32
      %dma_wait3A_282 = tpu.memref_slice %arg9[%dma_wait3A_275, %dma_wait3A_276, %dma_wait3A_281] : memref<2x2x64xi32, #tpu.memory_space<vmem>> -> memref<1x1x64xi32, #tpu.memory_space<vmem>>
      %dma_wait3A_283 = tpu.memref_squeeze %dma_wait3A_282 : memref<1x1x64xi32, #tpu.memory_space<vmem>> -> memref<64xi32, #tpu.memory_space<vmem>>
      %dma_wait3A_284 = arith.constant 0 : i32
      %dma_wait3A_285 = arith.constant 0 : i32
      %dma_wait3A_286 = tpu.memref_slice %arg2[%dma_wait3A_284, %dma_wait3A_285] : memref<10240x128xf32, #tpu.memory_space<hbm>> -> memref<10240x128xf32, #tpu.memory_space<hbm>>
      tpu.wait_indirect_dma semaphore(%arg17 : memref<!tpu.dma_semaphore, #tpu.memory_space<semaphore_mem>>) src(%dma_wait3A_286 : memref<10240x128xf32, #tpu.memory_space<hbm>>) dst(%dma_wait3A_280 : memref<64x128xf32, #tpu.memory_space<vmem>>)
      %parallel_loop3A = arith.constant 0 : i32
      %parallel_loop3A_287 = arith.constant 64 : i32
      %parallel_loop3A_288 = arith.constant 1 : i32
      scf.for %parallel_loop3A_299 = %parallel_loop3A to %parallel_loop3A_287 step %parallel_loop3A_288  : i32 {
        %parallel_loop3A_300 = arith.constant 4 : i32
        %parallel_loop3A_301 = arith.shrsi %parallel_loop3A_299, %parallel_loop3A_300 : i32
        %parallel_loop3A_302 = vector.broadcast %parallel_loop3A_301 : i32 to vector<16xi32>
        %parallel_loop3A_303 = arith.constant 15 : i32
        %parallel_loop3A_304 = arith.andi %parallel_loop3A_299, %parallel_loop3A_303 : i32
        %parallel_loop3A_305 = vector.broadcast %parallel_loop3A_304 : i32 to vector<16xi32>
        %parallel_loop3A_306 = tpu.vector_load_idx %arg13[%parallel_loop3A_302, %parallel_loop3A_305] : memref<4x16xf32, #tpu.memory_space<vmem>>[vector<16xi32>, vector<16xi32>], vector<16xf32>,
        %parallel_loop3A_307 = arith.index_cast %select_n3A_185 : i32 to index
        %parallel_loop3A_308 = arith.index_cast %parallel_loop3A_299 : i32 to index
        %parallel_loop3A_309 = arith.constant 0 : index
        %parallel_loop3A_310 = tpu.vector_load %arg14[%parallel_loop3A_307, %parallel_loop3A_308, %parallel_loop3A_309] {strides = array<i32>} : memref<2x64x128xf32, #tpu.memory_space<vmem>>, vector<16xf32>,
        %parallel_loop3A_311 = arith.mulf %parallel_loop3A_310, %parallel_loop3A_306 : vector<16xf32>
        %parallel_loop3A_312 = arith.index_cast %select_n3A_185 : i32 to index
        %parallel_loop3A_313 = arith.index_cast %parallel_loop3A_299 : i32 to index
        %parallel_loop3A_314 = arith.constant 0 : index
        %parallel_loop3A_315 = tpu.vector_load %arg14[%parallel_loop3A_312, %parallel_loop3A_313, %parallel_loop3A_314] {strides = array<i32>} : memref<2x64x128xf32, #tpu.memory_space<vmem>>, vector<16xf32>,
        tpu.vector_store %arg14[%parallel_loop3A_312, %parallel_loop3A_313, %parallel_loop3A_314], %parallel_loop3A_311 {strides = array<i32>} : memref<2x64x128xf32, #tpu.memory_space<vmem>>, vector<16xf32>,
        %parallel_loop3A_316 = arith.index_cast %select_n3A_185 : i32 to index
        %parallel_loop3A_317 = arith.index_cast %parallel_loop3A_299 : i32 to index
        %parallel_loop3A_318 = arith.constant 16 : index
        %parallel_loop3A_319 = tpu.vector_load %arg14[%parallel_loop3A_316, %parallel_loop3A_317, %parallel_loop3A_318] {strides = array<i32>} : memref<2x64x128xf32, #tpu.memory_space<vmem>>, vector<16xf32>,
        %parallel_loop3A_320 = arith.mulf %parallel_loop3A_319, %parallel_loop3A_306 : vector<16xf32>
        %parallel_loop3A_321 = arith.index_cast %select_n3A_185 : i32 to index
        %parallel_loop3A_322 = arith.index_cast %parallel_loop3A_299 : i32 to index
        %parallel_loop3A_323 = arith.constant 16 : index
        %parallel_loop3A_324 = tpu.vector_load %arg14[%parallel_loop3A_321, %parallel_loop3A_322, %parallel_loop3A_323] {strides = array<i32>} : memref<2x64x128xf32, #tpu.memory_space<vmem>>, vector<16xf32>,
        tpu.vector_store %arg14[%parallel_loop3A_321, %parallel_loop3A_322, %parallel_loop3A_323], %parallel_loop3A_320 {strides = array<i32>} : memref<2x64x128xf32, #tpu.memory_space<vmem>>, vector<16xf32>,
        %parallel_loop3A_325 = arith.index_cast %select_n3A_185 : i32 to index
        %parallel_loop3A_326 = arith.index_cast %parallel_loop3A_299 : i32 to index
        %parallel_loop3A_327 = arith.constant 32 : index
        %parallel_loop3A_328 = tpu.vector_load %arg14[%parallel_loop3A_325, %parallel_loop3A_326, %parallel_loop3A_327] {strides = array<i32>} : memref<2x64x128xf32, #tpu.memory_space<vmem>>, vector<16xf32>,
        %parallel_loop3A_329 = arith.mulf %parallel_loop3A_328, %parallel_loop3A_306 : vector<16xf32>
        %parallel_loop3A_330 = arith.index_cast %select_n3A_185 : i32 to index
        %parallel_loop3A_331 = arith.index_cast %parallel_loop3A_299 : i32 to index
        %parallel_loop3A_332 = arith.constant 32 : index
        %parallel_loop3A_333 = tpu.vector_load %arg14[%parallel_loop3A_330, %parallel_loop3A_331, %parallel_loop3A_332] {strides = array<i32>} : memref<2x64x128xf32, #tpu.memory_space<vmem>>, vector<16xf32>,
        tpu.vector_store %arg14[%parallel_loop3A_330, %parallel_loop3A_331, %parallel_loop3A_332], %parallel_loop3A_329 {strides = array<i32>} : memref<2x64x128xf32, #tpu.memory_space<vmem>>, vector<16xf32>,
        %parallel_loop3A_334 = arith.index_cast %select_n3A_185 : i32 to index
        %parallel_loop3A_335 = arith.index_cast %parallel_loop3A_299 : i32 to index
        %parallel_loop3A_336 = arith.constant 48 : index
        %parallel_loop3A_337 = tpu.vector_load %arg14[%parallel_loop3A_334, %parallel_loop3A_335, %parallel_loop3A_336] {strides = array<i32>} : memref<2x64x128xf32, #tpu.memory_space<vmem>>, vector<16xf32>,
        %parallel_loop3A_338 = arith.mulf %parallel_loop3A_337, %parallel_loop3A_306 : vector<16xf32>
        %parallel_loop3A_339 = arith.index_cast %select_n3A_185 : i32 to index
        %parallel_loop3A_340 = arith.index_cast %parallel_loop3A_299 : i32 to index
        %parallel_loop3A_341 = arith.constant 48 : index
        %parallel_loop3A_342 = tpu.vector_load %arg14[%parallel_loop3A_339, %parallel_loop3A_340, %parallel_loop3A_341] {strides = array<i32>} : memref<2x64x128xf32, #tpu.memory_space<vmem>>, vector<16xf32>,
        tpu.vector_store %arg14[%parallel_loop3A_339, %parallel_loop3A_340, %parallel_loop3A_341], %parallel_loop3A_338 {strides = array<i32>} : memref<2x64x128xf32, #tpu.memory_space<vmem>>, vector<16xf32>,
        %parallel_loop3A_343 = arith.index_cast %select_n3A_185 : i32 to index
        %parallel_loop3A_344 = arith.index_cast %parallel_loop3A_299 : i32 to index
        %parallel_loop3A_345 = arith.constant 64 : index
        %parallel_loop3A_346 = tpu.vector_load %arg14[%parallel_loop3A_343, %parallel_loop3A_344, %parallel_loop3A_345] {strides = array<i32>} : memref<2x64x128xf32, #tpu.memory_space<vmem>>, vector<16xf32>,
        %parallel_loop3A_347 = arith.mulf %parallel_loop3A_346, %parallel_loop3A_306 : vector<16xf32>
        %parallel_loop3A_348 = arith.index_cast %select_n3A_185 : i32 to index
        %parallel_loop3A_349 = arith.index_cast %parallel_loop3A_299 : i32 to index
        %parallel_loop3A_350 = arith.constant 64 : index
        %parallel_loop3A_351 = tpu.vector_load %arg14[%parallel_loop3A_348, %parallel_loop3A_349, %parallel_loop3A_350] {strides = array<i32>} : memref<2x64x128xf32, #tpu.memory_space<vmem>>, vector<16xf32>,
        tpu.vector_store %arg14[%parallel_loop3A_348, %parallel_loop3A_349, %parallel_loop3A_350], %parallel_loop3A_347 {strides = array<i32>} : memref<2x64x128xf32, #tpu.memory_space<vmem>>, vector<16xf32>,
        %parallel_loop3A_352 = arith.index_cast %select_n3A_185 : i32 to index
        %parallel_loop3A_353 = arith.index_cast %parallel_loop3A_299 : i32 to index
        %parallel_loop3A_354 = arith.constant 80 : index
        %parallel_loop3A_355 = tpu.vector_load %arg14[%parallel_loop3A_352, %parallel_loop3A_353, %parallel_loop3A_354] {strides = array<i32>} : memref<2x64x128xf32, #tpu.memory_space<vmem>>, vector<16xf32>,
        %parallel_loop3A_356 = arith.mulf %parallel_loop3A_355, %parallel_loop3A_306 : vector<16xf32>
        %parallel_loop3A_357 = arith.index_cast %select_n3A_185 : i32 to index
        %parallel_loop3A_358 = arith.index_cast %parallel_loop3A_299 : i32 to index
        %parallel_loop3A_359 = arith.constant 80 : index
        %parallel_loop3A_360 = tpu.vector_load %arg14[%parallel_loop3A_357, %parallel_loop3A_358, %parallel_loop3A_359] {strides = array<i32>} : memref<2x64x128xf32, #tpu.memory_space<vmem>>, vector<16xf32>,
        tpu.vector_store %arg14[%parallel_loop3A_357, %parallel_loop3A_358, %parallel_loop3A_359], %parallel_loop3A_356 {strides = array<i32>} : memref<2x64x128xf32, #tpu.memory_space<vmem>>, vector<16xf32>,
        %parallel_loop3A_361 = arith.index_cast %select_n3A_185 : i32 to index
        %parallel_loop3A_362 = arith.index_cast %parallel_loop3A_299 : i32 to index
        %parallel_loop3A_363 = arith.constant 96 : index
        %parallel_loop3A_364 = tpu.vector_load %arg14[%parallel_loop3A_361, %parallel_loop3A_362, %parallel_loop3A_363] {strides = array<i32>} : memref<2x64x128xf32, #tpu.memory_space<vmem>>, vector<16xf32>,
        %parallel_loop3A_365 = arith.mulf %parallel_loop3A_364, %parallel_loop3A_306 : vector<16xf32>
        %parallel_loop3A_366 = arith.index_cast %select_n3A_185 : i32 to index
        %parallel_loop3A_367 = arith.index_cast %parallel_loop3A_299 : i32 to index
        %parallel_loop3A_368 = arith.constant 96 : index
        %parallel_loop3A_369 = tpu.vector_load %arg14[%parallel_loop3A_366, %parallel_loop3A_367, %parallel_loop3A_368] {strides = array<i32>} : memref<2x64x128xf32, #tpu.memory_space<vmem>>, vector<16xf32>,
        tpu.vector_store %arg14[%parallel_loop3A_366, %parallel_loop3A_367, %parallel_loop3A_368], %parallel_loop3A_365 {strides = array<i32>} : memref<2x64x128xf32, #tpu.memory_space<vmem>>, vector<16xf32>,
        %parallel_loop3A_370 = arith.index_cast %select_n3A_185 : i32 to index
        %parallel_loop3A_371 = arith.index_cast %parallel_loop3A_299 : i32 to index
        %parallel_loop3A_372 = arith.constant 112 : index
        %parallel_loop3A_373 = tpu.vector_load %arg14[%parallel_loop3A_370, %parallel_loop3A_371, %parallel_loop3A_372] {strides = array<i32>} : memref<2x64x128xf32, #tpu.memory_space<vmem>>, vector<16xf32>,
        %parallel_loop3A_374 = arith.mulf %parallel_loop3A_373, %parallel_loop3A_306 : vector<16xf32>
        %parallel_loop3A_375 = arith.index_cast %select_n3A_185 : i32 to index
        %parallel_loop3A_376 = arith.index_cast %parallel_loop3A_299 : i32 to index
        %parallel_loop3A_377 = arith.constant 112 : index
        %parallel_loop3A_378 = tpu.vector_load %arg14[%parallel_loop3A_375, %parallel_loop3A_376, %parallel_loop3A_377] {strides = array<i32>} : memref<2x64x128xf32, #tpu.memory_space<vmem>>, vector<16xf32>,
        tpu.vector_store %arg14[%parallel_loop3A_375, %parallel_loop3A_376, %parallel_loop3A_377], %parallel_loop3A_374 {strides = array<i32>} : memref<2x64x128xf32, #tpu.memory_space<vmem>>, vector<16xf32>,
      } {sc.loop_unroll_factor = 4 : i64, sc.parallel_access}
      %dma_start3A_289 = arith.constant 0 : i32
      %dma_start3A_290 = arith.constant 0 : i32
      %dma_start3A_291 = tpu.memref_slice %arg14[%select_n3A_185, %dma_start3A_289, %dma_start3A_290] : memref<2x64x128xf32, #tpu.memory_space<vmem>> -> memref<1x64x128xf32, #tpu.memory_space<vmem>>
      %dma_start3A_292 = tpu.memref_squeeze %dma_start3A_291 : memref<1x64x128xf32, #tpu.memory_space<vmem>> -> memref<64x128xf32, #tpu.memory_space<vmem>>
      %dma_start3A_293 = arith.constant 0 : i32
      %dma_start3A_294 = tpu.memref_slice %arg10[%select_n3A_241, %select_n3A_225, %dma_start3A_293] : memref<2x2x64xi32, #tpu.memory_space<vmem>> -> memref<1x1x64xi32, #tpu.memory_space<vmem>>
      %dma_start3A_295 = tpu.memref_squeeze %dma_start3A_294 : memref<1x1x64xi32, #tpu.memory_space<vmem>> -> memref<64xi32, #tpu.memory_space<vmem>>
      %dma_start3A_296 = arith.constant 0 : i32
      %dma_start3A_297 = arith.constant 0 : i32
      %dma_start3A_298 = tpu.memref_slice %arg16[%dma_start3A_296, %dma_start3A_297] : memref<10240x128xf32, #tpu.memory_space<vmem_shared>> -> memref<10240x128xf32, #tpu.memory_space<vmem_shared>>
      tpu.enqueue_indirect_dma source(%dma_start3A_292 : memref<64x128xf32, #tpu.memory_space<vmem>>) target(%dma_start3A_298 : memref<10240x128xf32, #tpu.memory_space<vmem_shared>>) offsets(%dma_start3A_295 : memref<64xi32, #tpu.memory_space<vmem>>) semaphore(%arg18 : memref<!tpu.dma_semaphore, #tpu.memory_space<semaphore_mem>>) {add = true}
    }
    %while3A_129 = arith.constant 1 : i32
    scf.for %while3A_169 = %while3A_127 to %while3A_123 step %while3A_129  : i32 {
      %jit3A_170 = arith.constant 2 : i32
      %eq3A_171 = arith.constant 0 : i32
      %eq3A_172 = arith.cmpi eq, %jit3A_170, %eq3A_171 : i32
      %jit3A_173 = arith.constant 1 : i32
      %select_n3A_174 = arith.select %eq3A_172, %jit3A_173, %jit3A_170 : i32
      %rem3A_175 = arith.remsi %while3A_169, %select_n3A_174 : i32
      %ne3A_176 = arith.constant 0 : i32
      %ne3A_177 = arith.cmpi ne, %rem3A_175, %ne3A_176 : i32
      %lt3A_178 = arith.constant 0 : i32
      %lt3A_179 = arith.cmpi slt, %rem3A_175, %lt3A_178 : i32
      %lt3A_180 = arith.constant 0 : i32
      %lt3A_181 = arith.cmpi slt, %select_n3A_174, %lt3A_180 : i32
      %ne3A_182 = arith.xori %lt3A_179, %lt3A_181 : i1
      %and3A_183 = arith.andi %ne3A_182, %ne3A_177 : i1
      %add3A_184 = arith.addi %rem3A_175, %select_n3A_174 : i32
      %select_n3A_185 = arith.select %and3A_183, %add3A_184, %rem3A_175 : i32
      %jit3A_186 = arith.constant 2 : i32
      %div3A_187 = arith.divsi %while3A_169, %jit3A_186 : i32
      %sign3A_188 = arith.constant 0 : i32
      %sign3A_189 = arith.cmpi sgt, %while3A_169, %sign3A_188 : i32
      %sign3A_190 = arith.extui %sign3A_189 : i1 to i32
      %sign3A_191 = arith.constant 0 : i32
      %sign3A_192 = arith.cmpi slt, %while3A_169, %sign3A_191 : i32
      %sign3A_193 = arith.extui %sign3A_192 : i1 to i32
      %sign3A_194 = arith.subi %sign3A_190, %sign3A_193 : i32
      %sign3A_195 = arith.constant 0 : i32
      %sign3A_196 = arith.cmpi sgt, %jit3A_186, %sign3A_195 : i32
      %sign3A_197 = arith.extui %sign3A_196 : i1 to i32
      %sign3A_198 = arith.constant 0 : i32
      %sign3A_199 = arith.cmpi slt, %jit3A_186, %sign3A_198 : i32
      %sign3A_200 = arith.extui %sign3A_199 : i1 to i32
      %sign3A_201 = arith.subi %sign3A_197, %sign3A_200 : i32
      %ne3A_202 = arith.cmpi ne, %sign3A_194, %sign3A_201 : i32
      %rem3A_203 = arith.remsi %while3A_169, %jit3A_186 : i32
      %ne3A_204 = arith.constant 0 : i32
      %ne3A_205 = arith.cmpi ne, %rem3A_203, %ne3A_204 : i32
      %and3A_206 = arith.andi %ne3A_202, %ne3A_205 : i1
      %sub3A_207 = arith.constant 1 : i32
      %sub3A_208 = arith.subi %div3A_187, %sub3A_207 : i32
      %select_n3A_209 = arith.select %and3A_206, %sub3A_208, %div3A_187 : i32
      %jit3A_210 = arith.constant 2 : i32
      %eq3A_211 = arith.constant 0 : i32
      %eq3A_212 = arith.cmpi eq, %jit3A_210, %eq3A_211 : i32
      %jit3A_213 = arith.constant 1 : i32
      %select_n3A_214 = arith.select %eq3A_212, %jit3A_213, %jit3A_210 : i32
      %rem3A_215 = arith.remsi %while3A_169, %select_n3A_214 : i32
      %ne3A_216 = arith.constant 0 : i32
      %ne3A_217 = arith.cmpi ne, %rem3A_215, %ne3A_216 : i32
      %lt3A_218 = arith.constant 0 : i32
      %lt3A_219 = arith.cmpi slt, %rem3A_215, %lt3A_218 : i32
      %lt3A_220 = arith.constant 0 : i32
      %lt3A_221 = arith.cmpi slt, %select_n3A_214, %lt3A_220 : i32
      %ne3A_222 = arith.xori %lt3A_219, %lt3A_221 : i1
      %and3A_223 = arith.andi %ne3A_222, %ne3A_217 : i1
      %add3A_224 = arith.addi %rem3A_215, %select_n3A_214 : i32
      %select_n3A_225 = arith.select %and3A_223, %add3A_224, %rem3A_215 : i32
      %jit3A_226 = arith.constant 2 : i32
      %eq3A_227 = arith.constant 0 : i32
      %eq3A_228 = arith.cmpi eq, %jit3A_226, %eq3A_227 : i32
      %jit3A_229 = arith.constant 1 : i32
      %select_n3A_230 = arith.select %eq3A_228, %jit3A_229, %jit3A_226 : i32
      %rem3A_231 = arith.remsi %select_n3A_209, %select_n3A_230 : i32
      %ne3A_232 = arith.constant 0 : i32
      %ne3A_233 = arith.cmpi ne, %rem3A_231, %ne3A_232 : i32
      %lt3A_234 = arith.constant 0 : i32
      %lt3A_235 = arith.cmpi slt, %rem3A_231, %lt3A_234 : i32
      %lt3A_236 = arith.constant 0 : i32
      %lt3A_237 = arith.cmpi slt, %select_n3A_230, %lt3A_236 : i32
      %ne3A_238 = arith.xori %lt3A_235, %lt3A_237 : i1
      %and3A_239 = arith.andi %ne3A_238, %ne3A_233 : i1
      %add3A_240 = arith.addi %rem3A_231, %select_n3A_230 : i32
      %select_n3A_241 = arith.select %and3A_239, %add3A_240, %rem3A_231 : i32
      %ge3A = arith.constant 1 : i32
      %ge3A_242 = arith.cmpi sge, %while3A_169, %ge3A : i32
      %convert_element_type3A = arith.extui %ge3A_242 : i1 to i32
      %cond3A = arith.constant 0 : i32
      %cond3A_243 = arith.cmpi ne, %convert_element_type3A, %cond3A : i32
      scf.if %cond3A_243 {
        %sub3A_299 = arith.constant 1 : i32
        %sub3A_300 = arith.subi %sub3A_299, %select_n3A_185 : i32
        %dma_wait3A_301 = arith.constant 0 : i32
        %dma_wait3A_302 = arith.constant 0 : i32
        %dma_wait3A_303 = arith.constant 0 : i32
        %dma_wait3A_304 = arith.constant 0 : i32
        %dma_wait3A_305 = tpu.memref_slice %arg14[%sub3A_300, %dma_wait3A_303, %dma_wait3A_304] : memref<2x64x128xf32, #tpu.memory_space<vmem>> -> memref<1x64x128xf32, #tpu.memory_space<vmem>>
        %dma_wait3A_306 = tpu.memref_squeeze %dma_wait3A_305 : memref<1x64x128xf32, #tpu.memory_space<vmem>> -> memref<64x128xf32, #tpu.memory_space<vmem>>
        %dma_wait3A_307 = arith.constant 0 : i32
        %dma_wait3A_308 = tpu.memref_slice %arg10[%dma_wait3A_301, %dma_wait3A_302, %dma_wait3A_307] : memref<2x2x64xi32, #tpu.memory_space<vmem>> -> memref<1x1x64xi32, #tpu.memory_space<vmem>>
        %dma_wait3A_309 = tpu.memref_squeeze %dma_wait3A_308 : memref<1x1x64xi32, #tpu.memory_space<vmem>> -> memref<64xi32, #tpu.memory_space<vmem>>
        %dma_wait3A_310 = arith.constant 0 : i32
        %dma_wait3A_311 = arith.constant 0 : i32
        %dma_wait3A_312 = tpu.memref_slice %arg16[%dma_wait3A_310, %dma_wait3A_311] : memref<10240x128xf32, #tpu.memory_space<vmem_shared>> -> memref<10240x128xf32, #tpu.memory_space<vmem_shared>>
        tpu.wait_indirect_dma semaphore(%arg18 : memref<!tpu.dma_semaphore, #tpu.memory_space<semaphore_mem>>) src(%dma_wait3A_306 : memref<64x128xf32, #tpu.memory_space<vmem>>) dst(%dma_wait3A_312 : memref<10240x128xf32, #tpu.memory_space<vmem_shared>>)
      } else {
      }
      %eq3A_244 = arith.constant 0 : i32
      %eq3A_245 = arith.cmpi eq, %select_n3A_225, %eq3A_244 : i32
      %add3A_246 = arith.constant 1 : i32
      %add3A_247 = arith.addi %select_n3A_209, %add3A_246 : i32
      %sub3A_248 = arith.constant 1 : i32
      %sub3A_249 = arith.subi %select_n3A_51, %sub3A_248 : i32
      %le3A = arith.cmpi sle, %add3A_247, %sub3A_249 : i32
      %and3A_250 = arith.andi %eq3A_245, %le3A : i1
      %convert_element_type3A_251 = arith.extui %and3A_250 : i1 to i32
      %cond3A_252 = arith.constant 0 : i32
      %cond3A_253 = arith.cmpi ne, %convert_element_type3A_251, %cond3A_252 : i32
      scf.if %cond3A_253 {
        %add3A_299 = arith.constant 1 : i32
        %add3A_300 = arith.addi %select_n3A_209, %add3A_299 : i32
        %sub3A_301 = arith.constant 1 : i32
        %sub3A_302 = arith.subi %sub3A_301, %select_n3A_241 : i32
        %mul3A_303 = arith.constant 2 : i32
        %mul3A_304 = arith.muli %add3A_300, %mul3A_303 : i32
        %add3A_305 = arith.addi %add3A, %mul3A_304 : i32
        %dma_start3A_306 = arith.constant 0 : i32
        %dma_start3A_307 = arith.constant 0 : i32
        %dma_start3A_308 = tpu.memref_slice %arg9[%sub3A_302, %dma_start3A_306, %dma_start3A_307] : memref<2x2x64xi32, #tpu.memory_space<vmem>> -> memref<1x2x64xi32, #tpu.memory_space<vmem>>
        %dma_start3A_309 = tpu.memref_squeeze %dma_start3A_308 : memref<1x2x64xi32, #tpu.memory_space<vmem>> -> memref<2x64xi32, #tpu.memory_space<vmem>>
        %dma_start3A_310 = arith.constant 0 : i32
        %dma_start3A_311 = tpu.memref_slice %arg3[%add3A_305, %dma_start3A_310] : memref<5120x64xi32, #tpu.memory_space<hbm>> -> memref<2x64xi32, #tpu.memory_space<hbm>>
        %dma_start3A_312 = arith.constant 0 : i32
        %dma_start3A_313 = arith.constant 0 : i32
        %dma_start3A_314 = tpu.memref_slice %arg9[%sub3A_302, %dma_start3A_312, %dma_start3A_313] : memref<2x2x64xi32, #tpu.memory_space<vmem>> -> memref<1x2x64xi32, #tpu.memory_space<vmem>>
        %dma_start3A_315 = tpu.memref_squeeze %dma_start3A_314 : memref<1x2x64xi32, #tpu.memory_space<vmem>> -> memref<2x64xi32, #tpu.memory_space<vmem>>
        %dma_start3A_316 = arith.constant 0 : i32
        %dma_start3A_317 = tpu.memref_slice %arg3[%add3A_305, %dma_start3A_316] : memref<5120x64xi32, #tpu.memory_space<hbm>> -> memref<2x64xi32, #tpu.memory_space<hbm>>
        tpu.enqueue_dma source(%dma_start3A_317 : memref<2x64xi32, #tpu.memory_space<hbm>>) target(%dma_start3A_315 : memref<2x64xi32, #tpu.memory_space<vmem>>) target_semaphore(%arg19 : memref<!tpu.dma_semaphore, #tpu.memory_space<semaphore_mem>>)
        %dma_start3A_318 = arith.constant 0 : i32
        %dma_start3A_319 = arith.constant 0 : i32
        %dma_start3A_320 = tpu.memref_slice %arg10[%sub3A_302, %dma_start3A_318, %dma_start3A_319] : memref<2x2x64xi32, #tpu.memory_space<vmem>> -> memref<1x2x64xi32, #tpu.memory_space<vmem>>
        %dma_start3A_321 = tpu.memref_squeeze %dma_start3A_320 : memref<1x2x64xi32, #tpu.memory_space<vmem>> -> memref<2x64xi32, #tpu.memory_space<vmem>>
        %dma_start3A_322 = arith.constant 0 : i32
        %dma_start3A_323 = tpu.memref_slice %arg4[%add3A_305, %dma_start3A_322] : memref<5120x64xi32, #tpu.memory_space<hbm>> -> memref<2x64xi32, #tpu.memory_space<hbm>>
        %dma_start3A_324 = arith.constant 0 : i32
        %dma_start3A_325 = arith.constant 0 : i32
        %dma_start3A_326 = tpu.memref_slice %arg10[%sub3A_302, %dma_start3A_324, %dma_start3A_325] : memref<2x2x64xi32, #tpu.memory_space<vmem>> -> memref<1x2x64xi32, #tpu.memory_space<vmem>>
        %dma_start3A_327 = tpu.memref_squeeze %dma_start3A_326 : memref<1x2x64xi32, #tpu.memory_space<vmem>> -> memref<2x64xi32, #tpu.memory_space<vmem>>
        %dma_start3A_328 = arith.constant 0 : i32
        %dma_start3A_329 = tpu.memref_slice %arg4[%add3A_305, %dma_start3A_328] : memref<5120x64xi32, #tpu.memory_space<hbm>> -> memref<2x64xi32, #tpu.memory_space<hbm>>
        tpu.enqueue_dma source(%dma_start3A_329 : memref<2x64xi32, #tpu.memory_space<hbm>>) target(%dma_start3A_327 : memref<2x64xi32, #tpu.memory_space<vmem>>) target_semaphore(%arg19 : memref<!tpu.dma_semaphore, #tpu.memory_space<semaphore_mem>>)
      } else {
      }
      %scan3A_254 = arith.constant 0 : i32
      %scan3A_255 = arith.constant 0 : i32
      %scan3A_256 = arith.constant 4 : i32
      %scan3A_257 = arith.addi %scan3A_255, %scan3A_256 : i32
      %scan3A_258 = arith.constant 1 : i32
      scf.for %scan3A_299 = %scan3A_255 to %scan3A_257 step %scan3A_258  : i32 {
        %mul3A_300 = arith.constant 16 : i32
        %mul3A_301 = arith.muli %scan3A_299, %mul3A_300 : i32
        %get3A = arith.index_cast %select_n3A_241 : i32 to index
        %get3A_302 = arith.index_cast %select_n3A_225 : i32 to index
        %get3A_303 = arith.index_cast %mul3A_301 : i32 to index
        %get3A_304 = tpu.vector_load %arg9[%get3A, %get3A_302, %get3A_303] {strides = array<i32>} : memref<2x2x64xi32, #tpu.memory_space<vmem>>, vector<16xi32>,
        %mul3A_305 = arith.constant 16 : i32
        %mul3A_306 = arith.muli %scan3A_299, %mul3A_305 : i32
        %get3A_307 = arith.index_cast %select_n3A_241 : i32 to index
        %get3A_308 = arith.index_cast %select_n3A_225 : i32 to index
        %get3A_309 = arith.index_cast %mul3A_306 : i32 to index
        %get3A_310 = tpu.vector_load %arg10[%get3A_307, %get3A_308, %get3A_309] {strides = array<i32>} : memref<2x2x64xi32, #tpu.memory_space<vmem>>, vector<16xi32>,
        %shift_right_arithmetic3A = arith.constant 7 : i32
        %shift_right_arithmetic3A_311 = vector.broadcast %shift_right_arithmetic3A : i32 to vector<16xi32>
        %shift_right_arithmetic3A_312 = arith.shrsi %get3A_304, %shift_right_arithmetic3A_311 : vector<16xi32>
        %and3A_313 = arith.constant 127 : i32
        %and3A_314 = vector.broadcast %and3A_313 : i32 to vector<16xi32>
        %and3A_315 = arith.andi %get3A_304, %and3A_314 : vector<16xi32>
        %gather3A = tpu.vector_load_idx %arg11[%shift_right_arithmetic3A_312, %and3A_315] : memref<80x128xf32, #tpu.memory_space<vmem>>[vector<16xi32>, vector<16xi32>], vector<16xf32>,
        %shift_right_arithmetic3A_316 = arith.constant 7 : i32
        %shift_right_arithmetic3A_317 = vector.broadcast %shift_right_arithmetic3A_316 : i32 to vector<16xi32>
        %shift_right_arithmetic3A_318 = arith.shrsi %get3A_310, %shift_right_arithmetic3A_317 : vector<16xi32>
        %and3A_319 = arith.constant 127 : i32
        %and3A_320 = vector.broadcast %and3A_319 : i32 to vector<16xi32>
        %and3A_321 = arith.andi %get3A_310, %and3A_320 : vector<16xi32>
        %gather3A_322 = tpu.vector_load_idx %arg12[%shift_right_arithmetic3A_318, %and3A_321] : memref<80x128xf32, #tpu.memory_space<vmem>>[vector<16xi32>, vector<16xi32>], vector<16xf32>,
        %add3A_323 = arith.addf %gather3A, %gather3A_322 : vector<16xf32>
        %gt3A = arith.constant 0.000000e+00 : f32
        %gt3A_324 = vector.broadcast %gt3A : f32 to vector<16xf32>
        %gt3A_325 = arith.cmpf ogt, %add3A_323, %gt3A_324 : vector<16xf32>
        %mul3A_326 = arith.constant 2.000000e-01 : f32
        %mul3A_327 = vector.broadcast %mul3A_326 : f32 to vector<16xf32>
        %mul3A_328 = arith.mulf %mul3A_327, %add3A_323 : vector<16xf32>
        %select_n3A_329 = arith.select %gt3A_325, %add3A_323, %mul3A_328 : vector<16xi1>, vector<16xf32>
        %exp3A = math.exp %select_n3A_329 : vector<16xf32>
        %swap3A = arith.index_cast %scan3A_299 : i32 to index
        %swap3A_330 = arith.constant 0 : index
        %swap3A_331 = tpu.vector_load %arg13[%swap3A, %swap3A_330] {strides = array<i32>} : memref<4x16xf32, #tpu.memory_space<vmem>>, vector<16xf32>,
        tpu.vector_store %arg13[%swap3A, %swap3A_330], %exp3A {strides = array<i32>} : memref<4x16xf32, #tpu.memory_space<vmem>>, vector<16xf32>,
        %shift_right_arithmetic3A_332 = arith.constant 7 : i32
        %shift_right_arithmetic3A_333 = vector.broadcast %shift_right_arithmetic3A_332 : i32 to vector<16xi32>
        %shift_right_arithmetic3A_334 = arith.shrsi %get3A_310, %shift_right_arithmetic3A_333 : vector<16xi32>
        %and3A_335 = arith.constant 127 : i32
        %and3A_336 = vector.broadcast %and3A_335 : i32 to vector<16xi32>
        %and3A_337 = arith.andi %get3A_310, %and3A_336 : vector<16xi32>
        tpu.vector_store_idx %arg15[%shift_right_arithmetic3A_334, %and3A_337], %exp3A {add = true} : memref<80x128xf32, #tpu.memory_space<vmem>>[vector<16xi32>, vector<16xi32>], vector<16xf32>,
      }
      %scan3A_259 = arith.constant 4 : i32
      %eq3A_260 = arith.constant 1 : i32
      %eq3A_261 = arith.cmpi eq, %select_n3A_225, %eq3A_260 : i32
      %add3A_262 = arith.constant 1 : i32
      %add3A_263 = arith.addi %while3A_169, %add3A_262 : i32
      %lt3A_264 = arith.cmpi slt, %add3A_263, %select_n3A_33 : i32
      %and3A_265 = arith.andi %eq3A_261, %lt3A_264 : i1
      %convert_element_type3A_266 = arith.extui %and3A_265 : i1 to i32
      %cond3A_267 = arith.constant 0 : i32
      %cond3A_268 = arith.cmpi ne, %convert_element_type3A_266, %cond3A_267 : i32
      scf.if %cond3A_268 {
        %dma_wait3A_299 = arith.constant 0 : i32
        %dma_wait3A_300 = arith.constant 0 : i32
        %dma_wait3A_301 = arith.constant 0 : i32
        %dma_wait3A_302 = tpu.memref_slice %arg9[%dma_wait3A_299, %dma_wait3A_300, %dma_wait3A_301] : memref<2x2x64xi32, #tpu.memory_space<vmem>> -> memref<1x2x64xi32, #tpu.memory_space<vmem>>
        %dma_wait3A_303 = tpu.memref_squeeze %dma_wait3A_302 : memref<1x2x64xi32, #tpu.memory_space<vmem>> -> memref<2x64xi32, #tpu.memory_space<vmem>>
        %dma_wait3A_304 = arith.constant 0 : i32
        %dma_wait3A_305 = arith.constant 0 : i32
        %dma_wait3A_306 = tpu.memref_slice %arg3[%dma_wait3A_304, %dma_wait3A_305] : memref<5120x64xi32, #tpu.memory_space<hbm>> -> memref<2x64xi32, #tpu.memory_space<hbm>>
        %dma_wait3A_307 = arith.constant 0 : i32
        %dma_wait3A_308 = arith.constant 0 : i32
        %dma_wait3A_309 = tpu.memref_slice %arg9[%dma_wait3A_299, %dma_wait3A_307, %dma_wait3A_308] : memref<2x2x64xi32, #tpu.memory_space<vmem>> -> memref<1x2x64xi32, #tpu.memory_space<vmem>>
        %dma_wait3A_310 = tpu.memref_squeeze %dma_wait3A_309 : memref<1x2x64xi32, #tpu.memory_space<vmem>> -> memref<2x64xi32, #tpu.memory_space<vmem>>
        %dma_wait3A_311 = arith.constant 0 : i32
        %dma_wait3A_312 = arith.constant 0 : i32
        %dma_wait3A_313 = tpu.memref_slice %arg3[%dma_wait3A_311, %dma_wait3A_312] : memref<5120x64xi32, #tpu.memory_space<hbm>> -> memref<2x64xi32, #tpu.memory_space<hbm>>
        tpu.wait_dma2 semaphore(%arg19 : memref<!tpu.dma_semaphore, #tpu.memory_space<semaphore_mem>>) src(%dma_wait3A_313 : memref<2x64xi32, #tpu.memory_space<hbm>>) dst(%dma_wait3A_310 : memref<2x64xi32, #tpu.memory_space<vmem>>)
        %dma_wait3A_314 = arith.constant 0 : i32
        %dma_wait3A_315 = arith.constant 0 : i32
        %dma_wait3A_316 = arith.constant 0 : i32
        %dma_wait3A_317 = tpu.memref_slice %arg10[%dma_wait3A_314, %dma_wait3A_315, %dma_wait3A_316] : memref<2x2x64xi32, #tpu.memory_space<vmem>> -> memref<1x2x64xi32, #tpu.memory_space<vmem>>
        %dma_wait3A_318 = tpu.memref_squeeze %dma_wait3A_317 : memref<1x2x64xi32, #tpu.memory_space<vmem>> -> memref<2x64xi32, #tpu.memory_space<vmem>>
        %dma_wait3A_319 = arith.constant 0 : i32
        %dma_wait3A_320 = arith.constant 0 : i32
        %dma_wait3A_321 = tpu.memref_slice %arg4[%dma_wait3A_319, %dma_wait3A_320] : memref<5120x64xi32, #tpu.memory_space<hbm>> -> memref<2x64xi32, #tpu.memory_space<hbm>>
        %dma_wait3A_322 = arith.constant 0 : i32
        %dma_wait3A_323 = arith.constant 0 : i32
        %dma_wait3A_324 = tpu.memref_slice %arg10[%dma_wait3A_314, %dma_wait3A_322, %dma_wait3A_323] : memref<2x2x64xi32, #tpu.memory_space<vmem>> -> memref<1x2x64xi32, #tpu.memory_space<vmem>>
        %dma_wait3A_325 = tpu.memref_squeeze %dma_wait3A_324 : memref<1x2x64xi32, #tpu.memory_space<vmem>> -> memref<2x64xi32, #tpu.memory_space<vmem>>
        %dma_wait3A_326 = arith.constant 0 : i32
        %dma_wait3A_327 = arith.constant 0 : i32
        %dma_wait3A_328 = tpu.memref_slice %arg4[%dma_wait3A_326, %dma_wait3A_327] : memref<5120x64xi32, #tpu.memory_space<hbm>> -> memref<2x64xi32, #tpu.memory_space<hbm>>
        tpu.wait_dma2 semaphore(%arg19 : memref<!tpu.dma_semaphore, #tpu.memory_space<semaphore_mem>>) src(%dma_wait3A_328 : memref<2x64xi32, #tpu.memory_space<hbm>>) dst(%dma_wait3A_325 : memref<2x64xi32, #tpu.memory_space<vmem>>)
      } else {
      }
      %add3A_269 = arith.constant 1 : i32
      %add3A_270 = arith.addi %while3A_169, %add3A_269 : i32
      %lt3A_271 = arith.cmpi slt, %add3A_270, %select_n3A_33 : i32
      %convert_element_type3A_272 = arith.extui %lt3A_271 : i1 to i32
      %cond3A_273 = arith.constant 0 : i32
      %cond3A_274 = arith.cmpi ne, %convert_element_type3A_272, %cond3A_273 : i32
      scf.if %cond3A_274 {
        %add3A_299 = arith.constant 1 : i32
        %add3A_300 = arith.addi %while3A_169, %add3A_299 : i32
        %jit3A_301 = arith.constant 2 : i32
        %div3A_302 = arith.divsi %add3A_300, %jit3A_301 : i32
        %sign3A_303 = arith.constant 0 : i32
        %sign3A_304 = arith.cmpi sgt, %add3A_300, %sign3A_303 : i32
        %sign3A_305 = arith.extui %sign3A_304 : i1 to i32
        %sign3A_306 = arith.constant 0 : i32
        %sign3A_307 = arith.cmpi slt, %add3A_300, %sign3A_306 : i32
        %sign3A_308 = arith.extui %sign3A_307 : i1 to i32
        %sign3A_309 = arith.subi %sign3A_305, %sign3A_308 : i32
        %sign3A_310 = arith.constant 0 : i32
        %sign3A_311 = arith.cmpi sgt, %jit3A_301, %sign3A_310 : i32
        %sign3A_312 = arith.extui %sign3A_311 : i1 to i32
        %sign3A_313 = arith.constant 0 : i32
        %sign3A_314 = arith.cmpi slt, %jit3A_301, %sign3A_313 : i32
        %sign3A_315 = arith.extui %sign3A_314 : i1 to i32
        %sign3A_316 = arith.subi %sign3A_312, %sign3A_315 : i32
        %ne3A_317 = arith.cmpi ne, %sign3A_309, %sign3A_316 : i32
        %rem3A_318 = arith.remsi %add3A_300, %jit3A_301 : i32
        %ne3A_319 = arith.constant 0 : i32
        %ne3A_320 = arith.cmpi ne, %rem3A_318, %ne3A_319 : i32
        %and3A_321 = arith.andi %ne3A_317, %ne3A_320 : i1
        %sub3A_322 = arith.constant 1 : i32
        %sub3A_323 = arith.subi %div3A_302, %sub3A_322 : i32
        %select_n3A_324 = arith.select %and3A_321, %sub3A_323, %div3A_302 : i32
        %jit3A_325 = arith.constant 2 : i32
        %eq3A_326 = arith.constant 0 : i32
        %eq3A_327 = arith.cmpi eq, %jit3A_325, %eq3A_326 : i32
        %jit3A_328 = arith.constant 1 : i32
        %select_n3A_329 = arith.select %eq3A_327, %jit3A_328, %jit3A_325 : i32
        %rem3A_330 = arith.remsi %select_n3A_324, %select_n3A_329 : i32
        %ne3A_331 = arith.constant 0 : i32
        %ne3A_332 = arith.cmpi ne, %rem3A_330, %ne3A_331 : i32
        %lt3A_333 = arith.constant 0 : i32
        %lt3A_334 = arith.cmpi slt, %rem3A_330, %lt3A_333 : i32
        %lt3A_335 = arith.constant 0 : i32
        %lt3A_336 = arith.cmpi slt, %select_n3A_329, %lt3A_335 : i32
        %ne3A_337 = arith.xori %lt3A_334, %lt3A_336 : i1
        %and3A_338 = arith.andi %ne3A_337, %ne3A_332 : i1
        %add3A_339 = arith.addi %rem3A_330, %select_n3A_329 : i32
        %select_n3A_340 = arith.select %and3A_338, %add3A_339, %rem3A_330 : i32
        %add3A_341 = arith.constant 1 : i32
        %add3A_342 = arith.addi %while3A_169, %add3A_341 : i32
        %jit3A_343 = arith.constant 2 : i32
        %eq3A_344 = arith.constant 0 : i32
        %eq3A_345 = arith.cmpi eq, %jit3A_343, %eq3A_344 : i32
        %jit3A_346 = arith.constant 1 : i32
        %select_n3A_347 = arith.select %eq3A_345, %jit3A_346, %jit3A_343 : i32
        %rem3A_348 = arith.remsi %add3A_342, %select_n3A_347 : i32
        %ne3A_349 = arith.constant 0 : i32
        %ne3A_350 = arith.cmpi ne, %rem3A_348, %ne3A_349 : i32
        %lt3A_351 = arith.constant 0 : i32
        %lt3A_352 = arith.cmpi slt, %rem3A_348, %lt3A_351 : i32
        %lt3A_353 = arith.constant 0 : i32
        %lt3A_354 = arith.cmpi slt, %select_n3A_347, %lt3A_353 : i32
        %ne3A_355 = arith.xori %lt3A_352, %lt3A_354 : i1
        %and3A_356 = arith.andi %ne3A_355, %ne3A_350 : i1
        %add3A_357 = arith.addi %rem3A_348, %select_n3A_347 : i32
        %select_n3A_358 = arith.select %and3A_356, %add3A_357, %rem3A_348 : i32
        %sub3A_359 = arith.constant 1 : i32
        %sub3A_360 = arith.subi %sub3A_359, %select_n3A_185 : i32
        %dma_start3A_361 = arith.constant 0 : i32
        %dma_start3A_362 = arith.constant 0 : i32
        %dma_start3A_363 = tpu.memref_slice %arg14[%sub3A_360, %dma_start3A_361, %dma_start3A_362] : memref<2x64x128xf32, #tpu.memory_space<vmem>> -> memref<1x64x128xf32, #tpu.memory_space<vmem>>
        %dma_start3A_364 = tpu.memref_squeeze %dma_start3A_363 : memref<1x64x128xf32, #tpu.memory_space<vmem>> -> memref<64x128xf32, #tpu.memory_space<vmem>>
        %dma_start3A_365 = arith.constant 0 : i32
        %dma_start3A_366 = tpu.memref_slice %arg9[%select_n3A_340, %select_n3A_358, %dma_start3A_365] : memref<2x2x64xi32, #tpu.memory_space<vmem>> -> memref<1x1x64xi32, #tpu.memory_space<vmem>>
        %dma_start3A_367 = tpu.memref_squeeze %dma_start3A_366 : memref<1x1x64xi32, #tpu.memory_space<vmem>> -> memref<64xi32, #tpu.memory_space<vmem>>
        %dma_start3A_368 = arith.constant 0 : i32
        %dma_start3A_369 = arith.constant 0 : i32
        %dma_start3A_370 = tpu.memref_slice %arg2[%dma_start3A_368, %dma_start3A_369] : memref<10240x128xf32, #tpu.memory_space<hbm>> -> memref<10240x128xf32, #tpu.memory_space<hbm>>
        tpu.enqueue_indirect_dma source(%dma_start3A_370 : memref<10240x128xf32, #tpu.memory_space<hbm>>) target(%dma_start3A_364 : memref<64x128xf32, #tpu.memory_space<vmem>>) offsets(%dma_start3A_367 : memref<64xi32, #tpu.memory_space<vmem>>) semaphore(%arg17 : memref<!tpu.dma_semaphore, #tpu.memory_space<semaphore_mem>>)
      } else {
      }
      %dma_wait3A_275 = arith.constant 0 : i32
      %dma_wait3A_276 = arith.constant 0 : i32
      %dma_wait3A_277 = arith.constant 0 : i32
      %dma_wait3A_278 = arith.constant 0 : i32
      %dma_wait3A_279 = tpu.memref_slice %arg14[%select_n3A_185, %dma_wait3A_277, %dma_wait3A_278] : memref<2x64x128xf32, #tpu.memory_space<vmem>> -> memref<1x64x128xf32, #tpu.memory_space<vmem>>
      %dma_wait3A_280 = tpu.memref_squeeze %dma_wait3A_279 : memref<1x64x128xf32, #tpu.memory_space<vmem>> -> memref<64x128xf32, #tpu.memory_space<vmem>>
      %dma_wait3A_281 = arith.constant 0 : i32
      %dma_wait3A_282 = tpu.memref_slice %arg9[%dma_wait3A_275, %dma_wait3A_276, %dma_wait3A_281] : memref<2x2x64xi32, #tpu.memory_space<vmem>> -> memref<1x1x64xi32, #tpu.memory_space<vmem>>
      %dma_wait3A_283 = tpu.memref_squeeze %dma_wait3A_282 : memref<1x1x64xi32, #tpu.memory_space<vmem>> -> memref<64xi32, #tpu.memory_space<vmem>>
      %dma_wait3A_284 = arith.constant 0 : i32
      %dma_wait3A_285 = arith.constant 0 : i32
      %dma_wait3A_286 = tpu.memref_slice %arg2[%dma_wait3A_284, %dma_wait3A_285] : memref<10240x128xf32, #tpu.memory_space<hbm>> -> memref<10240x128xf32, #tpu.memory_space<hbm>>
      tpu.wait_indirect_dma semaphore(%arg17 : memref<!tpu.dma_semaphore, #tpu.memory_space<semaphore_mem>>) src(%dma_wait3A_286 : memref<10240x128xf32, #tpu.memory_space<hbm>>) dst(%dma_wait3A_280 : memref<64x128xf32, #tpu.memory_space<vmem>>)
      %parallel_loop3A = arith.constant 0 : i32
      %parallel_loop3A_287 = arith.constant 64 : i32
      %parallel_loop3A_288 = arith.constant 1 : i32
      scf.for %parallel_loop3A_299 = %parallel_loop3A to %parallel_loop3A_287 step %parallel_loop3A_288  : i32 {
        %parallel_loop3A_300 = arith.constant 4 : i32
        %parallel_loop3A_301 = arith.shrsi %parallel_loop3A_299, %parallel_loop3A_300 : i32
        %parallel_loop3A_302 = vector.broadcast %parallel_loop3A_301 : i32 to vector<16xi32>
        %parallel_loop3A_303 = arith.constant 15 : i32
        %parallel_loop3A_304 = arith.andi %parallel_loop3A_299, %parallel_loop3A_303 : i32
        %parallel_loop3A_305 = vector.broadcast %parallel_loop3A_304 : i32 to vector<16xi32>
        %parallel_loop3A_306 = tpu.vector_load_idx %arg13[%parallel_loop3A_302, %parallel_loop3A_305] : memref<4x16xf32, #tpu.memory_space<vmem>>[vector<16xi32>, vector<16xi32>], vector<16xf32>,
        %parallel_loop3A_307 = arith.index_cast %select_n3A_185 : i32 to index
        %parallel_loop3A_308 = arith.index_cast %parallel_loop3A_299 : i32 to index
        %parallel_loop3A_309 = arith.constant 0 : index
        %parallel_loop3A_310 = tpu.vector_load %arg14[%parallel_loop3A_307, %parallel_loop3A_308, %parallel_loop3A_309] {strides = array<i32>} : memref<2x64x128xf32, #tpu.memory_space<vmem>>, vector<16xf32>,
        %parallel_loop3A_311 = arith.mulf %parallel_loop3A_310, %parallel_loop3A_306 : vector<16xf32>
        %parallel_loop3A_312 = arith.index_cast %select_n3A_185 : i32 to index
        %parallel_loop3A_313 = arith.index_cast %parallel_loop3A_299 : i32 to index
        %parallel_loop3A_314 = arith.constant 0 : index
        %parallel_loop3A_315 = tpu.vector_load %arg14[%parallel_loop3A_312, %parallel_loop3A_313, %parallel_loop3A_314] {strides = array<i32>} : memref<2x64x128xf32, #tpu.memory_space<vmem>>, vector<16xf32>,
        tpu.vector_store %arg14[%parallel_loop3A_312, %parallel_loop3A_313, %parallel_loop3A_314], %parallel_loop3A_311 {strides = array<i32>} : memref<2x64x128xf32, #tpu.memory_space<vmem>>, vector<16xf32>,
        %parallel_loop3A_316 = arith.index_cast %select_n3A_185 : i32 to index
        %parallel_loop3A_317 = arith.index_cast %parallel_loop3A_299 : i32 to index
        %parallel_loop3A_318 = arith.constant 16 : index
        %parallel_loop3A_319 = tpu.vector_load %arg14[%parallel_loop3A_316, %parallel_loop3A_317, %parallel_loop3A_318] {strides = array<i32>} : memref<2x64x128xf32, #tpu.memory_space<vmem>>, vector<16xf32>,
        %parallel_loop3A_320 = arith.mulf %parallel_loop3A_319, %parallel_loop3A_306 : vector<16xf32>
        %parallel_loop3A_321 = arith.index_cast %select_n3A_185 : i32 to index
        %parallel_loop3A_322 = arith.index_cast %parallel_loop3A_299 : i32 to index
        %parallel_loop3A_323 = arith.constant 16 : index
        %parallel_loop3A_324 = tpu.vector_load %arg14[%parallel_loop3A_321, %parallel_loop3A_322, %parallel_loop3A_323] {strides = array<i32>} : memref<2x64x128xf32, #tpu.memory_space<vmem>>, vector<16xf32>,
        tpu.vector_store %arg14[%parallel_loop3A_321, %parallel_loop3A_322, %parallel_loop3A_323], %parallel_loop3A_320 {strides = array<i32>} : memref<2x64x128xf32, #tpu.memory_space<vmem>>, vector<16xf32>,
        %parallel_loop3A_325 = arith.index_cast %select_n3A_185 : i32 to index
        %parallel_loop3A_326 = arith.index_cast %parallel_loop3A_299 : i32 to index
        %parallel_loop3A_327 = arith.constant 32 : index
        %parallel_loop3A_328 = tpu.vector_load %arg14[%parallel_loop3A_325, %parallel_loop3A_326, %parallel_loop3A_327] {strides = array<i32>} : memref<2x64x128xf32, #tpu.memory_space<vmem>>, vector<16xf32>,
        %parallel_loop3A_329 = arith.mulf %parallel_loop3A_328, %parallel_loop3A_306 : vector<16xf32>
        %parallel_loop3A_330 = arith.index_cast %select_n3A_185 : i32 to index
        %parallel_loop3A_331 = arith.index_cast %parallel_loop3A_299 : i32 to index
        %parallel_loop3A_332 = arith.constant 32 : index
        %parallel_loop3A_333 = tpu.vector_load %arg14[%parallel_loop3A_330, %parallel_loop3A_331, %parallel_loop3A_332] {strides = array<i32>} : memref<2x64x128xf32, #tpu.memory_space<vmem>>, vector<16xf32>,
        tpu.vector_store %arg14[%parallel_loop3A_330, %parallel_loop3A_331, %parallel_loop3A_332], %parallel_loop3A_329 {strides = array<i32>} : memref<2x64x128xf32, #tpu.memory_space<vmem>>, vector<16xf32>,
        %parallel_loop3A_334 = arith.index_cast %select_n3A_185 : i32 to index
        %parallel_loop3A_335 = arith.index_cast %parallel_loop3A_299 : i32 to index
        %parallel_loop3A_336 = arith.constant 48 : index
        %parallel_loop3A_337 = tpu.vector_load %arg14[%parallel_loop3A_334, %parallel_loop3A_335, %parallel_loop3A_336] {strides = array<i32>} : memref<2x64x128xf32, #tpu.memory_space<vmem>>, vector<16xf32>,
        %parallel_loop3A_338 = arith.mulf %parallel_loop3A_337, %parallel_loop3A_306 : vector<16xf32>
        %parallel_loop3A_339 = arith.index_cast %select_n3A_185 : i32 to index
        %parallel_loop3A_340 = arith.index_cast %parallel_loop3A_299 : i32 to index
        %parallel_loop3A_341 = arith.constant 48 : index
        %parallel_loop3A_342 = tpu.vector_load %arg14[%parallel_loop3A_339, %parallel_loop3A_340, %parallel_loop3A_341] {strides = array<i32>} : memref<2x64x128xf32, #tpu.memory_space<vmem>>, vector<16xf32>,
        tpu.vector_store %arg14[%parallel_loop3A_339, %parallel_loop3A_340, %parallel_loop3A_341], %parallel_loop3A_338 {strides = array<i32>} : memref<2x64x128xf32, #tpu.memory_space<vmem>>, vector<16xf32>,
        %parallel_loop3A_343 = arith.index_cast %select_n3A_185 : i32 to index
        %parallel_loop3A_344 = arith.index_cast %parallel_loop3A_299 : i32 to index
        %parallel_loop3A_345 = arith.constant 64 : index
        %parallel_loop3A_346 = tpu.vector_load %arg14[%parallel_loop3A_343, %parallel_loop3A_344, %parallel_loop3A_345] {strides = array<i32>} : memref<2x64x128xf32, #tpu.memory_space<vmem>>, vector<16xf32>,
        %parallel_loop3A_347 = arith.mulf %parallel_loop3A_346, %parallel_loop3A_306 : vector<16xf32>
        %parallel_loop3A_348 = arith.index_cast %select_n3A_185 : i32 to index
        %parallel_loop3A_349 = arith.index_cast %parallel_loop3A_299 : i32 to index
        %parallel_loop3A_350 = arith.constant 64 : index
        %parallel_loop3A_351 = tpu.vector_load %arg14[%parallel_loop3A_348, %parallel_loop3A_349, %parallel_loop3A_350] {strides = array<i32>} : memref<2x64x128xf32, #tpu.memory_space<vmem>>, vector<16xf32>,
        tpu.vector_store %arg14[%parallel_loop3A_348, %parallel_loop3A_349, %parallel_loop3A_350], %parallel_loop3A_347 {strides = array<i32>} : memref<2x64x128xf32, #tpu.memory_space<vmem>>, vector<16xf32>,
        %parallel_loop3A_352 = arith.index_cast %select_n3A_185 : i32 to index
        %parallel_loop3A_353 = arith.index_cast %parallel_loop3A_299 : i32 to index
        %parallel_loop3A_354 = arith.constant 80 : index
        %parallel_loop3A_355 = tpu.vector_load %arg14[%parallel_loop3A_352, %parallel_loop3A_353, %parallel_loop3A_354] {strides = array<i32>} : memref<2x64x128xf32, #tpu.memory_space<vmem>>, vector<16xf32>,
        %parallel_loop3A_356 = arith.mulf %parallel_loop3A_355, %parallel_loop3A_306 : vector<16xf32>
        %parallel_loop3A_357 = arith.index_cast %select_n3A_185 : i32 to index
        %parallel_loop3A_358 = arith.index_cast %parallel_loop3A_299 : i32 to index
        %parallel_loop3A_359 = arith.constant 80 : index
        %parallel_loop3A_360 = tpu.vector_load %arg14[%parallel_loop3A_357, %parallel_loop3A_358, %parallel_loop3A_359] {strides = array<i32>} : memref<2x64x128xf32, #tpu.memory_space<vmem>>, vector<16xf32>,
        tpu.vector_store %arg14[%parallel_loop3A_357, %parallel_loop3A_358, %parallel_loop3A_359], %parallel_loop3A_356 {strides = array<i32>} : memref<2x64x128xf32, #tpu.memory_space<vmem>>, vector<16xf32>,
        %parallel_loop3A_361 = arith.index_cast %select_n3A_185 : i32 to index
        %parallel_loop3A_362 = arith.index_cast %parallel_loop3A_299 : i32 to index
        %parallel_loop3A_363 = arith.constant 96 : index
        %parallel_loop3A_364 = tpu.vector_load %arg14[%parallel_loop3A_361, %parallel_loop3A_362, %parallel_loop3A_363] {strides = array<i32>} : memref<2x64x128xf32, #tpu.memory_space<vmem>>, vector<16xf32>,
        %parallel_loop3A_365 = arith.mulf %parallel_loop3A_364, %parallel_loop3A_306 : vector<16xf32>
        %parallel_loop3A_366 = arith.index_cast %select_n3A_185 : i32 to index
        %parallel_loop3A_367 = arith.index_cast %parallel_loop3A_299 : i32 to index
        %parallel_loop3A_368 = arith.constant 96 : index
        %parallel_loop3A_369 = tpu.vector_load %arg14[%parallel_loop3A_366, %parallel_loop3A_367, %parallel_loop3A_368] {strides = array<i32>} : memref<2x64x128xf32, #tpu.memory_space<vmem>>, vector<16xf32>,
        tpu.vector_store %arg14[%parallel_loop3A_366, %parallel_loop3A_367, %parallel_loop3A_368], %parallel_loop3A_365 {strides = array<i32>} : memref<2x64x128xf32, #tpu.memory_space<vmem>>, vector<16xf32>,
        %parallel_loop3A_370 = arith.index_cast %select_n3A_185 : i32 to index
        %parallel_loop3A_371 = arith.index_cast %parallel_loop3A_299 : i32 to index
        %parallel_loop3A_372 = arith.constant 112 : index
        %parallel_loop3A_373 = tpu.vector_load %arg14[%parallel_loop3A_370, %parallel_loop3A_371, %parallel_loop3A_372] {strides = array<i32>} : memref<2x64x128xf32, #tpu.memory_space<vmem>>, vector<16xf32>,
        %parallel_loop3A_374 = arith.mulf %parallel_loop3A_373, %parallel_loop3A_306 : vector<16xf32>
        %parallel_loop3A_375 = arith.index_cast %select_n3A_185 : i32 to index
        %parallel_loop3A_376 = arith.index_cast %parallel_loop3A_299 : i32 to index
        %parallel_loop3A_377 = arith.constant 112 : index
        %parallel_loop3A_378 = tpu.vector_load %arg14[%parallel_loop3A_375, %parallel_loop3A_376, %parallel_loop3A_377] {strides = array<i32>} : memref<2x64x128xf32, #tpu.memory_space<vmem>>, vector<16xf32>,
        tpu.vector_store %arg14[%parallel_loop3A_375, %parallel_loop3A_376, %parallel_loop3A_377], %parallel_loop3A_374 {strides = array<i32>} : memref<2x64x128xf32, #tpu.memory_space<vmem>>, vector<16xf32>,
      } {sc.loop_unroll_factor = 4 : i64, sc.parallel_access}
      %dma_start3A_289 = arith.constant 0 : i32
      %dma_start3A_290 = arith.constant 0 : i32
      %dma_start3A_291 = tpu.memref_slice %arg14[%select_n3A_185, %dma_start3A_289, %dma_start3A_290] : memref<2x64x128xf32, #tpu.memory_space<vmem>> -> memref<1x64x128xf32, #tpu.memory_space<vmem>>
      %dma_start3A_292 = tpu.memref_squeeze %dma_start3A_291 : memref<1x64x128xf32, #tpu.memory_space<vmem>> -> memref<64x128xf32, #tpu.memory_space<vmem>>
      %dma_start3A_293 = arith.constant 0 : i32
      %dma_start3A_294 = tpu.memref_slice %arg10[%select_n3A_241, %select_n3A_225, %dma_start3A_293] : memref<2x2x64xi32, #tpu.memory_space<vmem>> -> memref<1x1x64xi32, #tpu.memory_space<vmem>>
      %dma_start3A_295 = tpu.memref_squeeze %dma_start3A_294 : memref<1x1x64xi32, #tpu.memory_space<vmem>> -> memref<64xi32, #tpu.memory_space<vmem>>
      %dma_start3A_296 = arith.constant 0 : i32
      %dma_start3A_297 = arith.constant 0 : i32
      %dma_start3A_298 = tpu.memref_slice %arg16[%dma_start3A_296, %dma_start3A_297] : memref<10240x128xf32, #tpu.memory_space<vmem_shared>> -> memref<10240x128xf32, #tpu.memory_space<vmem_shared>>
      tpu.enqueue_indirect_dma source(%dma_start3A_292 : memref<64x128xf32, #tpu.memory_space<vmem>>) target(%dma_start3A_298 : memref<10240x128xf32, #tpu.memory_space<vmem_shared>>) offsets(%dma_start3A_295 : memref<64xi32, #tpu.memory_space<vmem>>) semaphore(%arg18 : memref<!tpu.dma_semaphore, #tpu.memory_space<semaphore_mem>>) {add = true}
    }
    %sub3A_130 = arith.constant 1 : i32
    %sub3A_131 = arith.subi %select_n3A_33, %sub3A_130 : i32
    %jit3A_132 = arith.constant 2 : i32
    %eq3A_133 = arith.constant 0 : i32
    %eq3A_134 = arith.cmpi eq, %jit3A_132, %eq3A_133 : i32
    %jit3A_135 = arith.constant 1 : i32
    %select_n3A_136 = arith.select %eq3A_134, %jit3A_135, %jit3A_132 : i32
    %rem3A_137 = arith.remsi %sub3A_131, %select_n3A_136 : i32
    %ne3A_138 = arith.constant 0 : i32
    %ne3A_139 = arith.cmpi ne, %rem3A_137, %ne3A_138 : i32
    %lt3A = arith.constant 0 : i32
    %lt3A_140 = arith.cmpi slt, %rem3A_137, %lt3A : i32
    %lt3A_141 = arith.constant 0 : i32
    %lt3A_142 = arith.cmpi slt, %select_n3A_136, %lt3A_141 : i32
    %ne3A_143 = arith.xori %lt3A_140, %lt3A_142 : i1
    %and3A_144 = arith.andi %ne3A_143, %ne3A_139 : i1
    %add3A_145 = arith.addi %rem3A_137, %select_n3A_136 : i32
    %select_n3A_146 = arith.select %and3A_144, %add3A_145, %rem3A_137 : i32
    %dma_wait3A_147 = arith.constant 0 : i32
    %dma_wait3A_148 = arith.constant 0 : i32
    %dma_wait3A_149 = arith.constant 0 : i32
    %dma_wait3A_150 = arith.constant 0 : i32
    %dma_wait3A_151 = tpu.memref_slice %arg14[%select_n3A_146, %dma_wait3A_149, %dma_wait3A_150] : memref<2x64x128xf32, #tpu.memory_space<vmem>> -> memref<1x64x128xf32, #tpu.memory_space<vmem>>
    %dma_wait3A_152 = tpu.memref_squeeze %dma_wait3A_151 : memref<1x64x128xf32, #tpu.memory_space<vmem>> -> memref<64x128xf32, #tpu.memory_space<vmem>>
    %dma_wait3A_153 = arith.constant 0 : i32
    %dma_wait3A_154 = tpu.memref_slice %arg10[%dma_wait3A_147, %dma_wait3A_148, %dma_wait3A_153] : memref<2x2x64xi32, #tpu.memory_space<vmem>> -> memref<1x1x64xi32, #tpu.memory_space<vmem>>
    %dma_wait3A_155 = tpu.memref_squeeze %dma_wait3A_154 : memref<1x1x64xi32, #tpu.memory_space<vmem>> -> memref<64xi32, #tpu.memory_space<vmem>>
    %dma_wait3A_156 = arith.constant 0 : i32
    %dma_wait3A_157 = arith.constant 0 : i32
    %dma_wait3A_158 = tpu.memref_slice %arg16[%dma_wait3A_156, %dma_wait3A_157] : memref<10240x128xf32, #tpu.memory_space<vmem_shared>> -> memref<10240x128xf32, #tpu.memory_space<vmem_shared>>
    tpu.wait_indirect_dma semaphore(%arg18 : memref<!tpu.dma_semaphore, #tpu.memory_space<semaphore_mem>>) src(%dma_wait3A_152 : memref<64x128xf32, #tpu.memory_space<vmem>>) dst(%dma_wait3A_158 : memref<10240x128xf32, #tpu.memory_space<vmem_shared>>)
    %mul3A_159 = arith.constant 2 : i32
    %mul3A_160 = arith.muli %arg1, %mul3A_159 : i32
    %add3A_161 = arith.addi %mul3A_160, %arg0 : i32
    "tpu.region"() ({
      %run_scoped3A = tpu.sem_alloc : memref<!tpu.dma_semaphore, #tpu.memory_space<semaphore_mem>>
      %dma_start3A_169 = arith.constant 0 : i32
      %dma_start3A_170 = arith.constant 0 : i32
      %dma_start3A_171 = tpu.memref_slice %arg8[%add3A_161, %dma_start3A_169, %dma_start3A_170] : memref<32x80x128xf32, #tpu.memory_space<hbm>> -> memref<1x80x128xf32, #tpu.memory_space<hbm>>
      %dma_start3A_172 = tpu.memref_squeeze %dma_start3A_171 : memref<1x80x128xf32, #tpu.memory_space<hbm>> -> memref<80x128xf32, #tpu.memory_space<hbm>>
      %dma_start3A_173 = arith.constant 0 : i32
      %dma_start3A_174 = arith.constant 0 : i32
      %dma_start3A_175 = tpu.memref_slice %arg8[%add3A_161, %dma_start3A_173, %dma_start3A_174] : memref<32x80x128xf32, #tpu.memory_space<hbm>> -> memref<1x80x128xf32, #tpu.memory_space<hbm>>
      %dma_start3A_176 = tpu.memref_squeeze %dma_start3A_175 : memref<1x80x128xf32, #tpu.memory_space<hbm>> -> memref<80x128xf32, #tpu.memory_space<hbm>>
      tpu.enqueue_dma source(%arg15 : memref<80x128xf32, #tpu.memory_space<vmem>>) target(%dma_start3A_176 : memref<80x128xf32, #tpu.memory_space<hbm>>) target_semaphore(%run_scoped3A : memref<!tpu.dma_semaphore, #tpu.memory_space<semaphore_mem>>)
      %dma_wait3A_177 = arith.constant 0 : i32
      %dma_wait3A_178 = arith.constant 0 : i32
      %dma_wait3A_179 = tpu.memref_slice %arg8[%add3A_161, %dma_wait3A_177, %dma_wait3A_178] : memref<32x80x128xf32, #tpu.memory_space<hbm>> -> memref<1x80x128xf32, #tpu.memory_space<hbm>>
      %dma_wait3A_180 = tpu.memref_squeeze %dma_wait3A_179 : memref<1x80x128xf32, #tpu.memory_space<hbm>> -> memref<80x128xf32, #tpu.memory_space<hbm>>
      %dma_wait3A_181 = arith.constant 0 : i32
      %dma_wait3A_182 = arith.constant 0 : i32
      %dma_wait3A_183 = tpu.memref_slice %arg8[%add3A_161, %dma_wait3A_181, %dma_wait3A_182] : memref<32x80x128xf32, #tpu.memory_space<hbm>> -> memref<1x80x128xf32, #tpu.memory_space<hbm>>
      %dma_wait3A_184 = tpu.memref_squeeze %dma_wait3A_183 : memref<1x80x128xf32, #tpu.memory_space<hbm>> -> memref<80x128xf32, #tpu.memory_space<hbm>>
      tpu.wait_dma2 semaphore(%run_scoped3A : memref<!tpu.dma_semaphore, #tpu.memory_space<semaphore_mem>>) src(%arg15 : memref<80x128xf32, #tpu.memory_space<vmem>>) dst(%dma_wait3A_184 : memref<80x128xf32, #tpu.memory_space<hbm>>)
      tpu.yield
    }) : () -> ()
    %barrier3A_162 = arith.constant 0 : index
    tpu.barrier barrier_id(%barrier3A_162)
    %scan3A_163 = arith.constant 0 : i32
    %scan3A_164 = arith.constant 0 : i32
    %scan3A_165 = arith.constant 5 : i32
    %scan3A_166 = arith.addi %scan3A_164, %scan3A_165 : i32
    %scan3A_167 = arith.constant 1 : i32
    scf.for %scan3A_169 = %scan3A_164 to %scan3A_166 step %scan3A_167  : i32 {
      %mul3A_170 = arith.constant 640 : i32
      %mul3A_171 = arith.muli %arg1, %mul3A_170 : i32
      %mul3A_172 = arith.constant 128 : i32
      %mul3A_173 = arith.muli %scan3A_169, %mul3A_172 : i32
      %add3A_174 = arith.addi %mul3A_171, %mul3A_173 : i32
      %mul3A_175 = arith.constant 640 : i32
      %mul3A_176 = arith.muli %arg1, %mul3A_175 : i32
      %mul3A_177 = arith.constant 128 : i32
      %mul3A_178 = arith.muli %scan3A_169, %mul3A_177 : i32
      %add3A_179 = arith.addi %mul3A_176, %mul3A_178 : i32
      "tpu.region"() ({
        %run_scoped3A = tpu.sem_alloc : memref<!tpu.dma_semaphore, #tpu.memory_space<semaphore_mem>>
        %dma_start3A_180 = arith.constant 0 : i32
        %dma_start3A_181 = tpu.memref_slice %arg7[%arg0, %add3A_179, %dma_start3A_180] : memref<2x10240x128xf32, #tpu.memory_space<hbm>> -> memref<1x128x128xf32, #tpu.memory_space<hbm>>
        %dma_start3A_182 = tpu.memref_squeeze %dma_start3A_181 : memref<1x128x128xf32, #tpu.memory_space<hbm>> -> memref<128x128xf32, #tpu.memory_space<hbm>>
        %dma_start3A_183 = arith.constant 0 : i32
        %dma_start3A_184 = tpu.memref_slice %arg16[%add3A_174, %dma_start3A_183] : memref<10240x128xf32, #tpu.memory_space<vmem_shared>> -> memref<128x128xf32, #tpu.memory_space<vmem_shared>>
        tpu.enqueue_dma source(%dma_start3A_184 : memref<128x128xf32, #tpu.memory_space<vmem_shared>>) target(%dma_start3A_182 : memref<128x128xf32, #tpu.memory_space<hbm>>) target_semaphore(%run_scoped3A : memref<!tpu.dma_semaphore, #tpu.memory_space<semaphore_mem>>)
        %dma_wait3A_185 = arith.constant 0 : i32
        %dma_wait3A_186 = tpu.memref_slice %arg7[%arg0, %add3A_179, %dma_wait3A_185] : memref<2x10240x128xf32, #tpu.memory_space<hbm>> -> memref<1x128x128xf32, #tpu.memory_space<hbm>>
        %dma_wait3A_187 = tpu.memref_squeeze %dma_wait3A_186 : memref<1x128x128xf32, #tpu.memory_space<hbm>> -> memref<128x128xf32, #tpu.memory_space<hbm>>
        %dma_wait3A_188 = arith.constant 0 : i32
        %dma_wait3A_189 = tpu.memref_slice %arg16[%add3A_174, %dma_wait3A_188] : memref<10240x128xf32, #tpu.memory_space<vmem_shared>> -> memref<128x128xf32, #tpu.memory_space<vmem_shared>>
        tpu.wait_dma2 semaphore(%run_scoped3A : memref<!tpu.dma_semaphore, #tpu.memory_space<semaphore_mem>>) src(%dma_wait3A_189 : memref<128x128xf32, #tpu.memory_space<vmem_shared>>) dst(%dma_wait3A_187 : memref<128x128xf32, #tpu.memory_space<hbm>>)
        tpu.yield
      }) : () -> ()
    }
    %scan3A_168 = arith.constant 5 : i32
    return
  }
}

#map = affine_map<(d0, d1) -> (0, 0)>
#map1 = affine_map<(d0, d1) -> (0, 0, 0)>
module attributes {stable_mosaic.version = 14 : i64} {
  func.func @_sc_edge_body(%arg0: i32, %arg1: i32, %arg2: memref<10240x128xf32, #tpu.memory_space<hbm>>, %arg3: memref<5120x64xi32, #tpu.memory_space<hbm>>, %arg4: memref<5120x64xi32, #tpu.memory_space<hbm>>, %arg5: memref<80x128xf32, #tpu.memory_space<hbm>>, %arg6: memref<80x128xf32, #tpu.memory_space<hbm>>, %arg7: memref<2x10240x128xf32, #tpu.memory_space<hbm>>, %arg8: memref<32x80x128xf32, #tpu.memory_space<hbm>>, %arg9: memref<2x2x64xi32, #tpu.memory_space<vmem>>, %arg10: memref<2x2x64xi32, #tpu.memory_space<vmem>>, %arg11: memref<80x128xf32, #tpu.memory_space<vmem>>, %arg12: memref<80x128xf32, #tpu.memory_space<vmem>>, %arg13: memref<4x16xf32, #tpu.memory_space<vmem>>, %arg14: memref<2x64x128xf32, #tpu.memory_space<vmem>>, %arg15: memref<80x128xf32, #tpu.memory_space<vmem>>, %arg16: memref<10240x128xf32, #tpu.memory_space<vmem_shared>>, %arg17: memref<!tpu.dma_semaphore, #tpu.memory_space<semaphore_mem>>, %arg18: memref<!tpu.dma_semaphore, #tpu.memory_space<semaphore_mem>>, %arg19: memref<!tpu.dma_semaphore, #tpu.memory_space<semaphore_mem>>) attributes {dimension_semantics = [#tpu.dimension_semantics<core_parallel>, #tpu.dimension_semantics<subcore_parallel>], iteration_bounds = array<i64: 2, 16>, scalar_prefetch = 0 : i64, scratch_operands = 11 : i64, tpu.core_type = #tpu.core_type<sc_vector_subcore>, window_params = [{transform_indices = #map}, {transform_indices = #map}, {transform_indices = #map}, {transform_indices = #map}, {transform_indices = #map}, {transform_indices = #map1}, {transform_indices = #map1}]} {
    %mul3A = arith.constant 320 : i32
    %mul3A_0 = arith.muli %arg1, %mul3A : i32
    %mul3A_1 = arith.constant 246 : i32
    %mul3A_2 = arith.muli %arg0, %mul3A_1 : i32
    %add3A = arith.addi %mul3A_0, %mul3A_2 : i32
    %eq3A = arith.constant 0 : i32
    %eq3A_3 = arith.cmpi eq, %arg0, %eq3A : i32
    %jit3A = arith.constant 123 : i32
    %jit3A_4 = arith.constant 37 : i32
    %select_n3A = arith.select %eq3A_3, %jit3A, %jit3A_4 : i32
    "tpu.region"() ({
      %run_scoped3A = tpu.sem_alloc : memref<!tpu.dma_semaphore, #tpu.memory_space<semaphore_mem>>
      %dma_start3A_169 = arith.constant 0 : i32
      %dma_start3A_170 = arith.constant 0 : i32
      %dma_start3A_171 = tpu.memref_slice %arg5[%dma_start3A_169, %dma_start3A_170] : memref<80x128xf32, #tpu.memory_space<hbm>> -> memref<80x128xf32, #tpu.memory_space<hbm>>
      %dma_start3A_172 = arith.constant 0 : i32
      %dma_start3A_173 = arith.constant 0 : i32
      %dma_start3A_174 = tpu.memref_slice %arg5[%dma_start3A_172, %dma_start3A_173] : memref<80x128xf32, #tpu.memory_space<hbm>> -> memref<80x128xf32, #tpu.memory_space<hbm>>
      tpu.enqueue_dma source(%dma_start3A_174 : memref<80x128xf32, #tpu.memory_space<hbm>>) target(%arg11 : memref<80x128xf32, #tpu.memory_space<vmem>>) target_semaphore(%run_scoped3A : memref<!tpu.dma_semaphore, #tpu.memory_space<semaphore_mem>>)
      %dma_wait3A_175 = arith.constant 0 : i32
      %dma_wait3A_176 = arith.constant 0 : i32
      %dma_wait3A_177 = tpu.memref_slice %arg5[%dma_wait3A_175, %dma_wait3A_176] : memref<80x128xf32, #tpu.memory_space<hbm>> -> memref<80x128xf32, #tpu.memory_space<hbm>>
      %dma_wait3A_178 = arith.constant 0 : i32
      %dma_wait3A_179 = arith.constant 0 : i32
      %dma_wait3A_180 = tpu.memref_slice %arg5[%dma_wait3A_178, %dma_wait3A_179] : memref<80x128xf32, #tpu.memory_space<hbm>> -> memref<80x128xf32, #tpu.memory_space<hbm>>
      tpu.wait_dma2 semaphore(%run_scoped3A : memref<!tpu.dma_semaphore, #tpu.memory_space<semaphore_mem>>) src(%dma_wait3A_180 : memref<80x128xf32, #tpu.memory_space<hbm>>) dst(%arg11 : memref<80x128xf32, #tpu.memory_space<vmem>>)
      tpu.yield
    }) : () -> ()
    "tpu.region"() ({
      %run_scoped3A = tpu.sem_alloc : memref<!tpu.dma_semaphore, #tpu.memory_space<semaphore_mem>>
      %dma_start3A_169 = arith.constant 0 : i32
      %dma_start3A_170 = arith.constant 0 : i32
      %dma_start3A_171 = tpu.memref_slice %arg6[%dma_start3A_169, %dma_start3A_170] : memref<80x128xf32, #tpu.memory_space<hbm>> -> memref<80x128xf32, #tpu.memory_space<hbm>>
      %dma_start3A_172 = arith.constant 0 : i32
      %dma_start3A_173 = arith.constant 0 : i32
      %dma_start3A_174 = tpu.memref_slice %arg6[%dma_start3A_172, %dma_start3A_173] : memref<80x128xf32, #tpu.memory_space<hbm>> -> memref<80x128xf32, #tpu.memory_space<hbm>>
      tpu.enqueue_dma source(%dma_start3A_174 : memref<80x128xf32, #tpu.memory_space<hbm>>) target(%arg12 : memref<80x128xf32, #tpu.memory_space<vmem>>) target_semaphore(%run_scoped3A : memref<!tpu.dma_semaphore, #tpu.memory_space<semaphore_mem>>)
      %dma_wait3A_175 = arith.constant 0 : i32
      %dma_wait3A_176 = arith.constant 0 : i32
      %dma_wait3A_177 = tpu.memref_slice %arg6[%dma_wait3A_175, %dma_wait3A_176] : memref<80x128xf32, #tpu.memory_space<hbm>> -> memref<80x128xf32, #tpu.memory_space<hbm>>
      %dma_wait3A_178 = arith.constant 0 : i32
      %dma_wait3A_179 = arith.constant 0 : i32
      %dma_wait3A_180 = tpu.memref_slice %arg6[%dma_wait3A_178, %dma_wait3A_179] : memref<80x128xf32, #tpu.memory_space<hbm>> -> memref<80x128xf32, #tpu.memory_space<hbm>>
      tpu.wait_dma2 semaphore(%run_scoped3A : memref<!tpu.dma_semaphore, #tpu.memory_space<semaphore_mem>>) src(%dma_wait3A_180 : memref<80x128xf32, #tpu.memory_space<hbm>>) dst(%arg12 : memref<80x128xf32, #tpu.memory_space<vmem>>)
      tpu.yield
    }) : () -> ()
    %broadcast_in_dim3A = arith.constant 0.000000e+00 : f32
    %broadcast_in_dim3A_5 = vector.broadcast %broadcast_in_dim3A : f32 to vector<16xf32>
    %scan3A = arith.constant 0 : i32
    %scan3A_6 = arith.constant 0 : i32
    %scan3A_7 = arith.constant 64 : i32
    %scan3A_8 = arith.addi %scan3A_6, %scan3A_7 : i32
    %scan3A_9 = arith.constant 1 : i32
    scf.for %scan3A_169 = %scan3A_6 to %scan3A_8 step %scan3A_9  : i32 {
      %swap3A = arith.constant 0 : i32
      %swap3A_170 = arith.index_cast %swap3A : i32 to index
      %swap3A_171 = arith.index_cast %scan3A_169 : i32 to index
      %swap3A_172 = arith.constant 0 : index
      %swap3A_173 = tpu.vector_load %arg14[%swap3A_170, %swap3A_171, %swap3A_172] {strides = array<i32>} : memref<2x64x128xf32, #tpu.memory_space<vmem>>, vector<16xf32>,
      tpu.vector_store %arg14[%swap3A_170, %swap3A_171, %swap3A_172], %broadcast_in_dim3A_5 {strides = array<i32>} : memref<2x64x128xf32, #tpu.memory_space<vmem>>, vector<16xf32>,
      %swap3A_174 = arith.constant 0 : i32
      %swap3A_175 = arith.index_cast %swap3A_174 : i32 to index
      %swap3A_176 = arith.index_cast %scan3A_169 : i32 to index
      %swap3A_177 = arith.constant 16 : index
      %swap3A_178 = tpu.vector_load %arg14[%swap3A_175, %swap3A_176, %swap3A_177] {strides = array<i32>} : memref<2x64x128xf32, #tpu.memory_space<vmem>>, vector<16xf32>,
      tpu.vector_store %arg14[%swap3A_175, %swap3A_176, %swap3A_177], %broadcast_in_dim3A_5 {strides = array<i32>} : memref<2x64x128xf32, #tpu.memory_space<vmem>>, vector<16xf32>,
      %swap3A_179 = arith.constant 0 : i32
      %swap3A_180 = arith.index_cast %swap3A_179 : i32 to index
      %swap3A_181 = arith.index_cast %scan3A_169 : i32 to index
      %swap3A_182 = arith.constant 32 : index
      %swap3A_183 = tpu.vector_load %arg14[%swap3A_180, %swap3A_181, %swap3A_182] {strides = array<i32>} : memref<2x64x128xf32, #tpu.memory_space<vmem>>, vector<16xf32>,
      tpu.vector_store %arg14[%swap3A_180, %swap3A_181, %swap3A_182], %broadcast_in_dim3A_5 {strides = array<i32>} : memref<2x64x128xf32, #tpu.memory_space<vmem>>, vector<16xf32>,
      %swap3A_184 = arith.constant 0 : i32
      %swap3A_185 = arith.index_cast %swap3A_184 : i32 to index
      %swap3A_186 = arith.index_cast %scan3A_169 : i32 to index
      %swap3A_187 = arith.constant 48 : index
      %swap3A_188 = tpu.vector_load %arg14[%swap3A_185, %swap3A_186, %swap3A_187] {strides = array<i32>} : memref<2x64x128xf32, #tpu.memory_space<vmem>>, vector<16xf32>,
      tpu.vector_store %arg14[%swap3A_185, %swap3A_186, %swap3A_187], %broadcast_in_dim3A_5 {strides = array<i32>} : memref<2x64x128xf32, #tpu.memory_space<vmem>>, vector<16xf32>,
      %swap3A_189 = arith.constant 0 : i32
      %swap3A_190 = arith.index_cast %swap3A_189 : i32 to index
      %swap3A_191 = arith.index_cast %scan3A_169 : i32 to index
      %swap3A_192 = arith.constant 64 : index
      %swap3A_193 = tpu.vector_load %arg14[%swap3A_190, %swap3A_191, %swap3A_192] {strides = array<i32>} : memref<2x64x128xf32, #tpu.memory_space<vmem>>, vector<16xf32>,
      tpu.vector_store %arg14[%swap3A_190, %swap3A_191, %swap3A_192], %broadcast_in_dim3A_5 {strides = array<i32>} : memref<2x64x128xf32, #tpu.memory_space<vmem>>, vector<16xf32>,
      %swap3A_194 = arith.constant 0 : i32
      %swap3A_195 = arith.index_cast %swap3A_194 : i32 to index
      %swap3A_196 = arith.index_cast %scan3A_169 : i32 to index
      %swap3A_197 = arith.constant 80 : index
      %swap3A_198 = tpu.vector_load %arg14[%swap3A_195, %swap3A_196, %swap3A_197] {strides = array<i32>} : memref<2x64x128xf32, #tpu.memory_space<vmem>>, vector<16xf32>,
      tpu.vector_store %arg14[%swap3A_195, %swap3A_196, %swap3A_197], %broadcast_in_dim3A_5 {strides = array<i32>} : memref<2x64x128xf32, #tpu.memory_space<vmem>>, vector<16xf32>,
      %swap3A_199 = arith.constant 0 : i32
      %swap3A_200 = arith.index_cast %swap3A_199 : i32 to index
      %swap3A_201 = arith.index_cast %scan3A_169 : i32 to index
      %swap3A_202 = arith.constant 96 : index
      %swap3A_203 = tpu.vector_load %arg14[%swap3A_200, %swap3A_201, %swap3A_202] {strides = array<i32>} : memref<2x64x128xf32, #tpu.memory_space<vmem>>, vector<16xf32>,
      tpu.vector_store %arg14[%swap3A_200, %swap3A_201, %swap3A_202], %broadcast_in_dim3A_5 {strides = array<i32>} : memref<2x64x128xf32, #tpu.memory_space<vmem>>, vector<16xf32>,
      %swap3A_204 = arith.constant 0 : i32
      %swap3A_205 = arith.index_cast %swap3A_204 : i32 to index
      %swap3A_206 = arith.index_cast %scan3A_169 : i32 to index
      %swap3A_207 = arith.constant 112 : index
      %swap3A_208 = tpu.vector_load %arg14[%swap3A_205, %swap3A_206, %swap3A_207] {strides = array<i32>} : memref<2x64x128xf32, #tpu.memory_space<vmem>>, vector<16xf32>,
      tpu.vector_store %arg14[%swap3A_205, %swap3A_206, %swap3A_207], %broadcast_in_dim3A_5 {strides = array<i32>} : memref<2x64x128xf32, #tpu.memory_space<vmem>>, vector<16xf32>,
    }
    %scan3A_10 = arith.constant 64 : i32
    %scan3A_11 = arith.constant 0 : i32
    %scan3A_12 = arith.constant 0 : i32
    %scan3A_13 = arith.constant 80 : i32
    %scan3A_14 = arith.addi %scan3A_12, %scan3A_13 : i32
    %scan3A_15 = arith.constant 1 : i32
    scf.for %scan3A_169 = %scan3A_12 to %scan3A_14 step %scan3A_15  : i32 {
      %swap3A = arith.index_cast %scan3A_169 : i32 to index
      %swap3A_170 = arith.constant 0 : index
      %swap3A_171 = tpu.vector_load %arg15[%swap3A, %swap3A_170] {strides = array<i32>} : memref<80x128xf32, #tpu.memory_space<vmem>>, vector<16xf32>,
      tpu.vector_store %arg15[%swap3A, %swap3A_170], %broadcast_in_dim3A_5 {strides = array<i32>} : memref<80x128xf32, #tpu.memory_space<vmem>>, vector<16xf32>,
      %swap3A_172 = arith.index_cast %scan3A_169 : i32 to index
      %swap3A_173 = arith.constant 16 : index
      %swap3A_174 = tpu.vector_load %arg15[%swap3A_172, %swap3A_173] {strides = array<i32>} : memref<80x128xf32, #tpu.memory_space<vmem>>, vector<16xf32>,
      tpu.vector_store %arg15[%swap3A_172, %swap3A_173], %broadcast_in_dim3A_5 {strides = array<i32>} : memref<80x128xf32, #tpu.memory_space<vmem>>, vector<16xf32>,
      %swap3A_175 = arith.index_cast %scan3A_169 : i32 to index
      %swap3A_176 = arith.constant 32 : index
      %swap3A_177 = tpu.vector_load %arg15[%swap3A_175, %swap3A_176] {strides = array<i32>} : memref<80x128xf32, #tpu.memory_space<vmem>>, vector<16xf32>,
      tpu.vector_store %arg15[%swap3A_175, %swap3A_176], %broadcast_in_dim3A_5 {strides = array<i32>} : memref<80x128xf32, #tpu.memory_space<vmem>>, vector<16xf32>,
      %swap3A_178 = arith.index_cast %scan3A_169 : i32 to index
      %swap3A_179 = arith.constant 48 : index
      %swap3A_180 = tpu.vector_load %arg15[%swap3A_178, %swap3A_179] {strides = array<i32>} : memref<80x128xf32, #tpu.memory_space<vmem>>, vector<16xf32>,
      tpu.vector_store %arg15[%swap3A_178, %swap3A_179], %broadcast_in_dim3A_5 {strides = array<i32>} : memref<80x128xf32, #tpu.memory_space<vmem>>, vector<16xf32>,
      %swap3A_181 = arith.index_cast %scan3A_169 : i32 to index
      %swap3A_182 = arith.constant 64 : index
      %swap3A_183 = tpu.vector_load %arg15[%swap3A_181, %swap3A_182] {strides = array<i32>} : memref<80x128xf32, #tpu.memory_space<vmem>>, vector<16xf32>,
      tpu.vector_store %arg15[%swap3A_181, %swap3A_182], %broadcast_in_dim3A_5 {strides = array<i32>} : memref<80x128xf32, #tpu.memory_space<vmem>>, vector<16xf32>,
      %swap3A_184 = arith.index_cast %scan3A_169 : i32 to index
      %swap3A_185 = arith.constant 80 : index
      %swap3A_186 = tpu.vector_load %arg15[%swap3A_184, %swap3A_185] {strides = array<i32>} : memref<80x128xf32, #tpu.memory_space<vmem>>, vector<16xf32>,
      tpu.vector_store %arg15[%swap3A_184, %swap3A_185], %broadcast_in_dim3A_5 {strides = array<i32>} : memref<80x128xf32, #tpu.memory_space<vmem>>, vector<16xf32>,
      %swap3A_187 = arith.index_cast %scan3A_169 : i32 to index
      %swap3A_188 = arith.constant 96 : index
      %swap3A_189 = tpu.vector_load %arg15[%swap3A_187, %swap3A_188] {strides = array<i32>} : memref<80x128xf32, #tpu.memory_space<vmem>>, vector<16xf32>,
      tpu.vector_store %arg15[%swap3A_187, %swap3A_188], %broadcast_in_dim3A_5 {strides = array<i32>} : memref<80x128xf32, #tpu.memory_space<vmem>>, vector<16xf32>,
      %swap3A_190 = arith.index_cast %scan3A_169 : i32 to index
      %swap3A_191 = arith.constant 112 : index
      %swap3A_192 = tpu.vector_load %arg15[%swap3A_190, %swap3A_191] {strides = array<i32>} : memref<80x128xf32, #tpu.memory_space<vmem>>, vector<16xf32>,
      tpu.vector_store %arg15[%swap3A_190, %swap3A_191], %broadcast_in_dim3A_5 {strides = array<i32>} : memref<80x128xf32, #tpu.memory_space<vmem>>, vector<16xf32>,
    }
    %scan3A_16 = arith.constant 80 : i32
    %scan3A_17 = arith.constant 0 : i32
    %scan3A_18 = arith.constant 0 : i32
    %scan3A_19 = arith.constant 10 : i32
    %scan3A_20 = arith.addi %scan3A_18, %scan3A_19 : i32
    %scan3A_21 = arith.constant 1 : i32
    scf.for %scan3A_169 = %scan3A_18 to %scan3A_20 step %scan3A_21  : i32 {
      %mul3A_170 = arith.constant 640 : i32
      %mul3A_171 = arith.muli %arg1, %mul3A_170 : i32
      %mul3A_172 = arith.constant 64 : i32
      %mul3A_173 = arith.muli %scan3A_169, %mul3A_172 : i32
      %add3A_174 = arith.addi %mul3A_171, %mul3A_173 : i32
      %dma_start3A_175 = arith.constant 0 : i32
      %dma_start3A_176 = arith.constant 0 : i32
      %dma_start3A_177 = arith.constant 0 : i32
      %dma_start3A_178 = tpu.memref_slice %arg14[%dma_start3A_175, %dma_start3A_176, %dma_start3A_177] : memref<2x64x128xf32, #tpu.memory_space<vmem>> -> memref<1x64x128xf32, #tpu.memory_space<vmem>>
      %dma_start3A_179 = tpu.memref_squeeze %dma_start3A_178 : memref<1x64x128xf32, #tpu.memory_space<vmem>> -> memref<64x128xf32, #tpu.memory_space<vmem>>
      %dma_start3A_180 = arith.constant 0 : i32
      %dma_start3A_181 = tpu.memref_slice %arg16[%add3A_174, %dma_start3A_180] : memref<10240x128xf32, #tpu.memory_space<vmem_shared>> -> memref<64x128xf32, #tpu.memory_space<vmem_shared>>
      %dma_start3A_182 = arith.constant 0 : i32
      %dma_start3A_183 = tpu.memref_slice %arg16[%add3A_174, %dma_start3A_182] : memref<10240x128xf32, #tpu.memory_space<vmem_shared>> -> memref<64x128xf32, #tpu.memory_space<vmem_shared>>
      %dma_start3A_184 = arith.constant 0 : i32
      %dma_start3A_185 = arith.constant 0 : i32
      %dma_start3A_186 = tpu.memref_slice %arg14[%dma_start3A_175, %dma_start3A_184, %dma_start3A_185] : memref<2x64x128xf32, #tpu.memory_space<vmem>> -> memref<1x64x128xf32, #tpu.memory_space<vmem>>
      %dma_start3A_187 = tpu.memref_squeeze %dma_start3A_186 : memref<1x64x128xf32, #tpu.memory_space<vmem>> -> memref<64x128xf32, #tpu.memory_space<vmem>>
      tpu.enqueue_dma source(%dma_start3A_187 : memref<64x128xf32, #tpu.memory_space<vmem>>) target(%dma_start3A_183 : memref<64x128xf32, #tpu.memory_space<vmem_shared>>) target_semaphore(%arg17 : memref<!tpu.dma_semaphore, #tpu.memory_space<semaphore_mem>>)
    }
    %scan3A_22 = arith.constant 10 : i32
    %scan3A_23 = arith.constant 0 : i32
    %scan3A_24 = arith.constant 0 : i32
    %scan3A_25 = arith.constant 10 : i32
    %scan3A_26 = arith.addi %scan3A_24, %scan3A_25 : i32
    %scan3A_27 = arith.constant 1 : i32
    scf.for %scan3A_169 = %scan3A_24 to %scan3A_26 step %scan3A_27  : i32 {
      %mul3A_170 = arith.constant 640 : i32
      %mul3A_171 = arith.muli %arg1, %mul3A_170 : i32
      %mul3A_172 = arith.constant 64 : i32
      %mul3A_173 = arith.muli %scan3A_169, %mul3A_172 : i32
      %add3A_174 = arith.addi %mul3A_171, %mul3A_173 : i32
      %dma_wait3A_175 = arith.constant 0 : i32
      %dma_wait3A_176 = arith.constant 0 : i32
      %dma_wait3A_177 = arith.constant 0 : i32
      %dma_wait3A_178 = tpu.memref_slice %arg14[%dma_wait3A_175, %dma_wait3A_176, %dma_wait3A_177] : memref<2x64x128xf32, #tpu.memory_space<vmem>> -> memref<1x64x128xf32, #tpu.memory_space<vmem>>
      %dma_wait3A_179 = tpu.memref_squeeze %dma_wait3A_178 : memref<1x64x128xf32, #tpu.memory_space<vmem>> -> memref<64x128xf32, #tpu.memory_space<vmem>>
      %dma_wait3A_180 = arith.constant 0 : i32
      %dma_wait3A_181 = tpu.memref_slice %arg16[%add3A_174, %dma_wait3A_180] : memref<10240x128xf32, #tpu.memory_space<vmem_shared>> -> memref<64x128xf32, #tpu.memory_space<vmem_shared>>
      %dma_wait3A_182 = arith.constant 0 : i32
      %dma_wait3A_183 = tpu.memref_slice %arg16[%add3A_174, %dma_wait3A_182] : memref<10240x128xf32, #tpu.memory_space<vmem_shared>> -> memref<64x128xf32, #tpu.memory_space<vmem_shared>>
      %dma_wait3A_184 = arith.constant 0 : i32
      %dma_wait3A_185 = arith.constant 0 : i32
      %dma_wait3A_186 = tpu.memref_slice %arg14[%dma_wait3A_175, %dma_wait3A_184, %dma_wait3A_185] : memref<2x64x128xf32, #tpu.memory_space<vmem>> -> memref<1x64x128xf32, #tpu.memory_space<vmem>>
      %dma_wait3A_187 = tpu.memref_squeeze %dma_wait3A_186 : memref<1x64x128xf32, #tpu.memory_space<vmem>> -> memref<64x128xf32, #tpu.memory_space<vmem>>
      tpu.wait_dma2 semaphore(%arg17 : memref<!tpu.dma_semaphore, #tpu.memory_space<semaphore_mem>>) src(%dma_wait3A_187 : memref<64x128xf32, #tpu.memory_space<vmem>>) dst(%dma_wait3A_183 : memref<64x128xf32, #tpu.memory_space<vmem_shared>>)
    }
    %scan3A_28 = arith.constant 10 : i32
    %barrier3A = arith.constant 0 : index
    tpu.barrier barrier_id(%barrier3A)
    %eq3A_29 = arith.constant 0 : i32
    %eq3A_30 = arith.cmpi eq, %arg0, %eq3A_29 : i32
    %jit3A_31 = arith.constant 246 : i32
    %jit3A_32 = arith.constant 74 : i32
    %select_n3A_33 = arith.select %eq3A_30, %jit3A_31, %jit3A_32 : i32
    %jit3A_34 = arith.constant 2 : i32
    %div3A = arith.divsi %select_n3A_33, %jit3A_34 : i32
    %sign3A = arith.constant 0 : i32
    %sign3A_35 = arith.cmpi sgt, %select_n3A_33, %sign3A : i32
    %sign3A_36 = arith.extui %sign3A_35 : i1 to i32
    %sign3A_37 = arith.constant 0 : i32
    %sign3A_38 = arith.cmpi slt, %select_n3A_33, %sign3A_37 : i32
    %sign3A_39 = arith.extui %sign3A_38 : i1 to i32
    %sign3A_40 = arith.subi %sign3A_36, %sign3A_39 : i32
    %sign3A_41 = arith.constant 0 : i32
    %sign3A_42 = arith.cmpi sgt, %jit3A_34, %sign3A_41 : i32
    %sign3A_43 = arith.extui %sign3A_42 : i1 to i32
    %sign3A_44 = arith.constant 0 : i32
    %sign3A_45 = arith.cmpi slt, %jit3A_34, %sign3A_44 : i32
    %sign3A_46 = arith.extui %sign3A_45 : i1 to i32
    %sign3A_47 = arith.subi %sign3A_43, %sign3A_46 : i32
    %ne3A = arith.cmpi ne, %sign3A_40, %sign3A_47 : i32
    %rem3A = arith.remsi %select_n3A_33, %jit3A_34 : i32
    %ne3A_48 = arith.constant 0 : i32
    %ne3A_49 = arith.cmpi ne, %rem3A, %ne3A_48 : i32
    %and3A = arith.andi %ne3A, %ne3A_49 : i1
    %sub3A = arith.constant 1 : i32
    %sub3A_50 = arith.subi %div3A, %sub3A : i32
    %select_n3A_51 = arith.select %and3A, %sub3A_50, %div3A : i32
    %add3A_52 = arith.constant 0 : i32
    %add3A_53 = arith.addi %add3A, %add3A_52 : i32
    %dma_start3A = arith.constant 0 : i32
    %dma_start3A_54 = arith.constant 0 : i32
    %dma_start3A_55 = arith.constant 0 : i32
    %dma_start3A_56 = tpu.memref_slice %arg9[%dma_start3A, %dma_start3A_54, %dma_start3A_55] : memref<2x2x64xi32, #tpu.memory_space<vmem>> -> memref<1x2x64xi32, #tpu.memory_space<vmem>>
    %dma_start3A_57 = tpu.memref_squeeze %dma_start3A_56 : memref<1x2x64xi32, #tpu.memory_space<vmem>> -> memref<2x64xi32, #tpu.memory_space<vmem>>
    %dma_start3A_58 = arith.constant 0 : i32
    %dma_start3A_59 = tpu.memref_slice %arg3[%add3A_53, %dma_start3A_58] : memref<5120x64xi32, #tpu.memory_space<hbm>> -> memref<2x64xi32, #tpu.memory_space<hbm>>
    %dma_start3A_60 = arith.constant 0 : i32
    %dma_start3A_61 = arith.constant 0 : i32
    %dma_start3A_62 = tpu.memref_slice %arg9[%dma_start3A, %dma_start3A_60, %dma_start3A_61] : memref<2x2x64xi32, #tpu.memory_space<vmem>> -> memref<1x2x64xi32, #tpu.memory_space<vmem>>
    %dma_start3A_63 = tpu.memref_squeeze %dma_start3A_62 : memref<1x2x64xi32, #tpu.memory_space<vmem>> -> memref<2x64xi32, #tpu.memory_space<vmem>>
    %dma_start3A_64 = arith.constant 0 : i32
    %dma_start3A_65 = tpu.memref_slice %arg3[%add3A_53, %dma_start3A_64] : memref<5120x64xi32, #tpu.memory_space<hbm>> -> memref<2x64xi32, #tpu.memory_space<hbm>>
    tpu.enqueue_dma source(%dma_start3A_65 : memref<2x64xi32, #tpu.memory_space<hbm>>) target(%dma_start3A_63 : memref<2x64xi32, #tpu.memory_space<vmem>>) target_semaphore(%arg19 : memref<!tpu.dma_semaphore, #tpu.memory_space<semaphore_mem>>)
    %dma_start3A_66 = arith.constant 0 : i32
    %dma_start3A_67 = arith.constant 0 : i32
    %dma_start3A_68 = arith.constant 0 : i32
    %dma_start3A_69 = tpu.memref_slice %arg10[%dma_start3A_66, %dma_start3A_67, %dma_start3A_68] : memref<2x2x64xi32, #tpu.memory_space<vmem>> -> memref<1x2x64xi32, #tpu.memory_space<vmem>>
    %dma_start3A_70 = tpu.memref_squeeze %dma_start3A_69 : memref<1x2x64xi32, #tpu.memory_space<vmem>> -> memref<2x64xi32, #tpu.memory_space<vmem>>
    %dma_start3A_71 = arith.constant 0 : i32
    %dma_start3A_72 = tpu.memref_slice %arg4[%add3A_53, %dma_start3A_71] : memref<5120x64xi32, #tpu.memory_space<hbm>> -> memref<2x64xi32, #tpu.memory_space<hbm>>
    %dma_start3A_73 = arith.constant 0 : i32
    %dma_start3A_74 = arith.constant 0 : i32
    %dma_start3A_75 = tpu.memref_slice %arg10[%dma_start3A_66, %dma_start3A_73, %dma_start3A_74] : memref<2x2x64xi32, #tpu.memory_space<vmem>> -> memref<1x2x64xi32, #tpu.memory_space<vmem>>
    %dma_start3A_76 = tpu.memref_squeeze %dma_start3A_75 : memref<1x2x64xi32, #tpu.memory_space<vmem>> -> memref<2x64xi32, #tpu.memory_space<vmem>>
    %dma_start3A_77 = arith.constant 0 : i32
    %dma_start3A_78 = tpu.memref_slice %arg4[%add3A_53, %dma_start3A_77] : memref<5120x64xi32, #tpu.memory_space<hbm>> -> memref<2x64xi32, #tpu.memory_space<hbm>>
    tpu.enqueue_dma source(%dma_start3A_78 : memref<2x64xi32, #tpu.memory_space<hbm>>) target(%dma_start3A_76 : memref<2x64xi32, #tpu.memory_space<vmem>>) target_semaphore(%arg19 : memref<!tpu.dma_semaphore, #tpu.memory_space<semaphore_mem>>)
    %dma_wait3A = arith.constant 0 : i32
    %dma_wait3A_79 = arith.constant 0 : i32
    %dma_wait3A_80 = arith.constant 0 : i32
    %dma_wait3A_81 = tpu.memref_slice %arg9[%dma_wait3A, %dma_wait3A_79, %dma_wait3A_80] : memref<2x2x64xi32, #tpu.memory_space<vmem>> -> memref<1x2x64xi32, #tpu.memory_space<vmem>>
    %dma_wait3A_82 = tpu.memref_squeeze %dma_wait3A_81 : memref<1x2x64xi32, #tpu.memory_space<vmem>> -> memref<2x64xi32, #tpu.memory_space<vmem>>
    %dma_wait3A_83 = arith.constant 0 : i32
    %dma_wait3A_84 = arith.constant 0 : i32
    %dma_wait3A_85 = tpu.memref_slice %arg3[%dma_wait3A_83, %dma_wait3A_84] : memref<5120x64xi32, #tpu.memory_space<hbm>> -> memref<2x64xi32, #tpu.memory_space<hbm>>
    %dma_wait3A_86 = arith.constant 0 : i32
    %dma_wait3A_87 = arith.constant 0 : i32
    %dma_wait3A_88 = tpu.memref_slice %arg9[%dma_wait3A, %dma_wait3A_86, %dma_wait3A_87] : memref<2x2x64xi32, #tpu.memory_space<vmem>> -> memref<1x2x64xi32, #tpu.memory_space<vmem>>
    %dma_wait3A_89 = tpu.memref_squeeze %dma_wait3A_88 : memref<1x2x64xi32, #tpu.memory_space<vmem>> -> memref<2x64xi32, #tpu.memory_space<vmem>>
    %dma_wait3A_90 = arith.constant 0 : i32
    %dma_wait3A_91 = arith.constant 0 : i32
    %dma_wait3A_92 = tpu.memref_slice %arg3[%dma_wait3A_90, %dma_wait3A_91] : memref<5120x64xi32, #tpu.memory_space<hbm>> -> memref<2x64xi32, #tpu.memory_space<hbm>>
    tpu.wait_dma2 semaphore(%arg19 : memref<!tpu.dma_semaphore, #tpu.memory_space<semaphore_mem>>) src(%dma_wait3A_92 : memref<2x64xi32, #tpu.memory_space<hbm>>) dst(%dma_wait3A_89 : memref<2x64xi32, #tpu.memory_space<vmem>>)
    %dma_wait3A_93 = arith.constant 0 : i32
    %dma_wait3A_94 = arith.constant 0 : i32
    %dma_wait3A_95 = arith.constant 0 : i32
    %dma_wait3A_96 = tpu.memref_slice %arg10[%dma_wait3A_93, %dma_wait3A_94, %dma_wait3A_95] : memref<2x2x64xi32, #tpu.memory_space<vmem>> -> memref<1x2x64xi32, #tpu.memory_space<vmem>>
    %dma_wait3A_97 = tpu.memref_squeeze %dma_wait3A_96 : memref<1x2x64xi32, #tpu.memory_space<vmem>> -> memref<2x64xi32, #tpu.memory_space<vmem>>
    %dma_wait3A_98 = arith.constant 0 : i32
    %dma_wait3A_99 = arith.constant 0 : i32
    %dma_wait3A_100 = tpu.memref_slice %arg4[%dma_wait3A_98, %dma_wait3A_99] : memref<5120x64xi32, #tpu.memory_space<hbm>> -> memref<2x64xi32, #tpu.memory_space<hbm>>
    %dma_wait3A_101 = arith.constant 0 : i32
    %dma_wait3A_102 = arith.constant 0 : i32
    %dma_wait3A_103 = tpu.memref_slice %arg10[%dma_wait3A_93, %dma_wait3A_101, %dma_wait3A_102] : memref<2x2x64xi32, #tpu.memory_space<vmem>> -> memref<1x2x64xi32, #tpu.memory_space<vmem>>
    %dma_wait3A_104 = tpu.memref_squeeze %dma_wait3A_103 : memref<1x2x64xi32, #tpu.memory_space<vmem>> -> memref<2x64xi32, #tpu.memory_space<vmem>>
    %dma_wait3A_105 = arith.constant 0 : i32
    %dma_wait3A_106 = arith.constant 0 : i32
    %dma_wait3A_107 = tpu.memref_slice %arg4[%dma_wait3A_105, %dma_wait3A_106] : memref<5120x64xi32, #tpu.memory_space<hbm>> -> memref<2x64xi32, #tpu.memory_space<hbm>>
    tpu.wait_dma2 semaphore(%arg19 : memref<!tpu.dma_semaphore, #tpu.memory_space<semaphore_mem>>) src(%dma_wait3A_107 : memref<2x64xi32, #tpu.memory_space<hbm>>) dst(%dma_wait3A_104 : memref<2x64xi32, #tpu.memory_space<vmem>>)
    %dma_start3A_108 = arith.constant 0 : i32
    %dma_start3A_109 = arith.constant 0 : i32
    %dma_start3A_110 = arith.constant 0 : i32
    %dma_start3A_111 = arith.constant 0 : i32
    %dma_start3A_112 = arith.constant 0 : i32
    %dma_start3A_113 = tpu.memref_slice %arg14[%dma_start3A_110, %dma_start3A_111, %dma_start3A_112] : memref<2x64x128xf32, #tpu.memory_space<vmem>> -> memref<1x64x128xf32, #tpu.memory_space<vmem>>
    %dma_start3A_114 = tpu.memref_squeeze %dma_start3A_113 : memref<1x64x128xf32, #tpu.memory_space<vmem>> -> memref<64x128xf32, #tpu.memory_space<vmem>>
    %dma_start3A_115 = arith.constant 0 : i32
    %dma_start3A_116 = tpu.memref_slice %arg9[%dma_start3A_108, %dma_start3A_109, %dma_start3A_115] : memref<2x2x64xi32, #tpu.memory_space<vmem>> -> memref<1x1x64xi32, #tpu.memory_space<vmem>>
    %dma_start3A_117 = tpu.memref_squeeze %dma_start3A_116 : memref<1x1x64xi32, #tpu.memory_space<vmem>> -> memref<64xi32, #tpu.memory_space<vmem>>
    %dma_start3A_118 = arith.constant 0 : i32
    %dma_start3A_119 = arith.constant 0 : i32
    %dma_start3A_120 = tpu.memref_slice %arg2[%dma_start3A_118, %dma_start3A_119] : memref<10240x128xf32, #tpu.memory_space<hbm>> -> memref<10240x128xf32, #tpu.memory_space<hbm>>
    tpu.enqueue_indirect_dma source(%dma_start3A_120 : memref<10240x128xf32, #tpu.memory_space<hbm>>) target(%dma_start3A_114 : memref<64x128xf32, #tpu.memory_space<vmem>>) offsets(%dma_start3A_117 : memref<64xi32, #tpu.memory_space<vmem>>) semaphore(%arg17 : memref<!tpu.dma_semaphore, #tpu.memory_space<semaphore_mem>>)
    %while3A = arith.constant 0 : i32
    %while3A_121 = arith.constant 0 : i32
    %while3A_122 = arith.subi %select_n3A_33, %while3A_121 : i32
    %while3A_123 = arith.addi %while3A_121, %while3A_122 : i32
    %while3A_124 = arith.constant 1 : i32
    %while3A_125 = arith.divsi %while3A_122, %while3A_124 : i32
    %while3A_126 = arith.muli %while3A_125, %while3A_124 : i32
    %while3A_127 = arith.addi %while3A_121, %while3A_126 : i32
    %while3A_128 = arith.constant 1 : i32
    scf.for %while3A_169 = %while3A_121 to %while3A_127 step %while3A_128  : i32 {
      %jit3A_170 = arith.constant 2 : i32
      %eq3A_171 = arith.constant 0 : i32
      %eq3A_172 = arith.cmpi eq, %jit3A_170, %eq3A_171 : i32
      %jit3A_173 = arith.constant 1 : i32
      %select_n3A_174 = arith.select %eq3A_172, %jit3A_173, %jit3A_170 : i32
      %rem3A_175 = arith.remsi %while3A_169, %select_n3A_174 : i32
      %ne3A_176 = arith.constant 0 : i32
      %ne3A_177 = arith.cmpi ne, %rem3A_175, %ne3A_176 : i32
      %lt3A_178 = arith.constant 0 : i32
      %lt3A_179 = arith.cmpi slt, %rem3A_175, %lt3A_178 : i32
      %lt3A_180 = arith.constant 0 : i32
      %lt3A_181 = arith.cmpi slt, %select_n3A_174, %lt3A_180 : i32
      %ne3A_182 = arith.xori %lt3A_179, %lt3A_181 : i1
      %and3A_183 = arith.andi %ne3A_182, %ne3A_177 : i1
      %add3A_184 = arith.addi %rem3A_175, %select_n3A_174 : i32
      %select_n3A_185 = arith.select %and3A_183, %add3A_184, %rem3A_175 : i32
      %jit3A_186 = arith.constant 2 : i32
      %div3A_187 = arith.divsi %while3A_169, %jit3A_186 : i32
      %sign3A_188 = arith.constant 0 : i32
      %sign3A_189 = arith.cmpi sgt, %while3A_169, %sign3A_188 : i32
      %sign3A_190 = arith.extui %sign3A_189 : i1 to i32
      %sign3A_191 = arith.constant 0 : i32
      %sign3A_192 = arith.cmpi slt, %while3A_169, %sign3A_191 : i32
      %sign3A_193 = arith.extui %sign3A_192 : i1 to i32
      %sign3A_194 = arith.subi %sign3A_190, %sign3A_193 : i32
      %sign3A_195 = arith.constant 0 : i32
      %sign3A_196 = arith.cmpi sgt, %jit3A_186, %sign3A_195 : i32
      %sign3A_197 = arith.extui %sign3A_196 : i1 to i32
      %sign3A_198 = arith.constant 0 : i32
      %sign3A_199 = arith.cmpi slt, %jit3A_186, %sign3A_198 : i32
      %sign3A_200 = arith.extui %sign3A_199 : i1 to i32
      %sign3A_201 = arith.subi %sign3A_197, %sign3A_200 : i32
      %ne3A_202 = arith.cmpi ne, %sign3A_194, %sign3A_201 : i32
      %rem3A_203 = arith.remsi %while3A_169, %jit3A_186 : i32
      %ne3A_204 = arith.constant 0 : i32
      %ne3A_205 = arith.cmpi ne, %rem3A_203, %ne3A_204 : i32
      %and3A_206 = arith.andi %ne3A_202, %ne3A_205 : i1
      %sub3A_207 = arith.constant 1 : i32
      %sub3A_208 = arith.subi %div3A_187, %sub3A_207 : i32
      %select_n3A_209 = arith.select %and3A_206, %sub3A_208, %div3A_187 : i32
      %jit3A_210 = arith.constant 2 : i32
      %eq3A_211 = arith.constant 0 : i32
      %eq3A_212 = arith.cmpi eq, %jit3A_210, %eq3A_211 : i32
      %jit3A_213 = arith.constant 1 : i32
      %select_n3A_214 = arith.select %eq3A_212, %jit3A_213, %jit3A_210 : i32
      %rem3A_215 = arith.remsi %while3A_169, %select_n3A_214 : i32
      %ne3A_216 = arith.constant 0 : i32
      %ne3A_217 = arith.cmpi ne, %rem3A_215, %ne3A_216 : i32
      %lt3A_218 = arith.constant 0 : i32
      %lt3A_219 = arith.cmpi slt, %rem3A_215, %lt3A_218 : i32
      %lt3A_220 = arith.constant 0 : i32
      %lt3A_221 = arith.cmpi slt, %select_n3A_214, %lt3A_220 : i32
      %ne3A_222 = arith.xori %lt3A_219, %lt3A_221 : i1
      %and3A_223 = arith.andi %ne3A_222, %ne3A_217 : i1
      %add3A_224 = arith.addi %rem3A_215, %select_n3A_214 : i32
      %select_n3A_225 = arith.select %and3A_223, %add3A_224, %rem3A_215 : i32
      %jit3A_226 = arith.constant 2 : i32
      %eq3A_227 = arith.constant 0 : i32
      %eq3A_228 = arith.cmpi eq, %jit3A_226, %eq3A_227 : i32
      %jit3A_229 = arith.constant 1 : i32
      %select_n3A_230 = arith.select %eq3A_228, %jit3A_229, %jit3A_226 : i32
      %rem3A_231 = arith.remsi %select_n3A_209, %select_n3A_230 : i32
      %ne3A_232 = arith.constant 0 : i32
      %ne3A_233 = arith.cmpi ne, %rem3A_231, %ne3A_232 : i32
      %lt3A_234 = arith.constant 0 : i32
      %lt3A_235 = arith.cmpi slt, %rem3A_231, %lt3A_234 : i32
      %lt3A_236 = arith.constant 0 : i32
      %lt3A_237 = arith.cmpi slt, %select_n3A_230, %lt3A_236 : i32
      %ne3A_238 = arith.xori %lt3A_235, %lt3A_237 : i1
      %and3A_239 = arith.andi %ne3A_238, %ne3A_233 : i1
      %add3A_240 = arith.addi %rem3A_231, %select_n3A_230 : i32
      %select_n3A_241 = arith.select %and3A_239, %add3A_240, %rem3A_231 : i32
      %ge3A = arith.constant 1 : i32
      %ge3A_242 = arith.cmpi sge, %while3A_169, %ge3A : i32
      %convert_element_type3A = arith.extui %ge3A_242 : i1 to i32
      %cond3A = arith.constant 0 : i32
      %cond3A_243 = arith.cmpi ne, %convert_element_type3A, %cond3A : i32
      scf.if %cond3A_243 {
        %sub3A_299 = arith.constant 1 : i32
        %sub3A_300 = arith.subi %sub3A_299, %select_n3A_185 : i32
        %dma_wait3A_301 = arith.constant 0 : i32
        %dma_wait3A_302 = arith.constant 0 : i32
        %dma_wait3A_303 = arith.constant 0 : i32
        %dma_wait3A_304 = arith.constant 0 : i32
        %dma_wait3A_305 = tpu.memref_slice %arg14[%sub3A_300, %dma_wait3A_303, %dma_wait3A_304] : memref<2x64x128xf32, #tpu.memory_space<vmem>> -> memref<1x64x128xf32, #tpu.memory_space<vmem>>
        %dma_wait3A_306 = tpu.memref_squeeze %dma_wait3A_305 : memref<1x64x128xf32, #tpu.memory_space<vmem>> -> memref<64x128xf32, #tpu.memory_space<vmem>>
        %dma_wait3A_307 = arith.constant 0 : i32
        %dma_wait3A_308 = tpu.memref_slice %arg10[%dma_wait3A_301, %dma_wait3A_302, %dma_wait3A_307] : memref<2x2x64xi32, #tpu.memory_space<vmem>> -> memref<1x1x64xi32, #tpu.memory_space<vmem>>
        %dma_wait3A_309 = tpu.memref_squeeze %dma_wait3A_308 : memref<1x1x64xi32, #tpu.memory_space<vmem>> -> memref<64xi32, #tpu.memory_space<vmem>>
        %dma_wait3A_310 = arith.constant 0 : i32
        %dma_wait3A_311 = arith.constant 0 : i32
        %dma_wait3A_312 = tpu.memref_slice %arg16[%dma_wait3A_310, %dma_wait3A_311] : memref<10240x128xf32, #tpu.memory_space<vmem_shared>> -> memref<10240x128xf32, #tpu.memory_space<vmem_shared>>
        tpu.wait_indirect_dma semaphore(%arg18 : memref<!tpu.dma_semaphore, #tpu.memory_space<semaphore_mem>>) src(%dma_wait3A_306 : memref<64x128xf32, #tpu.memory_space<vmem>>) dst(%dma_wait3A_312 : memref<10240x128xf32, #tpu.memory_space<vmem_shared>>)
      } else {
      }
      %eq3A_244 = arith.constant 0 : i32
      %eq3A_245 = arith.cmpi eq, %select_n3A_225, %eq3A_244 : i32
      %add3A_246 = arith.constant 1 : i32
      %add3A_247 = arith.addi %select_n3A_209, %add3A_246 : i32
      %sub3A_248 = arith.constant 1 : i32
      %sub3A_249 = arith.subi %select_n3A_51, %sub3A_248 : i32
      %le3A = arith.cmpi sle, %add3A_247, %sub3A_249 : i32
      %and3A_250 = arith.andi %eq3A_245, %le3A : i1
      %convert_element_type3A_251 = arith.extui %and3A_250 : i1 to i32
      %cond3A_252 = arith.constant 0 : i32
      %cond3A_253 = arith.cmpi ne, %convert_element_type3A_251, %cond3A_252 : i32
      scf.if %cond3A_253 {
        %add3A_299 = arith.constant 1 : i32
        %add3A_300 = arith.addi %select_n3A_209, %add3A_299 : i32
        %sub3A_301 = arith.constant 1 : i32
        %sub3A_302 = arith.subi %sub3A_301, %select_n3A_241 : i32
        %mul3A_303 = arith.constant 2 : i32
        %mul3A_304 = arith.muli %add3A_300, %mul3A_303 : i32
        %add3A_305 = arith.addi %add3A, %mul3A_304 : i32
        %dma_start3A_306 = arith.constant 0 : i32
        %dma_start3A_307 = arith.constant 0 : i32
        %dma_start3A_308 = tpu.memref_slice %arg9[%sub3A_302, %dma_start3A_306, %dma_start3A_307] : memref<2x2x64xi32, #tpu.memory_space<vmem>> -> memref<1x2x64xi32, #tpu.memory_space<vmem>>
        %dma_start3A_309 = tpu.memref_squeeze %dma_start3A_308 : memref<1x2x64xi32, #tpu.memory_space<vmem>> -> memref<2x64xi32, #tpu.memory_space<vmem>>
        %dma_start3A_310 = arith.constant 0 : i32
        %dma_start3A_311 = tpu.memref_slice %arg3[%add3A_305, %dma_start3A_310] : memref<5120x64xi32, #tpu.memory_space<hbm>> -> memref<2x64xi32, #tpu.memory_space<hbm>>
        %dma_start3A_312 = arith.constant 0 : i32
        %dma_start3A_313 = arith.constant 0 : i32
        %dma_start3A_314 = tpu.memref_slice %arg9[%sub3A_302, %dma_start3A_312, %dma_start3A_313] : memref<2x2x64xi32, #tpu.memory_space<vmem>> -> memref<1x2x64xi32, #tpu.memory_space<vmem>>
        %dma_start3A_315 = tpu.memref_squeeze %dma_start3A_314 : memref<1x2x64xi32, #tpu.memory_space<vmem>> -> memref<2x64xi32, #tpu.memory_space<vmem>>
        %dma_start3A_316 = arith.constant 0 : i32
        %dma_start3A_317 = tpu.memref_slice %arg3[%add3A_305, %dma_start3A_316] : memref<5120x64xi32, #tpu.memory_space<hbm>> -> memref<2x64xi32, #tpu.memory_space<hbm>>
        tpu.enqueue_dma source(%dma_start3A_317 : memref<2x64xi32, #tpu.memory_space<hbm>>) target(%dma_start3A_315 : memref<2x64xi32, #tpu.memory_space<vmem>>) target_semaphore(%arg19 : memref<!tpu.dma_semaphore, #tpu.memory_space<semaphore_mem>>)
        %dma_start3A_318 = arith.constant 0 : i32
        %dma_start3A_319 = arith.constant 0 : i32
        %dma_start3A_320 = tpu.memref_slice %arg10[%sub3A_302, %dma_start3A_318, %dma_start3A_319] : memref<2x2x64xi32, #tpu.memory_space<vmem>> -> memref<1x2x64xi32, #tpu.memory_space<vmem>>
        %dma_start3A_321 = tpu.memref_squeeze %dma_start3A_320 : memref<1x2x64xi32, #tpu.memory_space<vmem>> -> memref<2x64xi32, #tpu.memory_space<vmem>>
        %dma_start3A_322 = arith.constant 0 : i32
        %dma_start3A_323 = tpu.memref_slice %arg4[%add3A_305, %dma_start3A_322] : memref<5120x64xi32, #tpu.memory_space<hbm>> -> memref<2x64xi32, #tpu.memory_space<hbm>>
        %dma_start3A_324 = arith.constant 0 : i32
        %dma_start3A_325 = arith.constant 0 : i32
        %dma_start3A_326 = tpu.memref_slice %arg10[%sub3A_302, %dma_start3A_324, %dma_start3A_325] : memref<2x2x64xi32, #tpu.memory_space<vmem>> -> memref<1x2x64xi32, #tpu.memory_space<vmem>>
        %dma_start3A_327 = tpu.memref_squeeze %dma_start3A_326 : memref<1x2x64xi32, #tpu.memory_space<vmem>> -> memref<2x64xi32, #tpu.memory_space<vmem>>
        %dma_start3A_328 = arith.constant 0 : i32
        %dma_start3A_329 = tpu.memref_slice %arg4[%add3A_305, %dma_start3A_328] : memref<5120x64xi32, #tpu.memory_space<hbm>> -> memref<2x64xi32, #tpu.memory_space<hbm>>
        tpu.enqueue_dma source(%dma_start3A_329 : memref<2x64xi32, #tpu.memory_space<hbm>>) target(%dma_start3A_327 : memref<2x64xi32, #tpu.memory_space<vmem>>) target_semaphore(%arg19 : memref<!tpu.dma_semaphore, #tpu.memory_space<semaphore_mem>>)
      } else {
      }
      %scan3A_254 = arith.constant 0 : i32
      %scan3A_255 = arith.constant 0 : i32
      %scan3A_256 = arith.constant 4 : i32
      %scan3A_257 = arith.addi %scan3A_255, %scan3A_256 : i32
      %scan3A_258 = arith.constant 1 : i32
      scf.for %scan3A_299 = %scan3A_255 to %scan3A_257 step %scan3A_258  : i32 {
        %mul3A_300 = arith.constant 16 : i32
        %mul3A_301 = arith.muli %scan3A_299, %mul3A_300 : i32
        %get3A = arith.index_cast %select_n3A_241 : i32 to index
        %get3A_302 = arith.index_cast %select_n3A_225 : i32 to index
        %get3A_303 = arith.index_cast %mul3A_301 : i32 to index
        %get3A_304 = tpu.vector_load %arg9[%get3A, %get3A_302, %get3A_303] {strides = array<i32>} : memref<2x2x64xi32, #tpu.memory_space<vmem>>, vector<16xi32>,
        %mul3A_305 = arith.constant 16 : i32
        %mul3A_306 = arith.muli %scan3A_299, %mul3A_305 : i32
        %get3A_307 = arith.index_cast %select_n3A_241 : i32 to index
        %get3A_308 = arith.index_cast %select_n3A_225 : i32 to index
        %get3A_309 = arith.index_cast %mul3A_306 : i32 to index
        %get3A_310 = tpu.vector_load %arg10[%get3A_307, %get3A_308, %get3A_309] {strides = array<i32>} : memref<2x2x64xi32, #tpu.memory_space<vmem>>, vector<16xi32>,
        %shift_right_arithmetic3A = arith.constant 7 : i32
        %shift_right_arithmetic3A_311 = vector.broadcast %shift_right_arithmetic3A : i32 to vector<16xi32>
        %shift_right_arithmetic3A_312 = arith.shrsi %get3A_304, %shift_right_arithmetic3A_311 : vector<16xi32>
        %and3A_313 = arith.constant 127 : i32
        %and3A_314 = vector.broadcast %and3A_313 : i32 to vector<16xi32>
        %and3A_315 = arith.andi %get3A_304, %and3A_314 : vector<16xi32>
        %gather3A = tpu.vector_load_idx %arg11[%shift_right_arithmetic3A_312, %and3A_315] : memref<80x128xf32, #tpu.memory_space<vmem>>[vector<16xi32>, vector<16xi32>], vector<16xf32>,
        %shift_right_arithmetic3A_316 = arith.constant 7 : i32
        %shift_right_arithmetic3A_317 = vector.broadcast %shift_right_arithmetic3A_316 : i32 to vector<16xi32>
        %shift_right_arithmetic3A_318 = arith.shrsi %get3A_310, %shift_right_arithmetic3A_317 : vector<16xi32>
        %and3A_319 = arith.constant 127 : i32
        %and3A_320 = vector.broadcast %and3A_319 : i32 to vector<16xi32>
        %and3A_321 = arith.andi %get3A_310, %and3A_320 : vector<16xi32>
        %gather3A_322 = tpu.vector_load_idx %arg12[%shift_right_arithmetic3A_318, %and3A_321] : memref<80x128xf32, #tpu.memory_space<vmem>>[vector<16xi32>, vector<16xi32>], vector<16xf32>,
        %add3A_323 = arith.addf %gather3A, %gather3A_322 : vector<16xf32>
        %gt3A = arith.constant 0.000000e+00 : f32
        %gt3A_324 = vector.broadcast %gt3A : f32 to vector<16xf32>
        %gt3A_325 = arith.cmpf ogt, %add3A_323, %gt3A_324 : vector<16xf32>
        %mul3A_326 = arith.constant 2.000000e-01 : f32
        %mul3A_327 = vector.broadcast %mul3A_326 : f32 to vector<16xf32>
        %mul3A_328 = arith.mulf %mul3A_327, %add3A_323 : vector<16xf32>
        %select_n3A_329 = arith.select %gt3A_325, %add3A_323, %mul3A_328 : vector<16xi1>, vector<16xf32>
        %exp3A = math.exp %select_n3A_329 : vector<16xf32>
        %swap3A = arith.index_cast %scan3A_299 : i32 to index
        %swap3A_330 = arith.constant 0 : index
        %swap3A_331 = tpu.vector_load %arg13[%swap3A, %swap3A_330] {strides = array<i32>} : memref<4x16xf32, #tpu.memory_space<vmem>>, vector<16xf32>,
        tpu.vector_store %arg13[%swap3A, %swap3A_330], %exp3A {strides = array<i32>} : memref<4x16xf32, #tpu.memory_space<vmem>>, vector<16xf32>,
        %shift_right_arithmetic3A_332 = arith.constant 7 : i32
        %shift_right_arithmetic3A_333 = vector.broadcast %shift_right_arithmetic3A_332 : i32 to vector<16xi32>
        %shift_right_arithmetic3A_334 = arith.shrsi %get3A_310, %shift_right_arithmetic3A_333 : vector<16xi32>
        %and3A_335 = arith.constant 127 : i32
        %and3A_336 = vector.broadcast %and3A_335 : i32 to vector<16xi32>
        %and3A_337 = arith.andi %get3A_310, %and3A_336 : vector<16xi32>
        tpu.vector_store_idx %arg15[%shift_right_arithmetic3A_334, %and3A_337], %exp3A {add = true} : memref<80x128xf32, #tpu.memory_space<vmem>>[vector<16xi32>, vector<16xi32>], vector<16xf32>,
      }
      %scan3A_259 = arith.constant 4 : i32
      %eq3A_260 = arith.constant 1 : i32
      %eq3A_261 = arith.cmpi eq, %select_n3A_225, %eq3A_260 : i32
      %add3A_262 = arith.constant 1 : i32
      %add3A_263 = arith.addi %while3A_169, %add3A_262 : i32
      %lt3A_264 = arith.cmpi slt, %add3A_263, %select_n3A_33 : i32
      %and3A_265 = arith.andi %eq3A_261, %lt3A_264 : i1
      %convert_element_type3A_266 = arith.extui %and3A_265 : i1 to i32
      %cond3A_267 = arith.constant 0 : i32
      %cond3A_268 = arith.cmpi ne, %convert_element_type3A_266, %cond3A_267 : i32
      scf.if %cond3A_268 {
        %dma_wait3A_299 = arith.constant 0 : i32
        %dma_wait3A_300 = arith.constant 0 : i32
        %dma_wait3A_301 = arith.constant 0 : i32
        %dma_wait3A_302 = tpu.memref_slice %arg9[%dma_wait3A_299, %dma_wait3A_300, %dma_wait3A_301] : memref<2x2x64xi32, #tpu.memory_space<vmem>> -> memref<1x2x64xi32, #tpu.memory_space<vmem>>
        %dma_wait3A_303 = tpu.memref_squeeze %dma_wait3A_302 : memref<1x2x64xi32, #tpu.memory_space<vmem>> -> memref<2x64xi32, #tpu.memory_space<vmem>>
        %dma_wait3A_304 = arith.constant 0 : i32
        %dma_wait3A_305 = arith.constant 0 : i32
        %dma_wait3A_306 = tpu.memref_slice %arg3[%dma_wait3A_304, %dma_wait3A_305] : memref<5120x64xi32, #tpu.memory_space<hbm>> -> memref<2x64xi32, #tpu.memory_space<hbm>>
        %dma_wait3A_307 = arith.constant 0 : i32
        %dma_wait3A_308 = arith.constant 0 : i32
        %dma_wait3A_309 = tpu.memref_slice %arg9[%dma_wait3A_299, %dma_wait3A_307, %dma_wait3A_308] : memref<2x2x64xi32, #tpu.memory_space<vmem>> -> memref<1x2x64xi32, #tpu.memory_space<vmem>>
        %dma_wait3A_310 = tpu.memref_squeeze %dma_wait3A_309 : memref<1x2x64xi32, #tpu.memory_space<vmem>> -> memref<2x64xi32, #tpu.memory_space<vmem>>
        %dma_wait3A_311 = arith.constant 0 : i32
        %dma_wait3A_312 = arith.constant 0 : i32
        %dma_wait3A_313 = tpu.memref_slice %arg3[%dma_wait3A_311, %dma_wait3A_312] : memref<5120x64xi32, #tpu.memory_space<hbm>> -> memref<2x64xi32, #tpu.memory_space<hbm>>
        tpu.wait_dma2 semaphore(%arg19 : memref<!tpu.dma_semaphore, #tpu.memory_space<semaphore_mem>>) src(%dma_wait3A_313 : memref<2x64xi32, #tpu.memory_space<hbm>>) dst(%dma_wait3A_310 : memref<2x64xi32, #tpu.memory_space<vmem>>)
        %dma_wait3A_314 = arith.constant 0 : i32
        %dma_wait3A_315 = arith.constant 0 : i32
        %dma_wait3A_316 = arith.constant 0 : i32
        %dma_wait3A_317 = tpu.memref_slice %arg10[%dma_wait3A_314, %dma_wait3A_315, %dma_wait3A_316] : memref<2x2x64xi32, #tpu.memory_space<vmem>> -> memref<1x2x64xi32, #tpu.memory_space<vmem>>
        %dma_wait3A_318 = tpu.memref_squeeze %dma_wait3A_317 : memref<1x2x64xi32, #tpu.memory_space<vmem>> -> memref<2x64xi32, #tpu.memory_space<vmem>>
        %dma_wait3A_319 = arith.constant 0 : i32
        %dma_wait3A_320 = arith.constant 0 : i32
        %dma_wait3A_321 = tpu.memref_slice %arg4[%dma_wait3A_319, %dma_wait3A_320] : memref<5120x64xi32, #tpu.memory_space<hbm>> -> memref<2x64xi32, #tpu.memory_space<hbm>>
        %dma_wait3A_322 = arith.constant 0 : i32
        %dma_wait3A_323 = arith.constant 0 : i32
        %dma_wait3A_324 = tpu.memref_slice %arg10[%dma_wait3A_314, %dma_wait3A_322, %dma_wait3A_323] : memref<2x2x64xi32, #tpu.memory_space<vmem>> -> memref<1x2x64xi32, #tpu.memory_space<vmem>>
        %dma_wait3A_325 = tpu.memref_squeeze %dma_wait3A_324 : memref<1x2x64xi32, #tpu.memory_space<vmem>> -> memref<2x64xi32, #tpu.memory_space<vmem>>
        %dma_wait3A_326 = arith.constant 0 : i32
        %dma_wait3A_327 = arith.constant 0 : i32
        %dma_wait3A_328 = tpu.memref_slice %arg4[%dma_wait3A_326, %dma_wait3A_327] : memref<5120x64xi32, #tpu.memory_space<hbm>> -> memref<2x64xi32, #tpu.memory_space<hbm>>
        tpu.wait_dma2 semaphore(%arg19 : memref<!tpu.dma_semaphore, #tpu.memory_space<semaphore_mem>>) src(%dma_wait3A_328 : memref<2x64xi32, #tpu.memory_space<hbm>>) dst(%dma_wait3A_325 : memref<2x64xi32, #tpu.memory_space<vmem>>)
      } else {
      }
      %add3A_269 = arith.constant 1 : i32
      %add3A_270 = arith.addi %while3A_169, %add3A_269 : i32
      %lt3A_271 = arith.cmpi slt, %add3A_270, %select_n3A_33 : i32
      %convert_element_type3A_272 = arith.extui %lt3A_271 : i1 to i32
      %cond3A_273 = arith.constant 0 : i32
      %cond3A_274 = arith.cmpi ne, %convert_element_type3A_272, %cond3A_273 : i32
      scf.if %cond3A_274 {
        %add3A_299 = arith.constant 1 : i32
        %add3A_300 = arith.addi %while3A_169, %add3A_299 : i32
        %jit3A_301 = arith.constant 2 : i32
        %div3A_302 = arith.divsi %add3A_300, %jit3A_301 : i32
        %sign3A_303 = arith.constant 0 : i32
        %sign3A_304 = arith.cmpi sgt, %add3A_300, %sign3A_303 : i32
        %sign3A_305 = arith.extui %sign3A_304 : i1 to i32
        %sign3A_306 = arith.constant 0 : i32
        %sign3A_307 = arith.cmpi slt, %add3A_300, %sign3A_306 : i32
        %sign3A_308 = arith.extui %sign3A_307 : i1 to i32
        %sign3A_309 = arith.subi %sign3A_305, %sign3A_308 : i32
        %sign3A_310 = arith.constant 0 : i32
        %sign3A_311 = arith.cmpi sgt, %jit3A_301, %sign3A_310 : i32
        %sign3A_312 = arith.extui %sign3A_311 : i1 to i32
        %sign3A_313 = arith.constant 0 : i32
        %sign3A_314 = arith.cmpi slt, %jit3A_301, %sign3A_313 : i32
        %sign3A_315 = arith.extui %sign3A_314 : i1 to i32
        %sign3A_316 = arith.subi %sign3A_312, %sign3A_315 : i32
        %ne3A_317 = arith.cmpi ne, %sign3A_309, %sign3A_316 : i32
        %rem3A_318 = arith.remsi %add3A_300, %jit3A_301 : i32
        %ne3A_319 = arith.constant 0 : i32
        %ne3A_320 = arith.cmpi ne, %rem3A_318, %ne3A_319 : i32
        %and3A_321 = arith.andi %ne3A_317, %ne3A_320 : i1
        %sub3A_322 = arith.constant 1 : i32
        %sub3A_323 = arith.subi %div3A_302, %sub3A_322 : i32
        %select_n3A_324 = arith.select %and3A_321, %sub3A_323, %div3A_302 : i32
        %jit3A_325 = arith.constant 2 : i32
        %eq3A_326 = arith.constant 0 : i32
        %eq3A_327 = arith.cmpi eq, %jit3A_325, %eq3A_326 : i32
        %jit3A_328 = arith.constant 1 : i32
        %select_n3A_329 = arith.select %eq3A_327, %jit3A_328, %jit3A_325 : i32
        %rem3A_330 = arith.remsi %select_n3A_324, %select_n3A_329 : i32
        %ne3A_331 = arith.constant 0 : i32
        %ne3A_332 = arith.cmpi ne, %rem3A_330, %ne3A_331 : i32
        %lt3A_333 = arith.constant 0 : i32
        %lt3A_334 = arith.cmpi slt, %rem3A_330, %lt3A_333 : i32
        %lt3A_335 = arith.constant 0 : i32
        %lt3A_336 = arith.cmpi slt, %select_n3A_329, %lt3A_335 : i32
        %ne3A_337 = arith.xori %lt3A_334, %lt3A_336 : i1
        %and3A_338 = arith.andi %ne3A_337, %ne3A_332 : i1
        %add3A_339 = arith.addi %rem3A_330, %select_n3A_329 : i32
        %select_n3A_340 = arith.select %and3A_338, %add3A_339, %rem3A_330 : i32
        %add3A_341 = arith.constant 1 : i32
        %add3A_342 = arith.addi %while3A_169, %add3A_341 : i32
        %jit3A_343 = arith.constant 2 : i32
        %eq3A_344 = arith.constant 0 : i32
        %eq3A_345 = arith.cmpi eq, %jit3A_343, %eq3A_344 : i32
        %jit3A_346 = arith.constant 1 : i32
        %select_n3A_347 = arith.select %eq3A_345, %jit3A_346, %jit3A_343 : i32
        %rem3A_348 = arith.remsi %add3A_342, %select_n3A_347 : i32
        %ne3A_349 = arith.constant 0 : i32
        %ne3A_350 = arith.cmpi ne, %rem3A_348, %ne3A_349 : i32
        %lt3A_351 = arith.constant 0 : i32
        %lt3A_352 = arith.cmpi slt, %rem3A_348, %lt3A_351 : i32
        %lt3A_353 = arith.constant 0 : i32
        %lt3A_354 = arith.cmpi slt, %select_n3A_347, %lt3A_353 : i32
        %ne3A_355 = arith.xori %lt3A_352, %lt3A_354 : i1
        %and3A_356 = arith.andi %ne3A_355, %ne3A_350 : i1
        %add3A_357 = arith.addi %rem3A_348, %select_n3A_347 : i32
        %select_n3A_358 = arith.select %and3A_356, %add3A_357, %rem3A_348 : i32
        %sub3A_359 = arith.constant 1 : i32
        %sub3A_360 = arith.subi %sub3A_359, %select_n3A_185 : i32
        %dma_start3A_361 = arith.constant 0 : i32
        %dma_start3A_362 = arith.constant 0 : i32
        %dma_start3A_363 = tpu.memref_slice %arg14[%sub3A_360, %dma_start3A_361, %dma_start3A_362] : memref<2x64x128xf32, #tpu.memory_space<vmem>> -> memref<1x64x128xf32, #tpu.memory_space<vmem>>
        %dma_start3A_364 = tpu.memref_squeeze %dma_start3A_363 : memref<1x64x128xf32, #tpu.memory_space<vmem>> -> memref<64x128xf32, #tpu.memory_space<vmem>>
        %dma_start3A_365 = arith.constant 0 : i32
        %dma_start3A_366 = tpu.memref_slice %arg9[%select_n3A_340, %select_n3A_358, %dma_start3A_365] : memref<2x2x64xi32, #tpu.memory_space<vmem>> -> memref<1x1x64xi32, #tpu.memory_space<vmem>>
        %dma_start3A_367 = tpu.memref_squeeze %dma_start3A_366 : memref<1x1x64xi32, #tpu.memory_space<vmem>> -> memref<64xi32, #tpu.memory_space<vmem>>
        %dma_start3A_368 = arith.constant 0 : i32
        %dma_start3A_369 = arith.constant 0 : i32
        %dma_start3A_370 = tpu.memref_slice %arg2[%dma_start3A_368, %dma_start3A_369] : memref<10240x128xf32, #tpu.memory_space<hbm>> -> memref<10240x128xf32, #tpu.memory_space<hbm>>
        tpu.enqueue_indirect_dma source(%dma_start3A_370 : memref<10240x128xf32, #tpu.memory_space<hbm>>) target(%dma_start3A_364 : memref<64x128xf32, #tpu.memory_space<vmem>>) offsets(%dma_start3A_367 : memref<64xi32, #tpu.memory_space<vmem>>) semaphore(%arg17 : memref<!tpu.dma_semaphore, #tpu.memory_space<semaphore_mem>>)
      } else {
      }
      %dma_wait3A_275 = arith.constant 0 : i32
      %dma_wait3A_276 = arith.constant 0 : i32
      %dma_wait3A_277 = arith.constant 0 : i32
      %dma_wait3A_278 = arith.constant 0 : i32
      %dma_wait3A_279 = tpu.memref_slice %arg14[%select_n3A_185, %dma_wait3A_277, %dma_wait3A_278] : memref<2x64x128xf32, #tpu.memory_space<vmem>> -> memref<1x64x128xf32, #tpu.memory_space<vmem>>
      %dma_wait3A_280 = tpu.memref_squeeze %dma_wait3A_279 : memref<1x64x128xf32, #tpu.memory_space<vmem>> -> memref<64x128xf32, #tpu.memory_space<vmem>>
      %dma_wait3A_281 = arith.constant 0 : i32
      %dma_wait3A_282 = tpu.memref_slice %arg9[%dma_wait3A_275, %dma_wait3A_276, %dma_wait3A_281] : memref<2x2x64xi32, #tpu.memory_space<vmem>> -> memref<1x1x64xi32, #tpu.memory_space<vmem>>
      %dma_wait3A_283 = tpu.memref_squeeze %dma_wait3A_282 : memref<1x1x64xi32, #tpu.memory_space<vmem>> -> memref<64xi32, #tpu.memory_space<vmem>>
      %dma_wait3A_284 = arith.constant 0 : i32
      %dma_wait3A_285 = arith.constant 0 : i32
      %dma_wait3A_286 = tpu.memref_slice %arg2[%dma_wait3A_284, %dma_wait3A_285] : memref<10240x128xf32, #tpu.memory_space<hbm>> -> memref<10240x128xf32, #tpu.memory_space<hbm>>
      tpu.wait_indirect_dma semaphore(%arg17 : memref<!tpu.dma_semaphore, #tpu.memory_space<semaphore_mem>>) src(%dma_wait3A_286 : memref<10240x128xf32, #tpu.memory_space<hbm>>) dst(%dma_wait3A_280 : memref<64x128xf32, #tpu.memory_space<vmem>>)
      %parallel_loop3A = arith.constant 0 : i32
      %parallel_loop3A_287 = arith.constant 64 : i32
      %parallel_loop3A_288 = arith.constant 1 : i32
      scf.for %parallel_loop3A_299 = %parallel_loop3A to %parallel_loop3A_287 step %parallel_loop3A_288  : i32 {
        %parallel_loop3A_300 = arith.constant 4 : i32
        %parallel_loop3A_301 = arith.shrsi %parallel_loop3A_299, %parallel_loop3A_300 : i32
        %parallel_loop3A_302 = vector.broadcast %parallel_loop3A_301 : i32 to vector<16xi32>
        %parallel_loop3A_303 = arith.constant 15 : i32
        %parallel_loop3A_304 = arith.andi %parallel_loop3A_299, %parallel_loop3A_303 : i32
        %parallel_loop3A_305 = vector.broadcast %parallel_loop3A_304 : i32 to vector<16xi32>
        %parallel_loop3A_306 = tpu.vector_load_idx %arg13[%parallel_loop3A_302, %parallel_loop3A_305] : memref<4x16xf32, #tpu.memory_space<vmem>>[vector<16xi32>, vector<16xi32>], vector<16xf32>,
        %parallel_loop3A_307 = arith.index_cast %select_n3A_185 : i32 to index
        %parallel_loop3A_308 = arith.index_cast %parallel_loop3A_299 : i32 to index
        %parallel_loop3A_309 = arith.constant 0 : index
        %parallel_loop3A_310 = tpu.vector_load %arg14[%parallel_loop3A_307, %parallel_loop3A_308, %parallel_loop3A_309] {strides = array<i32>} : memref<2x64x128xf32, #tpu.memory_space<vmem>>, vector<16xf32>,
        %parallel_loop3A_311 = arith.mulf %parallel_loop3A_310, %parallel_loop3A_306 : vector<16xf32>
        %parallel_loop3A_312 = arith.index_cast %select_n3A_185 : i32 to index
        %parallel_loop3A_313 = arith.index_cast %parallel_loop3A_299 : i32 to index
        %parallel_loop3A_314 = arith.constant 0 : index
        %parallel_loop3A_315 = tpu.vector_load %arg14[%parallel_loop3A_312, %parallel_loop3A_313, %parallel_loop3A_314] {strides = array<i32>} : memref<2x64x128xf32, #tpu.memory_space<vmem>>, vector<16xf32>,
        tpu.vector_store %arg14[%parallel_loop3A_312, %parallel_loop3A_313, %parallel_loop3A_314], %parallel_loop3A_311 {strides = array<i32>} : memref<2x64x128xf32, #tpu.memory_space<vmem>>, vector<16xf32>,
        %parallel_loop3A_316 = arith.index_cast %select_n3A_185 : i32 to index
        %parallel_loop3A_317 = arith.index_cast %parallel_loop3A_299 : i32 to index
        %parallel_loop3A_318 = arith.constant 16 : index
        %parallel_loop3A_319 = tpu.vector_load %arg14[%parallel_loop3A_316, %parallel_loop3A_317, %parallel_loop3A_318] {strides = array<i32>} : memref<2x64x128xf32, #tpu.memory_space<vmem>>, vector<16xf32>,
        %parallel_loop3A_320 = arith.mulf %parallel_loop3A_319, %parallel_loop3A_306 : vector<16xf32>
        %parallel_loop3A_321 = arith.index_cast %select_n3A_185 : i32 to index
        %parallel_loop3A_322 = arith.index_cast %parallel_loop3A_299 : i32 to index
        %parallel_loop3A_323 = arith.constant 16 : index
        %parallel_loop3A_324 = tpu.vector_load %arg14[%parallel_loop3A_321, %parallel_loop3A_322, %parallel_loop3A_323] {strides = array<i32>} : memref<2x64x128xf32, #tpu.memory_space<vmem>>, vector<16xf32>,
        tpu.vector_store %arg14[%parallel_loop3A_321, %parallel_loop3A_322, %parallel_loop3A_323], %parallel_loop3A_320 {strides = array<i32>} : memref<2x64x128xf32, #tpu.memory_space<vmem>>, vector<16xf32>,
        %parallel_loop3A_325 = arith.index_cast %select_n3A_185 : i32 to index
        %parallel_loop3A_326 = arith.index_cast %parallel_loop3A_299 : i32 to index
        %parallel_loop3A_327 = arith.constant 32 : index
        %parallel_loop3A_328 = tpu.vector_load %arg14[%parallel_loop3A_325, %parallel_loop3A_326, %parallel_loop3A_327] {strides = array<i32>} : memref<2x64x128xf32, #tpu.memory_space<vmem>>, vector<16xf32>,
        %parallel_loop3A_329 = arith.mulf %parallel_loop3A_328, %parallel_loop3A_306 : vector<16xf32>
        %parallel_loop3A_330 = arith.index_cast %select_n3A_185 : i32 to index
        %parallel_loop3A_331 = arith.index_cast %parallel_loop3A_299 : i32 to index
        %parallel_loop3A_332 = arith.constant 32 : index
        %parallel_loop3A_333 = tpu.vector_load %arg14[%parallel_loop3A_330, %parallel_loop3A_331, %parallel_loop3A_332] {strides = array<i32>} : memref<2x64x128xf32, #tpu.memory_space<vmem>>, vector<16xf32>,
        tpu.vector_store %arg14[%parallel_loop3A_330, %parallel_loop3A_331, %parallel_loop3A_332], %parallel_loop3A_329 {strides = array<i32>} : memref<2x64x128xf32, #tpu.memory_space<vmem>>, vector<16xf32>,
        %parallel_loop3A_334 = arith.index_cast %select_n3A_185 : i32 to index
        %parallel_loop3A_335 = arith.index_cast %parallel_loop3A_299 : i32 to index
        %parallel_loop3A_336 = arith.constant 48 : index
        %parallel_loop3A_337 = tpu.vector_load %arg14[%parallel_loop3A_334, %parallel_loop3A_335, %parallel_loop3A_336] {strides = array<i32>} : memref<2x64x128xf32, #tpu.memory_space<vmem>>, vector<16xf32>,
        %parallel_loop3A_338 = arith.mulf %parallel_loop3A_337, %parallel_loop3A_306 : vector<16xf32>
        %parallel_loop3A_339 = arith.index_cast %select_n3A_185 : i32 to index
        %parallel_loop3A_340 = arith.index_cast %parallel_loop3A_299 : i32 to index
        %parallel_loop3A_341 = arith.constant 48 : index
        %parallel_loop3A_342 = tpu.vector_load %arg14[%parallel_loop3A_339, %parallel_loop3A_340, %parallel_loop3A_341] {strides = array<i32>} : memref<2x64x128xf32, #tpu.memory_space<vmem>>, vector<16xf32>,
        tpu.vector_store %arg14[%parallel_loop3A_339, %parallel_loop3A_340, %parallel_loop3A_341], %parallel_loop3A_338 {strides = array<i32>} : memref<2x64x128xf32, #tpu.memory_space<vmem>>, vector<16xf32>,
        %parallel_loop3A_343 = arith.index_cast %select_n3A_185 : i32 to index
        %parallel_loop3A_344 = arith.index_cast %parallel_loop3A_299 : i32 to index
        %parallel_loop3A_345 = arith.constant 64 : index
        %parallel_loop3A_346 = tpu.vector_load %arg14[%parallel_loop3A_343, %parallel_loop3A_344, %parallel_loop3A_345] {strides = array<i32>} : memref<2x64x128xf32, #tpu.memory_space<vmem>>, vector<16xf32>,
        %parallel_loop3A_347 = arith.mulf %parallel_loop3A_346, %parallel_loop3A_306 : vector<16xf32>
        %parallel_loop3A_348 = arith.index_cast %select_n3A_185 : i32 to index
        %parallel_loop3A_349 = arith.index_cast %parallel_loop3A_299 : i32 to index
        %parallel_loop3A_350 = arith.constant 64 : index
        %parallel_loop3A_351 = tpu.vector_load %arg14[%parallel_loop3A_348, %parallel_loop3A_349, %parallel_loop3A_350] {strides = array<i32>} : memref<2x64x128xf32, #tpu.memory_space<vmem>>, vector<16xf32>,
        tpu.vector_store %arg14[%parallel_loop3A_348, %parallel_loop3A_349, %parallel_loop3A_350], %parallel_loop3A_347 {strides = array<i32>} : memref<2x64x128xf32, #tpu.memory_space<vmem>>, vector<16xf32>,
        %parallel_loop3A_352 = arith.index_cast %select_n3A_185 : i32 to index
        %parallel_loop3A_353 = arith.index_cast %parallel_loop3A_299 : i32 to index
        %parallel_loop3A_354 = arith.constant 80 : index
        %parallel_loop3A_355 = tpu.vector_load %arg14[%parallel_loop3A_352, %parallel_loop3A_353, %parallel_loop3A_354] {strides = array<i32>} : memref<2x64x128xf32, #tpu.memory_space<vmem>>, vector<16xf32>,
        %parallel_loop3A_356 = arith.mulf %parallel_loop3A_355, %parallel_loop3A_306 : vector<16xf32>
        %parallel_loop3A_357 = arith.index_cast %select_n3A_185 : i32 to index
        %parallel_loop3A_358 = arith.index_cast %parallel_loop3A_299 : i32 to index
        %parallel_loop3A_359 = arith.constant 80 : index
        %parallel_loop3A_360 = tpu.vector_load %arg14[%parallel_loop3A_357, %parallel_loop3A_358, %parallel_loop3A_359] {strides = array<i32>} : memref<2x64x128xf32, #tpu.memory_space<vmem>>, vector<16xf32>,
        tpu.vector_store %arg14[%parallel_loop3A_357, %parallel_loop3A_358, %parallel_loop3A_359], %parallel_loop3A_356 {strides = array<i32>} : memref<2x64x128xf32, #tpu.memory_space<vmem>>, vector<16xf32>,
        %parallel_loop3A_361 = arith.index_cast %select_n3A_185 : i32 to index
        %parallel_loop3A_362 = arith.index_cast %parallel_loop3A_299 : i32 to index
        %parallel_loop3A_363 = arith.constant 96 : index
        %parallel_loop3A_364 = tpu.vector_load %arg14[%parallel_loop3A_361, %parallel_loop3A_362, %parallel_loop3A_363] {strides = array<i32>} : memref<2x64x128xf32, #tpu.memory_space<vmem>>, vector<16xf32>,
        %parallel_loop3A_365 = arith.mulf %parallel_loop3A_364, %parallel_loop3A_306 : vector<16xf32>
        %parallel_loop3A_366 = arith.index_cast %select_n3A_185 : i32 to index
        %parallel_loop3A_367 = arith.index_cast %parallel_loop3A_299 : i32 to index
        %parallel_loop3A_368 = arith.constant 96 : index
        %parallel_loop3A_369 = tpu.vector_load %arg14[%parallel_loop3A_366, %parallel_loop3A_367, %parallel_loop3A_368] {strides = array<i32>} : memref<2x64x128xf32, #tpu.memory_space<vmem>>, vector<16xf32>,
        tpu.vector_store %arg14[%parallel_loop3A_366, %parallel_loop3A_367, %parallel_loop3A_368], %parallel_loop3A_365 {strides = array<i32>} : memref<2x64x128xf32, #tpu.memory_space<vmem>>, vector<16xf32>,
        %parallel_loop3A_370 = arith.index_cast %select_n3A_185 : i32 to index
        %parallel_loop3A_371 = arith.index_cast %parallel_loop3A_299 : i32 to index
        %parallel_loop3A_372 = arith.constant 112 : index
        %parallel_loop3A_373 = tpu.vector_load %arg14[%parallel_loop3A_370, %parallel_loop3A_371, %parallel_loop3A_372] {strides = array<i32>} : memref<2x64x128xf32, #tpu.memory_space<vmem>>, vector<16xf32>,
        %parallel_loop3A_374 = arith.mulf %parallel_loop3A_373, %parallel_loop3A_306 : vector<16xf32>
        %parallel_loop3A_375 = arith.index_cast %select_n3A_185 : i32 to index
        %parallel_loop3A_376 = arith.index_cast %parallel_loop3A_299 : i32 to index
        %parallel_loop3A_377 = arith.constant 112 : index
        %parallel_loop3A_378 = tpu.vector_load %arg14[%parallel_loop3A_375, %parallel_loop3A_376, %parallel_loop3A_377] {strides = array<i32>} : memref<2x64x128xf32, #tpu.memory_space<vmem>>, vector<16xf32>,
        tpu.vector_store %arg14[%parallel_loop3A_375, %parallel_loop3A_376, %parallel_loop3A_377], %parallel_loop3A_374 {strides = array<i32>} : memref<2x64x128xf32, #tpu.memory_space<vmem>>, vector<16xf32>,
      } {sc.loop_unroll_factor = 4 : i64, sc.parallel_access}
      %dma_start3A_289 = arith.constant 0 : i32
      %dma_start3A_290 = arith.constant 0 : i32
      %dma_start3A_291 = tpu.memref_slice %arg14[%select_n3A_185, %dma_start3A_289, %dma_start3A_290] : memref<2x64x128xf32, #tpu.memory_space<vmem>> -> memref<1x64x128xf32, #tpu.memory_space<vmem>>
      %dma_start3A_292 = tpu.memref_squeeze %dma_start3A_291 : memref<1x64x128xf32, #tpu.memory_space<vmem>> -> memref<64x128xf32, #tpu.memory_space<vmem>>
      %dma_start3A_293 = arith.constant 0 : i32
      %dma_start3A_294 = tpu.memref_slice %arg10[%select_n3A_241, %select_n3A_225, %dma_start3A_293] : memref<2x2x64xi32, #tpu.memory_space<vmem>> -> memref<1x1x64xi32, #tpu.memory_space<vmem>>
      %dma_start3A_295 = tpu.memref_squeeze %dma_start3A_294 : memref<1x1x64xi32, #tpu.memory_space<vmem>> -> memref<64xi32, #tpu.memory_space<vmem>>
      %dma_start3A_296 = arith.constant 0 : i32
      %dma_start3A_297 = arith.constant 0 : i32
      %dma_start3A_298 = tpu.memref_slice %arg16[%dma_start3A_296, %dma_start3A_297] : memref<10240x128xf32, #tpu.memory_space<vmem_shared>> -> memref<10240x128xf32, #tpu.memory_space<vmem_shared>>
      tpu.enqueue_indirect_dma source(%dma_start3A_292 : memref<64x128xf32, #tpu.memory_space<vmem>>) target(%dma_start3A_298 : memref<10240x128xf32, #tpu.memory_space<vmem_shared>>) offsets(%dma_start3A_295 : memref<64xi32, #tpu.memory_space<vmem>>) semaphore(%arg18 : memref<!tpu.dma_semaphore, #tpu.memory_space<semaphore_mem>>) {add = true}
    }
    %while3A_129 = arith.constant 1 : i32
    scf.for %while3A_169 = %while3A_127 to %while3A_123 step %while3A_129  : i32 {
      %jit3A_170 = arith.constant 2 : i32
      %eq3A_171 = arith.constant 0 : i32
      %eq3A_172 = arith.cmpi eq, %jit3A_170, %eq3A_171 : i32
      %jit3A_173 = arith.constant 1 : i32
      %select_n3A_174 = arith.select %eq3A_172, %jit3A_173, %jit3A_170 : i32
      %rem3A_175 = arith.remsi %while3A_169, %select_n3A_174 : i32
      %ne3A_176 = arith.constant 0 : i32
      %ne3A_177 = arith.cmpi ne, %rem3A_175, %ne3A_176 : i32
      %lt3A_178 = arith.constant 0 : i32
      %lt3A_179 = arith.cmpi slt, %rem3A_175, %lt3A_178 : i32
      %lt3A_180 = arith.constant 0 : i32
      %lt3A_181 = arith.cmpi slt, %select_n3A_174, %lt3A_180 : i32
      %ne3A_182 = arith.xori %lt3A_179, %lt3A_181 : i1
      %and3A_183 = arith.andi %ne3A_182, %ne3A_177 : i1
      %add3A_184 = arith.addi %rem3A_175, %select_n3A_174 : i32
      %select_n3A_185 = arith.select %and3A_183, %add3A_184, %rem3A_175 : i32
      %jit3A_186 = arith.constant 2 : i32
      %div3A_187 = arith.divsi %while3A_169, %jit3A_186 : i32
      %sign3A_188 = arith.constant 0 : i32
      %sign3A_189 = arith.cmpi sgt, %while3A_169, %sign3A_188 : i32
      %sign3A_190 = arith.extui %sign3A_189 : i1 to i32
      %sign3A_191 = arith.constant 0 : i32
      %sign3A_192 = arith.cmpi slt, %while3A_169, %sign3A_191 : i32
      %sign3A_193 = arith.extui %sign3A_192 : i1 to i32
      %sign3A_194 = arith.subi %sign3A_190, %sign3A_193 : i32
      %sign3A_195 = arith.constant 0 : i32
      %sign3A_196 = arith.cmpi sgt, %jit3A_186, %sign3A_195 : i32
      %sign3A_197 = arith.extui %sign3A_196 : i1 to i32
      %sign3A_198 = arith.constant 0 : i32
      %sign3A_199 = arith.cmpi slt, %jit3A_186, %sign3A_198 : i32
      %sign3A_200 = arith.extui %sign3A_199 : i1 to i32
      %sign3A_201 = arith.subi %sign3A_197, %sign3A_200 : i32
      %ne3A_202 = arith.cmpi ne, %sign3A_194, %sign3A_201 : i32
      %rem3A_203 = arith.remsi %while3A_169, %jit3A_186 : i32
      %ne3A_204 = arith.constant 0 : i32
      %ne3A_205 = arith.cmpi ne, %rem3A_203, %ne3A_204 : i32
      %and3A_206 = arith.andi %ne3A_202, %ne3A_205 : i1
      %sub3A_207 = arith.constant 1 : i32
      %sub3A_208 = arith.subi %div3A_187, %sub3A_207 : i32
      %select_n3A_209 = arith.select %and3A_206, %sub3A_208, %div3A_187 : i32
      %jit3A_210 = arith.constant 2 : i32
      %eq3A_211 = arith.constant 0 : i32
      %eq3A_212 = arith.cmpi eq, %jit3A_210, %eq3A_211 : i32
      %jit3A_213 = arith.constant 1 : i32
      %select_n3A_214 = arith.select %eq3A_212, %jit3A_213, %jit3A_210 : i32
      %rem3A_215 = arith.remsi %while3A_169, %select_n3A_214 : i32
      %ne3A_216 = arith.constant 0 : i32
      %ne3A_217 = arith.cmpi ne, %rem3A_215, %ne3A_216 : i32
      %lt3A_218 = arith.constant 0 : i32
      %lt3A_219 = arith.cmpi slt, %rem3A_215, %lt3A_218 : i32
      %lt3A_220 = arith.constant 0 : i32
      %lt3A_221 = arith.cmpi slt, %select_n3A_214, %lt3A_220 : i32
      %ne3A_222 = arith.xori %lt3A_219, %lt3A_221 : i1
      %and3A_223 = arith.andi %ne3A_222, %ne3A_217 : i1
      %add3A_224 = arith.addi %rem3A_215, %select_n3A_214 : i32
      %select_n3A_225 = arith.select %and3A_223, %add3A_224, %rem3A_215 : i32
      %jit3A_226 = arith.constant 2 : i32
      %eq3A_227 = arith.constant 0 : i32
      %eq3A_228 = arith.cmpi eq, %jit3A_226, %eq3A_227 : i32
      %jit3A_229 = arith.constant 1 : i32
      %select_n3A_230 = arith.select %eq3A_228, %jit3A_229, %jit3A_226 : i32
      %rem3A_231 = arith.remsi %select_n3A_209, %select_n3A_230 : i32
      %ne3A_232 = arith.constant 0 : i32
      %ne3A_233 = arith.cmpi ne, %rem3A_231, %ne3A_232 : i32
      %lt3A_234 = arith.constant 0 : i32
      %lt3A_235 = arith.cmpi slt, %rem3A_231, %lt3A_234 : i32
      %lt3A_236 = arith.constant 0 : i32
      %lt3A_237 = arith.cmpi slt, %select_n3A_230, %lt3A_236 : i32
      %ne3A_238 = arith.xori %lt3A_235, %lt3A_237 : i1
      %and3A_239 = arith.andi %ne3A_238, %ne3A_233 : i1
      %add3A_240 = arith.addi %rem3A_231, %select_n3A_230 : i32
      %select_n3A_241 = arith.select %and3A_239, %add3A_240, %rem3A_231 : i32
      %ge3A = arith.constant 1 : i32
      %ge3A_242 = arith.cmpi sge, %while3A_169, %ge3A : i32
      %convert_element_type3A = arith.extui %ge3A_242 : i1 to i32
      %cond3A = arith.constant 0 : i32
      %cond3A_243 = arith.cmpi ne, %convert_element_type3A, %cond3A : i32
      scf.if %cond3A_243 {
        %sub3A_299 = arith.constant 1 : i32
        %sub3A_300 = arith.subi %sub3A_299, %select_n3A_185 : i32
        %dma_wait3A_301 = arith.constant 0 : i32
        %dma_wait3A_302 = arith.constant 0 : i32
        %dma_wait3A_303 = arith.constant 0 : i32
        %dma_wait3A_304 = arith.constant 0 : i32
        %dma_wait3A_305 = tpu.memref_slice %arg14[%sub3A_300, %dma_wait3A_303, %dma_wait3A_304] : memref<2x64x128xf32, #tpu.memory_space<vmem>> -> memref<1x64x128xf32, #tpu.memory_space<vmem>>
        %dma_wait3A_306 = tpu.memref_squeeze %dma_wait3A_305 : memref<1x64x128xf32, #tpu.memory_space<vmem>> -> memref<64x128xf32, #tpu.memory_space<vmem>>
        %dma_wait3A_307 = arith.constant 0 : i32
        %dma_wait3A_308 = tpu.memref_slice %arg10[%dma_wait3A_301, %dma_wait3A_302, %dma_wait3A_307] : memref<2x2x64xi32, #tpu.memory_space<vmem>> -> memref<1x1x64xi32, #tpu.memory_space<vmem>>
        %dma_wait3A_309 = tpu.memref_squeeze %dma_wait3A_308 : memref<1x1x64xi32, #tpu.memory_space<vmem>> -> memref<64xi32, #tpu.memory_space<vmem>>
        %dma_wait3A_310 = arith.constant 0 : i32
        %dma_wait3A_311 = arith.constant 0 : i32
        %dma_wait3A_312 = tpu.memref_slice %arg16[%dma_wait3A_310, %dma_wait3A_311] : memref<10240x128xf32, #tpu.memory_space<vmem_shared>> -> memref<10240x128xf32, #tpu.memory_space<vmem_shared>>
        tpu.wait_indirect_dma semaphore(%arg18 : memref<!tpu.dma_semaphore, #tpu.memory_space<semaphore_mem>>) src(%dma_wait3A_306 : memref<64x128xf32, #tpu.memory_space<vmem>>) dst(%dma_wait3A_312 : memref<10240x128xf32, #tpu.memory_space<vmem_shared>>)
      } else {
      }
      %eq3A_244 = arith.constant 0 : i32
      %eq3A_245 = arith.cmpi eq, %select_n3A_225, %eq3A_244 : i32
      %add3A_246 = arith.constant 1 : i32
      %add3A_247 = arith.addi %select_n3A_209, %add3A_246 : i32
      %sub3A_248 = arith.constant 1 : i32
      %sub3A_249 = arith.subi %select_n3A_51, %sub3A_248 : i32
      %le3A = arith.cmpi sle, %add3A_247, %sub3A_249 : i32
      %and3A_250 = arith.andi %eq3A_245, %le3A : i1
      %convert_element_type3A_251 = arith.extui %and3A_250 : i1 to i32
      %cond3A_252 = arith.constant 0 : i32
      %cond3A_253 = arith.cmpi ne, %convert_element_type3A_251, %cond3A_252 : i32
      scf.if %cond3A_253 {
        %add3A_299 = arith.constant 1 : i32
        %add3A_300 = arith.addi %select_n3A_209, %add3A_299 : i32
        %sub3A_301 = arith.constant 1 : i32
        %sub3A_302 = arith.subi %sub3A_301, %select_n3A_241 : i32
        %mul3A_303 = arith.constant 2 : i32
        %mul3A_304 = arith.muli %add3A_300, %mul3A_303 : i32
        %add3A_305 = arith.addi %add3A, %mul3A_304 : i32
        %dma_start3A_306 = arith.constant 0 : i32
        %dma_start3A_307 = arith.constant 0 : i32
        %dma_start3A_308 = tpu.memref_slice %arg9[%sub3A_302, %dma_start3A_306, %dma_start3A_307] : memref<2x2x64xi32, #tpu.memory_space<vmem>> -> memref<1x2x64xi32, #tpu.memory_space<vmem>>
        %dma_start3A_309 = tpu.memref_squeeze %dma_start3A_308 : memref<1x2x64xi32, #tpu.memory_space<vmem>> -> memref<2x64xi32, #tpu.memory_space<vmem>>
        %dma_start3A_310 = arith.constant 0 : i32
        %dma_start3A_311 = tpu.memref_slice %arg3[%add3A_305, %dma_start3A_310] : memref<5120x64xi32, #tpu.memory_space<hbm>> -> memref<2x64xi32, #tpu.memory_space<hbm>>
        %dma_start3A_312 = arith.constant 0 : i32
        %dma_start3A_313 = arith.constant 0 : i32
        %dma_start3A_314 = tpu.memref_slice %arg9[%sub3A_302, %dma_start3A_312, %dma_start3A_313] : memref<2x2x64xi32, #tpu.memory_space<vmem>> -> memref<1x2x64xi32, #tpu.memory_space<vmem>>
        %dma_start3A_315 = tpu.memref_squeeze %dma_start3A_314 : memref<1x2x64xi32, #tpu.memory_space<vmem>> -> memref<2x64xi32, #tpu.memory_space<vmem>>
        %dma_start3A_316 = arith.constant 0 : i32
        %dma_start3A_317 = tpu.memref_slice %arg3[%add3A_305, %dma_start3A_316] : memref<5120x64xi32, #tpu.memory_space<hbm>> -> memref<2x64xi32, #tpu.memory_space<hbm>>
        tpu.enqueue_dma source(%dma_start3A_317 : memref<2x64xi32, #tpu.memory_space<hbm>>) target(%dma_start3A_315 : memref<2x64xi32, #tpu.memory_space<vmem>>) target_semaphore(%arg19 : memref<!tpu.dma_semaphore, #tpu.memory_space<semaphore_mem>>)
        %dma_start3A_318 = arith.constant 0 : i32
        %dma_start3A_319 = arith.constant 0 : i32
        %dma_start3A_320 = tpu.memref_slice %arg10[%sub3A_302, %dma_start3A_318, %dma_start3A_319] : memref<2x2x64xi32, #tpu.memory_space<vmem>> -> memref<1x2x64xi32, #tpu.memory_space<vmem>>
        %dma_start3A_321 = tpu.memref_squeeze %dma_start3A_320 : memref<1x2x64xi32, #tpu.memory_space<vmem>> -> memref<2x64xi32, #tpu.memory_space<vmem>>
        %dma_start3A_322 = arith.constant 0 : i32
        %dma_start3A_323 = tpu.memref_slice %arg4[%add3A_305, %dma_start3A_322] : memref<5120x64xi32, #tpu.memory_space<hbm>> -> memref<2x64xi32, #tpu.memory_space<hbm>>
        %dma_start3A_324 = arith.constant 0 : i32
        %dma_start3A_325 = arith.constant 0 : i32
        %dma_start3A_326 = tpu.memref_slice %arg10[%sub3A_302, %dma_start3A_324, %dma_start3A_325] : memref<2x2x64xi32, #tpu.memory_space<vmem>> -> memref<1x2x64xi32, #tpu.memory_space<vmem>>
        %dma_start3A_327 = tpu.memref_squeeze %dma_start3A_326 : memref<1x2x64xi32, #tpu.memory_space<vmem>> -> memref<2x64xi32, #tpu.memory_space<vmem>>
        %dma_start3A_328 = arith.constant 0 : i32
        %dma_start3A_329 = tpu.memref_slice %arg4[%add3A_305, %dma_start3A_328] : memref<5120x64xi32, #tpu.memory_space<hbm>> -> memref<2x64xi32, #tpu.memory_space<hbm>>
        tpu.enqueue_dma source(%dma_start3A_329 : memref<2x64xi32, #tpu.memory_space<hbm>>) target(%dma_start3A_327 : memref<2x64xi32, #tpu.memory_space<vmem>>) target_semaphore(%arg19 : memref<!tpu.dma_semaphore, #tpu.memory_space<semaphore_mem>>)
      } else {
      }
      %scan3A_254 = arith.constant 0 : i32
      %scan3A_255 = arith.constant 0 : i32
      %scan3A_256 = arith.constant 4 : i32
      %scan3A_257 = arith.addi %scan3A_255, %scan3A_256 : i32
      %scan3A_258 = arith.constant 1 : i32
      scf.for %scan3A_299 = %scan3A_255 to %scan3A_257 step %scan3A_258  : i32 {
        %mul3A_300 = arith.constant 16 : i32
        %mul3A_301 = arith.muli %scan3A_299, %mul3A_300 : i32
        %get3A = arith.index_cast %select_n3A_241 : i32 to index
        %get3A_302 = arith.index_cast %select_n3A_225 : i32 to index
        %get3A_303 = arith.index_cast %mul3A_301 : i32 to index
        %get3A_304 = tpu.vector_load %arg9[%get3A, %get3A_302, %get3A_303] {strides = array<i32>} : memref<2x2x64xi32, #tpu.memory_space<vmem>>, vector<16xi32>,
        %mul3A_305 = arith.constant 16 : i32
        %mul3A_306 = arith.muli %scan3A_299, %mul3A_305 : i32
        %get3A_307 = arith.index_cast %select_n3A_241 : i32 to index
        %get3A_308 = arith.index_cast %select_n3A_225 : i32 to index
        %get3A_309 = arith.index_cast %mul3A_306 : i32 to index
        %get3A_310 = tpu.vector_load %arg10[%get3A_307, %get3A_308, %get3A_309] {strides = array<i32>} : memref<2x2x64xi32, #tpu.memory_space<vmem>>, vector<16xi32>,
        %shift_right_arithmetic3A = arith.constant 7 : i32
        %shift_right_arithmetic3A_311 = vector.broadcast %shift_right_arithmetic3A : i32 to vector<16xi32>
        %shift_right_arithmetic3A_312 = arith.shrsi %get3A_304, %shift_right_arithmetic3A_311 : vector<16xi32>
        %and3A_313 = arith.constant 127 : i32
        %and3A_314 = vector.broadcast %and3A_313 : i32 to vector<16xi32>
        %and3A_315 = arith.andi %get3A_304, %and3A_314 : vector<16xi32>
        %gather3A = tpu.vector_load_idx %arg11[%shift_right_arithmetic3A_312, %and3A_315] : memref<80x128xf32, #tpu.memory_space<vmem>>[vector<16xi32>, vector<16xi32>], vector<16xf32>,
        %shift_right_arithmetic3A_316 = arith.constant 7 : i32
        %shift_right_arithmetic3A_317 = vector.broadcast %shift_right_arithmetic3A_316 : i32 to vector<16xi32>
        %shift_right_arithmetic3A_318 = arith.shrsi %get3A_310, %shift_right_arithmetic3A_317 : vector<16xi32>
        %and3A_319 = arith.constant 127 : i32
        %and3A_320 = vector.broadcast %and3A_319 : i32 to vector<16xi32>
        %and3A_321 = arith.andi %get3A_310, %and3A_320 : vector<16xi32>
        %gather3A_322 = tpu.vector_load_idx %arg12[%shift_right_arithmetic3A_318, %and3A_321] : memref<80x128xf32, #tpu.memory_space<vmem>>[vector<16xi32>, vector<16xi32>], vector<16xf32>,
        %add3A_323 = arith.addf %gather3A, %gather3A_322 : vector<16xf32>
        %gt3A = arith.constant 0.000000e+00 : f32
        %gt3A_324 = vector.broadcast %gt3A : f32 to vector<16xf32>
        %gt3A_325 = arith.cmpf ogt, %add3A_323, %gt3A_324 : vector<16xf32>
        %mul3A_326 = arith.constant 2.000000e-01 : f32
        %mul3A_327 = vector.broadcast %mul3A_326 : f32 to vector<16xf32>
        %mul3A_328 = arith.mulf %mul3A_327, %add3A_323 : vector<16xf32>
        %select_n3A_329 = arith.select %gt3A_325, %add3A_323, %mul3A_328 : vector<16xi1>, vector<16xf32>
        %exp3A = math.exp %select_n3A_329 : vector<16xf32>
        %swap3A = arith.index_cast %scan3A_299 : i32 to index
        %swap3A_330 = arith.constant 0 : index
        %swap3A_331 = tpu.vector_load %arg13[%swap3A, %swap3A_330] {strides = array<i32>} : memref<4x16xf32, #tpu.memory_space<vmem>>, vector<16xf32>,
        tpu.vector_store %arg13[%swap3A, %swap3A_330], %exp3A {strides = array<i32>} : memref<4x16xf32, #tpu.memory_space<vmem>>, vector<16xf32>,
        %shift_right_arithmetic3A_332 = arith.constant 7 : i32
        %shift_right_arithmetic3A_333 = vector.broadcast %shift_right_arithmetic3A_332 : i32 to vector<16xi32>
        %shift_right_arithmetic3A_334 = arith.shrsi %get3A_310, %shift_right_arithmetic3A_333 : vector<16xi32>
        %and3A_335 = arith.constant 127 : i32
        %and3A_336 = vector.broadcast %and3A_335 : i32 to vector<16xi32>
        %and3A_337 = arith.andi %get3A_310, %and3A_336 : vector<16xi32>
        tpu.vector_store_idx %arg15[%shift_right_arithmetic3A_334, %and3A_337], %exp3A {add = true} : memref<80x128xf32, #tpu.memory_space<vmem>>[vector<16xi32>, vector<16xi32>], vector<16xf32>,
      }
      %scan3A_259 = arith.constant 4 : i32
      %eq3A_260 = arith.constant 1 : i32
      %eq3A_261 = arith.cmpi eq, %select_n3A_225, %eq3A_260 : i32
      %add3A_262 = arith.constant 1 : i32
      %add3A_263 = arith.addi %while3A_169, %add3A_262 : i32
      %lt3A_264 = arith.cmpi slt, %add3A_263, %select_n3A_33 : i32
      %and3A_265 = arith.andi %eq3A_261, %lt3A_264 : i1
      %convert_element_type3A_266 = arith.extui %and3A_265 : i1 to i32
      %cond3A_267 = arith.constant 0 : i32
      %cond3A_268 = arith.cmpi ne, %convert_element_type3A_266, %cond3A_267 : i32
      scf.if %cond3A_268 {
        %dma_wait3A_299 = arith.constant 0 : i32
        %dma_wait3A_300 = arith.constant 0 : i32
        %dma_wait3A_301 = arith.constant 0 : i32
        %dma_wait3A_302 = tpu.memref_slice %arg9[%dma_wait3A_299, %dma_wait3A_300, %dma_wait3A_301] : memref<2x2x64xi32, #tpu.memory_space<vmem>> -> memref<1x2x64xi32, #tpu.memory_space<vmem>>
        %dma_wait3A_303 = tpu.memref_squeeze %dma_wait3A_302 : memref<1x2x64xi32, #tpu.memory_space<vmem>> -> memref<2x64xi32, #tpu.memory_space<vmem>>
        %dma_wait3A_304 = arith.constant 0 : i32
        %dma_wait3A_305 = arith.constant 0 : i32
        %dma_wait3A_306 = tpu.memref_slice %arg3[%dma_wait3A_304, %dma_wait3A_305] : memref<5120x64xi32, #tpu.memory_space<hbm>> -> memref<2x64xi32, #tpu.memory_space<hbm>>
        %dma_wait3A_307 = arith.constant 0 : i32
        %dma_wait3A_308 = arith.constant 0 : i32
        %dma_wait3A_309 = tpu.memref_slice %arg9[%dma_wait3A_299, %dma_wait3A_307, %dma_wait3A_308] : memref<2x2x64xi32, #tpu.memory_space<vmem>> -> memref<1x2x64xi32, #tpu.memory_space<vmem>>
        %dma_wait3A_310 = tpu.memref_squeeze %dma_wait3A_309 : memref<1x2x64xi32, #tpu.memory_space<vmem>> -> memref<2x64xi32, #tpu.memory_space<vmem>>
        %dma_wait3A_311 = arith.constant 0 : i32
        %dma_wait3A_312 = arith.constant 0 : i32
        %dma_wait3A_313 = tpu.memref_slice %arg3[%dma_wait3A_311, %dma_wait3A_312] : memref<5120x64xi32, #tpu.memory_space<hbm>> -> memref<2x64xi32, #tpu.memory_space<hbm>>
        tpu.wait_dma2 semaphore(%arg19 : memref<!tpu.dma_semaphore, #tpu.memory_space<semaphore_mem>>) src(%dma_wait3A_313 : memref<2x64xi32, #tpu.memory_space<hbm>>) dst(%dma_wait3A_310 : memref<2x64xi32, #tpu.memory_space<vmem>>)
        %dma_wait3A_314 = arith.constant 0 : i32
        %dma_wait3A_315 = arith.constant 0 : i32
        %dma_wait3A_316 = arith.constant 0 : i32
        %dma_wait3A_317 = tpu.memref_slice %arg10[%dma_wait3A_314, %dma_wait3A_315, %dma_wait3A_316] : memref<2x2x64xi32, #tpu.memory_space<vmem>> -> memref<1x2x64xi32, #tpu.memory_space<vmem>>
        %dma_wait3A_318 = tpu.memref_squeeze %dma_wait3A_317 : memref<1x2x64xi32, #tpu.memory_space<vmem>> -> memref<2x64xi32, #tpu.memory_space<vmem>>
        %dma_wait3A_319 = arith.constant 0 : i32
        %dma_wait3A_320 = arith.constant 0 : i32
        %dma_wait3A_321 = tpu.memref_slice %arg4[%dma_wait3A_319, %dma_wait3A_320] : memref<5120x64xi32, #tpu.memory_space<hbm>> -> memref<2x64xi32, #tpu.memory_space<hbm>>
        %dma_wait3A_322 = arith.constant 0 : i32
        %dma_wait3A_323 = arith.constant 0 : i32
        %dma_wait3A_324 = tpu.memref_slice %arg10[%dma_wait3A_314, %dma_wait3A_322, %dma_wait3A_323] : memref<2x2x64xi32, #tpu.memory_space<vmem>> -> memref<1x2x64xi32, #tpu.memory_space<vmem>>
        %dma_wait3A_325 = tpu.memref_squeeze %dma_wait3A_324 : memref<1x2x64xi32, #tpu.memory_space<vmem>> -> memref<2x64xi32, #tpu.memory_space<vmem>>
        %dma_wait3A_326 = arith.constant 0 : i32
        %dma_wait3A_327 = arith.constant 0 : i32
        %dma_wait3A_328 = tpu.memref_slice %arg4[%dma_wait3A_326, %dma_wait3A_327] : memref<5120x64xi32, #tpu.memory_space<hbm>> -> memref<2x64xi32, #tpu.memory_space<hbm>>
        tpu.wait_dma2 semaphore(%arg19 : memref<!tpu.dma_semaphore, #tpu.memory_space<semaphore_mem>>) src(%dma_wait3A_328 : memref<2x64xi32, #tpu.memory_space<hbm>>) dst(%dma_wait3A_325 : memref<2x64xi32, #tpu.memory_space<vmem>>)
      } else {
      }
      %add3A_269 = arith.constant 1 : i32
      %add3A_270 = arith.addi %while3A_169, %add3A_269 : i32
      %lt3A_271 = arith.cmpi slt, %add3A_270, %select_n3A_33 : i32
      %convert_element_type3A_272 = arith.extui %lt3A_271 : i1 to i32
      %cond3A_273 = arith.constant 0 : i32
      %cond3A_274 = arith.cmpi ne, %convert_element_type3A_272, %cond3A_273 : i32
      scf.if %cond3A_274 {
        %add3A_299 = arith.constant 1 : i32
        %add3A_300 = arith.addi %while3A_169, %add3A_299 : i32
        %jit3A_301 = arith.constant 2 : i32
        %div3A_302 = arith.divsi %add3A_300, %jit3A_301 : i32
        %sign3A_303 = arith.constant 0 : i32
        %sign3A_304 = arith.cmpi sgt, %add3A_300, %sign3A_303 : i32
        %sign3A_305 = arith.extui %sign3A_304 : i1 to i32
        %sign3A_306 = arith.constant 0 : i32
        %sign3A_307 = arith.cmpi slt, %add3A_300, %sign3A_306 : i32
        %sign3A_308 = arith.extui %sign3A_307 : i1 to i32
        %sign3A_309 = arith.subi %sign3A_305, %sign3A_308 : i32
        %sign3A_310 = arith.constant 0 : i32
        %sign3A_311 = arith.cmpi sgt, %jit3A_301, %sign3A_310 : i32
        %sign3A_312 = arith.extui %sign3A_311 : i1 to i32
        %sign3A_313 = arith.constant 0 : i32
        %sign3A_314 = arith.cmpi slt, %jit3A_301, %sign3A_313 : i32
        %sign3A_315 = arith.extui %sign3A_314 : i1 to i32
        %sign3A_316 = arith.subi %sign3A_312, %sign3A_315 : i32
        %ne3A_317 = arith.cmpi ne, %sign3A_309, %sign3A_316 : i32
        %rem3A_318 = arith.remsi %add3A_300, %jit3A_301 : i32
        %ne3A_319 = arith.constant 0 : i32
        %ne3A_320 = arith.cmpi ne, %rem3A_318, %ne3A_319 : i32
        %and3A_321 = arith.andi %ne3A_317, %ne3A_320 : i1
        %sub3A_322 = arith.constant 1 : i32
        %sub3A_323 = arith.subi %div3A_302, %sub3A_322 : i32
        %select_n3A_324 = arith.select %and3A_321, %sub3A_323, %div3A_302 : i32
        %jit3A_325 = arith.constant 2 : i32
        %eq3A_326 = arith.constant 0 : i32
        %eq3A_327 = arith.cmpi eq, %jit3A_325, %eq3A_326 : i32
        %jit3A_328 = arith.constant 1 : i32
        %select_n3A_329 = arith.select %eq3A_327, %jit3A_328, %jit3A_325 : i32
        %rem3A_330 = arith.remsi %select_n3A_324, %select_n3A_329 : i32
        %ne3A_331 = arith.constant 0 : i32
        %ne3A_332 = arith.cmpi ne, %rem3A_330, %ne3A_331 : i32
        %lt3A_333 = arith.constant 0 : i32
        %lt3A_334 = arith.cmpi slt, %rem3A_330, %lt3A_333 : i32
        %lt3A_335 = arith.constant 0 : i32
        %lt3A_336 = arith.cmpi slt, %select_n3A_329, %lt3A_335 : i32
        %ne3A_337 = arith.xori %lt3A_334, %lt3A_336 : i1
        %and3A_338 = arith.andi %ne3A_337, %ne3A_332 : i1
        %add3A_339 = arith.addi %rem3A_330, %select_n3A_329 : i32
        %select_n3A_340 = arith.select %and3A_338, %add3A_339, %rem3A_330 : i32
        %add3A_341 = arith.constant 1 : i32
        %add3A_342 = arith.addi %while3A_169, %add3A_341 : i32
        %jit3A_343 = arith.constant 2 : i32
        %eq3A_344 = arith.constant 0 : i32
        %eq3A_345 = arith.cmpi eq, %jit3A_343, %eq3A_344 : i32
        %jit3A_346 = arith.constant 1 : i32
        %select_n3A_347 = arith.select %eq3A_345, %jit3A_346, %jit3A_343 : i32
        %rem3A_348 = arith.remsi %add3A_342, %select_n3A_347 : i32
        %ne3A_349 = arith.constant 0 : i32
        %ne3A_350 = arith.cmpi ne, %rem3A_348, %ne3A_349 : i32
        %lt3A_351 = arith.constant 0 : i32
        %lt3A_352 = arith.cmpi slt, %rem3A_348, %lt3A_351 : i32
        %lt3A_353 = arith.constant 0 : i32
        %lt3A_354 = arith.cmpi slt, %select_n3A_347, %lt3A_353 : i32
        %ne3A_355 = arith.xori %lt3A_352, %lt3A_354 : i1
        %and3A_356 = arith.andi %ne3A_355, %ne3A_350 : i1
        %add3A_357 = arith.addi %rem3A_348, %select_n3A_347 : i32
        %select_n3A_358 = arith.select %and3A_356, %add3A_357, %rem3A_348 : i32
        %sub3A_359 = arith.constant 1 : i32
        %sub3A_360 = arith.subi %sub3A_359, %select_n3A_185 : i32
        %dma_start3A_361 = arith.constant 0 : i32
        %dma_start3A_362 = arith.constant 0 : i32
        %dma_start3A_363 = tpu.memref_slice %arg14[%sub3A_360, %dma_start3A_361, %dma_start3A_362] : memref<2x64x128xf32, #tpu.memory_space<vmem>> -> memref<1x64x128xf32, #tpu.memory_space<vmem>>
        %dma_start3A_364 = tpu.memref_squeeze %dma_start3A_363 : memref<1x64x128xf32, #tpu.memory_space<vmem>> -> memref<64x128xf32, #tpu.memory_space<vmem>>
        %dma_start3A_365 = arith.constant 0 : i32
        %dma_start3A_366 = tpu.memref_slice %arg9[%select_n3A_340, %select_n3A_358, %dma_start3A_365] : memref<2x2x64xi32, #tpu.memory_space<vmem>> -> memref<1x1x64xi32, #tpu.memory_space<vmem>>
        %dma_start3A_367 = tpu.memref_squeeze %dma_start3A_366 : memref<1x1x64xi32, #tpu.memory_space<vmem>> -> memref<64xi32, #tpu.memory_space<vmem>>
        %dma_start3A_368 = arith.constant 0 : i32
        %dma_start3A_369 = arith.constant 0 : i32
        %dma_start3A_370 = tpu.memref_slice %arg2[%dma_start3A_368, %dma_start3A_369] : memref<10240x128xf32, #tpu.memory_space<hbm>> -> memref<10240x128xf32, #tpu.memory_space<hbm>>
        tpu.enqueue_indirect_dma source(%dma_start3A_370 : memref<10240x128xf32, #tpu.memory_space<hbm>>) target(%dma_start3A_364 : memref<64x128xf32, #tpu.memory_space<vmem>>) offsets(%dma_start3A_367 : memref<64xi32, #tpu.memory_space<vmem>>) semaphore(%arg17 : memref<!tpu.dma_semaphore, #tpu.memory_space<semaphore_mem>>)
      } else {
      }
      %dma_wait3A_275 = arith.constant 0 : i32
      %dma_wait3A_276 = arith.constant 0 : i32
      %dma_wait3A_277 = arith.constant 0 : i32
      %dma_wait3A_278 = arith.constant 0 : i32
      %dma_wait3A_279 = tpu.memref_slice %arg14[%select_n3A_185, %dma_wait3A_277, %dma_wait3A_278] : memref<2x64x128xf32, #tpu.memory_space<vmem>> -> memref<1x64x128xf32, #tpu.memory_space<vmem>>
      %dma_wait3A_280 = tpu.memref_squeeze %dma_wait3A_279 : memref<1x64x128xf32, #tpu.memory_space<vmem>> -> memref<64x128xf32, #tpu.memory_space<vmem>>
      %dma_wait3A_281 = arith.constant 0 : i32
      %dma_wait3A_282 = tpu.memref_slice %arg9[%dma_wait3A_275, %dma_wait3A_276, %dma_wait3A_281] : memref<2x2x64xi32, #tpu.memory_space<vmem>> -> memref<1x1x64xi32, #tpu.memory_space<vmem>>
      %dma_wait3A_283 = tpu.memref_squeeze %dma_wait3A_282 : memref<1x1x64xi32, #tpu.memory_space<vmem>> -> memref<64xi32, #tpu.memory_space<vmem>>
      %dma_wait3A_284 = arith.constant 0 : i32
      %dma_wait3A_285 = arith.constant 0 : i32
      %dma_wait3A_286 = tpu.memref_slice %arg2[%dma_wait3A_284, %dma_wait3A_285] : memref<10240x128xf32, #tpu.memory_space<hbm>> -> memref<10240x128xf32, #tpu.memory_space<hbm>>
      tpu.wait_indirect_dma semaphore(%arg17 : memref<!tpu.dma_semaphore, #tpu.memory_space<semaphore_mem>>) src(%dma_wait3A_286 : memref<10240x128xf32, #tpu.memory_space<hbm>>) dst(%dma_wait3A_280 : memref<64x128xf32, #tpu.memory_space<vmem>>)
      %parallel_loop3A = arith.constant 0 : i32
      %parallel_loop3A_287 = arith.constant 64 : i32
      %parallel_loop3A_288 = arith.constant 1 : i32
      scf.for %parallel_loop3A_299 = %parallel_loop3A to %parallel_loop3A_287 step %parallel_loop3A_288  : i32 {
        %parallel_loop3A_300 = arith.constant 4 : i32
        %parallel_loop3A_301 = arith.shrsi %parallel_loop3A_299, %parallel_loop3A_300 : i32
        %parallel_loop3A_302 = vector.broadcast %parallel_loop3A_301 : i32 to vector<16xi32>
        %parallel_loop3A_303 = arith.constant 15 : i32
        %parallel_loop3A_304 = arith.andi %parallel_loop3A_299, %parallel_loop3A_303 : i32
        %parallel_loop3A_305 = vector.broadcast %parallel_loop3A_304 : i32 to vector<16xi32>
        %parallel_loop3A_306 = tpu.vector_load_idx %arg13[%parallel_loop3A_302, %parallel_loop3A_305] : memref<4x16xf32, #tpu.memory_space<vmem>>[vector<16xi32>, vector<16xi32>], vector<16xf32>,
        %parallel_loop3A_307 = arith.index_cast %select_n3A_185 : i32 to index
        %parallel_loop3A_308 = arith.index_cast %parallel_loop3A_299 : i32 to index
        %parallel_loop3A_309 = arith.constant 0 : index
        %parallel_loop3A_310 = tpu.vector_load %arg14[%parallel_loop3A_307, %parallel_loop3A_308, %parallel_loop3A_309] {strides = array<i32>} : memref<2x64x128xf32, #tpu.memory_space<vmem>>, vector<16xf32>,
        %parallel_loop3A_311 = arith.mulf %parallel_loop3A_310, %parallel_loop3A_306 : vector<16xf32>
        %parallel_loop3A_312 = arith.index_cast %select_n3A_185 : i32 to index
        %parallel_loop3A_313 = arith.index_cast %parallel_loop3A_299 : i32 to index
        %parallel_loop3A_314 = arith.constant 0 : index
        %parallel_loop3A_315 = tpu.vector_load %arg14[%parallel_loop3A_312, %parallel_loop3A_313, %parallel_loop3A_314] {strides = array<i32>} : memref<2x64x128xf32, #tpu.memory_space<vmem>>, vector<16xf32>,
        tpu.vector_store %arg14[%parallel_loop3A_312, %parallel_loop3A_313, %parallel_loop3A_314], %parallel_loop3A_311 {strides = array<i32>} : memref<2x64x128xf32, #tpu.memory_space<vmem>>, vector<16xf32>,
        %parallel_loop3A_316 = arith.index_cast %select_n3A_185 : i32 to index
        %parallel_loop3A_317 = arith.index_cast %parallel_loop3A_299 : i32 to index
        %parallel_loop3A_318 = arith.constant 16 : index
        %parallel_loop3A_319 = tpu.vector_load %arg14[%parallel_loop3A_316, %parallel_loop3A_317, %parallel_loop3A_318] {strides = array<i32>} : memref<2x64x128xf32, #tpu.memory_space<vmem>>, vector<16xf32>,
        %parallel_loop3A_320 = arith.mulf %parallel_loop3A_319, %parallel_loop3A_306 : vector<16xf32>
        %parallel_loop3A_321 = arith.index_cast %select_n3A_185 : i32 to index
        %parallel_loop3A_322 = arith.index_cast %parallel_loop3A_299 : i32 to index
        %parallel_loop3A_323 = arith.constant 16 : index
        %parallel_loop3A_324 = tpu.vector_load %arg14[%parallel_loop3A_321, %parallel_loop3A_322, %parallel_loop3A_323] {strides = array<i32>} : memref<2x64x128xf32, #tpu.memory_space<vmem>>, vector<16xf32>,
        tpu.vector_store %arg14[%parallel_loop3A_321, %parallel_loop3A_322, %parallel_loop3A_323], %parallel_loop3A_320 {strides = array<i32>} : memref<2x64x128xf32, #tpu.memory_space<vmem>>, vector<16xf32>,
        %parallel_loop3A_325 = arith.index_cast %select_n3A_185 : i32 to index
        %parallel_loop3A_326 = arith.index_cast %parallel_loop3A_299 : i32 to index
        %parallel_loop3A_327 = arith.constant 32 : index
        %parallel_loop3A_328 = tpu.vector_load %arg14[%parallel_loop3A_325, %parallel_loop3A_326, %parallel_loop3A_327] {strides = array<i32>} : memref<2x64x128xf32, #tpu.memory_space<vmem>>, vector<16xf32>,
        %parallel_loop3A_329 = arith.mulf %parallel_loop3A_328, %parallel_loop3A_306 : vector<16xf32>
        %parallel_loop3A_330 = arith.index_cast %select_n3A_185 : i32 to index
        %parallel_loop3A_331 = arith.index_cast %parallel_loop3A_299 : i32 to index
        %parallel_loop3A_332 = arith.constant 32 : index
        %parallel_loop3A_333 = tpu.vector_load %arg14[%parallel_loop3A_330, %parallel_loop3A_331, %parallel_loop3A_332] {strides = array<i32>} : memref<2x64x128xf32, #tpu.memory_space<vmem>>, vector<16xf32>,
        tpu.vector_store %arg14[%parallel_loop3A_330, %parallel_loop3A_331, %parallel_loop3A_332], %parallel_loop3A_329 {strides = array<i32>} : memref<2x64x128xf32, #tpu.memory_space<vmem>>, vector<16xf32>,
        %parallel_loop3A_334 = arith.index_cast %select_n3A_185 : i32 to index
        %parallel_loop3A_335 = arith.index_cast %parallel_loop3A_299 : i32 to index
        %parallel_loop3A_336 = arith.constant 48 : index
        %parallel_loop3A_337 = tpu.vector_load %arg14[%parallel_loop3A_334, %parallel_loop3A_335, %parallel_loop3A_336] {strides = array<i32>} : memref<2x64x128xf32, #tpu.memory_space<vmem>>, vector<16xf32>,
        %parallel_loop3A_338 = arith.mulf %parallel_loop3A_337, %parallel_loop3A_306 : vector<16xf32>
        %parallel_loop3A_339 = arith.index_cast %select_n3A_185 : i32 to index
        %parallel_loop3A_340 = arith.index_cast %parallel_loop3A_299 : i32 to index
        %parallel_loop3A_341 = arith.constant 48 : index
        %parallel_loop3A_342 = tpu.vector_load %arg14[%parallel_loop3A_339, %parallel_loop3A_340, %parallel_loop3A_341] {strides = array<i32>} : memref<2x64x128xf32, #tpu.memory_space<vmem>>, vector<16xf32>,
        tpu.vector_store %arg14[%parallel_loop3A_339, %parallel_loop3A_340, %parallel_loop3A_341], %parallel_loop3A_338 {strides = array<i32>} : memref<2x64x128xf32, #tpu.memory_space<vmem>>, vector<16xf32>,
        %parallel_loop3A_343 = arith.index_cast %select_n3A_185 : i32 to index
        %parallel_loop3A_344 = arith.index_cast %parallel_loop3A_299 : i32 to index
        %parallel_loop3A_345 = arith.constant 64 : index
        %parallel_loop3A_346 = tpu.vector_load %arg14[%parallel_loop3A_343, %parallel_loop3A_344, %parallel_loop3A_345] {strides = array<i32>} : memref<2x64x128xf32, #tpu.memory_space<vmem>>, vector<16xf32>,
        %parallel_loop3A_347 = arith.mulf %parallel_loop3A_346, %parallel_loop3A_306 : vector<16xf32>
        %parallel_loop3A_348 = arith.index_cast %select_n3A_185 : i32 to index
        %parallel_loop3A_349 = arith.index_cast %parallel_loop3A_299 : i32 to index
        %parallel_loop3A_350 = arith.constant 64 : index
        %parallel_loop3A_351 = tpu.vector_load %arg14[%parallel_loop3A_348, %parallel_loop3A_349, %parallel_loop3A_350] {strides = array<i32>} : memref<2x64x128xf32, #tpu.memory_space<vmem>>, vector<16xf32>,
        tpu.vector_store %arg14[%parallel_loop3A_348, %parallel_loop3A_349, %parallel_loop3A_350], %parallel_loop3A_347 {strides = array<i32>} : memref<2x64x128xf32, #tpu.memory_space<vmem>>, vector<16xf32>,
        %parallel_loop3A_352 = arith.index_cast %select_n3A_185 : i32 to index
        %parallel_loop3A_353 = arith.index_cast %parallel_loop3A_299 : i32 to index
        %parallel_loop3A_354 = arith.constant 80 : index
        %parallel_loop3A_355 = tpu.vector_load %arg14[%parallel_loop3A_352, %parallel_loop3A_353, %parallel_loop3A_354] {strides = array<i32>} : memref<2x64x128xf32, #tpu.memory_space<vmem>>, vector<16xf32>,
        %parallel_loop3A_356 = arith.mulf %parallel_loop3A_355, %parallel_loop3A_306 : vector<16xf32>
        %parallel_loop3A_357 = arith.index_cast %select_n3A_185 : i32 to index
        %parallel_loop3A_358 = arith.index_cast %parallel_loop3A_299 : i32 to index
        %parallel_loop3A_359 = arith.constant 80 : index
        %parallel_loop3A_360 = tpu.vector_load %arg14[%parallel_loop3A_357, %parallel_loop3A_358, %parallel_loop3A_359] {strides = array<i32>} : memref<2x64x128xf32, #tpu.memory_space<vmem>>, vector<16xf32>,
        tpu.vector_store %arg14[%parallel_loop3A_357, %parallel_loop3A_358, %parallel_loop3A_359], %parallel_loop3A_356 {strides = array<i32>} : memref<2x64x128xf32, #tpu.memory_space<vmem>>, vector<16xf32>,
        %parallel_loop3A_361 = arith.index_cast %select_n3A_185 : i32 to index
        %parallel_loop3A_362 = arith.index_cast %parallel_loop3A_299 : i32 to index
        %parallel_loop3A_363 = arith.constant 96 : index
        %parallel_loop3A_364 = tpu.vector_load %arg14[%parallel_loop3A_361, %parallel_loop3A_362, %parallel_loop3A_363] {strides = array<i32>} : memref<2x64x128xf32, #tpu.memory_space<vmem>>, vector<16xf32>,
        %parallel_loop3A_365 = arith.mulf %parallel_loop3A_364, %parallel_loop3A_306 : vector<16xf32>
        %parallel_loop3A_366 = arith.index_cast %select_n3A_185 : i32 to index
        %parallel_loop3A_367 = arith.index_cast %parallel_loop3A_299 : i32 to index
        %parallel_loop3A_368 = arith.constant 96 : index
        %parallel_loop3A_369 = tpu.vector_load %arg14[%parallel_loop3A_366, %parallel_loop3A_367, %parallel_loop3A_368] {strides = array<i32>} : memref<2x64x128xf32, #tpu.memory_space<vmem>>, vector<16xf32>,
        tpu.vector_store %arg14[%parallel_loop3A_366, %parallel_loop3A_367, %parallel_loop3A_368], %parallel_loop3A_365 {strides = array<i32>} : memref<2x64x128xf32, #tpu.memory_space<vmem>>, vector<16xf32>,
        %parallel_loop3A_370 = arith.index_cast %select_n3A_185 : i32 to index
        %parallel_loop3A_371 = arith.index_cast %parallel_loop3A_299 : i32 to index
        %parallel_loop3A_372 = arith.constant 112 : index
        %parallel_loop3A_373 = tpu.vector_load %arg14[%parallel_loop3A_370, %parallel_loop3A_371, %parallel_loop3A_372] {strides = array<i32>} : memref<2x64x128xf32, #tpu.memory_space<vmem>>, vector<16xf32>,
        %parallel_loop3A_374 = arith.mulf %parallel_loop3A_373, %parallel_loop3A_306 : vector<16xf32>
        %parallel_loop3A_375 = arith.index_cast %select_n3A_185 : i32 to index
        %parallel_loop3A_376 = arith.index_cast %parallel_loop3A_299 : i32 to index
        %parallel_loop3A_377 = arith.constant 112 : index
        %parallel_loop3A_378 = tpu.vector_load %arg14[%parallel_loop3A_375, %parallel_loop3A_376, %parallel_loop3A_377] {strides = array<i32>} : memref<2x64x128xf32, #tpu.memory_space<vmem>>, vector<16xf32>,
        tpu.vector_store %arg14[%parallel_loop3A_375, %parallel_loop3A_376, %parallel_loop3A_377], %parallel_loop3A_374 {strides = array<i32>} : memref<2x64x128xf32, #tpu.memory_space<vmem>>, vector<16xf32>,
      } {sc.loop_unroll_factor = 4 : i64, sc.parallel_access}
      %dma_start3A_289 = arith.constant 0 : i32
      %dma_start3A_290 = arith.constant 0 : i32
      %dma_start3A_291 = tpu.memref_slice %arg14[%select_n3A_185, %dma_start3A_289, %dma_start3A_290] : memref<2x64x128xf32, #tpu.memory_space<vmem>> -> memref<1x64x128xf32, #tpu.memory_space<vmem>>
      %dma_start3A_292 = tpu.memref_squeeze %dma_start3A_291 : memref<1x64x128xf32, #tpu.memory_space<vmem>> -> memref<64x128xf32, #tpu.memory_space<vmem>>
      %dma_start3A_293 = arith.constant 0 : i32
      %dma_start3A_294 = tpu.memref_slice %arg10[%select_n3A_241, %select_n3A_225, %dma_start3A_293] : memref<2x2x64xi32, #tpu.memory_space<vmem>> -> memref<1x1x64xi32, #tpu.memory_space<vmem>>
      %dma_start3A_295 = tpu.memref_squeeze %dma_start3A_294 : memref<1x1x64xi32, #tpu.memory_space<vmem>> -> memref<64xi32, #tpu.memory_space<vmem>>
      %dma_start3A_296 = arith.constant 0 : i32
      %dma_start3A_297 = arith.constant 0 : i32
      %dma_start3A_298 = tpu.memref_slice %arg16[%dma_start3A_296, %dma_start3A_297] : memref<10240x128xf32, #tpu.memory_space<vmem_shared>> -> memref<10240x128xf32, #tpu.memory_space<vmem_shared>>
      tpu.enqueue_indirect_dma source(%dma_start3A_292 : memref<64x128xf32, #tpu.memory_space<vmem>>) target(%dma_start3A_298 : memref<10240x128xf32, #tpu.memory_space<vmem_shared>>) offsets(%dma_start3A_295 : memref<64xi32, #tpu.memory_space<vmem>>) semaphore(%arg18 : memref<!tpu.dma_semaphore, #tpu.memory_space<semaphore_mem>>) {add = true}
    }
    %sub3A_130 = arith.constant 1 : i32
    %sub3A_131 = arith.subi %select_n3A_33, %sub3A_130 : i32
    %jit3A_132 = arith.constant 2 : i32
    %eq3A_133 = arith.constant 0 : i32
    %eq3A_134 = arith.cmpi eq, %jit3A_132, %eq3A_133 : i32
    %jit3A_135 = arith.constant 1 : i32
    %select_n3A_136 = arith.select %eq3A_134, %jit3A_135, %jit3A_132 : i32
    %rem3A_137 = arith.remsi %sub3A_131, %select_n3A_136 : i32
    %ne3A_138 = arith.constant 0 : i32
    %ne3A_139 = arith.cmpi ne, %rem3A_137, %ne3A_138 : i32
    %lt3A = arith.constant 0 : i32
    %lt3A_140 = arith.cmpi slt, %rem3A_137, %lt3A : i32
    %lt3A_141 = arith.constant 0 : i32
    %lt3A_142 = arith.cmpi slt, %select_n3A_136, %lt3A_141 : i32
    %ne3A_143 = arith.xori %lt3A_140, %lt3A_142 : i1
    %and3A_144 = arith.andi %ne3A_143, %ne3A_139 : i1
    %add3A_145 = arith.addi %rem3A_137, %select_n3A_136 : i32
    %select_n3A_146 = arith.select %and3A_144, %add3A_145, %rem3A_137 : i32
    %dma_wait3A_147 = arith.constant 0 : i32
    %dma_wait3A_148 = arith.constant 0 : i32
    %dma_wait3A_149 = arith.constant 0 : i32
    %dma_wait3A_150 = arith.constant 0 : i32
    %dma_wait3A_151 = tpu.memref_slice %arg14[%select_n3A_146, %dma_wait3A_149, %dma_wait3A_150] : memref<2x64x128xf32, #tpu.memory_space<vmem>> -> memref<1x64x128xf32, #tpu.memory_space<vmem>>
    %dma_wait3A_152 = tpu.memref_squeeze %dma_wait3A_151 : memref<1x64x128xf32, #tpu.memory_space<vmem>> -> memref<64x128xf32, #tpu.memory_space<vmem>>
    %dma_wait3A_153 = arith.constant 0 : i32
    %dma_wait3A_154 = tpu.memref_slice %arg10[%dma_wait3A_147, %dma_wait3A_148, %dma_wait3A_153] : memref<2x2x64xi32, #tpu.memory_space<vmem>> -> memref<1x1x64xi32, #tpu.memory_space<vmem>>
    %dma_wait3A_155 = tpu.memref_squeeze %dma_wait3A_154 : memref<1x1x64xi32, #tpu.memory_space<vmem>> -> memref<64xi32, #tpu.memory_space<vmem>>
    %dma_wait3A_156 = arith.constant 0 : i32
    %dma_wait3A_157 = arith.constant 0 : i32
    %dma_wait3A_158 = tpu.memref_slice %arg16[%dma_wait3A_156, %dma_wait3A_157] : memref<10240x128xf32, #tpu.memory_space<vmem_shared>> -> memref<10240x128xf32, #tpu.memory_space<vmem_shared>>
    tpu.wait_indirect_dma semaphore(%arg18 : memref<!tpu.dma_semaphore, #tpu.memory_space<semaphore_mem>>) src(%dma_wait3A_152 : memref<64x128xf32, #tpu.memory_space<vmem>>) dst(%dma_wait3A_158 : memref<10240x128xf32, #tpu.memory_space<vmem_shared>>)
    %mul3A_159 = arith.constant 2 : i32
    %mul3A_160 = arith.muli %arg1, %mul3A_159 : i32
    %add3A_161 = arith.addi %mul3A_160, %arg0 : i32
    "tpu.region"() ({
      %run_scoped3A = tpu.sem_alloc : memref<!tpu.dma_semaphore, #tpu.memory_space<semaphore_mem>>
      %dma_start3A_169 = arith.constant 0 : i32
      %dma_start3A_170 = arith.constant 0 : i32
      %dma_start3A_171 = tpu.memref_slice %arg8[%add3A_161, %dma_start3A_169, %dma_start3A_170] : memref<32x80x128xf32, #tpu.memory_space<hbm>> -> memref<1x80x128xf32, #tpu.memory_space<hbm>>
      %dma_start3A_172 = tpu.memref_squeeze %dma_start3A_171 : memref<1x80x128xf32, #tpu.memory_space<hbm>> -> memref<80x128xf32, #tpu.memory_space<hbm>>
      %dma_start3A_173 = arith.constant 0 : i32
      %dma_start3A_174 = arith.constant 0 : i32
      %dma_start3A_175 = tpu.memref_slice %arg8[%add3A_161, %dma_start3A_173, %dma_start3A_174] : memref<32x80x128xf32, #tpu.memory_space<hbm>> -> memref<1x80x128xf32, #tpu.memory_space<hbm>>
      %dma_start3A_176 = tpu.memref_squeeze %dma_start3A_175 : memref<1x80x128xf32, #tpu.memory_space<hbm>> -> memref<80x128xf32, #tpu.memory_space<hbm>>
      tpu.enqueue_dma source(%arg15 : memref<80x128xf32, #tpu.memory_space<vmem>>) target(%dma_start3A_176 : memref<80x128xf32, #tpu.memory_space<hbm>>) target_semaphore(%run_scoped3A : memref<!tpu.dma_semaphore, #tpu.memory_space<semaphore_mem>>)
      %dma_wait3A_177 = arith.constant 0 : i32
      %dma_wait3A_178 = arith.constant 0 : i32
      %dma_wait3A_179 = tpu.memref_slice %arg8[%add3A_161, %dma_wait3A_177, %dma_wait3A_178] : memref<32x80x128xf32, #tpu.memory_space<hbm>> -> memref<1x80x128xf32, #tpu.memory_space<hbm>>
      %dma_wait3A_180 = tpu.memref_squeeze %dma_wait3A_179 : memref<1x80x128xf32, #tpu.memory_space<hbm>> -> memref<80x128xf32, #tpu.memory_space<hbm>>
      %dma_wait3A_181 = arith.constant 0 : i32
      %dma_wait3A_182 = arith.constant 0 : i32
      %dma_wait3A_183 = tpu.memref_slice %arg8[%add3A_161, %dma_wait3A_181, %dma_wait3A_182] : memref<32x80x128xf32, #tpu.memory_space<hbm>> -> memref<1x80x128xf32, #tpu.memory_space<hbm>>
      %dma_wait3A_184 = tpu.memref_squeeze %dma_wait3A_183 : memref<1x80x128xf32, #tpu.memory_space<hbm>> -> memref<80x128xf32, #tpu.memory_space<hbm>>
      tpu.wait_dma2 semaphore(%run_scoped3A : memref<!tpu.dma_semaphore, #tpu.memory_space<semaphore_mem>>) src(%arg15 : memref<80x128xf32, #tpu.memory_space<vmem>>) dst(%dma_wait3A_184 : memref<80x128xf32, #tpu.memory_space<hbm>>)
      tpu.yield
    }) : () -> ()
    %barrier3A_162 = arith.constant 0 : index
    tpu.barrier barrier_id(%barrier3A_162)
    %scan3A_163 = arith.constant 0 : i32
    %scan3A_164 = arith.constant 0 : i32
    %scan3A_165 = arith.constant 5 : i32
    %scan3A_166 = arith.addi %scan3A_164, %scan3A_165 : i32
    %scan3A_167 = arith.constant 1 : i32
    scf.for %scan3A_169 = %scan3A_164 to %scan3A_166 step %scan3A_167  : i32 {
      %mul3A_170 = arith.constant 640 : i32
      %mul3A_171 = arith.muli %arg1, %mul3A_170 : i32
      %mul3A_172 = arith.constant 128 : i32
      %mul3A_173 = arith.muli %scan3A_169, %mul3A_172 : i32
      %add3A_174 = arith.addi %mul3A_171, %mul3A_173 : i32
      %mul3A_175 = arith.constant 640 : i32
      %mul3A_176 = arith.muli %arg1, %mul3A_175 : i32
      %mul3A_177 = arith.constant 128 : i32
      %mul3A_178 = arith.muli %scan3A_169, %mul3A_177 : i32
      %add3A_179 = arith.addi %mul3A_176, %mul3A_178 : i32
      "tpu.region"() ({
        %run_scoped3A = tpu.sem_alloc : memref<!tpu.dma_semaphore, #tpu.memory_space<semaphore_mem>>
        %dma_start3A_180 = arith.constant 0 : i32
        %dma_start3A_181 = tpu.memref_slice %arg7[%arg0, %add3A_179, %dma_start3A_180] : memref<2x10240x128xf32, #tpu.memory_space<hbm>> -> memref<1x128x128xf32, #tpu.memory_space<hbm>>
        %dma_start3A_182 = tpu.memref_squeeze %dma_start3A_181 : memref<1x128x128xf32, #tpu.memory_space<hbm>> -> memref<128x128xf32, #tpu.memory_space<hbm>>
        %dma_start3A_183 = arith.constant 0 : i32
        %dma_start3A_184 = tpu.memref_slice %arg16[%add3A_174, %dma_start3A_183] : memref<10240x128xf32, #tpu.memory_space<vmem_shared>> -> memref<128x128xf32, #tpu.memory_space<vmem_shared>>
        tpu.enqueue_dma source(%dma_start3A_184 : memref<128x128xf32, #tpu.memory_space<vmem_shared>>) target(%dma_start3A_182 : memref<128x128xf32, #tpu.memory_space<hbm>>) target_semaphore(%run_scoped3A : memref<!tpu.dma_semaphore, #tpu.memory_space<semaphore_mem>>)
        %dma_wait3A_185 = arith.constant 0 : i32
        %dma_wait3A_186 = tpu.memref_slice %arg7[%arg0, %add3A_179, %dma_wait3A_185] : memref<2x10240x128xf32, #tpu.memory_space<hbm>> -> memref<1x128x128xf32, #tpu.memory_space<hbm>>
        %dma_wait3A_187 = tpu.memref_squeeze %dma_wait3A_186 : memref<1x128x128xf32, #tpu.memory_space<hbm>> -> memref<128x128xf32, #tpu.memory_space<hbm>>
        %dma_wait3A_188 = arith.constant 0 : i32
        %dma_wait3A_189 = tpu.memref_slice %arg16[%add3A_174, %dma_wait3A_188] : memref<10240x128xf32, #tpu.memory_space<vmem_shared>> -> memref<128x128xf32, #tpu.memory_space<vmem_shared>>
        tpu.wait_dma2 semaphore(%run_scoped3A : memref<!tpu.dma_semaphore, #tpu.memory_space<semaphore_mem>>) src(%dma_wait3A_189 : memref<128x128xf32, #tpu.memory_space<vmem_shared>>) dst(%dma_wait3A_187 : memref<128x128xf32, #tpu.memory_space<hbm>>)
        tpu.yield
      }) : () -> ()
    }
    %scan3A_168 = arith.constant 5 : i32
    return
  }
}

#map = affine_map<(d0, d1) -> (0, 0)>
#map1 = affine_map<(d0, d1) -> (0, 0, 0)>
module attributes {stable_mosaic.version = 14 : i64} {
  func.func @_sc_edge_body(%arg0: i32, %arg1: i32, %arg2: memref<10240x128xf32, #tpu.memory_space<hbm>>, %arg3: memref<5120x64xi32, #tpu.memory_space<hbm>>, %arg4: memref<5120x64xi32, #tpu.memory_space<hbm>>, %arg5: memref<80x128xf32, #tpu.memory_space<hbm>>, %arg6: memref<80x128xf32, #tpu.memory_space<hbm>>, %arg7: memref<2x10240x128xf32, #tpu.memory_space<hbm>>, %arg8: memref<32x80x128xf32, #tpu.memory_space<hbm>>, %arg9: memref<2x2x64xi32, #tpu.memory_space<vmem>>, %arg10: memref<2x2x64xi32, #tpu.memory_space<vmem>>, %arg11: memref<80x128xf32, #tpu.memory_space<vmem>>, %arg12: memref<80x128xf32, #tpu.memory_space<vmem>>, %arg13: memref<4x16xf32, #tpu.memory_space<vmem>>, %arg14: memref<2x64x128xf32, #tpu.memory_space<vmem>>, %arg15: memref<80x128xf32, #tpu.memory_space<vmem>>, %arg16: memref<10240x128xf32, #tpu.memory_space<vmem_shared>>, %arg17: memref<!tpu.dma_semaphore, #tpu.memory_space<semaphore_mem>>, %arg18: memref<!tpu.dma_semaphore, #tpu.memory_space<semaphore_mem>>, %arg19: memref<!tpu.dma_semaphore, #tpu.memory_space<semaphore_mem>>) attributes {dimension_semantics = [#tpu.dimension_semantics<core_parallel>, #tpu.dimension_semantics<subcore_parallel>], iteration_bounds = array<i64: 2, 16>, scalar_prefetch = 0 : i64, scratch_operands = 11 : i64, tpu.core_type = #tpu.core_type<sc_vector_subcore>, window_params = [{transform_indices = #map}, {transform_indices = #map}, {transform_indices = #map}, {transform_indices = #map}, {transform_indices = #map}, {transform_indices = #map1}, {transform_indices = #map1}]} {
    %mul3A = arith.constant 320 : i32
    %mul3A_0 = arith.muli %arg1, %mul3A : i32
    %mul3A_1 = arith.constant 246 : i32
    %mul3A_2 = arith.muli %arg0, %mul3A_1 : i32
    %add3A = arith.addi %mul3A_0, %mul3A_2 : i32
    %eq3A = arith.constant 0 : i32
    %eq3A_3 = arith.cmpi eq, %arg0, %eq3A : i32
    %jit3A = arith.constant 123 : i32
    %jit3A_4 = arith.constant 37 : i32
    %select_n3A = arith.select %eq3A_3, %jit3A, %jit3A_4 : i32
    "tpu.region"() ({
      %run_scoped3A = tpu.sem_alloc : memref<!tpu.dma_semaphore, #tpu.memory_space<semaphore_mem>>
      %dma_start3A_169 = arith.constant 0 : i32
      %dma_start3A_170 = arith.constant 0 : i32
      %dma_start3A_171 = tpu.memref_slice %arg5[%dma_start3A_169, %dma_start3A_170] : memref<80x128xf32, #tpu.memory_space<hbm>> -> memref<80x128xf32, #tpu.memory_space<hbm>>
      %dma_start3A_172 = arith.constant 0 : i32
      %dma_start3A_173 = arith.constant 0 : i32
      %dma_start3A_174 = tpu.memref_slice %arg5[%dma_start3A_172, %dma_start3A_173] : memref<80x128xf32, #tpu.memory_space<hbm>> -> memref<80x128xf32, #tpu.memory_space<hbm>>
      tpu.enqueue_dma source(%dma_start3A_174 : memref<80x128xf32, #tpu.memory_space<hbm>>) target(%arg11 : memref<80x128xf32, #tpu.memory_space<vmem>>) target_semaphore(%run_scoped3A : memref<!tpu.dma_semaphore, #tpu.memory_space<semaphore_mem>>)
      %dma_wait3A_175 = arith.constant 0 : i32
      %dma_wait3A_176 = arith.constant 0 : i32
      %dma_wait3A_177 = tpu.memref_slice %arg5[%dma_wait3A_175, %dma_wait3A_176] : memref<80x128xf32, #tpu.memory_space<hbm>> -> memref<80x128xf32, #tpu.memory_space<hbm>>
      %dma_wait3A_178 = arith.constant 0 : i32
      %dma_wait3A_179 = arith.constant 0 : i32
      %dma_wait3A_180 = tpu.memref_slice %arg5[%dma_wait3A_178, %dma_wait3A_179] : memref<80x128xf32, #tpu.memory_space<hbm>> -> memref<80x128xf32, #tpu.memory_space<hbm>>
      tpu.wait_dma2 semaphore(%run_scoped3A : memref<!tpu.dma_semaphore, #tpu.memory_space<semaphore_mem>>) src(%dma_wait3A_180 : memref<80x128xf32, #tpu.memory_space<hbm>>) dst(%arg11 : memref<80x128xf32, #tpu.memory_space<vmem>>)
      tpu.yield
    }) : () -> ()
    "tpu.region"() ({
      %run_scoped3A = tpu.sem_alloc : memref<!tpu.dma_semaphore, #tpu.memory_space<semaphore_mem>>
      %dma_start3A_169 = arith.constant 0 : i32
      %dma_start3A_170 = arith.constant 0 : i32
      %dma_start3A_171 = tpu.memref_slice %arg6[%dma_start3A_169, %dma_start3A_170] : memref<80x128xf32, #tpu.memory_space<hbm>> -> memref<80x128xf32, #tpu.memory_space<hbm>>
      %dma_start3A_172 = arith.constant 0 : i32
      %dma_start3A_173 = arith.constant 0 : i32
      %dma_start3A_174 = tpu.memref_slice %arg6[%dma_start3A_172, %dma_start3A_173] : memref<80x128xf32, #tpu.memory_space<hbm>> -> memref<80x128xf32, #tpu.memory_space<hbm>>
      tpu.enqueue_dma source(%dma_start3A_174 : memref<80x128xf32, #tpu.memory_space<hbm>>) target(%arg12 : memref<80x128xf32, #tpu.memory_space<vmem>>) target_semaphore(%run_scoped3A : memref<!tpu.dma_semaphore, #tpu.memory_space<semaphore_mem>>)
      %dma_wait3A_175 = arith.constant 0 : i32
      %dma_wait3A_176 = arith.constant 0 : i32
      %dma_wait3A_177 = tpu.memref_slice %arg6[%dma_wait3A_175, %dma_wait3A_176] : memref<80x128xf32, #tpu.memory_space<hbm>> -> memref<80x128xf32, #tpu.memory_space<hbm>>
      %dma_wait3A_178 = arith.constant 0 : i32
      %dma_wait3A_179 = arith.constant 0 : i32
      %dma_wait3A_180 = tpu.memref_slice %arg6[%dma_wait3A_178, %dma_wait3A_179] : memref<80x128xf32, #tpu.memory_space<hbm>> -> memref<80x128xf32, #tpu.memory_space<hbm>>
      tpu.wait_dma2 semaphore(%run_scoped3A : memref<!tpu.dma_semaphore, #tpu.memory_space<semaphore_mem>>) src(%dma_wait3A_180 : memref<80x128xf32, #tpu.memory_space<hbm>>) dst(%arg12 : memref<80x128xf32, #tpu.memory_space<vmem>>)
      tpu.yield
    }) : () -> ()
    %broadcast_in_dim3A = arith.constant 0.000000e+00 : f32
    %broadcast_in_dim3A_5 = vector.broadcast %broadcast_in_dim3A : f32 to vector<16xf32>
    %scan3A = arith.constant 0 : i32
    %scan3A_6 = arith.constant 0 : i32
    %scan3A_7 = arith.constant 64 : i32
    %scan3A_8 = arith.addi %scan3A_6, %scan3A_7 : i32
    %scan3A_9 = arith.constant 1 : i32
    scf.for %scan3A_169 = %scan3A_6 to %scan3A_8 step %scan3A_9  : i32 {
      %swap3A = arith.constant 0 : i32
      %swap3A_170 = arith.index_cast %swap3A : i32 to index
      %swap3A_171 = arith.index_cast %scan3A_169 : i32 to index
      %swap3A_172 = arith.constant 0 : index
      %swap3A_173 = tpu.vector_load %arg14[%swap3A_170, %swap3A_171, %swap3A_172] {strides = array<i32>} : memref<2x64x128xf32, #tpu.memory_space<vmem>>, vector<16xf32>,
      tpu.vector_store %arg14[%swap3A_170, %swap3A_171, %swap3A_172], %broadcast_in_dim3A_5 {strides = array<i32>} : memref<2x64x128xf32, #tpu.memory_space<vmem>>, vector<16xf32>,
      %swap3A_174 = arith.constant 0 : i32
      %swap3A_175 = arith.index_cast %swap3A_174 : i32 to index
      %swap3A_176 = arith.index_cast %scan3A_169 : i32 to index
      %swap3A_177 = arith.constant 16 : index
      %swap3A_178 = tpu.vector_load %arg14[%swap3A_175, %swap3A_176, %swap3A_177] {strides = array<i32>} : memref<2x64x128xf32, #tpu.memory_space<vmem>>, vector<16xf32>,
      tpu.vector_store %arg14[%swap3A_175, %swap3A_176, %swap3A_177], %broadcast_in_dim3A_5 {strides = array<i32>} : memref<2x64x128xf32, #tpu.memory_space<vmem>>, vector<16xf32>,
      %swap3A_179 = arith.constant 0 : i32
      %swap3A_180 = arith.index_cast %swap3A_179 : i32 to index
      %swap3A_181 = arith.index_cast %scan3A_169 : i32 to index
      %swap3A_182 = arith.constant 32 : index
      %swap3A_183 = tpu.vector_load %arg14[%swap3A_180, %swap3A_181, %swap3A_182] {strides = array<i32>} : memref<2x64x128xf32, #tpu.memory_space<vmem>>, vector<16xf32>,
      tpu.vector_store %arg14[%swap3A_180, %swap3A_181, %swap3A_182], %broadcast_in_dim3A_5 {strides = array<i32>} : memref<2x64x128xf32, #tpu.memory_space<vmem>>, vector<16xf32>,
      %swap3A_184 = arith.constant 0 : i32
      %swap3A_185 = arith.index_cast %swap3A_184 : i32 to index
      %swap3A_186 = arith.index_cast %scan3A_169 : i32 to index
      %swap3A_187 = arith.constant 48 : index
      %swap3A_188 = tpu.vector_load %arg14[%swap3A_185, %swap3A_186, %swap3A_187] {strides = array<i32>} : memref<2x64x128xf32, #tpu.memory_space<vmem>>, vector<16xf32>,
      tpu.vector_store %arg14[%swap3A_185, %swap3A_186, %swap3A_187], %broadcast_in_dim3A_5 {strides = array<i32>} : memref<2x64x128xf32, #tpu.memory_space<vmem>>, vector<16xf32>,
      %swap3A_189 = arith.constant 0 : i32
      %swap3A_190 = arith.index_cast %swap3A_189 : i32 to index
      %swap3A_191 = arith.index_cast %scan3A_169 : i32 to index
      %swap3A_192 = arith.constant 64 : index
      %swap3A_193 = tpu.vector_load %arg14[%swap3A_190, %swap3A_191, %swap3A_192] {strides = array<i32>} : memref<2x64x128xf32, #tpu.memory_space<vmem>>, vector<16xf32>,
      tpu.vector_store %arg14[%swap3A_190, %swap3A_191, %swap3A_192], %broadcast_in_dim3A_5 {strides = array<i32>} : memref<2x64x128xf32, #tpu.memory_space<vmem>>, vector<16xf32>,
      %swap3A_194 = arith.constant 0 : i32
      %swap3A_195 = arith.index_cast %swap3A_194 : i32 to index
      %swap3A_196 = arith.index_cast %scan3A_169 : i32 to index
      %swap3A_197 = arith.constant 80 : index
      %swap3A_198 = tpu.vector_load %arg14[%swap3A_195, %swap3A_196, %swap3A_197] {strides = array<i32>} : memref<2x64x128xf32, #tpu.memory_space<vmem>>, vector<16xf32>,
      tpu.vector_store %arg14[%swap3A_195, %swap3A_196, %swap3A_197], %broadcast_in_dim3A_5 {strides = array<i32>} : memref<2x64x128xf32, #tpu.memory_space<vmem>>, vector<16xf32>,
      %swap3A_199 = arith.constant 0 : i32
      %swap3A_200 = arith.index_cast %swap3A_199 : i32 to index
      %swap3A_201 = arith.index_cast %scan3A_169 : i32 to index
      %swap3A_202 = arith.constant 96 : index
      %swap3A_203 = tpu.vector_load %arg14[%swap3A_200, %swap3A_201, %swap3A_202] {strides = array<i32>} : memref<2x64x128xf32, #tpu.memory_space<vmem>>, vector<16xf32>,
      tpu.vector_store %arg14[%swap3A_200, %swap3A_201, %swap3A_202], %broadcast_in_dim3A_5 {strides = array<i32>} : memref<2x64x128xf32, #tpu.memory_space<vmem>>, vector<16xf32>,
      %swap3A_204 = arith.constant 0 : i32
      %swap3A_205 = arith.index_cast %swap3A_204 : i32 to index
      %swap3A_206 = arith.index_cast %scan3A_169 : i32 to index
      %swap3A_207 = arith.constant 112 : index
      %swap3A_208 = tpu.vector_load %arg14[%swap3A_205, %swap3A_206, %swap3A_207] {strides = array<i32>} : memref<2x64x128xf32, #tpu.memory_space<vmem>>, vector<16xf32>,
      tpu.vector_store %arg14[%swap3A_205, %swap3A_206, %swap3A_207], %broadcast_in_dim3A_5 {strides = array<i32>} : memref<2x64x128xf32, #tpu.memory_space<vmem>>, vector<16xf32>,
    }
    %scan3A_10 = arith.constant 64 : i32
    %scan3A_11 = arith.constant 0 : i32
    %scan3A_12 = arith.constant 0 : i32
    %scan3A_13 = arith.constant 80 : i32
    %scan3A_14 = arith.addi %scan3A_12, %scan3A_13 : i32
    %scan3A_15 = arith.constant 1 : i32
    scf.for %scan3A_169 = %scan3A_12 to %scan3A_14 step %scan3A_15  : i32 {
      %swap3A = arith.index_cast %scan3A_169 : i32 to index
      %swap3A_170 = arith.constant 0 : index
      %swap3A_171 = tpu.vector_load %arg15[%swap3A, %swap3A_170] {strides = array<i32>} : memref<80x128xf32, #tpu.memory_space<vmem>>, vector<16xf32>,
      tpu.vector_store %arg15[%swap3A, %swap3A_170], %broadcast_in_dim3A_5 {strides = array<i32>} : memref<80x128xf32, #tpu.memory_space<vmem>>, vector<16xf32>,
      %swap3A_172 = arith.index_cast %scan3A_169 : i32 to index
      %swap3A_173 = arith.constant 16 : index
      %swap3A_174 = tpu.vector_load %arg15[%swap3A_172, %swap3A_173] {strides = array<i32>} : memref<80x128xf32, #tpu.memory_space<vmem>>, vector<16xf32>,
      tpu.vector_store %arg15[%swap3A_172, %swap3A_173], %broadcast_in_dim3A_5 {strides = array<i32>} : memref<80x128xf32, #tpu.memory_space<vmem>>, vector<16xf32>,
      %swap3A_175 = arith.index_cast %scan3A_169 : i32 to index
      %swap3A_176 = arith.constant 32 : index
      %swap3A_177 = tpu.vector_load %arg15[%swap3A_175, %swap3A_176] {strides = array<i32>} : memref<80x128xf32, #tpu.memory_space<vmem>>, vector<16xf32>,
      tpu.vector_store %arg15[%swap3A_175, %swap3A_176], %broadcast_in_dim3A_5 {strides = array<i32>} : memref<80x128xf32, #tpu.memory_space<vmem>>, vector<16xf32>,
      %swap3A_178 = arith.index_cast %scan3A_169 : i32 to index
      %swap3A_179 = arith.constant 48 : index
      %swap3A_180 = tpu.vector_load %arg15[%swap3A_178, %swap3A_179] {strides = array<i32>} : memref<80x128xf32, #tpu.memory_space<vmem>>, vector<16xf32>,
      tpu.vector_store %arg15[%swap3A_178, %swap3A_179], %broadcast_in_dim3A_5 {strides = array<i32>} : memref<80x128xf32, #tpu.memory_space<vmem>>, vector<16xf32>,
      %swap3A_181 = arith.index_cast %scan3A_169 : i32 to index
      %swap3A_182 = arith.constant 64 : index
      %swap3A_183 = tpu.vector_load %arg15[%swap3A_181, %swap3A_182] {strides = array<i32>} : memref<80x128xf32, #tpu.memory_space<vmem>>, vector<16xf32>,
      tpu.vector_store %arg15[%swap3A_181, %swap3A_182], %broadcast_in_dim3A_5 {strides = array<i32>} : memref<80x128xf32, #tpu.memory_space<vmem>>, vector<16xf32>,
      %swap3A_184 = arith.index_cast %scan3A_169 : i32 to index
      %swap3A_185 = arith.constant 80 : index
      %swap3A_186 = tpu.vector_load %arg15[%swap3A_184, %swap3A_185] {strides = array<i32>} : memref<80x128xf32, #tpu.memory_space<vmem>>, vector<16xf32>,
      tpu.vector_store %arg15[%swap3A_184, %swap3A_185], %broadcast_in_dim3A_5 {strides = array<i32>} : memref<80x128xf32, #tpu.memory_space<vmem>>, vector<16xf32>,
      %swap3A_187 = arith.index_cast %scan3A_169 : i32 to index
      %swap3A_188 = arith.constant 96 : index
      %swap3A_189 = tpu.vector_load %arg15[%swap3A_187, %swap3A_188] {strides = array<i32>} : memref<80x128xf32, #tpu.memory_space<vmem>>, vector<16xf32>,
      tpu.vector_store %arg15[%swap3A_187, %swap3A_188], %broadcast_in_dim3A_5 {strides = array<i32>} : memref<80x128xf32, #tpu.memory_space<vmem>>, vector<16xf32>,
      %swap3A_190 = arith.index_cast %scan3A_169 : i32 to index
      %swap3A_191 = arith.constant 112 : index
      %swap3A_192 = tpu.vector_load %arg15[%swap3A_190, %swap3A_191] {strides = array<i32>} : memref<80x128xf32, #tpu.memory_space<vmem>>, vector<16xf32>,
      tpu.vector_store %arg15[%swap3A_190, %swap3A_191], %broadcast_in_dim3A_5 {strides = array<i32>} : memref<80x128xf32, #tpu.memory_space<vmem>>, vector<16xf32>,
    }
    %scan3A_16 = arith.constant 80 : i32
    %scan3A_17 = arith.constant 0 : i32
    %scan3A_18 = arith.constant 0 : i32
    %scan3A_19 = arith.constant 10 : i32
    %scan3A_20 = arith.addi %scan3A_18, %scan3A_19 : i32
    %scan3A_21 = arith.constant 1 : i32
    scf.for %scan3A_169 = %scan3A_18 to %scan3A_20 step %scan3A_21  : i32 {
      %mul3A_170 = arith.constant 640 : i32
      %mul3A_171 = arith.muli %arg1, %mul3A_170 : i32
      %mul3A_172 = arith.constant 64 : i32
      %mul3A_173 = arith.muli %scan3A_169, %mul3A_172 : i32
      %add3A_174 = arith.addi %mul3A_171, %mul3A_173 : i32
      %dma_start3A_175 = arith.constant 0 : i32
      %dma_start3A_176 = arith.constant 0 : i32
      %dma_start3A_177 = arith.constant 0 : i32
      %dma_start3A_178 = tpu.memref_slice %arg14[%dma_start3A_175, %dma_start3A_176, %dma_start3A_177] : memref<2x64x128xf32, #tpu.memory_space<vmem>> -> memref<1x64x128xf32, #tpu.memory_space<vmem>>
      %dma_start3A_179 = tpu.memref_squeeze %dma_start3A_178 : memref<1x64x128xf32, #tpu.memory_space<vmem>> -> memref<64x128xf32, #tpu.memory_space<vmem>>
      %dma_start3A_180 = arith.constant 0 : i32
      %dma_start3A_181 = tpu.memref_slice %arg16[%add3A_174, %dma_start3A_180] : memref<10240x128xf32, #tpu.memory_space<vmem_shared>> -> memref<64x128xf32, #tpu.memory_space<vmem_shared>>
      %dma_start3A_182 = arith.constant 0 : i32
      %dma_start3A_183 = tpu.memref_slice %arg16[%add3A_174, %dma_start3A_182] : memref<10240x128xf32, #tpu.memory_space<vmem_shared>> -> memref<64x128xf32, #tpu.memory_space<vmem_shared>>
      %dma_start3A_184 = arith.constant 0 : i32
      %dma_start3A_185 = arith.constant 0 : i32
      %dma_start3A_186 = tpu.memref_slice %arg14[%dma_start3A_175, %dma_start3A_184, %dma_start3A_185] : memref<2x64x128xf32, #tpu.memory_space<vmem>> -> memref<1x64x128xf32, #tpu.memory_space<vmem>>
      %dma_start3A_187 = tpu.memref_squeeze %dma_start3A_186 : memref<1x64x128xf32, #tpu.memory_space<vmem>> -> memref<64x128xf32, #tpu.memory_space<vmem>>
      tpu.enqueue_dma source(%dma_start3A_187 : memref<64x128xf32, #tpu.memory_space<vmem>>) target(%dma_start3A_183 : memref<64x128xf32, #tpu.memory_space<vmem_shared>>) target_semaphore(%arg17 : memref<!tpu.dma_semaphore, #tpu.memory_space<semaphore_mem>>)
    }
    %scan3A_22 = arith.constant 10 : i32
    %scan3A_23 = arith.constant 0 : i32
    %scan3A_24 = arith.constant 0 : i32
    %scan3A_25 = arith.constant 10 : i32
    %scan3A_26 = arith.addi %scan3A_24, %scan3A_25 : i32
    %scan3A_27 = arith.constant 1 : i32
    scf.for %scan3A_169 = %scan3A_24 to %scan3A_26 step %scan3A_27  : i32 {
      %mul3A_170 = arith.constant 640 : i32
      %mul3A_171 = arith.muli %arg1, %mul3A_170 : i32
      %mul3A_172 = arith.constant 64 : i32
      %mul3A_173 = arith.muli %scan3A_169, %mul3A_172 : i32
      %add3A_174 = arith.addi %mul3A_171, %mul3A_173 : i32
      %dma_wait3A_175 = arith.constant 0 : i32
      %dma_wait3A_176 = arith.constant 0 : i32
      %dma_wait3A_177 = arith.constant 0 : i32
      %dma_wait3A_178 = tpu.memref_slice %arg14[%dma_wait3A_175, %dma_wait3A_176, %dma_wait3A_177] : memref<2x64x128xf32, #tpu.memory_space<vmem>> -> memref<1x64x128xf32, #tpu.memory_space<vmem>>
      %dma_wait3A_179 = tpu.memref_squeeze %dma_wait3A_178 : memref<1x64x128xf32, #tpu.memory_space<vmem>> -> memref<64x128xf32, #tpu.memory_space<vmem>>
      %dma_wait3A_180 = arith.constant 0 : i32
      %dma_wait3A_181 = tpu.memref_slice %arg16[%add3A_174, %dma_wait3A_180] : memref<10240x128xf32, #tpu.memory_space<vmem_shared>> -> memref<64x128xf32, #tpu.memory_space<vmem_shared>>
      %dma_wait3A_182 = arith.constant 0 : i32
      %dma_wait3A_183 = tpu.memref_slice %arg16[%add3A_174, %dma_wait3A_182] : memref<10240x128xf32, #tpu.memory_space<vmem_shared>> -> memref<64x128xf32, #tpu.memory_space<vmem_shared>>
      %dma_wait3A_184 = arith.constant 0 : i32
      %dma_wait3A_185 = arith.constant 0 : i32
      %dma_wait3A_186 = tpu.memref_slice %arg14[%dma_wait3A_175, %dma_wait3A_184, %dma_wait3A_185] : memref<2x64x128xf32, #tpu.memory_space<vmem>> -> memref<1x64x128xf32, #tpu.memory_space<vmem>>
      %dma_wait3A_187 = tpu.memref_squeeze %dma_wait3A_186 : memref<1x64x128xf32, #tpu.memory_space<vmem>> -> memref<64x128xf32, #tpu.memory_space<vmem>>
      tpu.wait_dma2 semaphore(%arg17 : memref<!tpu.dma_semaphore, #tpu.memory_space<semaphore_mem>>) src(%dma_wait3A_187 : memref<64x128xf32, #tpu.memory_space<vmem>>) dst(%dma_wait3A_183 : memref<64x128xf32, #tpu.memory_space<vmem_shared>>)
    }
    %scan3A_28 = arith.constant 10 : i32
    %barrier3A = arith.constant 0 : index
    tpu.barrier barrier_id(%barrier3A)
    %eq3A_29 = arith.constant 0 : i32
    %eq3A_30 = arith.cmpi eq, %arg0, %eq3A_29 : i32
    %jit3A_31 = arith.constant 246 : i32
    %jit3A_32 = arith.constant 74 : i32
    %select_n3A_33 = arith.select %eq3A_30, %jit3A_31, %jit3A_32 : i32
    %jit3A_34 = arith.constant 2 : i32
    %div3A = arith.divsi %select_n3A_33, %jit3A_34 : i32
    %sign3A = arith.constant 0 : i32
    %sign3A_35 = arith.cmpi sgt, %select_n3A_33, %sign3A : i32
    %sign3A_36 = arith.extui %sign3A_35 : i1 to i32
    %sign3A_37 = arith.constant 0 : i32
    %sign3A_38 = arith.cmpi slt, %select_n3A_33, %sign3A_37 : i32
    %sign3A_39 = arith.extui %sign3A_38 : i1 to i32
    %sign3A_40 = arith.subi %sign3A_36, %sign3A_39 : i32
    %sign3A_41 = arith.constant 0 : i32
    %sign3A_42 = arith.cmpi sgt, %jit3A_34, %sign3A_41 : i32
    %sign3A_43 = arith.extui %sign3A_42 : i1 to i32
    %sign3A_44 = arith.constant 0 : i32
    %sign3A_45 = arith.cmpi slt, %jit3A_34, %sign3A_44 : i32
    %sign3A_46 = arith.extui %sign3A_45 : i1 to i32
    %sign3A_47 = arith.subi %sign3A_43, %sign3A_46 : i32
    %ne3A = arith.cmpi ne, %sign3A_40, %sign3A_47 : i32
    %rem3A = arith.remsi %select_n3A_33, %jit3A_34 : i32
    %ne3A_48 = arith.constant 0 : i32
    %ne3A_49 = arith.cmpi ne, %rem3A, %ne3A_48 : i32
    %and3A = arith.andi %ne3A, %ne3A_49 : i1
    %sub3A = arith.constant 1 : i32
    %sub3A_50 = arith.subi %div3A, %sub3A : i32
    %select_n3A_51 = arith.select %and3A, %sub3A_50, %div3A : i32
    %add3A_52 = arith.constant 0 : i32
    %add3A_53 = arith.addi %add3A, %add3A_52 : i32
    %dma_start3A = arith.constant 0 : i32
    %dma_start3A_54 = arith.constant 0 : i32
    %dma_start3A_55 = arith.constant 0 : i32
    %dma_start3A_56 = tpu.memref_slice %arg9[%dma_start3A, %dma_start3A_54, %dma_start3A_55] : memref<2x2x64xi32, #tpu.memory_space<vmem>> -> memref<1x2x64xi32, #tpu.memory_space<vmem>>
    %dma_start3A_57 = tpu.memref_squeeze %dma_start3A_56 : memref<1x2x64xi32, #tpu.memory_space<vmem>> -> memref<2x64xi32, #tpu.memory_space<vmem>>
    %dma_start3A_58 = arith.constant 0 : i32
    %dma_start3A_59 = tpu.memref_slice %arg3[%add3A_53, %dma_start3A_58] : memref<5120x64xi32, #tpu.memory_space<hbm>> -> memref<2x64xi32, #tpu.memory_space<hbm>>
    %dma_start3A_60 = arith.constant 0 : i32
    %dma_start3A_61 = arith.constant 0 : i32
    %dma_start3A_62 = tpu.memref_slice %arg9[%dma_start3A, %dma_start3A_60, %dma_start3A_61] : memref<2x2x64xi32, #tpu.memory_space<vmem>> -> memref<1x2x64xi32, #tpu.memory_space<vmem>>
    %dma_start3A_63 = tpu.memref_squeeze %dma_start3A_62 : memref<1x2x64xi32, #tpu.memory_space<vmem>> -> memref<2x64xi32, #tpu.memory_space<vmem>>
    %dma_start3A_64 = arith.constant 0 : i32
    %dma_start3A_65 = tpu.memref_slice %arg3[%add3A_53, %dma_start3A_64] : memref<5120x64xi32, #tpu.memory_space<hbm>> -> memref<2x64xi32, #tpu.memory_space<hbm>>
    tpu.enqueue_dma source(%dma_start3A_65 : memref<2x64xi32, #tpu.memory_space<hbm>>) target(%dma_start3A_63 : memref<2x64xi32, #tpu.memory_space<vmem>>) target_semaphore(%arg19 : memref<!tpu.dma_semaphore, #tpu.memory_space<semaphore_mem>>)
    %dma_start3A_66 = arith.constant 0 : i32
    %dma_start3A_67 = arith.constant 0 : i32
    %dma_start3A_68 = arith.constant 0 : i32
    %dma_start3A_69 = tpu.memref_slice %arg10[%dma_start3A_66, %dma_start3A_67, %dma_start3A_68] : memref<2x2x64xi32, #tpu.memory_space<vmem>> -> memref<1x2x64xi32, #tpu.memory_space<vmem>>
    %dma_start3A_70 = tpu.memref_squeeze %dma_start3A_69 : memref<1x2x64xi32, #tpu.memory_space<vmem>> -> memref<2x64xi32, #tpu.memory_space<vmem>>
    %dma_start3A_71 = arith.constant 0 : i32
    %dma_start3A_72 = tpu.memref_slice %arg4[%add3A_53, %dma_start3A_71] : memref<5120x64xi32, #tpu.memory_space<hbm>> -> memref<2x64xi32, #tpu.memory_space<hbm>>
    %dma_start3A_73 = arith.constant 0 : i32
    %dma_start3A_74 = arith.constant 0 : i32
    %dma_start3A_75 = tpu.memref_slice %arg10[%dma_start3A_66, %dma_start3A_73, %dma_start3A_74] : memref<2x2x64xi32, #tpu.memory_space<vmem>> -> memref<1x2x64xi32, #tpu.memory_space<vmem>>
    %dma_start3A_76 = tpu.memref_squeeze %dma_start3A_75 : memref<1x2x64xi32, #tpu.memory_space<vmem>> -> memref<2x64xi32, #tpu.memory_space<vmem>>
    %dma_start3A_77 = arith.constant 0 : i32
    %dma_start3A_78 = tpu.memref_slice %arg4[%add3A_53, %dma_start3A_77] : memref<5120x64xi32, #tpu.memory_space<hbm>> -> memref<2x64xi32, #tpu.memory_space<hbm>>
    tpu.enqueue_dma source(%dma_start3A_78 : memref<2x64xi32, #tpu.memory_space<hbm>>) target(%dma_start3A_76 : memref<2x64xi32, #tpu.memory_space<vmem>>) target_semaphore(%arg19 : memref<!tpu.dma_semaphore, #tpu.memory_space<semaphore_mem>>)
    %dma_wait3A = arith.constant 0 : i32
    %dma_wait3A_79 = arith.constant 0 : i32
    %dma_wait3A_80 = arith.constant 0 : i32
    %dma_wait3A_81 = tpu.memref_slice %arg9[%dma_wait3A, %dma_wait3A_79, %dma_wait3A_80] : memref<2x2x64xi32, #tpu.memory_space<vmem>> -> memref<1x2x64xi32, #tpu.memory_space<vmem>>
    %dma_wait3A_82 = tpu.memref_squeeze %dma_wait3A_81 : memref<1x2x64xi32, #tpu.memory_space<vmem>> -> memref<2x64xi32, #tpu.memory_space<vmem>>
    %dma_wait3A_83 = arith.constant 0 : i32
    %dma_wait3A_84 = arith.constant 0 : i32
    %dma_wait3A_85 = tpu.memref_slice %arg3[%dma_wait3A_83, %dma_wait3A_84] : memref<5120x64xi32, #tpu.memory_space<hbm>> -> memref<2x64xi32, #tpu.memory_space<hbm>>
    %dma_wait3A_86 = arith.constant 0 : i32
    %dma_wait3A_87 = arith.constant 0 : i32
    %dma_wait3A_88 = tpu.memref_slice %arg9[%dma_wait3A, %dma_wait3A_86, %dma_wait3A_87] : memref<2x2x64xi32, #tpu.memory_space<vmem>> -> memref<1x2x64xi32, #tpu.memory_space<vmem>>
    %dma_wait3A_89 = tpu.memref_squeeze %dma_wait3A_88 : memref<1x2x64xi32, #tpu.memory_space<vmem>> -> memref<2x64xi32, #tpu.memory_space<vmem>>
    %dma_wait3A_90 = arith.constant 0 : i32
    %dma_wait3A_91 = arith.constant 0 : i32
    %dma_wait3A_92 = tpu.memref_slice %arg3[%dma_wait3A_90, %dma_wait3A_91] : memref<5120x64xi32, #tpu.memory_space<hbm>> -> memref<2x64xi32, #tpu.memory_space<hbm>>
    tpu.wait_dma2 semaphore(%arg19 : memref<!tpu.dma_semaphore, #tpu.memory_space<semaphore_mem>>) src(%dma_wait3A_92 : memref<2x64xi32, #tpu.memory_space<hbm>>) dst(%dma_wait3A_89 : memref<2x64xi32, #tpu.memory_space<vmem>>)
    %dma_wait3A_93 = arith.constant 0 : i32
    %dma_wait3A_94 = arith.constant 0 : i32
    %dma_wait3A_95 = arith.constant 0 : i32
    %dma_wait3A_96 = tpu.memref_slice %arg10[%dma_wait3A_93, %dma_wait3A_94, %dma_wait3A_95] : memref<2x2x64xi32, #tpu.memory_space<vmem>> -> memref<1x2x64xi32, #tpu.memory_space<vmem>>
    %dma_wait3A_97 = tpu.memref_squeeze %dma_wait3A_96 : memref<1x2x64xi32, #tpu.memory_space<vmem>> -> memref<2x64xi32, #tpu.memory_space<vmem>>
    %dma_wait3A_98 = arith.constant 0 : i32
    %dma_wait3A_99 = arith.constant 0 : i32
    %dma_wait3A_100 = tpu.memref_slice %arg4[%dma_wait3A_98, %dma_wait3A_99] : memref<5120x64xi32, #tpu.memory_space<hbm>> -> memref<2x64xi32, #tpu.memory_space<hbm>>
    %dma_wait3A_101 = arith.constant 0 : i32
    %dma_wait3A_102 = arith.constant 0 : i32
    %dma_wait3A_103 = tpu.memref_slice %arg10[%dma_wait3A_93, %dma_wait3A_101, %dma_wait3A_102] : memref<2x2x64xi32, #tpu.memory_space<vmem>> -> memref<1x2x64xi32, #tpu.memory_space<vmem>>
    %dma_wait3A_104 = tpu.memref_squeeze %dma_wait3A_103 : memref<1x2x64xi32, #tpu.memory_space<vmem>> -> memref<2x64xi32, #tpu.memory_space<vmem>>
    %dma_wait3A_105 = arith.constant 0 : i32
    %dma_wait3A_106 = arith.constant 0 : i32
    %dma_wait3A_107 = tpu.memref_slice %arg4[%dma_wait3A_105, %dma_wait3A_106] : memref<5120x64xi32, #tpu.memory_space<hbm>> -> memref<2x64xi32, #tpu.memory_space<hbm>>
    tpu.wait_dma2 semaphore(%arg19 : memref<!tpu.dma_semaphore, #tpu.memory_space<semaphore_mem>>) src(%dma_wait3A_107 : memref<2x64xi32, #tpu.memory_space<hbm>>) dst(%dma_wait3A_104 : memref<2x64xi32, #tpu.memory_space<vmem>>)
    %dma_start3A_108 = arith.constant 0 : i32
    %dma_start3A_109 = arith.constant 0 : i32
    %dma_start3A_110 = arith.constant 0 : i32
    %dma_start3A_111 = arith.constant 0 : i32
    %dma_start3A_112 = arith.constant 0 : i32
    %dma_start3A_113 = tpu.memref_slice %arg14[%dma_start3A_110, %dma_start3A_111, %dma_start3A_112] : memref<2x64x128xf32, #tpu.memory_space<vmem>> -> memref<1x64x128xf32, #tpu.memory_space<vmem>>
    %dma_start3A_114 = tpu.memref_squeeze %dma_start3A_113 : memref<1x64x128xf32, #tpu.memory_space<vmem>> -> memref<64x128xf32, #tpu.memory_space<vmem>>
    %dma_start3A_115 = arith.constant 0 : i32
    %dma_start3A_116 = tpu.memref_slice %arg9[%dma_start3A_108, %dma_start3A_109, %dma_start3A_115] : memref<2x2x64xi32, #tpu.memory_space<vmem>> -> memref<1x1x64xi32, #tpu.memory_space<vmem>>
    %dma_start3A_117 = tpu.memref_squeeze %dma_start3A_116 : memref<1x1x64xi32, #tpu.memory_space<vmem>> -> memref<64xi32, #tpu.memory_space<vmem>>
    %dma_start3A_118 = arith.constant 0 : i32
    %dma_start3A_119 = arith.constant 0 : i32
    %dma_start3A_120 = tpu.memref_slice %arg2[%dma_start3A_118, %dma_start3A_119] : memref<10240x128xf32, #tpu.memory_space<hbm>> -> memref<10240x128xf32, #tpu.memory_space<hbm>>
    tpu.enqueue_indirect_dma source(%dma_start3A_120 : memref<10240x128xf32, #tpu.memory_space<hbm>>) target(%dma_start3A_114 : memref<64x128xf32, #tpu.memory_space<vmem>>) offsets(%dma_start3A_117 : memref<64xi32, #tpu.memory_space<vmem>>) semaphore(%arg17 : memref<!tpu.dma_semaphore, #tpu.memory_space<semaphore_mem>>)
    %while3A = arith.constant 0 : i32
    %while3A_121 = arith.constant 0 : i32
    %while3A_122 = arith.subi %select_n3A_33, %while3A_121 : i32
    %while3A_123 = arith.addi %while3A_121, %while3A_122 : i32
    %while3A_124 = arith.constant 1 : i32
    %while3A_125 = arith.divsi %while3A_122, %while3A_124 : i32
    %while3A_126 = arith.muli %while3A_125, %while3A_124 : i32
    %while3A_127 = arith.addi %while3A_121, %while3A_126 : i32
    %while3A_128 = arith.constant 1 : i32
    scf.for %while3A_169 = %while3A_121 to %while3A_127 step %while3A_128  : i32 {
      %jit3A_170 = arith.constant 2 : i32
      %eq3A_171 = arith.constant 0 : i32
      %eq3A_172 = arith.cmpi eq, %jit3A_170, %eq3A_171 : i32
      %jit3A_173 = arith.constant 1 : i32
      %select_n3A_174 = arith.select %eq3A_172, %jit3A_173, %jit3A_170 : i32
      %rem3A_175 = arith.remsi %while3A_169, %select_n3A_174 : i32
      %ne3A_176 = arith.constant 0 : i32
      %ne3A_177 = arith.cmpi ne, %rem3A_175, %ne3A_176 : i32
      %lt3A_178 = arith.constant 0 : i32
      %lt3A_179 = arith.cmpi slt, %rem3A_175, %lt3A_178 : i32
      %lt3A_180 = arith.constant 0 : i32
      %lt3A_181 = arith.cmpi slt, %select_n3A_174, %lt3A_180 : i32
      %ne3A_182 = arith.xori %lt3A_179, %lt3A_181 : i1
      %and3A_183 = arith.andi %ne3A_182, %ne3A_177 : i1
      %add3A_184 = arith.addi %rem3A_175, %select_n3A_174 : i32
      %select_n3A_185 = arith.select %and3A_183, %add3A_184, %rem3A_175 : i32
      %jit3A_186 = arith.constant 2 : i32
      %div3A_187 = arith.divsi %while3A_169, %jit3A_186 : i32
      %sign3A_188 = arith.constant 0 : i32
      %sign3A_189 = arith.cmpi sgt, %while3A_169, %sign3A_188 : i32
      %sign3A_190 = arith.extui %sign3A_189 : i1 to i32
      %sign3A_191 = arith.constant 0 : i32
      %sign3A_192 = arith.cmpi slt, %while3A_169, %sign3A_191 : i32
      %sign3A_193 = arith.extui %sign3A_192 : i1 to i32
      %sign3A_194 = arith.subi %sign3A_190, %sign3A_193 : i32
      %sign3A_195 = arith.constant 0 : i32
      %sign3A_196 = arith.cmpi sgt, %jit3A_186, %sign3A_195 : i32
      %sign3A_197 = arith.extui %sign3A_196 : i1 to i32
      %sign3A_198 = arith.constant 0 : i32
      %sign3A_199 = arith.cmpi slt, %jit3A_186, %sign3A_198 : i32
      %sign3A_200 = arith.extui %sign3A_199 : i1 to i32
      %sign3A_201 = arith.subi %sign3A_197, %sign3A_200 : i32
      %ne3A_202 = arith.cmpi ne, %sign3A_194, %sign3A_201 : i32
      %rem3A_203 = arith.remsi %while3A_169, %jit3A_186 : i32
      %ne3A_204 = arith.constant 0 : i32
      %ne3A_205 = arith.cmpi ne, %rem3A_203, %ne3A_204 : i32
      %and3A_206 = arith.andi %ne3A_202, %ne3A_205 : i1
      %sub3A_207 = arith.constant 1 : i32
      %sub3A_208 = arith.subi %div3A_187, %sub3A_207 : i32
      %select_n3A_209 = arith.select %and3A_206, %sub3A_208, %div3A_187 : i32
      %jit3A_210 = arith.constant 2 : i32
      %eq3A_211 = arith.constant 0 : i32
      %eq3A_212 = arith.cmpi eq, %jit3A_210, %eq3A_211 : i32
      %jit3A_213 = arith.constant 1 : i32
      %select_n3A_214 = arith.select %eq3A_212, %jit3A_213, %jit3A_210 : i32
      %rem3A_215 = arith.remsi %while3A_169, %select_n3A_214 : i32
      %ne3A_216 = arith.constant 0 : i32
      %ne3A_217 = arith.cmpi ne, %rem3A_215, %ne3A_216 : i32
      %lt3A_218 = arith.constant 0 : i32
      %lt3A_219 = arith.cmpi slt, %rem3A_215, %lt3A_218 : i32
      %lt3A_220 = arith.constant 0 : i32
      %lt3A_221 = arith.cmpi slt, %select_n3A_214, %lt3A_220 : i32
      %ne3A_222 = arith.xori %lt3A_219, %lt3A_221 : i1
      %and3A_223 = arith.andi %ne3A_222, %ne3A_217 : i1
      %add3A_224 = arith.addi %rem3A_215, %select_n3A_214 : i32
      %select_n3A_225 = arith.select %and3A_223, %add3A_224, %rem3A_215 : i32
      %jit3A_226 = arith.constant 2 : i32
      %eq3A_227 = arith.constant 0 : i32
      %eq3A_228 = arith.cmpi eq, %jit3A_226, %eq3A_227 : i32
      %jit3A_229 = arith.constant 1 : i32
      %select_n3A_230 = arith.select %eq3A_228, %jit3A_229, %jit3A_226 : i32
      %rem3A_231 = arith.remsi %select_n3A_209, %select_n3A_230 : i32
      %ne3A_232 = arith.constant 0 : i32
      %ne3A_233 = arith.cmpi ne, %rem3A_231, %ne3A_232 : i32
      %lt3A_234 = arith.constant 0 : i32
      %lt3A_235 = arith.cmpi slt, %rem3A_231, %lt3A_234 : i32
      %lt3A_236 = arith.constant 0 : i32
      %lt3A_237 = arith.cmpi slt, %select_n3A_230, %lt3A_236 : i32
      %ne3A_238 = arith.xori %lt3A_235, %lt3A_237 : i1
      %and3A_239 = arith.andi %ne3A_238, %ne3A_233 : i1
      %add3A_240 = arith.addi %rem3A_231, %select_n3A_230 : i32
      %select_n3A_241 = arith.select %and3A_239, %add3A_240, %rem3A_231 : i32
      %ge3A = arith.constant 1 : i32
      %ge3A_242 = arith.cmpi sge, %while3A_169, %ge3A : i32
      %convert_element_type3A = arith.extui %ge3A_242 : i1 to i32
      %cond3A = arith.constant 0 : i32
      %cond3A_243 = arith.cmpi ne, %convert_element_type3A, %cond3A : i32
      scf.if %cond3A_243 {
        %sub3A_299 = arith.constant 1 : i32
        %sub3A_300 = arith.subi %sub3A_299, %select_n3A_185 : i32
        %dma_wait3A_301 = arith.constant 0 : i32
        %dma_wait3A_302 = arith.constant 0 : i32
        %dma_wait3A_303 = arith.constant 0 : i32
        %dma_wait3A_304 = arith.constant 0 : i32
        %dma_wait3A_305 = tpu.memref_slice %arg14[%sub3A_300, %dma_wait3A_303, %dma_wait3A_304] : memref<2x64x128xf32, #tpu.memory_space<vmem>> -> memref<1x64x128xf32, #tpu.memory_space<vmem>>
        %dma_wait3A_306 = tpu.memref_squeeze %dma_wait3A_305 : memref<1x64x128xf32, #tpu.memory_space<vmem>> -> memref<64x128xf32, #tpu.memory_space<vmem>>
        %dma_wait3A_307 = arith.constant 0 : i32
        %dma_wait3A_308 = tpu.memref_slice %arg10[%dma_wait3A_301, %dma_wait3A_302, %dma_wait3A_307] : memref<2x2x64xi32, #tpu.memory_space<vmem>> -> memref<1x1x64xi32, #tpu.memory_space<vmem>>
        %dma_wait3A_309 = tpu.memref_squeeze %dma_wait3A_308 : memref<1x1x64xi32, #tpu.memory_space<vmem>> -> memref<64xi32, #tpu.memory_space<vmem>>
        %dma_wait3A_310 = arith.constant 0 : i32
        %dma_wait3A_311 = arith.constant 0 : i32
        %dma_wait3A_312 = tpu.memref_slice %arg16[%dma_wait3A_310, %dma_wait3A_311] : memref<10240x128xf32, #tpu.memory_space<vmem_shared>> -> memref<10240x128xf32, #tpu.memory_space<vmem_shared>>
        tpu.wait_indirect_dma semaphore(%arg18 : memref<!tpu.dma_semaphore, #tpu.memory_space<semaphore_mem>>) src(%dma_wait3A_306 : memref<64x128xf32, #tpu.memory_space<vmem>>) dst(%dma_wait3A_312 : memref<10240x128xf32, #tpu.memory_space<vmem_shared>>)
      } else {
      }
      %eq3A_244 = arith.constant 0 : i32
      %eq3A_245 = arith.cmpi eq, %select_n3A_225, %eq3A_244 : i32
      %add3A_246 = arith.constant 1 : i32
      %add3A_247 = arith.addi %select_n3A_209, %add3A_246 : i32
      %sub3A_248 = arith.constant 1 : i32
      %sub3A_249 = arith.subi %select_n3A_51, %sub3A_248 : i32
      %le3A = arith.cmpi sle, %add3A_247, %sub3A_249 : i32
      %and3A_250 = arith.andi %eq3A_245, %le3A : i1
      %convert_element_type3A_251 = arith.extui %and3A_250 : i1 to i32
      %cond3A_252 = arith.constant 0 : i32
      %cond3A_253 = arith.cmpi ne, %convert_element_type3A_251, %cond3A_252 : i32
      scf.if %cond3A_253 {
        %add3A_299 = arith.constant 1 : i32
        %add3A_300 = arith.addi %select_n3A_209, %add3A_299 : i32
        %sub3A_301 = arith.constant 1 : i32
        %sub3A_302 = arith.subi %sub3A_301, %select_n3A_241 : i32
        %mul3A_303 = arith.constant 2 : i32
        %mul3A_304 = arith.muli %add3A_300, %mul3A_303 : i32
        %add3A_305 = arith.addi %add3A, %mul3A_304 : i32
        %dma_start3A_306 = arith.constant 0 : i32
        %dma_start3A_307 = arith.constant 0 : i32
        %dma_start3A_308 = tpu.memref_slice %arg9[%sub3A_302, %dma_start3A_306, %dma_start3A_307] : memref<2x2x64xi32, #tpu.memory_space<vmem>> -> memref<1x2x64xi32, #tpu.memory_space<vmem>>
        %dma_start3A_309 = tpu.memref_squeeze %dma_start3A_308 : memref<1x2x64xi32, #tpu.memory_space<vmem>> -> memref<2x64xi32, #tpu.memory_space<vmem>>
        %dma_start3A_310 = arith.constant 0 : i32
        %dma_start3A_311 = tpu.memref_slice %arg3[%add3A_305, %dma_start3A_310] : memref<5120x64xi32, #tpu.memory_space<hbm>> -> memref<2x64xi32, #tpu.memory_space<hbm>>
        %dma_start3A_312 = arith.constant 0 : i32
        %dma_start3A_313 = arith.constant 0 : i32
        %dma_start3A_314 = tpu.memref_slice %arg9[%sub3A_302, %dma_start3A_312, %dma_start3A_313] : memref<2x2x64xi32, #tpu.memory_space<vmem>> -> memref<1x2x64xi32, #tpu.memory_space<vmem>>
        %dma_start3A_315 = tpu.memref_squeeze %dma_start3A_314 : memref<1x2x64xi32, #tpu.memory_space<vmem>> -> memref<2x64xi32, #tpu.memory_space<vmem>>
        %dma_start3A_316 = arith.constant 0 : i32
        %dma_start3A_317 = tpu.memref_slice %arg3[%add3A_305, %dma_start3A_316] : memref<5120x64xi32, #tpu.memory_space<hbm>> -> memref<2x64xi32, #tpu.memory_space<hbm>>
        tpu.enqueue_dma source(%dma_start3A_317 : memref<2x64xi32, #tpu.memory_space<hbm>>) target(%dma_start3A_315 : memref<2x64xi32, #tpu.memory_space<vmem>>) target_semaphore(%arg19 : memref<!tpu.dma_semaphore, #tpu.memory_space<semaphore_mem>>)
        %dma_start3A_318 = arith.constant 0 : i32
        %dma_start3A_319 = arith.constant 0 : i32
        %dma_start3A_320 = tpu.memref_slice %arg10[%sub3A_302, %dma_start3A_318, %dma_start3A_319] : memref<2x2x64xi32, #tpu.memory_space<vmem>> -> memref<1x2x64xi32, #tpu.memory_space<vmem>>
        %dma_start3A_321 = tpu.memref_squeeze %dma_start3A_320 : memref<1x2x64xi32, #tpu.memory_space<vmem>> -> memref<2x64xi32, #tpu.memory_space<vmem>>
        %dma_start3A_322 = arith.constant 0 : i32
        %dma_start3A_323 = tpu.memref_slice %arg4[%add3A_305, %dma_start3A_322] : memref<5120x64xi32, #tpu.memory_space<hbm>> -> memref<2x64xi32, #tpu.memory_space<hbm>>
        %dma_start3A_324 = arith.constant 0 : i32
        %dma_start3A_325 = arith.constant 0 : i32
        %dma_start3A_326 = tpu.memref_slice %arg10[%sub3A_302, %dma_start3A_324, %dma_start3A_325] : memref<2x2x64xi32, #tpu.memory_space<vmem>> -> memref<1x2x64xi32, #tpu.memory_space<vmem>>
        %dma_start3A_327 = tpu.memref_squeeze %dma_start3A_326 : memref<1x2x64xi32, #tpu.memory_space<vmem>> -> memref<2x64xi32, #tpu.memory_space<vmem>>
        %dma_start3A_328 = arith.constant 0 : i32
        %dma_start3A_329 = tpu.memref_slice %arg4[%add3A_305, %dma_start3A_328] : memref<5120x64xi32, #tpu.memory_space<hbm>> -> memref<2x64xi32, #tpu.memory_space<hbm>>
        tpu.enqueue_dma source(%dma_start3A_329 : memref<2x64xi32, #tpu.memory_space<hbm>>) target(%dma_start3A_327 : memref<2x64xi32, #tpu.memory_space<vmem>>) target_semaphore(%arg19 : memref<!tpu.dma_semaphore, #tpu.memory_space<semaphore_mem>>)
      } else {
      }
      %scan3A_254 = arith.constant 0 : i32
      %scan3A_255 = arith.constant 0 : i32
      %scan3A_256 = arith.constant 4 : i32
      %scan3A_257 = arith.addi %scan3A_255, %scan3A_256 : i32
      %scan3A_258 = arith.constant 1 : i32
      scf.for %scan3A_299 = %scan3A_255 to %scan3A_257 step %scan3A_258  : i32 {
        %mul3A_300 = arith.constant 16 : i32
        %mul3A_301 = arith.muli %scan3A_299, %mul3A_300 : i32
        %get3A = arith.index_cast %select_n3A_241 : i32 to index
        %get3A_302 = arith.index_cast %select_n3A_225 : i32 to index
        %get3A_303 = arith.index_cast %mul3A_301 : i32 to index
        %get3A_304 = tpu.vector_load %arg9[%get3A, %get3A_302, %get3A_303] {strides = array<i32>} : memref<2x2x64xi32, #tpu.memory_space<vmem>>, vector<16xi32>,
        %mul3A_305 = arith.constant 16 : i32
        %mul3A_306 = arith.muli %scan3A_299, %mul3A_305 : i32
        %get3A_307 = arith.index_cast %select_n3A_241 : i32 to index
        %get3A_308 = arith.index_cast %select_n3A_225 : i32 to index
        %get3A_309 = arith.index_cast %mul3A_306 : i32 to index
        %get3A_310 = tpu.vector_load %arg10[%get3A_307, %get3A_308, %get3A_309] {strides = array<i32>} : memref<2x2x64xi32, #tpu.memory_space<vmem>>, vector<16xi32>,
        %shift_right_arithmetic3A = arith.constant 7 : i32
        %shift_right_arithmetic3A_311 = vector.broadcast %shift_right_arithmetic3A : i32 to vector<16xi32>
        %shift_right_arithmetic3A_312 = arith.shrsi %get3A_304, %shift_right_arithmetic3A_311 : vector<16xi32>
        %and3A_313 = arith.constant 127 : i32
        %and3A_314 = vector.broadcast %and3A_313 : i32 to vector<16xi32>
        %and3A_315 = arith.andi %get3A_304, %and3A_314 : vector<16xi32>
        %gather3A = tpu.vector_load_idx %arg11[%shift_right_arithmetic3A_312, %and3A_315] : memref<80x128xf32, #tpu.memory_space<vmem>>[vector<16xi32>, vector<16xi32>], vector<16xf32>,
        %shift_right_arithmetic3A_316 = arith.constant 7 : i32
        %shift_right_arithmetic3A_317 = vector.broadcast %shift_right_arithmetic3A_316 : i32 to vector<16xi32>
        %shift_right_arithmetic3A_318 = arith.shrsi %get3A_310, %shift_right_arithmetic3A_317 : vector<16xi32>
        %and3A_319 = arith.constant 127 : i32
        %and3A_320 = vector.broadcast %and3A_319 : i32 to vector<16xi32>
        %and3A_321 = arith.andi %get3A_310, %and3A_320 : vector<16xi32>
        %gather3A_322 = tpu.vector_load_idx %arg12[%shift_right_arithmetic3A_318, %and3A_321] : memref<80x128xf32, #tpu.memory_space<vmem>>[vector<16xi32>, vector<16xi32>], vector<16xf32>,
        %add3A_323 = arith.addf %gather3A, %gather3A_322 : vector<16xf32>
        %gt3A = arith.constant 0.000000e+00 : f32
        %gt3A_324 = vector.broadcast %gt3A : f32 to vector<16xf32>
        %gt3A_325 = arith.cmpf ogt, %add3A_323, %gt3A_324 : vector<16xf32>
        %mul3A_326 = arith.constant 2.000000e-01 : f32
        %mul3A_327 = vector.broadcast %mul3A_326 : f32 to vector<16xf32>
        %mul3A_328 = arith.mulf %mul3A_327, %add3A_323 : vector<16xf32>
        %select_n3A_329 = arith.select %gt3A_325, %add3A_323, %mul3A_328 : vector<16xi1>, vector<16xf32>
        %exp3A = math.exp %select_n3A_329 : vector<16xf32>
        %swap3A = arith.index_cast %scan3A_299 : i32 to index
        %swap3A_330 = arith.constant 0 : index
        %swap3A_331 = tpu.vector_load %arg13[%swap3A, %swap3A_330] {strides = array<i32>} : memref<4x16xf32, #tpu.memory_space<vmem>>, vector<16xf32>,
        tpu.vector_store %arg13[%swap3A, %swap3A_330], %exp3A {strides = array<i32>} : memref<4x16xf32, #tpu.memory_space<vmem>>, vector<16xf32>,
        %shift_right_arithmetic3A_332 = arith.constant 7 : i32
        %shift_right_arithmetic3A_333 = vector.broadcast %shift_right_arithmetic3A_332 : i32 to vector<16xi32>
        %shift_right_arithmetic3A_334 = arith.shrsi %get3A_310, %shift_right_arithmetic3A_333 : vector<16xi32>
        %and3A_335 = arith.constant 127 : i32
        %and3A_336 = vector.broadcast %and3A_335 : i32 to vector<16xi32>
        %and3A_337 = arith.andi %get3A_310, %and3A_336 : vector<16xi32>
        tpu.vector_store_idx %arg15[%shift_right_arithmetic3A_334, %and3A_337], %exp3A {add = true} : memref<80x128xf32, #tpu.memory_space<vmem>>[vector<16xi32>, vector<16xi32>], vector<16xf32>,
      }
      %scan3A_259 = arith.constant 4 : i32
      %eq3A_260 = arith.constant 1 : i32
      %eq3A_261 = arith.cmpi eq, %select_n3A_225, %eq3A_260 : i32
      %add3A_262 = arith.constant 1 : i32
      %add3A_263 = arith.addi %while3A_169, %add3A_262 : i32
      %lt3A_264 = arith.cmpi slt, %add3A_263, %select_n3A_33 : i32
      %and3A_265 = arith.andi %eq3A_261, %lt3A_264 : i1
      %convert_element_type3A_266 = arith.extui %and3A_265 : i1 to i32
      %cond3A_267 = arith.constant 0 : i32
      %cond3A_268 = arith.cmpi ne, %convert_element_type3A_266, %cond3A_267 : i32
      scf.if %cond3A_268 {
        %dma_wait3A_299 = arith.constant 0 : i32
        %dma_wait3A_300 = arith.constant 0 : i32
        %dma_wait3A_301 = arith.constant 0 : i32
        %dma_wait3A_302 = tpu.memref_slice %arg9[%dma_wait3A_299, %dma_wait3A_300, %dma_wait3A_301] : memref<2x2x64xi32, #tpu.memory_space<vmem>> -> memref<1x2x64xi32, #tpu.memory_space<vmem>>
        %dma_wait3A_303 = tpu.memref_squeeze %dma_wait3A_302 : memref<1x2x64xi32, #tpu.memory_space<vmem>> -> memref<2x64xi32, #tpu.memory_space<vmem>>
        %dma_wait3A_304 = arith.constant 0 : i32
        %dma_wait3A_305 = arith.constant 0 : i32
        %dma_wait3A_306 = tpu.memref_slice %arg3[%dma_wait3A_304, %dma_wait3A_305] : memref<5120x64xi32, #tpu.memory_space<hbm>> -> memref<2x64xi32, #tpu.memory_space<hbm>>
        %dma_wait3A_307 = arith.constant 0 : i32
        %dma_wait3A_308 = arith.constant 0 : i32
        %dma_wait3A_309 = tpu.memref_slice %arg9[%dma_wait3A_299, %dma_wait3A_307, %dma_wait3A_308] : memref<2x2x64xi32, #tpu.memory_space<vmem>> -> memref<1x2x64xi32, #tpu.memory_space<vmem>>
        %dma_wait3A_310 = tpu.memref_squeeze %dma_wait3A_309 : memref<1x2x64xi32, #tpu.memory_space<vmem>> -> memref<2x64xi32, #tpu.memory_space<vmem>>
        %dma_wait3A_311 = arith.constant 0 : i32
        %dma_wait3A_312 = arith.constant 0 : i32
        %dma_wait3A_313 = tpu.memref_slice %arg3[%dma_wait3A_311, %dma_wait3A_312] : memref<5120x64xi32, #tpu.memory_space<hbm>> -> memref<2x64xi32, #tpu.memory_space<hbm>>
        tpu.wait_dma2 semaphore(%arg19 : memref<!tpu.dma_semaphore, #tpu.memory_space<semaphore_mem>>) src(%dma_wait3A_313 : memref<2x64xi32, #tpu.memory_space<hbm>>) dst(%dma_wait3A_310 : memref<2x64xi32, #tpu.memory_space<vmem>>)
        %dma_wait3A_314 = arith.constant 0 : i32
        %dma_wait3A_315 = arith.constant 0 : i32
        %dma_wait3A_316 = arith.constant 0 : i32
        %dma_wait3A_317 = tpu.memref_slice %arg10[%dma_wait3A_314, %dma_wait3A_315, %dma_wait3A_316] : memref<2x2x64xi32, #tpu.memory_space<vmem>> -> memref<1x2x64xi32, #tpu.memory_space<vmem>>
        %dma_wait3A_318 = tpu.memref_squeeze %dma_wait3A_317 : memref<1x2x64xi32, #tpu.memory_space<vmem>> -> memref<2x64xi32, #tpu.memory_space<vmem>>
        %dma_wait3A_319 = arith.constant 0 : i32
        %dma_wait3A_320 = arith.constant 0 : i32
        %dma_wait3A_321 = tpu.memref_slice %arg4[%dma_wait3A_319, %dma_wait3A_320] : memref<5120x64xi32, #tpu.memory_space<hbm>> -> memref<2x64xi32, #tpu.memory_space<hbm>>
        %dma_wait3A_322 = arith.constant 0 : i32
        %dma_wait3A_323 = arith.constant 0 : i32
        %dma_wait3A_324 = tpu.memref_slice %arg10[%dma_wait3A_314, %dma_wait3A_322, %dma_wait3A_323] : memref<2x2x64xi32, #tpu.memory_space<vmem>> -> memref<1x2x64xi32, #tpu.memory_space<vmem>>
        %dma_wait3A_325 = tpu.memref_squeeze %dma_wait3A_324 : memref<1x2x64xi32, #tpu.memory_space<vmem>> -> memref<2x64xi32, #tpu.memory_space<vmem>>
        %dma_wait3A_326 = arith.constant 0 : i32
        %dma_wait3A_327 = arith.constant 0 : i32
        %dma_wait3A_328 = tpu.memref_slice %arg4[%dma_wait3A_326, %dma_wait3A_327] : memref<5120x64xi32, #tpu.memory_space<hbm>> -> memref<2x64xi32, #tpu.memory_space<hbm>>
        tpu.wait_dma2 semaphore(%arg19 : memref<!tpu.dma_semaphore, #tpu.memory_space<semaphore_mem>>) src(%dma_wait3A_328 : memref<2x64xi32, #tpu.memory_space<hbm>>) dst(%dma_wait3A_325 : memref<2x64xi32, #tpu.memory_space<vmem>>)
      } else {
      }
      %add3A_269 = arith.constant 1 : i32
      %add3A_270 = arith.addi %while3A_169, %add3A_269 : i32
      %lt3A_271 = arith.cmpi slt, %add3A_270, %select_n3A_33 : i32
      %convert_element_type3A_272 = arith.extui %lt3A_271 : i1 to i32
      %cond3A_273 = arith.constant 0 : i32
      %cond3A_274 = arith.cmpi ne, %convert_element_type3A_272, %cond3A_273 : i32
      scf.if %cond3A_274 {
        %add3A_299 = arith.constant 1 : i32
        %add3A_300 = arith.addi %while3A_169, %add3A_299 : i32
        %jit3A_301 = arith.constant 2 : i32
        %div3A_302 = arith.divsi %add3A_300, %jit3A_301 : i32
        %sign3A_303 = arith.constant 0 : i32
        %sign3A_304 = arith.cmpi sgt, %add3A_300, %sign3A_303 : i32
        %sign3A_305 = arith.extui %sign3A_304 : i1 to i32
        %sign3A_306 = arith.constant 0 : i32
        %sign3A_307 = arith.cmpi slt, %add3A_300, %sign3A_306 : i32
        %sign3A_308 = arith.extui %sign3A_307 : i1 to i32
        %sign3A_309 = arith.subi %sign3A_305, %sign3A_308 : i32
        %sign3A_310 = arith.constant 0 : i32
        %sign3A_311 = arith.cmpi sgt, %jit3A_301, %sign3A_310 : i32
        %sign3A_312 = arith.extui %sign3A_311 : i1 to i32
        %sign3A_313 = arith.constant 0 : i32
        %sign3A_314 = arith.cmpi slt, %jit3A_301, %sign3A_313 : i32
        %sign3A_315 = arith.extui %sign3A_314 : i1 to i32
        %sign3A_316 = arith.subi %sign3A_312, %sign3A_315 : i32
        %ne3A_317 = arith.cmpi ne, %sign3A_309, %sign3A_316 : i32
        %rem3A_318 = arith.remsi %add3A_300, %jit3A_301 : i32
        %ne3A_319 = arith.constant 0 : i32
        %ne3A_320 = arith.cmpi ne, %rem3A_318, %ne3A_319 : i32
        %and3A_321 = arith.andi %ne3A_317, %ne3A_320 : i1
        %sub3A_322 = arith.constant 1 : i32
        %sub3A_323 = arith.subi %div3A_302, %sub3A_322 : i32
        %select_n3A_324 = arith.select %and3A_321, %sub3A_323, %div3A_302 : i32
        %jit3A_325 = arith.constant 2 : i32
        %eq3A_326 = arith.constant 0 : i32
        %eq3A_327 = arith.cmpi eq, %jit3A_325, %eq3A_326 : i32
        %jit3A_328 = arith.constant 1 : i32
        %select_n3A_329 = arith.select %eq3A_327, %jit3A_328, %jit3A_325 : i32
        %rem3A_330 = arith.remsi %select_n3A_324, %select_n3A_329 : i32
        %ne3A_331 = arith.constant 0 : i32
        %ne3A_332 = arith.cmpi ne, %rem3A_330, %ne3A_331 : i32
        %lt3A_333 = arith.constant 0 : i32
        %lt3A_334 = arith.cmpi slt, %rem3A_330, %lt3A_333 : i32
        %lt3A_335 = arith.constant 0 : i32
        %lt3A_336 = arith.cmpi slt, %select_n3A_329, %lt3A_335 : i32
        %ne3A_337 = arith.xori %lt3A_334, %lt3A_336 : i1
        %and3A_338 = arith.andi %ne3A_337, %ne3A_332 : i1
        %add3A_339 = arith.addi %rem3A_330, %select_n3A_329 : i32
        %select_n3A_340 = arith.select %and3A_338, %add3A_339, %rem3A_330 : i32
        %add3A_341 = arith.constant 1 : i32
        %add3A_342 = arith.addi %while3A_169, %add3A_341 : i32
        %jit3A_343 = arith.constant 2 : i32
        %eq3A_344 = arith.constant 0 : i32
        %eq3A_345 = arith.cmpi eq, %jit3A_343, %eq3A_344 : i32
        %jit3A_346 = arith.constant 1 : i32
        %select_n3A_347 = arith.select %eq3A_345, %jit3A_346, %jit3A_343 : i32
        %rem3A_348 = arith.remsi %add3A_342, %select_n3A_347 : i32
        %ne3A_349 = arith.constant 0 : i32
        %ne3A_350 = arith.cmpi ne, %rem3A_348, %ne3A_349 : i32
        %lt3A_351 = arith.constant 0 : i32
        %lt3A_352 = arith.cmpi slt, %rem3A_348, %lt3A_351 : i32
        %lt3A_353 = arith.constant 0 : i32
        %lt3A_354 = arith.cmpi slt, %select_n3A_347, %lt3A_353 : i32
        %ne3A_355 = arith.xori %lt3A_352, %lt3A_354 : i1
        %and3A_356 = arith.andi %ne3A_355, %ne3A_350 : i1
        %add3A_357 = arith.addi %rem3A_348, %select_n3A_347 : i32
        %select_n3A_358 = arith.select %and3A_356, %add3A_357, %rem3A_348 : i32
        %sub3A_359 = arith.constant 1 : i32
        %sub3A_360 = arith.subi %sub3A_359, %select_n3A_185 : i32
        %dma_start3A_361 = arith.constant 0 : i32
        %dma_start3A_362 = arith.constant 0 : i32
        %dma_start3A_363 = tpu.memref_slice %arg14[%sub3A_360, %dma_start3A_361, %dma_start3A_362] : memref<2x64x128xf32, #tpu.memory_space<vmem>> -> memref<1x64x128xf32, #tpu.memory_space<vmem>>
        %dma_start3A_364 = tpu.memref_squeeze %dma_start3A_363 : memref<1x64x128xf32, #tpu.memory_space<vmem>> -> memref<64x128xf32, #tpu.memory_space<vmem>>
        %dma_start3A_365 = arith.constant 0 : i32
        %dma_start3A_366 = tpu.memref_slice %arg9[%select_n3A_340, %select_n3A_358, %dma_start3A_365] : memref<2x2x64xi32, #tpu.memory_space<vmem>> -> memref<1x1x64xi32, #tpu.memory_space<vmem>>
        %dma_start3A_367 = tpu.memref_squeeze %dma_start3A_366 : memref<1x1x64xi32, #tpu.memory_space<vmem>> -> memref<64xi32, #tpu.memory_space<vmem>>
        %dma_start3A_368 = arith.constant 0 : i32
        %dma_start3A_369 = arith.constant 0 : i32
        %dma_start3A_370 = tpu.memref_slice %arg2[%dma_start3A_368, %dma_start3A_369] : memref<10240x128xf32, #tpu.memory_space<hbm>> -> memref<10240x128xf32, #tpu.memory_space<hbm>>
        tpu.enqueue_indirect_dma source(%dma_start3A_370 : memref<10240x128xf32, #tpu.memory_space<hbm>>) target(%dma_start3A_364 : memref<64x128xf32, #tpu.memory_space<vmem>>) offsets(%dma_start3A_367 : memref<64xi32, #tpu.memory_space<vmem>>) semaphore(%arg17 : memref<!tpu.dma_semaphore, #tpu.memory_space<semaphore_mem>>)
      } else {
      }
      %dma_wait3A_275 = arith.constant 0 : i32
      %dma_wait3A_276 = arith.constant 0 : i32
      %dma_wait3A_277 = arith.constant 0 : i32
      %dma_wait3A_278 = arith.constant 0 : i32
      %dma_wait3A_279 = tpu.memref_slice %arg14[%select_n3A_185, %dma_wait3A_277, %dma_wait3A_278] : memref<2x64x128xf32, #tpu.memory_space<vmem>> -> memref<1x64x128xf32, #tpu.memory_space<vmem>>
      %dma_wait3A_280 = tpu.memref_squeeze %dma_wait3A_279 : memref<1x64x128xf32, #tpu.memory_space<vmem>> -> memref<64x128xf32, #tpu.memory_space<vmem>>
      %dma_wait3A_281 = arith.constant 0 : i32
      %dma_wait3A_282 = tpu.memref_slice %arg9[%dma_wait3A_275, %dma_wait3A_276, %dma_wait3A_281] : memref<2x2x64xi32, #tpu.memory_space<vmem>> -> memref<1x1x64xi32, #tpu.memory_space<vmem>>
      %dma_wait3A_283 = tpu.memref_squeeze %dma_wait3A_282 : memref<1x1x64xi32, #tpu.memory_space<vmem>> -> memref<64xi32, #tpu.memory_space<vmem>>
      %dma_wait3A_284 = arith.constant 0 : i32
      %dma_wait3A_285 = arith.constant 0 : i32
      %dma_wait3A_286 = tpu.memref_slice %arg2[%dma_wait3A_284, %dma_wait3A_285] : memref<10240x128xf32, #tpu.memory_space<hbm>> -> memref<10240x128xf32, #tpu.memory_space<hbm>>
      tpu.wait_indirect_dma semaphore(%arg17 : memref<!tpu.dma_semaphore, #tpu.memory_space<semaphore_mem>>) src(%dma_wait3A_286 : memref<10240x128xf32, #tpu.memory_space<hbm>>) dst(%dma_wait3A_280 : memref<64x128xf32, #tpu.memory_space<vmem>>)
      %parallel_loop3A = arith.constant 0 : i32
      %parallel_loop3A_287 = arith.constant 64 : i32
      %parallel_loop3A_288 = arith.constant 1 : i32
      scf.for %parallel_loop3A_299 = %parallel_loop3A to %parallel_loop3A_287 step %parallel_loop3A_288  : i32 {
        %parallel_loop3A_300 = arith.constant 4 : i32
        %parallel_loop3A_301 = arith.shrsi %parallel_loop3A_299, %parallel_loop3A_300 : i32
        %parallel_loop3A_302 = vector.broadcast %parallel_loop3A_301 : i32 to vector<16xi32>
        %parallel_loop3A_303 = arith.constant 15 : i32
        %parallel_loop3A_304 = arith.andi %parallel_loop3A_299, %parallel_loop3A_303 : i32
        %parallel_loop3A_305 = vector.broadcast %parallel_loop3A_304 : i32 to vector<16xi32>
        %parallel_loop3A_306 = tpu.vector_load_idx %arg13[%parallel_loop3A_302, %parallel_loop3A_305] : memref<4x16xf32, #tpu.memory_space<vmem>>[vector<16xi32>, vector<16xi32>], vector<16xf32>,
        %parallel_loop3A_307 = arith.index_cast %select_n3A_185 : i32 to index
        %parallel_loop3A_308 = arith.index_cast %parallel_loop3A_299 : i32 to index
        %parallel_loop3A_309 = arith.constant 0 : index
        %parallel_loop3A_310 = tpu.vector_load %arg14[%parallel_loop3A_307, %parallel_loop3A_308, %parallel_loop3A_309] {strides = array<i32>} : memref<2x64x128xf32, #tpu.memory_space<vmem>>, vector<16xf32>,
        %parallel_loop3A_311 = arith.mulf %parallel_loop3A_310, %parallel_loop3A_306 : vector<16xf32>
        %parallel_loop3A_312 = arith.index_cast %select_n3A_185 : i32 to index
        %parallel_loop3A_313 = arith.index_cast %parallel_loop3A_299 : i32 to index
        %parallel_loop3A_314 = arith.constant 0 : index
        %parallel_loop3A_315 = tpu.vector_load %arg14[%parallel_loop3A_312, %parallel_loop3A_313, %parallel_loop3A_314] {strides = array<i32>} : memref<2x64x128xf32, #tpu.memory_space<vmem>>, vector<16xf32>,
        tpu.vector_store %arg14[%parallel_loop3A_312, %parallel_loop3A_313, %parallel_loop3A_314], %parallel_loop3A_311 {strides = array<i32>} : memref<2x64x128xf32, #tpu.memory_space<vmem>>, vector<16xf32>,
        %parallel_loop3A_316 = arith.index_cast %select_n3A_185 : i32 to index
        %parallel_loop3A_317 = arith.index_cast %parallel_loop3A_299 : i32 to index
        %parallel_loop3A_318 = arith.constant 16 : index
        %parallel_loop3A_319 = tpu.vector_load %arg14[%parallel_loop3A_316, %parallel_loop3A_317, %parallel_loop3A_318] {strides = array<i32>} : memref<2x64x128xf32, #tpu.memory_space<vmem>>, vector<16xf32>,
        %parallel_loop3A_320 = arith.mulf %parallel_loop3A_319, %parallel_loop3A_306 : vector<16xf32>
        %parallel_loop3A_321 = arith.index_cast %select_n3A_185 : i32 to index
        %parallel_loop3A_322 = arith.index_cast %parallel_loop3A_299 : i32 to index
        %parallel_loop3A_323 = arith.constant 16 : index
        %parallel_loop3A_324 = tpu.vector_load %arg14[%parallel_loop3A_321, %parallel_loop3A_322, %parallel_loop3A_323] {strides = array<i32>} : memref<2x64x128xf32, #tpu.memory_space<vmem>>, vector<16xf32>,
        tpu.vector_store %arg14[%parallel_loop3A_321, %parallel_loop3A_322, %parallel_loop3A_323], %parallel_loop3A_320 {strides = array<i32>} : memref<2x64x128xf32, #tpu.memory_space<vmem>>, vector<16xf32>,
        %parallel_loop3A_325 = arith.index_cast %select_n3A_185 : i32 to index
        %parallel_loop3A_326 = arith.index_cast %parallel_loop3A_299 : i32 to index
        %parallel_loop3A_327 = arith.constant 32 : index
        %parallel_loop3A_328 = tpu.vector_load %arg14[%parallel_loop3A_325, %parallel_loop3A_326, %parallel_loop3A_327] {strides = array<i32>} : memref<2x64x128xf32, #tpu.memory_space<vmem>>, vector<16xf32>,
        %parallel_loop3A_329 = arith.mulf %parallel_loop3A_328, %parallel_loop3A_306 : vector<16xf32>
        %parallel_loop3A_330 = arith.index_cast %select_n3A_185 : i32 to index
        %parallel_loop3A_331 = arith.index_cast %parallel_loop3A_299 : i32 to index
        %parallel_loop3A_332 = arith.constant 32 : index
        %parallel_loop3A_333 = tpu.vector_load %arg14[%parallel_loop3A_330, %parallel_loop3A_331, %parallel_loop3A_332] {strides = array<i32>} : memref<2x64x128xf32, #tpu.memory_space<vmem>>, vector<16xf32>,
        tpu.vector_store %arg14[%parallel_loop3A_330, %parallel_loop3A_331, %parallel_loop3A_332], %parallel_loop3A_329 {strides = array<i32>} : memref<2x64x128xf32, #tpu.memory_space<vmem>>, vector<16xf32>,
        %parallel_loop3A_334 = arith.index_cast %select_n3A_185 : i32 to index
        %parallel_loop3A_335 = arith.index_cast %parallel_loop3A_299 : i32 to index
        %parallel_loop3A_336 = arith.constant 48 : index
        %parallel_loop3A_337 = tpu.vector_load %arg14[%parallel_loop3A_334, %parallel_loop3A_335, %parallel_loop3A_336] {strides = array<i32>} : memref<2x64x128xf32, #tpu.memory_space<vmem>>, vector<16xf32>,
        %parallel_loop3A_338 = arith.mulf %parallel_loop3A_337, %parallel_loop3A_306 : vector<16xf32>
        %parallel_loop3A_339 = arith.index_cast %select_n3A_185 : i32 to index
        %parallel_loop3A_340 = arith.index_cast %parallel_loop3A_299 : i32 to index
        %parallel_loop3A_341 = arith.constant 48 : index
        %parallel_loop3A_342 = tpu.vector_load %arg14[%parallel_loop3A_339, %parallel_loop3A_340, %parallel_loop3A_341] {strides = array<i32>} : memref<2x64x128xf32, #tpu.memory_space<vmem>>, vector<16xf32>,
        tpu.vector_store %arg14[%parallel_loop3A_339, %parallel_loop3A_340, %parallel_loop3A_341], %parallel_loop3A_338 {strides = array<i32>} : memref<2x64x128xf32, #tpu.memory_space<vmem>>, vector<16xf32>,
        %parallel_loop3A_343 = arith.index_cast %select_n3A_185 : i32 to index
        %parallel_loop3A_344 = arith.index_cast %parallel_loop3A_299 : i32 to index
        %parallel_loop3A_345 = arith.constant 64 : index
        %parallel_loop3A_346 = tpu.vector_load %arg14[%parallel_loop3A_343, %parallel_loop3A_344, %parallel_loop3A_345] {strides = array<i32>} : memref<2x64x128xf32, #tpu.memory_space<vmem>>, vector<16xf32>,
        %parallel_loop3A_347 = arith.mulf %parallel_loop3A_346, %parallel_loop3A_306 : vector<16xf32>
        %parallel_loop3A_348 = arith.index_cast %select_n3A_185 : i32 to index
        %parallel_loop3A_349 = arith.index_cast %parallel_loop3A_299 : i32 to index
        %parallel_loop3A_350 = arith.constant 64 : index
        %parallel_loop3A_351 = tpu.vector_load %arg14[%parallel_loop3A_348, %parallel_loop3A_349, %parallel_loop3A_350] {strides = array<i32>} : memref<2x64x128xf32, #tpu.memory_space<vmem>>, vector<16xf32>,
        tpu.vector_store %arg14[%parallel_loop3A_348, %parallel_loop3A_349, %parallel_loop3A_350], %parallel_loop3A_347 {strides = array<i32>} : memref<2x64x128xf32, #tpu.memory_space<vmem>>, vector<16xf32>,
        %parallel_loop3A_352 = arith.index_cast %select_n3A_185 : i32 to index
        %parallel_loop3A_353 = arith.index_cast %parallel_loop3A_299 : i32 to index
        %parallel_loop3A_354 = arith.constant 80 : index
        %parallel_loop3A_355 = tpu.vector_load %arg14[%parallel_loop3A_352, %parallel_loop3A_353, %parallel_loop3A_354] {strides = array<i32>} : memref<2x64x128xf32, #tpu.memory_space<vmem>>, vector<16xf32>,
        %parallel_loop3A_356 = arith.mulf %parallel_loop3A_355, %parallel_loop3A_306 : vector<16xf32>
        %parallel_loop3A_357 = arith.index_cast %select_n3A_185 : i32 to index
        %parallel_loop3A_358 = arith.index_cast %parallel_loop3A_299 : i32 to index
        %parallel_loop3A_359 = arith.constant 80 : index
        %parallel_loop3A_360 = tpu.vector_load %arg14[%parallel_loop3A_357, %parallel_loop3A_358, %parallel_loop3A_359] {strides = array<i32>} : memref<2x64x128xf32, #tpu.memory_space<vmem>>, vector<16xf32>,
        tpu.vector_store %arg14[%parallel_loop3A_357, %parallel_loop3A_358, %parallel_loop3A_359], %parallel_loop3A_356 {strides = array<i32>} : memref<2x64x128xf32, #tpu.memory_space<vmem>>, vector<16xf32>,
        %parallel_loop3A_361 = arith.index_cast %select_n3A_185 : i32 to index
        %parallel_loop3A_362 = arith.index_cast %parallel_loop3A_299 : i32 to index
        %parallel_loop3A_363 = arith.constant 96 : index
        %parallel_loop3A_364 = tpu.vector_load %arg14[%parallel_loop3A_361, %parallel_loop3A_362, %parallel_loop3A_363] {strides = array<i32>} : memref<2x64x128xf32, #tpu.memory_space<vmem>>, vector<16xf32>,
        %parallel_loop3A_365 = arith.mulf %parallel_loop3A_364, %parallel_loop3A_306 : vector<16xf32>
        %parallel_loop3A_366 = arith.index_cast %select_n3A_185 : i32 to index
        %parallel_loop3A_367 = arith.index_cast %parallel_loop3A_299 : i32 to index
        %parallel_loop3A_368 = arith.constant 96 : index
        %parallel_loop3A_369 = tpu.vector_load %arg14[%parallel_loop3A_366, %parallel_loop3A_367, %parallel_loop3A_368] {strides = array<i32>} : memref<2x64x128xf32, #tpu.memory_space<vmem>>, vector<16xf32>,
        tpu.vector_store %arg14[%parallel_loop3A_366, %parallel_loop3A_367, %parallel_loop3A_368], %parallel_loop3A_365 {strides = array<i32>} : memref<2x64x128xf32, #tpu.memory_space<vmem>>, vector<16xf32>,
        %parallel_loop3A_370 = arith.index_cast %select_n3A_185 : i32 to index
        %parallel_loop3A_371 = arith.index_cast %parallel_loop3A_299 : i32 to index
        %parallel_loop3A_372 = arith.constant 112 : index
        %parallel_loop3A_373 = tpu.vector_load %arg14[%parallel_loop3A_370, %parallel_loop3A_371, %parallel_loop3A_372] {strides = array<i32>} : memref<2x64x128xf32, #tpu.memory_space<vmem>>, vector<16xf32>,
        %parallel_loop3A_374 = arith.mulf %parallel_loop3A_373, %parallel_loop3A_306 : vector<16xf32>
        %parallel_loop3A_375 = arith.index_cast %select_n3A_185 : i32 to index
        %parallel_loop3A_376 = arith.index_cast %parallel_loop3A_299 : i32 to index
        %parallel_loop3A_377 = arith.constant 112 : index
        %parallel_loop3A_378 = tpu.vector_load %arg14[%parallel_loop3A_375, %parallel_loop3A_376, %parallel_loop3A_377] {strides = array<i32>} : memref<2x64x128xf32, #tpu.memory_space<vmem>>, vector<16xf32>,
        tpu.vector_store %arg14[%parallel_loop3A_375, %parallel_loop3A_376, %parallel_loop3A_377], %parallel_loop3A_374 {strides = array<i32>} : memref<2x64x128xf32, #tpu.memory_space<vmem>>, vector<16xf32>,
      } {sc.loop_unroll_factor = 4 : i64, sc.parallel_access}
      %dma_start3A_289 = arith.constant 0 : i32
      %dma_start3A_290 = arith.constant 0 : i32
      %dma_start3A_291 = tpu.memref_slice %arg14[%select_n3A_185, %dma_start3A_289, %dma_start3A_290] : memref<2x64x128xf32, #tpu.memory_space<vmem>> -> memref<1x64x128xf32, #tpu.memory_space<vmem>>
      %dma_start3A_292 = tpu.memref_squeeze %dma_start3A_291 : memref<1x64x128xf32, #tpu.memory_space<vmem>> -> memref<64x128xf32, #tpu.memory_space<vmem>>
      %dma_start3A_293 = arith.constant 0 : i32
      %dma_start3A_294 = tpu.memref_slice %arg10[%select_n3A_241, %select_n3A_225, %dma_start3A_293] : memref<2x2x64xi32, #tpu.memory_space<vmem>> -> memref<1x1x64xi32, #tpu.memory_space<vmem>>
      %dma_start3A_295 = tpu.memref_squeeze %dma_start3A_294 : memref<1x1x64xi32, #tpu.memory_space<vmem>> -> memref<64xi32, #tpu.memory_space<vmem>>
      %dma_start3A_296 = arith.constant 0 : i32
      %dma_start3A_297 = arith.constant 0 : i32
      %dma_start3A_298 = tpu.memref_slice %arg16[%dma_start3A_296, %dma_start3A_297] : memref<10240x128xf32, #tpu.memory_space<vmem_shared>> -> memref<10240x128xf32, #tpu.memory_space<vmem_shared>>
      tpu.enqueue_indirect_dma source(%dma_start3A_292 : memref<64x128xf32, #tpu.memory_space<vmem>>) target(%dma_start3A_298 : memref<10240x128xf32, #tpu.memory_space<vmem_shared>>) offsets(%dma_start3A_295 : memref<64xi32, #tpu.memory_space<vmem>>) semaphore(%arg18 : memref<!tpu.dma_semaphore, #tpu.memory_space<semaphore_mem>>) {add = true}
    }
    %while3A_129 = arith.constant 1 : i32
    scf.for %while3A_169 = %while3A_127 to %while3A_123 step %while3A_129  : i32 {
      %jit3A_170 = arith.constant 2 : i32
      %eq3A_171 = arith.constant 0 : i32
      %eq3A_172 = arith.cmpi eq, %jit3A_170, %eq3A_171 : i32
      %jit3A_173 = arith.constant 1 : i32
      %select_n3A_174 = arith.select %eq3A_172, %jit3A_173, %jit3A_170 : i32
      %rem3A_175 = arith.remsi %while3A_169, %select_n3A_174 : i32
      %ne3A_176 = arith.constant 0 : i32
      %ne3A_177 = arith.cmpi ne, %rem3A_175, %ne3A_176 : i32
      %lt3A_178 = arith.constant 0 : i32
      %lt3A_179 = arith.cmpi slt, %rem3A_175, %lt3A_178 : i32
      %lt3A_180 = arith.constant 0 : i32
      %lt3A_181 = arith.cmpi slt, %select_n3A_174, %lt3A_180 : i32
      %ne3A_182 = arith.xori %lt3A_179, %lt3A_181 : i1
      %and3A_183 = arith.andi %ne3A_182, %ne3A_177 : i1
      %add3A_184 = arith.addi %rem3A_175, %select_n3A_174 : i32
      %select_n3A_185 = arith.select %and3A_183, %add3A_184, %rem3A_175 : i32
      %jit3A_186 = arith.constant 2 : i32
      %div3A_187 = arith.divsi %while3A_169, %jit3A_186 : i32
      %sign3A_188 = arith.constant 0 : i32
      %sign3A_189 = arith.cmpi sgt, %while3A_169, %sign3A_188 : i32
      %sign3A_190 = arith.extui %sign3A_189 : i1 to i32
      %sign3A_191 = arith.constant 0 : i32
      %sign3A_192 = arith.cmpi slt, %while3A_169, %sign3A_191 : i32
      %sign3A_193 = arith.extui %sign3A_192 : i1 to i32
      %sign3A_194 = arith.subi %sign3A_190, %sign3A_193 : i32
      %sign3A_195 = arith.constant 0 : i32
      %sign3A_196 = arith.cmpi sgt, %jit3A_186, %sign3A_195 : i32
      %sign3A_197 = arith.extui %sign3A_196 : i1 to i32
      %sign3A_198 = arith.constant 0 : i32
      %sign3A_199 = arith.cmpi slt, %jit3A_186, %sign3A_198 : i32
      %sign3A_200 = arith.extui %sign3A_199 : i1 to i32
      %sign3A_201 = arith.subi %sign3A_197, %sign3A_200 : i32
      %ne3A_202 = arith.cmpi ne, %sign3A_194, %sign3A_201 : i32
      %rem3A_203 = arith.remsi %while3A_169, %jit3A_186 : i32
      %ne3A_204 = arith.constant 0 : i32
      %ne3A_205 = arith.cmpi ne, %rem3A_203, %ne3A_204 : i32
      %and3A_206 = arith.andi %ne3A_202, %ne3A_205 : i1
      %sub3A_207 = arith.constant 1 : i32
      %sub3A_208 = arith.subi %div3A_187, %sub3A_207 : i32
      %select_n3A_209 = arith.select %and3A_206, %sub3A_208, %div3A_187 : i32
      %jit3A_210 = arith.constant 2 : i32
      %eq3A_211 = arith.constant 0 : i32
      %eq3A_212 = arith.cmpi eq, %jit3A_210, %eq3A_211 : i32
      %jit3A_213 = arith.constant 1 : i32
      %select_n3A_214 = arith.select %eq3A_212, %jit3A_213, %jit3A_210 : i32
      %rem3A_215 = arith.remsi %while3A_169, %select_n3A_214 : i32
      %ne3A_216 = arith.constant 0 : i32
      %ne3A_217 = arith.cmpi ne, %rem3A_215, %ne3A_216 : i32
      %lt3A_218 = arith.constant 0 : i32
      %lt3A_219 = arith.cmpi slt, %rem3A_215, %lt3A_218 : i32
      %lt3A_220 = arith.constant 0 : i32
      %lt3A_221 = arith.cmpi slt, %select_n3A_214, %lt3A_220 : i32
      %ne3A_222 = arith.xori %lt3A_219, %lt3A_221 : i1
      %and3A_223 = arith.andi %ne3A_222, %ne3A_217 : i1
      %add3A_224 = arith.addi %rem3A_215, %select_n3A_214 : i32
      %select_n3A_225 = arith.select %and3A_223, %add3A_224, %rem3A_215 : i32
      %jit3A_226 = arith.constant 2 : i32
      %eq3A_227 = arith.constant 0 : i32
      %eq3A_228 = arith.cmpi eq, %jit3A_226, %eq3A_227 : i32
      %jit3A_229 = arith.constant 1 : i32
      %select_n3A_230 = arith.select %eq3A_228, %jit3A_229, %jit3A_226 : i32
      %rem3A_231 = arith.remsi %select_n3A_209, %select_n3A_230 : i32
      %ne3A_232 = arith.constant 0 : i32
      %ne3A_233 = arith.cmpi ne, %rem3A_231, %ne3A_232 : i32
      %lt3A_234 = arith.constant 0 : i32
      %lt3A_235 = arith.cmpi slt, %rem3A_231, %lt3A_234 : i32
      %lt3A_236 = arith.constant 0 : i32
      %lt3A_237 = arith.cmpi slt, %select_n3A_230, %lt3A_236 : i32
      %ne3A_238 = arith.xori %lt3A_235, %lt3A_237 : i1
      %and3A_239 = arith.andi %ne3A_238, %ne3A_233 : i1
      %add3A_240 = arith.addi %rem3A_231, %select_n3A_230 : i32
      %select_n3A_241 = arith.select %and3A_239, %add3A_240, %rem3A_231 : i32
      %ge3A = arith.constant 1 : i32
      %ge3A_242 = arith.cmpi sge, %while3A_169, %ge3A : i32
      %convert_element_type3A = arith.extui %ge3A_242 : i1 to i32
      %cond3A = arith.constant 0 : i32
      %cond3A_243 = arith.cmpi ne, %convert_element_type3A, %cond3A : i32
      scf.if %cond3A_243 {
        %sub3A_299 = arith.constant 1 : i32
        %sub3A_300 = arith.subi %sub3A_299, %select_n3A_185 : i32
        %dma_wait3A_301 = arith.constant 0 : i32
        %dma_wait3A_302 = arith.constant 0 : i32
        %dma_wait3A_303 = arith.constant 0 : i32
        %dma_wait3A_304 = arith.constant 0 : i32
        %dma_wait3A_305 = tpu.memref_slice %arg14[%sub3A_300, %dma_wait3A_303, %dma_wait3A_304] : memref<2x64x128xf32, #tpu.memory_space<vmem>> -> memref<1x64x128xf32, #tpu.memory_space<vmem>>
        %dma_wait3A_306 = tpu.memref_squeeze %dma_wait3A_305 : memref<1x64x128xf32, #tpu.memory_space<vmem>> -> memref<64x128xf32, #tpu.memory_space<vmem>>
        %dma_wait3A_307 = arith.constant 0 : i32
        %dma_wait3A_308 = tpu.memref_slice %arg10[%dma_wait3A_301, %dma_wait3A_302, %dma_wait3A_307] : memref<2x2x64xi32, #tpu.memory_space<vmem>> -> memref<1x1x64xi32, #tpu.memory_space<vmem>>
        %dma_wait3A_309 = tpu.memref_squeeze %dma_wait3A_308 : memref<1x1x64xi32, #tpu.memory_space<vmem>> -> memref<64xi32, #tpu.memory_space<vmem>>
        %dma_wait3A_310 = arith.constant 0 : i32
        %dma_wait3A_311 = arith.constant 0 : i32
        %dma_wait3A_312 = tpu.memref_slice %arg16[%dma_wait3A_310, %dma_wait3A_311] : memref<10240x128xf32, #tpu.memory_space<vmem_shared>> -> memref<10240x128xf32, #tpu.memory_space<vmem_shared>>
        tpu.wait_indirect_dma semaphore(%arg18 : memref<!tpu.dma_semaphore, #tpu.memory_space<semaphore_mem>>) src(%dma_wait3A_306 : memref<64x128xf32, #tpu.memory_space<vmem>>) dst(%dma_wait3A_312 : memref<10240x128xf32, #tpu.memory_space<vmem_shared>>)
      } else {
      }
      %eq3A_244 = arith.constant 0 : i32
      %eq3A_245 = arith.cmpi eq, %select_n3A_225, %eq3A_244 : i32
      %add3A_246 = arith.constant 1 : i32
      %add3A_247 = arith.addi %select_n3A_209, %add3A_246 : i32
      %sub3A_248 = arith.constant 1 : i32
      %sub3A_249 = arith.subi %select_n3A_51, %sub3A_248 : i32
      %le3A = arith.cmpi sle, %add3A_247, %sub3A_249 : i32
      %and3A_250 = arith.andi %eq3A_245, %le3A : i1
      %convert_element_type3A_251 = arith.extui %and3A_250 : i1 to i32
      %cond3A_252 = arith.constant 0 : i32
      %cond3A_253 = arith.cmpi ne, %convert_element_type3A_251, %cond3A_252 : i32
      scf.if %cond3A_253 {
        %add3A_299 = arith.constant 1 : i32
        %add3A_300 = arith.addi %select_n3A_209, %add3A_299 : i32
        %sub3A_301 = arith.constant 1 : i32
        %sub3A_302 = arith.subi %sub3A_301, %select_n3A_241 : i32
        %mul3A_303 = arith.constant 2 : i32
        %mul3A_304 = arith.muli %add3A_300, %mul3A_303 : i32
        %add3A_305 = arith.addi %add3A, %mul3A_304 : i32
        %dma_start3A_306 = arith.constant 0 : i32
        %dma_start3A_307 = arith.constant 0 : i32
        %dma_start3A_308 = tpu.memref_slice %arg9[%sub3A_302, %dma_start3A_306, %dma_start3A_307] : memref<2x2x64xi32, #tpu.memory_space<vmem>> -> memref<1x2x64xi32, #tpu.memory_space<vmem>>
        %dma_start3A_309 = tpu.memref_squeeze %dma_start3A_308 : memref<1x2x64xi32, #tpu.memory_space<vmem>> -> memref<2x64xi32, #tpu.memory_space<vmem>>
        %dma_start3A_310 = arith.constant 0 : i32
        %dma_start3A_311 = tpu.memref_slice %arg3[%add3A_305, %dma_start3A_310] : memref<5120x64xi32, #tpu.memory_space<hbm>> -> memref<2x64xi32, #tpu.memory_space<hbm>>
        %dma_start3A_312 = arith.constant 0 : i32
        %dma_start3A_313 = arith.constant 0 : i32
        %dma_start3A_314 = tpu.memref_slice %arg9[%sub3A_302, %dma_start3A_312, %dma_start3A_313] : memref<2x2x64xi32, #tpu.memory_space<vmem>> -> memref<1x2x64xi32, #tpu.memory_space<vmem>>
        %dma_start3A_315 = tpu.memref_squeeze %dma_start3A_314 : memref<1x2x64xi32, #tpu.memory_space<vmem>> -> memref<2x64xi32, #tpu.memory_space<vmem>>
        %dma_start3A_316 = arith.constant 0 : i32
        %dma_start3A_317 = tpu.memref_slice %arg3[%add3A_305, %dma_start3A_316] : memref<5120x64xi32, #tpu.memory_space<hbm>> -> memref<2x64xi32, #tpu.memory_space<hbm>>
        tpu.enqueue_dma source(%dma_start3A_317 : memref<2x64xi32, #tpu.memory_space<hbm>>) target(%dma_start3A_315 : memref<2x64xi32, #tpu.memory_space<vmem>>) target_semaphore(%arg19 : memref<!tpu.dma_semaphore, #tpu.memory_space<semaphore_mem>>)
        %dma_start3A_318 = arith.constant 0 : i32
        %dma_start3A_319 = arith.constant 0 : i32
        %dma_start3A_320 = tpu.memref_slice %arg10[%sub3A_302, %dma_start3A_318, %dma_start3A_319] : memref<2x2x64xi32, #tpu.memory_space<vmem>> -> memref<1x2x64xi32, #tpu.memory_space<vmem>>
        %dma_start3A_321 = tpu.memref_squeeze %dma_start3A_320 : memref<1x2x64xi32, #tpu.memory_space<vmem>> -> memref<2x64xi32, #tpu.memory_space<vmem>>
        %dma_start3A_322 = arith.constant 0 : i32
        %dma_start3A_323 = tpu.memref_slice %arg4[%add3A_305, %dma_start3A_322] : memref<5120x64xi32, #tpu.memory_space<hbm>> -> memref<2x64xi32, #tpu.memory_space<hbm>>
        %dma_start3A_324 = arith.constant 0 : i32
        %dma_start3A_325 = arith.constant 0 : i32
        %dma_start3A_326 = tpu.memref_slice %arg10[%sub3A_302, %dma_start3A_324, %dma_start3A_325] : memref<2x2x64xi32, #tpu.memory_space<vmem>> -> memref<1x2x64xi32, #tpu.memory_space<vmem>>
        %dma_start3A_327 = tpu.memref_squeeze %dma_start3A_326 : memref<1x2x64xi32, #tpu.memory_space<vmem>> -> memref<2x64xi32, #tpu.memory_space<vmem>>
        %dma_start3A_328 = arith.constant 0 : i32
        %dma_start3A_329 = tpu.memref_slice %arg4[%add3A_305, %dma_start3A_328] : memref<5120x64xi32, #tpu.memory_space<hbm>> -> memref<2x64xi32, #tpu.memory_space<hbm>>
        tpu.enqueue_dma source(%dma_start3A_329 : memref<2x64xi32, #tpu.memory_space<hbm>>) target(%dma_start3A_327 : memref<2x64xi32, #tpu.memory_space<vmem>>) target_semaphore(%arg19 : memref<!tpu.dma_semaphore, #tpu.memory_space<semaphore_mem>>)
      } else {
      }
      %scan3A_254 = arith.constant 0 : i32
      %scan3A_255 = arith.constant 0 : i32
      %scan3A_256 = arith.constant 4 : i32
      %scan3A_257 = arith.addi %scan3A_255, %scan3A_256 : i32
      %scan3A_258 = arith.constant 1 : i32
      scf.for %scan3A_299 = %scan3A_255 to %scan3A_257 step %scan3A_258  : i32 {
        %mul3A_300 = arith.constant 16 : i32
        %mul3A_301 = arith.muli %scan3A_299, %mul3A_300 : i32
        %get3A = arith.index_cast %select_n3A_241 : i32 to index
        %get3A_302 = arith.index_cast %select_n3A_225 : i32 to index
        %get3A_303 = arith.index_cast %mul3A_301 : i32 to index
        %get3A_304 = tpu.vector_load %arg9[%get3A, %get3A_302, %get3A_303] {strides = array<i32>} : memref<2x2x64xi32, #tpu.memory_space<vmem>>, vector<16xi32>,
        %mul3A_305 = arith.constant 16 : i32
        %mul3A_306 = arith.muli %scan3A_299, %mul3A_305 : i32
        %get3A_307 = arith.index_cast %select_n3A_241 : i32 to index
        %get3A_308 = arith.index_cast %select_n3A_225 : i32 to index
        %get3A_309 = arith.index_cast %mul3A_306 : i32 to index
        %get3A_310 = tpu.vector_load %arg10[%get3A_307, %get3A_308, %get3A_309] {strides = array<i32>} : memref<2x2x64xi32, #tpu.memory_space<vmem>>, vector<16xi32>,
        %shift_right_arithmetic3A = arith.constant 7 : i32
        %shift_right_arithmetic3A_311 = vector.broadcast %shift_right_arithmetic3A : i32 to vector<16xi32>
        %shift_right_arithmetic3A_312 = arith.shrsi %get3A_304, %shift_right_arithmetic3A_311 : vector<16xi32>
        %and3A_313 = arith.constant 127 : i32
        %and3A_314 = vector.broadcast %and3A_313 : i32 to vector<16xi32>
        %and3A_315 = arith.andi %get3A_304, %and3A_314 : vector<16xi32>
        %gather3A = tpu.vector_load_idx %arg11[%shift_right_arithmetic3A_312, %and3A_315] : memref<80x128xf32, #tpu.memory_space<vmem>>[vector<16xi32>, vector<16xi32>], vector<16xf32>,
        %shift_right_arithmetic3A_316 = arith.constant 7 : i32
        %shift_right_arithmetic3A_317 = vector.broadcast %shift_right_arithmetic3A_316 : i32 to vector<16xi32>
        %shift_right_arithmetic3A_318 = arith.shrsi %get3A_310, %shift_right_arithmetic3A_317 : vector<16xi32>
        %and3A_319 = arith.constant 127 : i32
        %and3A_320 = vector.broadcast %and3A_319 : i32 to vector<16xi32>
        %and3A_321 = arith.andi %get3A_310, %and3A_320 : vector<16xi32>
        %gather3A_322 = tpu.vector_load_idx %arg12[%shift_right_arithmetic3A_318, %and3A_321] : memref<80x128xf32, #tpu.memory_space<vmem>>[vector<16xi32>, vector<16xi32>], vector<16xf32>,
        %add3A_323 = arith.addf %gather3A, %gather3A_322 : vector<16xf32>
        %gt3A = arith.constant 0.000000e+00 : f32
        %gt3A_324 = vector.broadcast %gt3A : f32 to vector<16xf32>
        %gt3A_325 = arith.cmpf ogt, %add3A_323, %gt3A_324 : vector<16xf32>
        %mul3A_326 = arith.constant 2.000000e-01 : f32
        %mul3A_327 = vector.broadcast %mul3A_326 : f32 to vector<16xf32>
        %mul3A_328 = arith.mulf %mul3A_327, %add3A_323 : vector<16xf32>
        %select_n3A_329 = arith.select %gt3A_325, %add3A_323, %mul3A_328 : vector<16xi1>, vector<16xf32>
        %exp3A = math.exp %select_n3A_329 : vector<16xf32>
        %swap3A = arith.index_cast %scan3A_299 : i32 to index
        %swap3A_330 = arith.constant 0 : index
        %swap3A_331 = tpu.vector_load %arg13[%swap3A, %swap3A_330] {strides = array<i32>} : memref<4x16xf32, #tpu.memory_space<vmem>>, vector<16xf32>,
        tpu.vector_store %arg13[%swap3A, %swap3A_330], %exp3A {strides = array<i32>} : memref<4x16xf32, #tpu.memory_space<vmem>>, vector<16xf32>,
        %shift_right_arithmetic3A_332 = arith.constant 7 : i32
        %shift_right_arithmetic3A_333 = vector.broadcast %shift_right_arithmetic3A_332 : i32 to vector<16xi32>
        %shift_right_arithmetic3A_334 = arith.shrsi %get3A_310, %shift_right_arithmetic3A_333 : vector<16xi32>
        %and3A_335 = arith.constant 127 : i32
        %and3A_336 = vector.broadcast %and3A_335 : i32 to vector<16xi32>
        %and3A_337 = arith.andi %get3A_310, %and3A_336 : vector<16xi32>
        tpu.vector_store_idx %arg15[%shift_right_arithmetic3A_334, %and3A_337], %exp3A {add = true} : memref<80x128xf32, #tpu.memory_space<vmem>>[vector<16xi32>, vector<16xi32>], vector<16xf32>,
      }
      %scan3A_259 = arith.constant 4 : i32
      %eq3A_260 = arith.constant 1 : i32
      %eq3A_261 = arith.cmpi eq, %select_n3A_225, %eq3A_260 : i32
      %add3A_262 = arith.constant 1 : i32
      %add3A_263 = arith.addi %while3A_169, %add3A_262 : i32
      %lt3A_264 = arith.cmpi slt, %add3A_263, %select_n3A_33 : i32
      %and3A_265 = arith.andi %eq3A_261, %lt3A_264 : i1
      %convert_element_type3A_266 = arith.extui %and3A_265 : i1 to i32
      %cond3A_267 = arith.constant 0 : i32
      %cond3A_268 = arith.cmpi ne, %convert_element_type3A_266, %cond3A_267 : i32
      scf.if %cond3A_268 {
        %dma_wait3A_299 = arith.constant 0 : i32
        %dma_wait3A_300 = arith.constant 0 : i32
        %dma_wait3A_301 = arith.constant 0 : i32
        %dma_wait3A_302 = tpu.memref_slice %arg9[%dma_wait3A_299, %dma_wait3A_300, %dma_wait3A_301] : memref<2x2x64xi32, #tpu.memory_space<vmem>> -> memref<1x2x64xi32, #tpu.memory_space<vmem>>
        %dma_wait3A_303 = tpu.memref_squeeze %dma_wait3A_302 : memref<1x2x64xi32, #tpu.memory_space<vmem>> -> memref<2x64xi32, #tpu.memory_space<vmem>>
        %dma_wait3A_304 = arith.constant 0 : i32
        %dma_wait3A_305 = arith.constant 0 : i32
        %dma_wait3A_306 = tpu.memref_slice %arg3[%dma_wait3A_304, %dma_wait3A_305] : memref<5120x64xi32, #tpu.memory_space<hbm>> -> memref<2x64xi32, #tpu.memory_space<hbm>>
        %dma_wait3A_307 = arith.constant 0 : i32
        %dma_wait3A_308 = arith.constant 0 : i32
        %dma_wait3A_309 = tpu.memref_slice %arg9[%dma_wait3A_299, %dma_wait3A_307, %dma_wait3A_308] : memref<2x2x64xi32, #tpu.memory_space<vmem>> -> memref<1x2x64xi32, #tpu.memory_space<vmem>>
        %dma_wait3A_310 = tpu.memref_squeeze %dma_wait3A_309 : memref<1x2x64xi32, #tpu.memory_space<vmem>> -> memref<2x64xi32, #tpu.memory_space<vmem>>
        %dma_wait3A_311 = arith.constant 0 : i32
        %dma_wait3A_312 = arith.constant 0 : i32
        %dma_wait3A_313 = tpu.memref_slice %arg3[%dma_wait3A_311, %dma_wait3A_312] : memref<5120x64xi32, #tpu.memory_space<hbm>> -> memref<2x64xi32, #tpu.memory_space<hbm>>
        tpu.wait_dma2 semaphore(%arg19 : memref<!tpu.dma_semaphore, #tpu.memory_space<semaphore_mem>>) src(%dma_wait3A_313 : memref<2x64xi32, #tpu.memory_space<hbm>>) dst(%dma_wait3A_310 : memref<2x64xi32, #tpu.memory_space<vmem>>)
        %dma_wait3A_314 = arith.constant 0 : i32
        %dma_wait3A_315 = arith.constant 0 : i32
        %dma_wait3A_316 = arith.constant 0 : i32
        %dma_wait3A_317 = tpu.memref_slice %arg10[%dma_wait3A_314, %dma_wait3A_315, %dma_wait3A_316] : memref<2x2x64xi32, #tpu.memory_space<vmem>> -> memref<1x2x64xi32, #tpu.memory_space<vmem>>
        %dma_wait3A_318 = tpu.memref_squeeze %dma_wait3A_317 : memref<1x2x64xi32, #tpu.memory_space<vmem>> -> memref<2x64xi32, #tpu.memory_space<vmem>>
        %dma_wait3A_319 = arith.constant 0 : i32
        %dma_wait3A_320 = arith.constant 0 : i32
        %dma_wait3A_321 = tpu.memref_slice %arg4[%dma_wait3A_319, %dma_wait3A_320] : memref<5120x64xi32, #tpu.memory_space<hbm>> -> memref<2x64xi32, #tpu.memory_space<hbm>>
        %dma_wait3A_322 = arith.constant 0 : i32
        %dma_wait3A_323 = arith.constant 0 : i32
        %dma_wait3A_324 = tpu.memref_slice %arg10[%dma_wait3A_314, %dma_wait3A_322, %dma_wait3A_323] : memref<2x2x64xi32, #tpu.memory_space<vmem>> -> memref<1x2x64xi32, #tpu.memory_space<vmem>>
        %dma_wait3A_325 = tpu.memref_squeeze %dma_wait3A_324 : memref<1x2x64xi32, #tpu.memory_space<vmem>> -> memref<2x64xi32, #tpu.memory_space<vmem>>
        %dma_wait3A_326 = arith.constant 0 : i32
        %dma_wait3A_327 = arith.constant 0 : i32
        %dma_wait3A_328 = tpu.memref_slice %arg4[%dma_wait3A_326, %dma_wait3A_327] : memref<5120x64xi32, #tpu.memory_space<hbm>> -> memref<2x64xi32, #tpu.memory_space<hbm>>
        tpu.wait_dma2 semaphore(%arg19 : memref<!tpu.dma_semaphore, #tpu.memory_space<semaphore_mem>>) src(%dma_wait3A_328 : memref<2x64xi32, #tpu.memory_space<hbm>>) dst(%dma_wait3A_325 : memref<2x64xi32, #tpu.memory_space<vmem>>)
      } else {
      }
      %add3A_269 = arith.constant 1 : i32
      %add3A_270 = arith.addi %while3A_169, %add3A_269 : i32
      %lt3A_271 = arith.cmpi slt, %add3A_270, %select_n3A_33 : i32
      %convert_element_type3A_272 = arith.extui %lt3A_271 : i1 to i32
      %cond3A_273 = arith.constant 0 : i32
      %cond3A_274 = arith.cmpi ne, %convert_element_type3A_272, %cond3A_273 : i32
      scf.if %cond3A_274 {
        %add3A_299 = arith.constant 1 : i32
        %add3A_300 = arith.addi %while3A_169, %add3A_299 : i32
        %jit3A_301 = arith.constant 2 : i32
        %div3A_302 = arith.divsi %add3A_300, %jit3A_301 : i32
        %sign3A_303 = arith.constant 0 : i32
        %sign3A_304 = arith.cmpi sgt, %add3A_300, %sign3A_303 : i32
        %sign3A_305 = arith.extui %sign3A_304 : i1 to i32
        %sign3A_306 = arith.constant 0 : i32
        %sign3A_307 = arith.cmpi slt, %add3A_300, %sign3A_306 : i32
        %sign3A_308 = arith.extui %sign3A_307 : i1 to i32
        %sign3A_309 = arith.subi %sign3A_305, %sign3A_308 : i32
        %sign3A_310 = arith.constant 0 : i32
        %sign3A_311 = arith.cmpi sgt, %jit3A_301, %sign3A_310 : i32
        %sign3A_312 = arith.extui %sign3A_311 : i1 to i32
        %sign3A_313 = arith.constant 0 : i32
        %sign3A_314 = arith.cmpi slt, %jit3A_301, %sign3A_313 : i32
        %sign3A_315 = arith.extui %sign3A_314 : i1 to i32
        %sign3A_316 = arith.subi %sign3A_312, %sign3A_315 : i32
        %ne3A_317 = arith.cmpi ne, %sign3A_309, %sign3A_316 : i32
        %rem3A_318 = arith.remsi %add3A_300, %jit3A_301 : i32
        %ne3A_319 = arith.constant 0 : i32
        %ne3A_320 = arith.cmpi ne, %rem3A_318, %ne3A_319 : i32
        %and3A_321 = arith.andi %ne3A_317, %ne3A_320 : i1
        %sub3A_322 = arith.constant 1 : i32
        %sub3A_323 = arith.subi %div3A_302, %sub3A_322 : i32
        %select_n3A_324 = arith.select %and3A_321, %sub3A_323, %div3A_302 : i32
        %jit3A_325 = arith.constant 2 : i32
        %eq3A_326 = arith.constant 0 : i32
        %eq3A_327 = arith.cmpi eq, %jit3A_325, %eq3A_326 : i32
        %jit3A_328 = arith.constant 1 : i32
        %select_n3A_329 = arith.select %eq3A_327, %jit3A_328, %jit3A_325 : i32
        %rem3A_330 = arith.remsi %select_n3A_324, %select_n3A_329 : i32
        %ne3A_331 = arith.constant 0 : i32
        %ne3A_332 = arith.cmpi ne, %rem3A_330, %ne3A_331 : i32
        %lt3A_333 = arith.constant 0 : i32
        %lt3A_334 = arith.cmpi slt, %rem3A_330, %lt3A_333 : i32
        %lt3A_335 = arith.constant 0 : i32
        %lt3A_336 = arith.cmpi slt, %select_n3A_329, %lt3A_335 : i32
        %ne3A_337 = arith.xori %lt3A_334, %lt3A_336 : i1
        %and3A_338 = arith.andi %ne3A_337, %ne3A_332 : i1
        %add3A_339 = arith.addi %rem3A_330, %select_n3A_329 : i32
        %select_n3A_340 = arith.select %and3A_338, %add3A_339, %rem3A_330 : i32
        %add3A_341 = arith.constant 1 : i32
        %add3A_342 = arith.addi %while3A_169, %add3A_341 : i32
        %jit3A_343 = arith.constant 2 : i32
        %eq3A_344 = arith.constant 0 : i32
        %eq3A_345 = arith.cmpi eq, %jit3A_343, %eq3A_344 : i32
        %jit3A_346 = arith.constant 1 : i32
        %select_n3A_347 = arith.select %eq3A_345, %jit3A_346, %jit3A_343 : i32
        %rem3A_348 = arith.remsi %add3A_342, %select_n3A_347 : i32
        %ne3A_349 = arith.constant 0 : i32
        %ne3A_350 = arith.cmpi ne, %rem3A_348, %ne3A_349 : i32
        %lt3A_351 = arith.constant 0 : i32
        %lt3A_352 = arith.cmpi slt, %rem3A_348, %lt3A_351 : i32
        %lt3A_353 = arith.constant 0 : i32
        %lt3A_354 = arith.cmpi slt, %select_n3A_347, %lt3A_353 : i32
        %ne3A_355 = arith.xori %lt3A_352, %lt3A_354 : i1
        %and3A_356 = arith.andi %ne3A_355, %ne3A_350 : i1
        %add3A_357 = arith.addi %rem3A_348, %select_n3A_347 : i32
        %select_n3A_358 = arith.select %and3A_356, %add3A_357, %rem3A_348 : i32
        %sub3A_359 = arith.constant 1 : i32
        %sub3A_360 = arith.subi %sub3A_359, %select_n3A_185 : i32
        %dma_start3A_361 = arith.constant 0 : i32
        %dma_start3A_362 = arith.constant 0 : i32
        %dma_start3A_363 = tpu.memref_slice %arg14[%sub3A_360, %dma_start3A_361, %dma_start3A_362] : memref<2x64x128xf32, #tpu.memory_space<vmem>> -> memref<1x64x128xf32, #tpu.memory_space<vmem>>
        %dma_start3A_364 = tpu.memref_squeeze %dma_start3A_363 : memref<1x64x128xf32, #tpu.memory_space<vmem>> -> memref<64x128xf32, #tpu.memory_space<vmem>>
        %dma_start3A_365 = arith.constant 0 : i32
        %dma_start3A_366 = tpu.memref_slice %arg9[%select_n3A_340, %select_n3A_358, %dma_start3A_365] : memref<2x2x64xi32, #tpu.memory_space<vmem>> -> memref<1x1x64xi32, #tpu.memory_space<vmem>>
        %dma_start3A_367 = tpu.memref_squeeze %dma_start3A_366 : memref<1x1x64xi32, #tpu.memory_space<vmem>> -> memref<64xi32, #tpu.memory_space<vmem>>
        %dma_start3A_368 = arith.constant 0 : i32
        %dma_start3A_369 = arith.constant 0 : i32
        %dma_start3A_370 = tpu.memref_slice %arg2[%dma_start3A_368, %dma_start3A_369] : memref<10240x128xf32, #tpu.memory_space<hbm>> -> memref<10240x128xf32, #tpu.memory_space<hbm>>
        tpu.enqueue_indirect_dma source(%dma_start3A_370 : memref<10240x128xf32, #tpu.memory_space<hbm>>) target(%dma_start3A_364 : memref<64x128xf32, #tpu.memory_space<vmem>>) offsets(%dma_start3A_367 : memref<64xi32, #tpu.memory_space<vmem>>) semaphore(%arg17 : memref<!tpu.dma_semaphore, #tpu.memory_space<semaphore_mem>>)
      } else {
      }
      %dma_wait3A_275 = arith.constant 0 : i32
      %dma_wait3A_276 = arith.constant 0 : i32
      %dma_wait3A_277 = arith.constant 0 : i32
      %dma_wait3A_278 = arith.constant 0 : i32
      %dma_wait3A_279 = tpu.memref_slice %arg14[%select_n3A_185, %dma_wait3A_277, %dma_wait3A_278] : memref<2x64x128xf32, #tpu.memory_space<vmem>> -> memref<1x64x128xf32, #tpu.memory_space<vmem>>
      %dma_wait3A_280 = tpu.memref_squeeze %dma_wait3A_279 : memref<1x64x128xf32, #tpu.memory_space<vmem>> -> memref<64x128xf32, #tpu.memory_space<vmem>>
      %dma_wait3A_281 = arith.constant 0 : i32
      %dma_wait3A_282 = tpu.memref_slice %arg9[%dma_wait3A_275, %dma_wait3A_276, %dma_wait3A_281] : memref<2x2x64xi32, #tpu.memory_space<vmem>> -> memref<1x1x64xi32, #tpu.memory_space<vmem>>
      %dma_wait3A_283 = tpu.memref_squeeze %dma_wait3A_282 : memref<1x1x64xi32, #tpu.memory_space<vmem>> -> memref<64xi32, #tpu.memory_space<vmem>>
      %dma_wait3A_284 = arith.constant 0 : i32
      %dma_wait3A_285 = arith.constant 0 : i32
      %dma_wait3A_286 = tpu.memref_slice %arg2[%dma_wait3A_284, %dma_wait3A_285] : memref<10240x128xf32, #tpu.memory_space<hbm>> -> memref<10240x128xf32, #tpu.memory_space<hbm>>
      tpu.wait_indirect_dma semaphore(%arg17 : memref<!tpu.dma_semaphore, #tpu.memory_space<semaphore_mem>>) src(%dma_wait3A_286 : memref<10240x128xf32, #tpu.memory_space<hbm>>) dst(%dma_wait3A_280 : memref<64x128xf32, #tpu.memory_space<vmem>>)
      %parallel_loop3A = arith.constant 0 : i32
      %parallel_loop3A_287 = arith.constant 64 : i32
      %parallel_loop3A_288 = arith.constant 1 : i32
      scf.for %parallel_loop3A_299 = %parallel_loop3A to %parallel_loop3A_287 step %parallel_loop3A_288  : i32 {
        %parallel_loop3A_300 = arith.constant 4 : i32
        %parallel_loop3A_301 = arith.shrsi %parallel_loop3A_299, %parallel_loop3A_300 : i32
        %parallel_loop3A_302 = vector.broadcast %parallel_loop3A_301 : i32 to vector<16xi32>
        %parallel_loop3A_303 = arith.constant 15 : i32
        %parallel_loop3A_304 = arith.andi %parallel_loop3A_299, %parallel_loop3A_303 : i32
        %parallel_loop3A_305 = vector.broadcast %parallel_loop3A_304 : i32 to vector<16xi32>
        %parallel_loop3A_306 = tpu.vector_load_idx %arg13[%parallel_loop3A_302, %parallel_loop3A_305] : memref<4x16xf32, #tpu.memory_space<vmem>>[vector<16xi32>, vector<16xi32>], vector<16xf32>,
        %parallel_loop3A_307 = arith.index_cast %select_n3A_185 : i32 to index
        %parallel_loop3A_308 = arith.index_cast %parallel_loop3A_299 : i32 to index
        %parallel_loop3A_309 = arith.constant 0 : index
        %parallel_loop3A_310 = tpu.vector_load %arg14[%parallel_loop3A_307, %parallel_loop3A_308, %parallel_loop3A_309] {strides = array<i32>} : memref<2x64x128xf32, #tpu.memory_space<vmem>>, vector<16xf32>,
        %parallel_loop3A_311 = arith.mulf %parallel_loop3A_310, %parallel_loop3A_306 : vector<16xf32>
        %parallel_loop3A_312 = arith.index_cast %select_n3A_185 : i32 to index
        %parallel_loop3A_313 = arith.index_cast %parallel_loop3A_299 : i32 to index
        %parallel_loop3A_314 = arith.constant 0 : index
        %parallel_loop3A_315 = tpu.vector_load %arg14[%parallel_loop3A_312, %parallel_loop3A_313, %parallel_loop3A_314] {strides = array<i32>} : memref<2x64x128xf32, #tpu.memory_space<vmem>>, vector<16xf32>,
        tpu.vector_store %arg14[%parallel_loop3A_312, %parallel_loop3A_313, %parallel_loop3A_314], %parallel_loop3A_311 {strides = array<i32>} : memref<2x64x128xf32, #tpu.memory_space<vmem>>, vector<16xf32>,
        %parallel_loop3A_316 = arith.index_cast %select_n3A_185 : i32 to index
        %parallel_loop3A_317 = arith.index_cast %parallel_loop3A_299 : i32 to index
        %parallel_loop3A_318 = arith.constant 16 : index
        %parallel_loop3A_319 = tpu.vector_load %arg14[%parallel_loop3A_316, %parallel_loop3A_317, %parallel_loop3A_318] {strides = array<i32>} : memref<2x64x128xf32, #tpu.memory_space<vmem>>, vector<16xf32>,
        %parallel_loop3A_320 = arith.mulf %parallel_loop3A_319, %parallel_loop3A_306 : vector<16xf32>
        %parallel_loop3A_321 = arith.index_cast %select_n3A_185 : i32 to index
        %parallel_loop3A_322 = arith.index_cast %parallel_loop3A_299 : i32 to index
        %parallel_loop3A_323 = arith.constant 16 : index
        %parallel_loop3A_324 = tpu.vector_load %arg14[%parallel_loop3A_321, %parallel_loop3A_322, %parallel_loop3A_323] {strides = array<i32>} : memref<2x64x128xf32, #tpu.memory_space<vmem>>, vector<16xf32>,
        tpu.vector_store %arg14[%parallel_loop3A_321, %parallel_loop3A_322, %parallel_loop3A_323], %parallel_loop3A_320 {strides = array<i32>} : memref<2x64x128xf32, #tpu.memory_space<vmem>>, vector<16xf32>,
        %parallel_loop3A_325 = arith.index_cast %select_n3A_185 : i32 to index
        %parallel_loop3A_326 = arith.index_cast %parallel_loop3A_299 : i32 to index
        %parallel_loop3A_327 = arith.constant 32 : index
        %parallel_loop3A_328 = tpu.vector_load %arg14[%parallel_loop3A_325, %parallel_loop3A_326, %parallel_loop3A_327] {strides = array<i32>} : memref<2x64x128xf32, #tpu.memory_space<vmem>>, vector<16xf32>,
        %parallel_loop3A_329 = arith.mulf %parallel_loop3A_328, %parallel_loop3A_306 : vector<16xf32>
        %parallel_loop3A_330 = arith.index_cast %select_n3A_185 : i32 to index
        %parallel_loop3A_331 = arith.index_cast %parallel_loop3A_299 : i32 to index
        %parallel_loop3A_332 = arith.constant 32 : index
        %parallel_loop3A_333 = tpu.vector_load %arg14[%parallel_loop3A_330, %parallel_loop3A_331, %parallel_loop3A_332] {strides = array<i32>} : memref<2x64x128xf32, #tpu.memory_space<vmem>>, vector<16xf32>,
        tpu.vector_store %arg14[%parallel_loop3A_330, %parallel_loop3A_331, %parallel_loop3A_332], %parallel_loop3A_329 {strides = array<i32>} : memref<2x64x128xf32, #tpu.memory_space<vmem>>, vector<16xf32>,
        %parallel_loop3A_334 = arith.index_cast %select_n3A_185 : i32 to index
        %parallel_loop3A_335 = arith.index_cast %parallel_loop3A_299 : i32 to index
        %parallel_loop3A_336 = arith.constant 48 : index
        %parallel_loop3A_337 = tpu.vector_load %arg14[%parallel_loop3A_334, %parallel_loop3A_335, %parallel_loop3A_336] {strides = array<i32>} : memref<2x64x128xf32, #tpu.memory_space<vmem>>, vector<16xf32>,
        %parallel_loop3A_338 = arith.mulf %parallel_loop3A_337, %parallel_loop3A_306 : vector<16xf32>
        %parallel_loop3A_339 = arith.index_cast %select_n3A_185 : i32 to index
        %parallel_loop3A_340 = arith.index_cast %parallel_loop3A_299 : i32 to index
        %parallel_loop3A_341 = arith.constant 48 : index
        %parallel_loop3A_342 = tpu.vector_load %arg14[%parallel_loop3A_339, %parallel_loop3A_340, %parallel_loop3A_341] {strides = array<i32>} : memref<2x64x128xf32, #tpu.memory_space<vmem>>, vector<16xf32>,
        tpu.vector_store %arg14[%parallel_loop3A_339, %parallel_loop3A_340, %parallel_loop3A_341], %parallel_loop3A_338 {strides = array<i32>} : memref<2x64x128xf32, #tpu.memory_space<vmem>>, vector<16xf32>,
        %parallel_loop3A_343 = arith.index_cast %select_n3A_185 : i32 to index
        %parallel_loop3A_344 = arith.index_cast %parallel_loop3A_299 : i32 to index
        %parallel_loop3A_345 = arith.constant 64 : index
        %parallel_loop3A_346 = tpu.vector_load %arg14[%parallel_loop3A_343, %parallel_loop3A_344, %parallel_loop3A_345] {strides = array<i32>} : memref<2x64x128xf32, #tpu.memory_space<vmem>>, vector<16xf32>,
        %parallel_loop3A_347 = arith.mulf %parallel_loop3A_346, %parallel_loop3A_306 : vector<16xf32>
        %parallel_loop3A_348 = arith.index_cast %select_n3A_185 : i32 to index
        %parallel_loop3A_349 = arith.index_cast %parallel_loop3A_299 : i32 to index
        %parallel_loop3A_350 = arith.constant 64 : index
        %parallel_loop3A_351 = tpu.vector_load %arg14[%parallel_loop3A_348, %parallel_loop3A_349, %parallel_loop3A_350] {strides = array<i32>} : memref<2x64x128xf32, #tpu.memory_space<vmem>>, vector<16xf32>,
        tpu.vector_store %arg14[%parallel_loop3A_348, %parallel_loop3A_349, %parallel_loop3A_350], %parallel_loop3A_347 {strides = array<i32>} : memref<2x64x128xf32, #tpu.memory_space<vmem>>, vector<16xf32>,
        %parallel_loop3A_352 = arith.index_cast %select_n3A_185 : i32 to index
        %parallel_loop3A_353 = arith.index_cast %parallel_loop3A_299 : i32 to index
        %parallel_loop3A_354 = arith.constant 80 : index
        %parallel_loop3A_355 = tpu.vector_load %arg14[%parallel_loop3A_352, %parallel_loop3A_353, %parallel_loop3A_354] {strides = array<i32>} : memref<2x64x128xf32, #tpu.memory_space<vmem>>, vector<16xf32>,
        %parallel_loop3A_356 = arith.mulf %parallel_loop3A_355, %parallel_loop3A_306 : vector<16xf32>
        %parallel_loop3A_357 = arith.index_cast %select_n3A_185 : i32 to index
        %parallel_loop3A_358 = arith.index_cast %parallel_loop3A_299 : i32 to index
        %parallel_loop3A_359 = arith.constant 80 : index
        %parallel_loop3A_360 = tpu.vector_load %arg14[%parallel_loop3A_357, %parallel_loop3A_358, %parallel_loop3A_359] {strides = array<i32>} : memref<2x64x128xf32, #tpu.memory_space<vmem>>, vector<16xf32>,
        tpu.vector_store %arg14[%parallel_loop3A_357, %parallel_loop3A_358, %parallel_loop3A_359], %parallel_loop3A_356 {strides = array<i32>} : memref<2x64x128xf32, #tpu.memory_space<vmem>>, vector<16xf32>,
        %parallel_loop3A_361 = arith.index_cast %select_n3A_185 : i32 to index
        %parallel_loop3A_362 = arith.index_cast %parallel_loop3A_299 : i32 to index
        %parallel_loop3A_363 = arith.constant 96 : index
        %parallel_loop3A_364 = tpu.vector_load %arg14[%parallel_loop3A_361, %parallel_loop3A_362, %parallel_loop3A_363] {strides = array<i32>} : memref<2x64x128xf32, #tpu.memory_space<vmem>>, vector<16xf32>,
        %parallel_loop3A_365 = arith.mulf %parallel_loop3A_364, %parallel_loop3A_306 : vector<16xf32>
        %parallel_loop3A_366 = arith.index_cast %select_n3A_185 : i32 to index
        %parallel_loop3A_367 = arith.index_cast %parallel_loop3A_299 : i32 to index
        %parallel_loop3A_368 = arith.constant 96 : index
        %parallel_loop3A_369 = tpu.vector_load %arg14[%parallel_loop3A_366, %parallel_loop3A_367, %parallel_loop3A_368] {strides = array<i32>} : memref<2x64x128xf32, #tpu.memory_space<vmem>>, vector<16xf32>,
        tpu.vector_store %arg14[%parallel_loop3A_366, %parallel_loop3A_367, %parallel_loop3A_368], %parallel_loop3A_365 {strides = array<i32>} : memref<2x64x128xf32, #tpu.memory_space<vmem>>, vector<16xf32>,
        %parallel_loop3A_370 = arith.index_cast %select_n3A_185 : i32 to index
        %parallel_loop3A_371 = arith.index_cast %parallel_loop3A_299 : i32 to index
        %parallel_loop3A_372 = arith.constant 112 : index
        %parallel_loop3A_373 = tpu.vector_load %arg14[%parallel_loop3A_370, %parallel_loop3A_371, %parallel_loop3A_372] {strides = array<i32>} : memref<2x64x128xf32, #tpu.memory_space<vmem>>, vector<16xf32>,
        %parallel_loop3A_374 = arith.mulf %parallel_loop3A_373, %parallel_loop3A_306 : vector<16xf32>
        %parallel_loop3A_375 = arith.index_cast %select_n3A_185 : i32 to index
        %parallel_loop3A_376 = arith.index_cast %parallel_loop3A_299 : i32 to index
        %parallel_loop3A_377 = arith.constant 112 : index
        %parallel_loop3A_378 = tpu.vector_load %arg14[%parallel_loop3A_375, %parallel_loop3A_376, %parallel_loop3A_377] {strides = array<i32>} : memref<2x64x128xf32, #tpu.memory_space<vmem>>, vector<16xf32>,
        tpu.vector_store %arg14[%parallel_loop3A_375, %parallel_loop3A_376, %parallel_loop3A_377], %parallel_loop3A_374 {strides = array<i32>} : memref<2x64x128xf32, #tpu.memory_space<vmem>>, vector<16xf32>,
      } {sc.loop_unroll_factor = 4 : i64, sc.parallel_access}
      %dma_start3A_289 = arith.constant 0 : i32
      %dma_start3A_290 = arith.constant 0 : i32
      %dma_start3A_291 = tpu.memref_slice %arg14[%select_n3A_185, %dma_start3A_289, %dma_start3A_290] : memref<2x64x128xf32, #tpu.memory_space<vmem>> -> memref<1x64x128xf32, #tpu.memory_space<vmem>>
      %dma_start3A_292 = tpu.memref_squeeze %dma_start3A_291 : memref<1x64x128xf32, #tpu.memory_space<vmem>> -> memref<64x128xf32, #tpu.memory_space<vmem>>
      %dma_start3A_293 = arith.constant 0 : i32
      %dma_start3A_294 = tpu.memref_slice %arg10[%select_n3A_241, %select_n3A_225, %dma_start3A_293] : memref<2x2x64xi32, #tpu.memory_space<vmem>> -> memref<1x1x64xi32, #tpu.memory_space<vmem>>
      %dma_start3A_295 = tpu.memref_squeeze %dma_start3A_294 : memref<1x1x64xi32, #tpu.memory_space<vmem>> -> memref<64xi32, #tpu.memory_space<vmem>>
      %dma_start3A_296 = arith.constant 0 : i32
      %dma_start3A_297 = arith.constant 0 : i32
      %dma_start3A_298 = tpu.memref_slice %arg16[%dma_start3A_296, %dma_start3A_297] : memref<10240x128xf32, #tpu.memory_space<vmem_shared>> -> memref<10240x128xf32, #tpu.memory_space<vmem_shared>>
      tpu.enqueue_indirect_dma source(%dma_start3A_292 : memref<64x128xf32, #tpu.memory_space<vmem>>) target(%dma_start3A_298 : memref<10240x128xf32, #tpu.memory_space<vmem_shared>>) offsets(%dma_start3A_295 : memref<64xi32, #tpu.memory_space<vmem>>) semaphore(%arg18 : memref<!tpu.dma_semaphore, #tpu.memory_space<semaphore_mem>>) {add = true}
    }
    %sub3A_130 = arith.constant 1 : i32
    %sub3A_131 = arith.subi %select_n3A_33, %sub3A_130 : i32
    %jit3A_132 = arith.constant 2 : i32
    %eq3A_133 = arith.constant 0 : i32
    %eq3A_134 = arith.cmpi eq, %jit3A_132, %eq3A_133 : i32
    %jit3A_135 = arith.constant 1 : i32
    %select_n3A_136 = arith.select %eq3A_134, %jit3A_135, %jit3A_132 : i32
    %rem3A_137 = arith.remsi %sub3A_131, %select_n3A_136 : i32
    %ne3A_138 = arith.constant 0 : i32
    %ne3A_139 = arith.cmpi ne, %rem3A_137, %ne3A_138 : i32
    %lt3A = arith.constant 0 : i32
    %lt3A_140 = arith.cmpi slt, %rem3A_137, %lt3A : i32
    %lt3A_141 = arith.constant 0 : i32
    %lt3A_142 = arith.cmpi slt, %select_n3A_136, %lt3A_141 : i32
    %ne3A_143 = arith.xori %lt3A_140, %lt3A_142 : i1
    %and3A_144 = arith.andi %ne3A_143, %ne3A_139 : i1
    %add3A_145 = arith.addi %rem3A_137, %select_n3A_136 : i32
    %select_n3A_146 = arith.select %and3A_144, %add3A_145, %rem3A_137 : i32
    %dma_wait3A_147 = arith.constant 0 : i32
    %dma_wait3A_148 = arith.constant 0 : i32
    %dma_wait3A_149 = arith.constant 0 : i32
    %dma_wait3A_150 = arith.constant 0 : i32
    %dma_wait3A_151 = tpu.memref_slice %arg14[%select_n3A_146, %dma_wait3A_149, %dma_wait3A_150] : memref<2x64x128xf32, #tpu.memory_space<vmem>> -> memref<1x64x128xf32, #tpu.memory_space<vmem>>
    %dma_wait3A_152 = tpu.memref_squeeze %dma_wait3A_151 : memref<1x64x128xf32, #tpu.memory_space<vmem>> -> memref<64x128xf32, #tpu.memory_space<vmem>>
    %dma_wait3A_153 = arith.constant 0 : i32
    %dma_wait3A_154 = tpu.memref_slice %arg10[%dma_wait3A_147, %dma_wait3A_148, %dma_wait3A_153] : memref<2x2x64xi32, #tpu.memory_space<vmem>> -> memref<1x1x64xi32, #tpu.memory_space<vmem>>
    %dma_wait3A_155 = tpu.memref_squeeze %dma_wait3A_154 : memref<1x1x64xi32, #tpu.memory_space<vmem>> -> memref<64xi32, #tpu.memory_space<vmem>>
    %dma_wait3A_156 = arith.constant 0 : i32
    %dma_wait3A_157 = arith.constant 0 : i32
    %dma_wait3A_158 = tpu.memref_slice %arg16[%dma_wait3A_156, %dma_wait3A_157] : memref<10240x128xf32, #tpu.memory_space<vmem_shared>> -> memref<10240x128xf32, #tpu.memory_space<vmem_shared>>
    tpu.wait_indirect_dma semaphore(%arg18 : memref<!tpu.dma_semaphore, #tpu.memory_space<semaphore_mem>>) src(%dma_wait3A_152 : memref<64x128xf32, #tpu.memory_space<vmem>>) dst(%dma_wait3A_158 : memref<10240x128xf32, #tpu.memory_space<vmem_shared>>)
    %mul3A_159 = arith.constant 2 : i32
    %mul3A_160 = arith.muli %arg1, %mul3A_159 : i32
    %add3A_161 = arith.addi %mul3A_160, %arg0 : i32
    "tpu.region"() ({
      %run_scoped3A = tpu.sem_alloc : memref<!tpu.dma_semaphore, #tpu.memory_space<semaphore_mem>>
      %dma_start3A_169 = arith.constant 0 : i32
      %dma_start3A_170 = arith.constant 0 : i32
      %dma_start3A_171 = tpu.memref_slice %arg8[%add3A_161, %dma_start3A_169, %dma_start3A_170] : memref<32x80x128xf32, #tpu.memory_space<hbm>> -> memref<1x80x128xf32, #tpu.memory_space<hbm>>
      %dma_start3A_172 = tpu.memref_squeeze %dma_start3A_171 : memref<1x80x128xf32, #tpu.memory_space<hbm>> -> memref<80x128xf32, #tpu.memory_space<hbm>>
      %dma_start3A_173 = arith.constant 0 : i32
      %dma_start3A_174 = arith.constant 0 : i32
      %dma_start3A_175 = tpu.memref_slice %arg8[%add3A_161, %dma_start3A_173, %dma_start3A_174] : memref<32x80x128xf32, #tpu.memory_space<hbm>> -> memref<1x80x128xf32, #tpu.memory_space<hbm>>
      %dma_start3A_176 = tpu.memref_squeeze %dma_start3A_175 : memref<1x80x128xf32, #tpu.memory_space<hbm>> -> memref<80x128xf32, #tpu.memory_space<hbm>>
      tpu.enqueue_dma source(%arg15 : memref<80x128xf32, #tpu.memory_space<vmem>>) target(%dma_start3A_176 : memref<80x128xf32, #tpu.memory_space<hbm>>) target_semaphore(%run_scoped3A : memref<!tpu.dma_semaphore, #tpu.memory_space<semaphore_mem>>)
      %dma_wait3A_177 = arith.constant 0 : i32
      %dma_wait3A_178 = arith.constant 0 : i32
      %dma_wait3A_179 = tpu.memref_slice %arg8[%add3A_161, %dma_wait3A_177, %dma_wait3A_178] : memref<32x80x128xf32, #tpu.memory_space<hbm>> -> memref<1x80x128xf32, #tpu.memory_space<hbm>>
      %dma_wait3A_180 = tpu.memref_squeeze %dma_wait3A_179 : memref<1x80x128xf32, #tpu.memory_space<hbm>> -> memref<80x128xf32, #tpu.memory_space<hbm>>
      %dma_wait3A_181 = arith.constant 0 : i32
      %dma_wait3A_182 = arith.constant 0 : i32
      %dma_wait3A_183 = tpu.memref_slice %arg8[%add3A_161, %dma_wait3A_181, %dma_wait3A_182] : memref<32x80x128xf32, #tpu.memory_space<hbm>> -> memref<1x80x128xf32, #tpu.memory_space<hbm>>
      %dma_wait3A_184 = tpu.memref_squeeze %dma_wait3A_183 : memref<1x80x128xf32, #tpu.memory_space<hbm>> -> memref<80x128xf32, #tpu.memory_space<hbm>>
      tpu.wait_dma2 semaphore(%run_scoped3A : memref<!tpu.dma_semaphore, #tpu.memory_space<semaphore_mem>>) src(%arg15 : memref<80x128xf32, #tpu.memory_space<vmem>>) dst(%dma_wait3A_184 : memref<80x128xf32, #tpu.memory_space<hbm>>)
      tpu.yield
    }) : () -> ()
    %barrier3A_162 = arith.constant 0 : index
    tpu.barrier barrier_id(%barrier3A_162)
    %scan3A_163 = arith.constant 0 : i32
    %scan3A_164 = arith.constant 0 : i32
    %scan3A_165 = arith.constant 5 : i32
    %scan3A_166 = arith.addi %scan3A_164, %scan3A_165 : i32
    %scan3A_167 = arith.constant 1 : i32
    scf.for %scan3A_169 = %scan3A_164 to %scan3A_166 step %scan3A_167  : i32 {
      %mul3A_170 = arith.constant 640 : i32
      %mul3A_171 = arith.muli %arg1, %mul3A_170 : i32
      %mul3A_172 = arith.constant 128 : i32
      %mul3A_173 = arith.muli %scan3A_169, %mul3A_172 : i32
      %add3A_174 = arith.addi %mul3A_171, %mul3A_173 : i32
      %mul3A_175 = arith.constant 640 : i32
      %mul3A_176 = arith.muli %arg1, %mul3A_175 : i32
      %mul3A_177 = arith.constant 128 : i32
      %mul3A_178 = arith.muli %scan3A_169, %mul3A_177 : i32
      %add3A_179 = arith.addi %mul3A_176, %mul3A_178 : i32
      "tpu.region"() ({
        %run_scoped3A = tpu.sem_alloc : memref<!tpu.dma_semaphore, #tpu.memory_space<semaphore_mem>>
        %dma_start3A_180 = arith.constant 0 : i32
        %dma_start3A_181 = tpu.memref_slice %arg7[%arg0, %add3A_179, %dma_start3A_180] : memref<2x10240x128xf32, #tpu.memory_space<hbm>> -> memref<1x128x128xf32, #tpu.memory_space<hbm>>
        %dma_start3A_182 = tpu.memref_squeeze %dma_start3A_181 : memref<1x128x128xf32, #tpu.memory_space<hbm>> -> memref<128x128xf32, #tpu.memory_space<hbm>>
        %dma_start3A_183 = arith.constant 0 : i32
        %dma_start3A_184 = tpu.memref_slice %arg16[%add3A_174, %dma_start3A_183] : memref<10240x128xf32, #tpu.memory_space<vmem_shared>> -> memref<128x128xf32, #tpu.memory_space<vmem_shared>>
        tpu.enqueue_dma source(%dma_start3A_184 : memref<128x128xf32, #tpu.memory_space<vmem_shared>>) target(%dma_start3A_182 : memref<128x128xf32, #tpu.memory_space<hbm>>) target_semaphore(%run_scoped3A : memref<!tpu.dma_semaphore, #tpu.memory_space<semaphore_mem>>)
        %dma_wait3A_185 = arith.constant 0 : i32
        %dma_wait3A_186 = tpu.memref_slice %arg7[%arg0, %add3A_179, %dma_wait3A_185] : memref<2x10240x128xf32, #tpu.memory_space<hbm>> -> memref<1x128x128xf32, #tpu.memory_space<hbm>>
        %dma_wait3A_187 = tpu.memref_squeeze %dma_wait3A_186 : memref<1x128x128xf32, #tpu.memory_space<hbm>> -> memref<128x128xf32, #tpu.memory_space<hbm>>
        %dma_wait3A_188 = arith.constant 0 : i32
        %dma_wait3A_189 = tpu.memref_slice %arg16[%add3A_174, %dma_wait3A_188] : memref<10240x128xf32, #tpu.memory_space<vmem_shared>> -> memref<128x128xf32, #tpu.memory_space<vmem_shared>>
        tpu.wait_dma2 semaphore(%run_scoped3A : memref<!tpu.dma_semaphore, #tpu.memory_space<semaphore_mem>>) src(%dma_wait3A_189 : memref<128x128xf32, #tpu.memory_space<vmem_shared>>) dst(%dma_wait3A_187 : memref<128x128xf32, #tpu.memory_space<hbm>>)
        tpu.yield
      }) : () -> ()
    }
    %scan3A_168 = arith.constant 5 : i32
    return
  }
}

module attributes {stable_mosaic.version = 14 : i64} {
  func.func @_tc_first_body(%arg0: i32, %arg1: memref<2048x128xf32, #tpu.memory_space<vmem>>, %arg2: memref<128x128xf32, #tpu.memory_space<vmem>>, %arg3: memref<128x128xf32, #tpu.memory_space<vmem>>, %arg4: memref<128x1xf32, #tpu.memory_space<vmem>>, %arg5: memref<128x1xf32, #tpu.memory_space<vmem>>, %arg6: memref<2048x128xf32, #tpu.memory_space<vmem>>, %arg7: memref<16x128xf32, #tpu.memory_space<vmem>>, %arg8: memref<16x128xf32, #tpu.memory_space<vmem>>) attributes {dimension_semantics = [#tpu.dimension_semantics<arbitrary>], iteration_bounds = array<i64: 5>, scalar_prefetch = 0 : i64, scratch_operands = 0 : i64, tpu.core_type = #tpu.core_type<tc>, window_params = [{transform_indices = @transform_0, window_bounds = array<i64: 2048, 128>}, {pipeline_mode = #tpu.pipeline_mode<synchronous>, transform_indices = @transform_1, window_bounds = array<i64: 128, 128>}, {pipeline_mode = #tpu.pipeline_mode<synchronous>, transform_indices = @transform_2, window_bounds = array<i64: 128, 128>}, {pipeline_mode = #tpu.pipeline_mode<synchronous>, transform_indices = @transform_3, window_bounds = array<i64: 128, 1>}, {pipeline_mode = #tpu.pipeline_mode<synchronous>, transform_indices = @transform_4, window_bounds = array<i64: 128, 1>}, {transform_indices = @transform_5, window_bounds = array<i64: 2048, 128>}, {transform_indices = @transform_6, window_bounds = array<i64: 16, 128>}, {transform_indices = @transform_7, window_bounds = array<i64: 16, 128>}]} {
    %get3A = arith.constant 0 : index
    %get3A_0 = arith.constant 0 : index
    %get3A_1 = vector.load %arg1[%get3A, %get3A_0] : memref<2048x128xf32, #tpu.memory_space<vmem>>, vector<2048x128xf32>
    %get3A_2 = arith.constant 0 : index
    %get3A_3 = arith.constant 0 : index
    %get3A_4 = vector.load %arg2[%get3A_2, %get3A_3] : memref<128x128xf32, #tpu.memory_space<vmem>>, vector<128x128xf32>
    %dot_general3A = arith.constant dense<0.000000e+00> : vector<2048x128xf32>
    %dot_general3A_5 = tpu.matmul %get3A_1, %get3A_4, %dot_general3A {dimension_numbers = #tpu.dot_dimension_numbers<[1], [0], [0], [1], [0, 0, 1, 1], [], []>, transpose_lhs_hint = false} : vector<2048x128xf32>, vector<128x128xf32>, vector<2048x128xf32> -> vector<2048x128xf32>
    %swap3A = arith.constant 0 : index
    %swap3A_6 = arith.constant 0 : index
    %swap3A_7 = vector.load %arg6[%swap3A, %swap3A_6] : memref<2048x128xf32, #tpu.memory_space<vmem>>, vector<2048x128xf32>
    tpu.vector_store %arg6[%swap3A, %swap3A_6], %dot_general3A_5 {strides = array<i32>} : memref<2048x128xf32, #tpu.memory_space<vmem>>, vector<2048x128xf32>,
    %get3A_8 = arith.constant 0 : index
    %get3A_9 = arith.constant 0 : index
    %get3A_10 = vector.load %arg4[%get3A_8, %get3A_9] : memref<128x1xf32, #tpu.memory_space<vmem>>, vector<128x1xf32>
    %dot_general3A_11 = arith.constant dense<0.000000e+00> : vector<2048x1xf32>
    %dot_general3A_12 = tpu.matmul %dot_general3A_5, %get3A_10, %dot_general3A_11 {dimension_numbers = #tpu.dot_dimension_numbers<[1], [0], [0], [1], [0, 0, 1, 1], [], []>, transpose_lhs_hint = false} : vector<2048x128xf32>, vector<128x1xf32>, vector<2048x1xf32> -> vector<2048x1xf32>
    %reshape3A = vector.shape_cast %dot_general3A_12 : vector<2048x1xf32> to vector<16x128xf32>
    %swap3A_13 = arith.constant 0 : index
    %swap3A_14 = arith.constant 0 : index
    %swap3A_15 = vector.load %arg7[%swap3A_13, %swap3A_14] : memref<16x128xf32, #tpu.memory_space<vmem>>, vector<16x128xf32>
    tpu.vector_store %arg7[%swap3A_13, %swap3A_14], %reshape3A {strides = array<i32>} : memref<16x128xf32, #tpu.memory_space<vmem>>, vector<16x128xf32>,
    %get3A_16 = arith.constant 0 : index
    %get3A_17 = arith.constant 0 : index
    %get3A_18 = vector.load %arg3[%get3A_16, %get3A_17] : memref<128x128xf32, #tpu.memory_space<vmem>>, vector<128x128xf32>
    %get3A_19 = arith.constant 0 : index
    %get3A_20 = arith.constant 0 : index
    %get3A_21 = vector.load %arg5[%get3A_19, %get3A_20] : memref<128x1xf32, #tpu.memory_space<vmem>>, vector<128x1xf32>
    %dot_general3A_22 = arith.constant dense<0.000000e+00> : vector<128x1xf32>
    %dot_general3A_23 = tpu.matmul %get3A_18, %get3A_21, %dot_general3A_22 {dimension_numbers = #tpu.dot_dimension_numbers<[1], [0], [0], [1], [0, 0, 1, 1], [], []>, transpose_lhs_hint = false} : vector<128x128xf32>, vector<128x1xf32>, vector<128x1xf32> -> vector<128x1xf32>
    %dot_general3A_24 = arith.constant dense<0.000000e+00> : vector<2048x1xf32>
    %dot_general3A_25 = tpu.matmul %get3A_1, %dot_general3A_23, %dot_general3A_24 {dimension_numbers = #tpu.dot_dimension_numbers<[1], [0], [0], [1], [0, 0, 1, 1], [], []>, transpose_lhs_hint = false} : vector<2048x128xf32>, vector<128x1xf32>, vector<2048x1xf32> -> vector<2048x1xf32>
    %reshape3A_26 = vector.shape_cast %dot_general3A_25 : vector<2048x1xf32> to vector<16x128xf32>
    %swap3A_27 = arith.constant 0 : index
    %swap3A_28 = arith.constant 0 : index
    %swap3A_29 = vector.load %arg8[%swap3A_27, %swap3A_28] : memref<16x128xf32, #tpu.memory_space<vmem>>, vector<16x128xf32>
    tpu.vector_store %arg8[%swap3A_27, %swap3A_28], %reshape3A_26 {strides = array<i32>} : memref<16x128xf32, #tpu.memory_space<vmem>>, vector<16x128xf32>,
    return
  }
  func.func @transform_0(%arg0: i32) -> (i32, i32) {
    %c0_i32 = arith.constant 0 : i32
    %c0_i32_0 = arith.constant 0 : i32
    return %arg0, %c0_i32 : i32, i32
  }
  func.func @transform_1(%arg0: i32) -> (i32, i32) {
    %c0_i32 = arith.constant 0 : i32
    %c0_i32_0 = arith.constant 0 : i32
    %c0_i32_1 = arith.constant 0 : i32
    return %c0_i32, %c0_i32_0 : i32, i32
  }
  func.func @transform_2(%arg0: i32) -> (i32, i32) {
    %c0_i32 = arith.constant 0 : i32
    %c0_i32_0 = arith.constant 0 : i32
    %c0_i32_1 = arith.constant 0 : i32
    return %c0_i32, %c0_i32_0 : i32, i32
  }
  func.func @transform_3(%arg0: i32) -> (i32, i32) {
    %c0_i32 = arith.constant 0 : i32
    %c0_i32_0 = arith.constant 0 : i32
    %c0_i32_1 = arith.constant 0 : i32
    return %c0_i32, %c0_i32_0 : i32, i32
  }
  func.func @transform_4(%arg0: i32) -> (i32, i32) {
    %c0_i32 = arith.constant 0 : i32
    %c0_i32_0 = arith.constant 0 : i32
    %c0_i32_1 = arith.constant 0 : i32
    return %c0_i32, %c0_i32_0 : i32, i32
  }
  func.func @transform_5(%arg0: i32) -> (i32, i32) {
    %c0_i32 = arith.constant 0 : i32
    %c0_i32_0 = arith.constant 0 : i32
    return %arg0, %c0_i32 : i32, i32
  }
  func.func @transform_6(%arg0: i32) -> (i32, i32) {
    %c0_i32 = arith.constant 0 : i32
    %c0_i32_0 = arith.constant 0 : i32
    return %arg0, %c0_i32 : i32, i32
  }
  func.func @transform_7(%arg0: i32) -> (i32, i32) {
    %c0_i32 = arith.constant 0 : i32
    %c0_i32_0 = arith.constant 0 : i32
    return %arg0, %c0_i32 : i32, i32
  }
}

module attributes {stable_mosaic.version = 14 : i64} {
  func.func @_tc_mid_body(%arg0: i32, %arg1: memref<2x2048x128xf32, #tpu.memory_space<vmem>>, %arg2: memref<2048x32xf32, #tpu.memory_space<vmem>>, %arg3: memref<1x128xf32, #tpu.memory_space<vmem>>, %arg4: memref<128x128xf32, #tpu.memory_space<vmem>>, %arg5: memref<128x1xf32, #tpu.memory_space<vmem>>, %arg6: memref<128x1xf32, #tpu.memory_space<vmem>>, %arg7: memref<2048x128xf32, #tpu.memory_space<vmem>>, %arg8: memref<16x128xf32, #tpu.memory_space<vmem>>, %arg9: memref<16x128xf32, #tpu.memory_space<vmem>>) attributes {dimension_semantics = [#tpu.dimension_semantics<arbitrary>], iteration_bounds = array<i64: 5>, scalar_prefetch = 0 : i64, scratch_operands = 0 : i64, tpu.core_type = #tpu.core_type<tc>, window_params = [{transform_indices = @transform_0, window_bounds = array<i64: 2, 2048, 128>}, {transform_indices = @transform_1, window_bounds = array<i64: 2048, 32>}, {pipeline_mode = #tpu.pipeline_mode<synchronous>, transform_indices = @transform_2, window_bounds = array<i64: 1, 128>}, {pipeline_mode = #tpu.pipeline_mode<synchronous>, transform_indices = @transform_3, window_bounds = array<i64: 128, 128>}, {pipeline_mode = #tpu.pipeline_mode<synchronous>, transform_indices = @transform_4, window_bounds = array<i64: 128, 1>}, {pipeline_mode = #tpu.pipeline_mode<synchronous>, transform_indices = @transform_5, window_bounds = array<i64: 128, 1>}, {transform_indices = @transform_6, window_bounds = array<i64: 2048, 128>}, {transform_indices = @transform_7, window_bounds = array<i64: 16, 128>}, {transform_indices = @transform_8, window_bounds = array<i64: 16, 128>}]} {
    %get3A = arith.constant 0 : index
    %get3A_0 = arith.constant 0 : index
    %get3A_1 = arith.constant 0 : index
    %get3A_2 = vector.load %arg1[%get3A, %get3A_0, %get3A_1] : memref<2x2048x128xf32, #tpu.memory_space<vmem>>, vector<1x2048x128xf32>
    %get3A_3 = vector.shape_cast %get3A_2 : vector<1x2048x128xf32> to vector<2048x128xf32>
    %get3A_4 = arith.constant 1 : index
    %get3A_5 = arith.constant 0 : index
    %get3A_6 = arith.constant 0 : index
    %get3A_7 = vector.load %arg1[%get3A_4, %get3A_5, %get3A_6] : memref<2x2048x128xf32, #tpu.memory_space<vmem>>, vector<1x2048x128xf32>
    %get3A_8 = vector.shape_cast %get3A_7 : vector<1x2048x128xf32> to vector<2048x128xf32>
    %add3A = arith.addf %get3A_3, %get3A_8 : vector<2048x128xf32>
    %get3A_9 = arith.constant 0 : index
    %get3A_10 = arith.constant 0 : index
    %get3A_11 = vector.load %arg2[%get3A_9, %get3A_10] : memref<2048x32xf32, #tpu.memory_space<vmem>>, vector<2048x32xf32>
    %reduce_sum3A = arith.constant dense<0.000000e+00> : vector<2048xf32>
    %reduce_sum3A_12 = vector.multi_reduction <add>, %get3A_11, %reduce_sum3A [1] : vector<2048x32xf32> to vector<2048xf32>
    %broadcast_in_dim3A = vector.shape_cast %reduce_sum3A_12 : vector<2048xf32> to vector<2048x1xf32>
    %gt3A = arith.constant 0.000000e+00 : f32
    %gt3A_13 = vector.broadcast %gt3A : f32 to vector<2048x1xf32>
    %gt3A_14 = arith.cmpf ogt, %broadcast_in_dim3A, %gt3A_13 : vector<2048x1xf32>
    %div3A = vector.broadcast %broadcast_in_dim3A : vector<2048x1xf32> to vector<2048x128xf32>
    %div3A_15 = arith.divf %add3A, %div3A : vector<2048x128xf32>
    %jit3A = arith.constant 0.000000e+00 : f32
    %broadcast_in_dim3A_16 = vector.shape_cast %gt3A_14 : vector<2048x1xi1> to vector<2048x1xi1>
    %broadcast_in_dim3A_17 = vector.broadcast %broadcast_in_dim3A_16 : vector<2048x1xi1> to vector<2048x128xi1>
    %broadcast_in_dim3A_18 = vector.broadcast %jit3A : f32 to vector<2048x128xf32>
    %select_n3A = arith.select %broadcast_in_dim3A_17, %div3A_15, %broadcast_in_dim3A_18 : vector<2048x128xi1>, vector<2048x128xf32>
    %get3A_19 = arith.constant 0 : index
    %get3A_20 = arith.constant 0 : index
    %get3A_21 = vector.load %arg3[%get3A_19, %get3A_20] : memref<1x128xf32, #tpu.memory_space<vmem>>, vector<1x128xf32>
    %add3A_22 = vector.broadcast %get3A_21 : vector<1x128xf32> to vector<2048x128xf32>
    %add3A_23 = arith.addf %select_n3A, %add3A_22 : vector<2048x128xf32>
    %max3A = arith.constant 0.000000e+00 : f32
    %max3A_24 = vector.broadcast %max3A : f32 to vector<2048x128xf32>
    %max3A_25 = arith.maximumf %add3A_23, %max3A_24 : vector<2048x128xf32>
    %get3A_26 = arith.constant 0 : index
    %get3A_27 = arith.constant 0 : index
    %get3A_28 = vector.load %arg4[%get3A_26, %get3A_27] : memref<128x128xf32, #tpu.memory_space<vmem>>, vector<128x128xf32>
    %dot_general3A = arith.constant dense<0.000000e+00> : vector<2048x128xf32>
    %dot_general3A_29 = tpu.matmul %max3A_25, %get3A_28, %dot_general3A {dimension_numbers = #tpu.dot_dimension_numbers<[1], [0], [0], [1], [0, 0, 1, 1], [], []>, transpose_lhs_hint = false} : vector<2048x128xf32>, vector<128x128xf32>, vector<2048x128xf32> -> vector<2048x128xf32>
    %swap3A = arith.constant 0 : index
    %swap3A_30 = arith.constant 0 : index
    %swap3A_31 = vector.load %arg7[%swap3A, %swap3A_30] : memref<2048x128xf32, #tpu.memory_space<vmem>>, vector<2048x128xf32>
    tpu.vector_store %arg7[%swap3A, %swap3A_30], %dot_general3A_29 {strides = array<i32>} : memref<2048x128xf32, #tpu.memory_space<vmem>>, vector<2048x128xf32>,
    %get3A_32 = arith.constant 0 : index
    %get3A_33 = arith.constant 0 : index
    %get3A_34 = vector.load %arg5[%get3A_32, %get3A_33] : memref<128x1xf32, #tpu.memory_space<vmem>>, vector<128x1xf32>
    %dot_general3A_35 = arith.constant dense<0.000000e+00> : vector<2048x1xf32>
    %dot_general3A_36 = tpu.matmul %dot_general3A_29, %get3A_34, %dot_general3A_35 {dimension_numbers = #tpu.dot_dimension_numbers<[1], [0], [0], [1], [0, 0, 1, 1], [], []>, transpose_lhs_hint = false} : vector<2048x128xf32>, vector<128x1xf32>, vector<2048x1xf32> -> vector<2048x1xf32>
    %reshape3A = vector.shape_cast %dot_general3A_36 : vector<2048x1xf32> to vector<16x128xf32>
    %swap3A_37 = arith.constant 0 : index
    %swap3A_38 = arith.constant 0 : index
    %swap3A_39 = vector.load %arg8[%swap3A_37, %swap3A_38] : memref<16x128xf32, #tpu.memory_space<vmem>>, vector<16x128xf32>
    tpu.vector_store %arg8[%swap3A_37, %swap3A_38], %reshape3A {strides = array<i32>} : memref<16x128xf32, #tpu.memory_space<vmem>>, vector<16x128xf32>,
    %get3A_40 = arith.constant 0 : index
    %get3A_41 = arith.constant 0 : index
    %get3A_42 = vector.load %arg4[%get3A_40, %get3A_41] : memref<128x128xf32, #tpu.memory_space<vmem>>, vector<128x128xf32>
    %get3A_43 = arith.constant 0 : index
    %get3A_44 = arith.constant 0 : index
    %get3A_45 = vector.load %arg6[%get3A_43, %get3A_44] : memref<128x1xf32, #tpu.memory_space<vmem>>, vector<128x1xf32>
    %dot_general3A_46 = arith.constant dense<0.000000e+00> : vector<128x1xf32>
    %dot_general3A_47 = tpu.matmul %get3A_42, %get3A_45, %dot_general3A_46 {dimension_numbers = #tpu.dot_dimension_numbers<[1], [0], [0], [1], [0, 0, 1, 1], [], []>, transpose_lhs_hint = false} : vector<128x128xf32>, vector<128x1xf32>, vector<128x1xf32> -> vector<128x1xf32>
    %dot_general3A_48 = arith.constant dense<0.000000e+00> : vector<2048x1xf32>
    %dot_general3A_49 = tpu.matmul %max3A_25, %dot_general3A_47, %dot_general3A_48 {dimension_numbers = #tpu.dot_dimension_numbers<[1], [0], [0], [1], [0, 0, 1, 1], [], []>, transpose_lhs_hint = false} : vector<2048x128xf32>, vector<128x1xf32>, vector<2048x1xf32> -> vector<2048x1xf32>
    %reshape3A_50 = vector.shape_cast %dot_general3A_49 : vector<2048x1xf32> to vector<16x128xf32>
    %swap3A_51 = arith.constant 0 : index
    %swap3A_52 = arith.constant 0 : index
    %swap3A_53 = vector.load %arg9[%swap3A_51, %swap3A_52] : memref<16x128xf32, #tpu.memory_space<vmem>>, vector<16x128xf32>
    tpu.vector_store %arg9[%swap3A_51, %swap3A_52], %reshape3A_50 {strides = array<i32>} : memref<16x128xf32, #tpu.memory_space<vmem>>, vector<16x128xf32>,
    return
  }
  func.func @transform_0(%arg0: i32) -> (i32, i32, i32) {
    %c0_i32 = arith.constant 0 : i32
    %c0_i32_0 = arith.constant 0 : i32
    %c0_i32_1 = arith.constant 0 : i32
    return %c0_i32, %arg0, %c0_i32_0 : i32, i32, i32
  }
  func.func @transform_1(%arg0: i32) -> (i32, i32) {
    %c0_i32 = arith.constant 0 : i32
    %c0_i32_0 = arith.constant 0 : i32
    return %arg0, %c0_i32 : i32, i32
  }
  func.func @transform_2(%arg0: i32) -> (i32, i32) {
    %c0_i32 = arith.constant 0 : i32
    %c0_i32_0 = arith.constant 0 : i32
    %c0_i32_1 = arith.constant 0 : i32
    return %c0_i32, %c0_i32_0 : i32, i32
  }
  func.func @transform_3(%arg0: i32) -> (i32, i32) {
    %c0_i32 = arith.constant 0 : i32
    %c0_i32_0 = arith.constant 0 : i32
    %c0_i32_1 = arith.constant 0 : i32
    return %c0_i32, %c0_i32_0 : i32, i32
  }
  func.func @transform_4(%arg0: i32) -> (i32, i32) {
    %c0_i32 = arith.constant 0 : i32
    %c0_i32_0 = arith.constant 0 : i32
    %c0_i32_1 = arith.constant 0 : i32
    return %c0_i32, %c0_i32_0 : i32, i32
  }
  func.func @transform_5(%arg0: i32) -> (i32, i32) {
    %c0_i32 = arith.constant 0 : i32
    %c0_i32_0 = arith.constant 0 : i32
    %c0_i32_1 = arith.constant 0 : i32
    return %c0_i32, %c0_i32_0 : i32, i32
  }
  func.func @transform_6(%arg0: i32) -> (i32, i32) {
    %c0_i32 = arith.constant 0 : i32
    %c0_i32_0 = arith.constant 0 : i32
    return %arg0, %c0_i32 : i32, i32
  }
  func.func @transform_7(%arg0: i32) -> (i32, i32) {
    %c0_i32 = arith.constant 0 : i32
    %c0_i32_0 = arith.constant 0 : i32
    return %arg0, %c0_i32 : i32, i32
  }
  func.func @transform_8(%arg0: i32) -> (i32, i32) {
    %c0_i32 = arith.constant 0 : i32
    %c0_i32_0 = arith.constant 0 : i32
    return %arg0, %c0_i32 : i32, i32
  }
}

module attributes {stable_mosaic.version = 14 : i64} {
  func.func @_tc_last_body(%arg0: i32, %arg1: memref<2x2048x128xf32, #tpu.memory_space<vmem>>, %arg2: memref<2048x32xf32, #tpu.memory_space<vmem>>, %arg3: memref<1x128xf32, #tpu.memory_space<vmem>>, %arg4: memref<128x128xf32, #tpu.memory_space<vmem>>, %arg5: memref<1x128xf32, #tpu.memory_space<vmem>>, %arg6: memref<128x128xf32, #tpu.memory_space<vmem>>, %arg7: memref<1x128xf32, #tpu.memory_space<vmem>>, %arg8: memref<2048x128xf32, #tpu.memory_space<vmem>>) attributes {dimension_semantics = [#tpu.dimension_semantics<arbitrary>], iteration_bounds = array<i64: 5>, scalar_prefetch = 0 : i64, scratch_operands = 0 : i64, tpu.core_type = #tpu.core_type<tc>, window_params = [{transform_indices = @transform_0, window_bounds = array<i64: 2, 2048, 128>}, {transform_indices = @transform_1, window_bounds = array<i64: 2048, 32>}, {pipeline_mode = #tpu.pipeline_mode<synchronous>, transform_indices = @transform_2, window_bounds = array<i64: 1, 128>}, {pipeline_mode = #tpu.pipeline_mode<synchronous>, transform_indices = @transform_3, window_bounds = array<i64: 128, 128>}, {pipeline_mode = #tpu.pipeline_mode<synchronous>, transform_indices = @transform_4, window_bounds = array<i64: 1, 128>}, {pipeline_mode = #tpu.pipeline_mode<synchronous>, transform_indices = @transform_5, window_bounds = array<i64: 128, 128>}, {pipeline_mode = #tpu.pipeline_mode<synchronous>, transform_indices = @transform_6, window_bounds = array<i64: 1, 128>}, {transform_indices = @transform_7, window_bounds = array<i64: 2048, 128>}]} {
    %get3A = arith.constant 0 : index
    %get3A_0 = arith.constant 0 : index
    %get3A_1 = arith.constant 0 : index
    %get3A_2 = vector.load %arg1[%get3A, %get3A_0, %get3A_1] : memref<2x2048x128xf32, #tpu.memory_space<vmem>>, vector<1x2048x128xf32>
    %get3A_3 = vector.shape_cast %get3A_2 : vector<1x2048x128xf32> to vector<2048x128xf32>
    %get3A_4 = arith.constant 1 : index
    %get3A_5 = arith.constant 0 : index
    %get3A_6 = arith.constant 0 : index
    %get3A_7 = vector.load %arg1[%get3A_4, %get3A_5, %get3A_6] : memref<2x2048x128xf32, #tpu.memory_space<vmem>>, vector<1x2048x128xf32>
    %get3A_8 = vector.shape_cast %get3A_7 : vector<1x2048x128xf32> to vector<2048x128xf32>
    %add3A = arith.addf %get3A_3, %get3A_8 : vector<2048x128xf32>
    %get3A_9 = arith.constant 0 : index
    %get3A_10 = arith.constant 0 : index
    %get3A_11 = vector.load %arg2[%get3A_9, %get3A_10] : memref<2048x32xf32, #tpu.memory_space<vmem>>, vector<2048x32xf32>
    %reduce_sum3A = arith.constant dense<0.000000e+00> : vector<2048xf32>
    %reduce_sum3A_12 = vector.multi_reduction <add>, %get3A_11, %reduce_sum3A [1] : vector<2048x32xf32> to vector<2048xf32>
    %broadcast_in_dim3A = vector.shape_cast %reduce_sum3A_12 : vector<2048xf32> to vector<2048x1xf32>
    %gt3A = arith.constant 0.000000e+00 : f32
    %gt3A_13 = vector.broadcast %gt3A : f32 to vector<2048x1xf32>
    %gt3A_14 = arith.cmpf ogt, %broadcast_in_dim3A, %gt3A_13 : vector<2048x1xf32>
    %div3A = vector.broadcast %broadcast_in_dim3A : vector<2048x1xf32> to vector<2048x128xf32>
    %div3A_15 = arith.divf %add3A, %div3A : vector<2048x128xf32>
    %jit3A = arith.constant 0.000000e+00 : f32
    %broadcast_in_dim3A_16 = vector.shape_cast %gt3A_14 : vector<2048x1xi1> to vector<2048x1xi1>
    %broadcast_in_dim3A_17 = vector.broadcast %broadcast_in_dim3A_16 : vector<2048x1xi1> to vector<2048x128xi1>
    %broadcast_in_dim3A_18 = vector.broadcast %jit3A : f32 to vector<2048x128xf32>
    %select_n3A = arith.select %broadcast_in_dim3A_17, %div3A_15, %broadcast_in_dim3A_18 : vector<2048x128xi1>, vector<2048x128xf32>
    %get3A_19 = arith.constant 0 : index
    %get3A_20 = arith.constant 0 : index
    %get3A_21 = vector.load %arg3[%get3A_19, %get3A_20] : memref<1x128xf32, #tpu.memory_space<vmem>>, vector<1x128xf32>
    %add3A_22 = vector.broadcast %get3A_21 : vector<1x128xf32> to vector<2048x128xf32>
    %add3A_23 = arith.addf %select_n3A, %add3A_22 : vector<2048x128xf32>
    %max3A = arith.constant 0.000000e+00 : f32
    %max3A_24 = vector.broadcast %max3A : f32 to vector<2048x128xf32>
    %max3A_25 = arith.maximumf %add3A_23, %max3A_24 : vector<2048x128xf32>
    %get3A_26 = arith.constant 0 : index
    %get3A_27 = arith.constant 0 : index
    %get3A_28 = vector.load %arg4[%get3A_26, %get3A_27] : memref<128x128xf32, #tpu.memory_space<vmem>>, vector<128x128xf32>
    %dot_general3A = arith.constant dense<0.000000e+00> : vector<2048x128xf32>
    %dot_general3A_29 = tpu.matmul %max3A_25, %get3A_28, %dot_general3A {dimension_numbers = #tpu.dot_dimension_numbers<[1], [0], [0], [1], [0, 0, 1, 1], [], []>, transpose_lhs_hint = false} : vector<2048x128xf32>, vector<128x128xf32>, vector<2048x128xf32> -> vector<2048x128xf32>
    %get3A_30 = arith.constant 0 : index
    %get3A_31 = arith.constant 0 : index
    %get3A_32 = vector.load %arg5[%get3A_30, %get3A_31] : memref<1x128xf32, #tpu.memory_space<vmem>>, vector<1x128xf32>
    %add3A_33 = vector.broadcast %get3A_32 : vector<1x128xf32> to vector<2048x128xf32>
    %add3A_34 = arith.addf %dot_general3A_29, %add3A_33 : vector<2048x128xf32>
    %max3A_35 = arith.constant 0.000000e+00 : f32
    %max3A_36 = vector.broadcast %max3A_35 : f32 to vector<2048x128xf32>
    %max3A_37 = arith.maximumf %add3A_34, %max3A_36 : vector<2048x128xf32>
    %get3A_38 = arith.constant 0 : index
    %get3A_39 = arith.constant 0 : index
    %get3A_40 = vector.load %arg6[%get3A_38, %get3A_39] : memref<128x128xf32, #tpu.memory_space<vmem>>, vector<128x128xf32>
    %dot_general3A_41 = arith.constant dense<0.000000e+00> : vector<2048x128xf32>
    %dot_general3A_42 = tpu.matmul %max3A_37, %get3A_40, %dot_general3A_41 {dimension_numbers = #tpu.dot_dimension_numbers<[1], [0], [0], [1], [0, 0, 1, 1], [], []>, transpose_lhs_hint = false} : vector<2048x128xf32>, vector<128x128xf32>, vector<2048x128xf32> -> vector<2048x128xf32>
    %get3A_43 = arith.constant 0 : index
    %get3A_44 = arith.constant 0 : index
    %get3A_45 = vector.load %arg7[%get3A_43, %get3A_44] : memref<1x128xf32, #tpu.memory_space<vmem>>, vector<1x128xf32>
    %add3A_46 = vector.broadcast %get3A_45 : vector<1x128xf32> to vector<2048x128xf32>
    %add3A_47 = arith.addf %dot_general3A_42, %add3A_46 : vector<2048x128xf32>
    %swap3A = arith.constant 0 : index
    %swap3A_48 = arith.constant 0 : index
    %swap3A_49 = vector.load %arg8[%swap3A, %swap3A_48] : memref<2048x128xf32, #tpu.memory_space<vmem>>, vector<2048x128xf32>
    tpu.vector_store %arg8[%swap3A, %swap3A_48], %add3A_47 {strides = array<i32>} : memref<2048x128xf32, #tpu.memory_space<vmem>>, vector<2048x128xf32>,
    return
  }
  func.func @transform_0(%arg0: i32) -> (i32, i32, i32) {
    %c0_i32 = arith.constant 0 : i32
    %c0_i32_0 = arith.constant 0 : i32
    %c0_i32_1 = arith.constant 0 : i32
    return %c0_i32, %arg0, %c0_i32_0 : i32, i32, i32
  }
  func.func @transform_1(%arg0: i32) -> (i32, i32) {
    %c0_i32 = arith.constant 0 : i32
    %c0_i32_0 = arith.constant 0 : i32
    return %arg0, %c0_i32 : i32, i32
  }
  func.func @transform_2(%arg0: i32) -> (i32, i32) {
    %c0_i32 = arith.constant 0 : i32
    %c0_i32_0 = arith.constant 0 : i32
    %c0_i32_1 = arith.constant 0 : i32
    return %c0_i32, %c0_i32_0 : i32, i32
  }
  func.func @transform_3(%arg0: i32) -> (i32, i32) {
    %c0_i32 = arith.constant 0 : i32
    %c0_i32_0 = arith.constant 0 : i32
    %c0_i32_1 = arith.constant 0 : i32
    return %c0_i32, %c0_i32_0 : i32, i32
  }
  func.func @transform_4(%arg0: i32) -> (i32, i32) {
    %c0_i32 = arith.constant 0 : i32
    %c0_i32_0 = arith.constant 0 : i32
    %c0_i32_1 = arith.constant 0 : i32
    return %c0_i32, %c0_i32_0 : i32, i32
  }
  func.func @transform_5(%arg0: i32) -> (i32, i32) {
    %c0_i32 = arith.constant 0 : i32
    %c0_i32_0 = arith.constant 0 : i32
    %c0_i32_1 = arith.constant 0 : i32
    return %c0_i32, %c0_i32_0 : i32, i32
  }
  func.func @transform_6(%arg0: i32) -> (i32, i32) {
    %c0_i32 = arith.constant 0 : i32
    %c0_i32_0 = arith.constant 0 : i32
    %c0_i32_1 = arith.constant 0 : i32
    return %c0_i32, %c0_i32_0 : i32, i32
  }
  func.func @transform_7(%arg0: i32) -> (i32, i32) {
    %c0_i32 = arith.constant 0 : i32
    %c0_i32_0 = arith.constant 0 : i32
    return %arg0, %c0_i32 : i32, i32
  }
}

</mosaic_0001>

<sc_bundles>
// kernel: kernel.12.cloned.1.call-start
scs
__scs_entry_jumppad:
0x0: {  	(pc) =	sbr.rel $0x88, $3  }
0x1: {  	(tag) =	ssettag $0x0;
	lr =	simm.s32 $0x1  }
0x2: {  	[smem:$0x3F8E] =	sst lr;
	_ =	strace $0xD0000000  }
0x3: {  	_ = 	snop  }
0x4: {  	_ = 	snop  }
0x5: {  	_ = 	snop  }
0x6: {  	_ = 	snop  }
0x7: {  	_ = 	snop  }
__scs_overlays_trampoline_lowered:
0x8: {  	[smem:$0x3F9D] =	sst s0  }
0x9: {  	[smem:$0x3F9E] =	sst s1  }
0xa: {  	[smem:$0x3F9F] =	sst s2  }
0xb: {  	[smem:$0x3FA0] =	sst s3  }
0xc: {  	[smem:$0x3FA1] =	sst s4  }
0xd: {  	[smem:$0x3FA2] =	sst s5  }
0xe: {  	[smem:$0x3FA3] =	sst s6  }
0xf: {  	[smem:$0x3FA4] =	sst s7  }
0x10: {  	[smem:$0x3FA5] =	sst s8  }
0x11: {  	[smem:$0x3FA6] =	sst s9;
	s0 =	simm.s32 @!p0 $0x0  }
0x12: {  	s1 =	sld [smem:$0x3F8C];
	s0 =	simm.s32 @p0 $0x1  }
0x13: {  	[smem:$0x3FA7] =	sst s0;
	s0 =	simm.s32 @!p1 $0x0  }
0x14: {  	s2 =	sld [smem:$0x3F8B];
	s0 =	simm.s32 @p1 $0x1  }
0x15: {  	[smem:$0x3FA8] =	sst s0;
	s0 =	simm.s32 @!p2 $0x0  }
0x16: {  	s3 =	sld [smem:$0x3FDB];
	s0 =	simm.s32 @p2 $0x1  }
0x17: {  	s4 =	simm.s32 $0x1BF5;
	[smem:$0x3FAA] =	sst s0  }
0x18: {  	s0 =	sld [smem:$0x3F8D];
	_ =	swait.ge [sflag:s4], $0x0  }
0x19: {  	s7 =	sld [smem:$0x3F8E]  }
0x1a: {  	s8 =	sadd.s32 $0xFFFFE003, lr  }
0x1b: {  	s9 =	sadd.s32 $0xFFFFFEF7, lr;
	s5 =	simm.s32 $0xFFFFFFFF;
	p2 =	slt.u32 s8, $0xFFFFF086  }
0x1c: {  	p1 =	slt.u32 s9, $0xF7A;
	s5 =	simm.s32 @!p2 $0x0  }
0x1d: {  	s5 =	simm.s32 @p1 $0x1;
	p0 =	seq.s32 s7, s2  }
0x1e: {  	s7 =	smul.u32 @!p0 $0xF7A, s2;
	p2 =	seq.s32 @!p0 s5, $0x0  }
0x1f: {  	s9 =	smul.u32 $0xF7A, s1;
	s8 =	simm.s32 @!p0 $0x1BF5;
	p2 =	por !p2, p0  }
0x20: {  	[sflag:s8] =	ssyncset.s32 @!p0 $0xFFFFF086;
	s6 =	sadd.s32 @!p0 s3, s7;
	s7 =	simm.s32 @!p0 $0x108  }
0x21: {  	s3 =	sadd.s32 s3, s9;
	s6 =	sadd.s32 @!p0 $0x88, s6;
	s7 =	simm.s32 @p2 $0x1082  }
0x22: {  	[simem:s7], [sflag:s8] =	dma.local @!p0 [hbm:s6], $0xF7A  }
0x23: {  	s9 =	sor.u32 $0xD0000000, s2;
	s6 =	simm.s32 $0x108;
	_ =	swait.ge @!p0 [sflag:s8], $0x0  }
0x24: {  	s3 =	sadd.s32 $0x88, s3;
	s6 =	simm.s32 @!p1 $0x1082;
	[sflag:s4] =	ssyncset.s32 $0xFFFFF086  }
0x25: {  	[simem:s6], [sflag:s4] =	dma.local [hbm:s3], $0xF7A  }
0x26: {  	[smem:$0x3F8E] =	sst s1;
	(tag) =	ssettag s2;
	_ =	strace s9  }
0x27: {  	s1 =	sld [smem:$0x3F9E]  }
0x28: {  	s2 =	sld [smem:$0x3F9F]  }
0x29: {  	s4 =	sld [smem:$0x3FA1]  }
0x2a: {  	p0 =	seq.s32 s5, $0x0;
	s5 =	sld [smem:$0x3FA2]  }
0x2b: {  	s6 =	sld [smem:$0x3FA3]  }
0x2c: {  	s7 =	sld [smem:$0x3FA4]  }
0x2d: {  	s3 =	simm.s32 $0x108;
	s8 =	sld [smem:$0x3FA5]  }
0x2e: {  	s3 =	simm.s32 @!p0 $0x1082;
	s9 =	sld [smem:$0x3FA6]  }
0x2f: {  	lr =	sadd.s32 s0, s3;
	s0 =	sld [smem:$0x3F9D]  }
0x30: {  	s3 =	sld [smem:$0x3FA0]  }
0x31: {  	[smem:$0x3FA9] =	sst s10  }
0x32: {  	s10 =	sld [smem:$0x3FA7];
	_ =	sdelay $0x3  }
0x33: {  	p0 =	seq.s32 s10, $0x1;
	s10 =	sld [smem:$0x3FA9];
	_ =	sdelay $0x3  }
0x34: {  	[smem:$0x3FA9] =	sst s10  }
0x35: {  	s10 =	sld [smem:$0x3FA8];
	_ =	sdelay $0x3  }
0x36: {  	p1 =	seq.s32 s10, $0x1;
	s10 =	sld [smem:$0x3FA9];
	_ =	sdelay $0x3  }
0x37: {  	[smem:$0x3FA9] =	sst s10  }
0x38: {  	s10 =	sld [smem:$0x3FAA]  }
0x39: {  	_ = 	snop;
	(pc) =	sbr.ind lr, $3  }
0x3a: {  	_ = 	snop  }
0x3b: {  	_ = 	snop  }
0x3c: {  	p2 =	seq.s32 s10, $0x1;
	s10 =	sld [smem:$0x3FA9]  }
0x3d: {  	_ =	shalt  }
0x3e: {  	_ =	shalt  }
0x3f: {  	_ =	shalt  }
0x40: {  	_ =	shalt  }
0x41: {  	_ =	shalt  }
0x42: {  	_ =	shalt  }
0x43: {  	_ =	shalt  }
0x44: {  	_ =	shalt  }
0x45: {  	_ =	shalt  }
0x46: {  	_ =	shalt  }
0x47: {  	_ =	shalt  }
0x48: {  	_ =	shalt  }
0x49: {  	_ =	shalt  }
0x4a: {  	_ =	shalt  }
0x4b: {  	_ =	shalt  }
0x4c: {  	_ =	shalt  }
0x4d: {  	_ =	shalt  }
0x4e: {  	_ =	shalt  }
0x4f: {  	_ =	shalt  }
0x50: {  	_ =	shalt  }
0x51: {  	_ =	shalt  }
0x52: {  	_ =	shalt  }
0x53: {  	_ =	shalt  }
0x54: {  	_ =	shalt  }
0x55: {  	_ =	shalt  }
0x56: {  	_ =	shalt  }
0x57: {  	_ =	shalt  }
0x58: {  	_ =	shalt  }
0x59: {  	_ =	shalt  }
0x5a: {  	_ =	shalt  }
0x5b: {  	_ =	shalt  }
0x5c: {  	_ =	shalt  }
0x5d: {  	_ =	shalt  }
0x5e: {  	_ =	shalt  }
0x5f: {  	_ =	shalt  }
0x60: {  	_ =	shalt  }
0x61: {  	_ =	shalt  }
0x62: {  	_ =	shalt  }
0x63: {  	_ =	shalt  }
0x64: {  	_ =	shalt  }
0x65: {  	_ =	shalt  }
0x66: {  	_ =	shalt  }
0x67: {  	_ =	shalt  }
0x68: {  	_ =	shalt  }
0x69: {  	_ =	shalt  }
0x6a: {  	_ =	shalt  }
0x6b: {  	_ =	shalt  }
0x6c: {  	_ =	shalt  }
0x6d: {  	_ =	shalt  }
0x6e: {  	_ =	shalt  }
0x6f: {  	_ =	shalt  }
0x70: {  	_ =	shalt  }
0x71: {  	_ =	shalt  }
0x72: {  	_ =	shalt  }
0x73: {  	_ =	shalt  }
0x74: {  	_ =	shalt  }
0x75: {  	_ =	shalt  }
0x76: {  	_ =	shalt  }
0x77: {  	_ =	shalt  }
0x78: {  	_ =	shalt  }
0x79: {  	_ =	shalt  }
0x7a: {  	_ =	shalt  }
0x7b: {  	_ =	shalt  }
0x7c: {  	_ =	shalt  }
0x7d: {  	_ =	shalt  }
0x7e: {  	_ =	shalt  }
0x7f: {  	_ =	shalt  }
0x80: {  	_ =	shalt  }
0x81: {  	_ =	shalt  }
0x82: {  	_ =	shalt  }
0x83: {  	_ =	shalt  }
0x84: {  	_ =	shalt  }
0x85: {  	_ =	shalt  }
0x86: {  	_ =	shalt  }
0x87: {  	_ =	shalt  }
.Lfunc_end0:
.L_simem_size_0:
called_computation.1_lowered:
.L_overlay_start_0:
0x88: {  	s2 =	sld [smem:$0x3FD9]  }
0x89: {  	s3 =	sld [smem:$0x3FFE];
	_ =	sdelay $0x1  }
0x8a: {  	s1 =	srdreg.scid  }
0x8b: {  	s0 =	sand.u32 $0x1, s1  }
0x8c: {  	s17 =	sshll.u32 s0, $0xA;
	s2 =	sadd.s32 s3, s2  }
0x8d: {  	s2 =	sadd.s32 s2, s17  }
0x8e: {  	[smem:$0x3FB5] =	sst s2  }
0x8f: {  	_ = 	snop  }
0x90: {  	s2 =	sld [smem:$0x3FD0];
	(tm) =	ssettm $0x1  }
0x91: {  	s18 =	sld [smem:$0x3FFB];
	_ =	sdelay $0x3  }
0x92: {  	_ =	strace s18  }
0x93: {  	s3 =	sld [smem:$0x3FFC];
	_ =	sdelay $0x3  }
0x94: {  	_ =	strace s3  }
0x95: {  	s3 =	sld [smem:$0x3FFD];
	_ =	sdelay $0x3  }
0x96: {  	_ =	strace s3  }
0x97: {  	_ =	strace $0x8FFFFFFF  }
0x98: {  	s19 =	sld [smem:$0x3FDB];
	_ =	sdelay $0x1  }
0x99: {  	s4 =	simm.s32 $_scs_section_size  }
0x9a: {  	s5 =	simm.s32 $_size__tile_overlayer_lowered;
	s6 =	simm.s32 $_tile_overlayer_lowered  }
0x9b: {  	s22 =	simm.s32 $0x1BFF;
	s21 =	sshll.u32 s6, $0x1;
	s3 =	sadd.s32 s4, s19  }
0x9c: {  	s7 =	simm.s32 $0x0;
	s20 =	sshll.u32 s5, $0x1;
	s5 =	sadd.s32 s21, s3  }
0x9d: {  	[timem:s7], [sflag:s22] =	dma.local [hbm:s5], s20  }
0x9e: {  	_ =	swait.ge [sflag:s22], s20  }
0x9f: {  	s4 =	ssub.s32 $0x0, s20;
	[sflag:s22] =	ssyncset.done $0x0  }
0xa0: {  	[sflag:s22] =	ssyncadd.s32 s4;
	_ =	sdelay $0x1  }
0xa1: {  	s23 =	simm.s32 $0x1B8B  }
0xa2: {  	_ =	swait.ge [sflag:s23], $0x1  }
0xa3: {  	[sflag:s23] =	ssyncset.done $0x0  }
0xa4: {  	s25 =	simm.s32 $0x1B8E;
	s24 =	sld [smem:$0x3FFE];
	[sflag:s23] =	ssyncadd.s32 $0xFFFFFFFF  }
0xa5: {  	s26 =	simm.s32 $execute0_lowered;
	[smem:$0x3FD2] =	sst s25  }
0xa6: {  	s5 =	sshll.u32 s26, $0x1;
	_ =	strace $0x80000049;
	[dreg:$0x1] =	wrdreg $0xFFFFFFFF  }
0xa7: {  	s28 =	simm.s32 $_size_execute0_lowered;
	s3 =	sadd.s32 s3, s5;
	[dreg:$0x0] =	wrdreg $0x0  }
0xa8: {  	s5 =	sshll.u32 s28, $0x1;
	[dreg:$0x2] =	wrdreg s3  }
0xa9: {  	[dreg:$0x3] =	wrdreg s5  }
0xaa: {  	[dreg:$0x4] =	wrdreg $0xC0  }
0xab: {  	_ =	task [dreg:s7], $0x5FFFF  }
0xac: {  	[dreg:$0x1] =	wrdreg $0xFFFFFFFF  }
0xad: {  	[dreg:$0x0] =	wrdreg $0x60  }
0xae: {  	[dreg:$0x2] =	wrdreg s24  }
0xaf: {  	[dreg:$0x3] =	wrdreg s2  }
0xb0: {  	[dreg:$0x4] =	wrdreg $0xBE000  }
0xb1: {  	[dreg:$0x5] =	wrdreg $0x9  }
0xb2: {  	_ =	task.clear_ibuf [dreg:s7], $0x6FFFF;
	_ =	strace $0x90000049  }
0xb3: {  	s29 =	simm.s32 $0x9;
	_ =	strace $0x8000004B  }
0xb4: {  	_ =	swait.ge [sflag:s29], $0x1  }
0xb5: {  	[sflag:s29] =	ssyncadd.s32 $0xFFFFFFFF  }
0xb6: {  	_ =	strace $0x9000004B  }
0xb7: {  	_ =	sfence  }
0xb8: {  	s30 =	sld [smem:$0x0];
	_ =	sdelay $0x2  }
0xb9: {  	s31 =	sshll.u32 s1, $0xD;
	s1 =	sshrl.u32 s1, $0x2  }
0xba: {  	s3 =	sand.u32 $0x4000, s31;
	s1 =	sadd.s32 s1, s30  }
0xbb: {  	s0 =	sor.u32 s3, s0;
	s1 =	sshll.u32 s1, $0x11  }
0xbc: {  	s0 =	sor.u32 s1, s0  }
0xbd: {  	s0 =	sadd.s32 $0x8F2B, s0  }
0xbe: {  	[sflag:s0] =	ssyncadd.remote.s32 $0x1  }
0xbf: {  	_ =	sfence.sel $0xFFFF  }
0xc0: {  	[dreg:$0x0] =	wrdreg $0xFFFFFFFF;
	(pc) =	sbr.abs _section_cstart, $3  }
0xc1: {  	[dreg:$0x1] =	wrdreg $0xFFFFFFFF  }
0xc2: {  	_ =	task.clear_ibuf [dreg:s7], $0x2FFFF;
	_ =	strace $0x9FFFFFFF  }
0xc3: {  	(tm) =	ssettm $0x7FFFFFFF  }
tec
execute0_lowered:
.L_overlay_start_1:
0x0: {  	(tag) =	ssettag $0x1  }
0x1: {  	s0 =	rddreg [dreg:$0x0]  }
0x2: {  	s3 =	rddreg [dreg:$0x1]  }
0x3: {  	s1 =	rddreg [dreg:$0x2];
	s2 =	simm.s32 $0x0;
	s17 =	stileid.u32  }
0x4: {  	s7 =	srdreg.scid;
	[smem:$0x7FF] =	sst s2  }
0x5: {  	s4 =	sadd.s32 $0x2D200, s0;
	s5 =	sadd.s32 $0x5200, s0;
	s6 =	sadd.s32 $0x19200, s0  }
0x6: {  	s8 =	smul.u32 $0x140, s17;
	s9 =	sadd.s32 $0x55200, s0;
	s7 =	sand.u32 $0x1, s7  }
0x7: {  	s19 =	smul.u32 $0x50000, s17;
	s10 =	sadd.s32 $0x55800, s0;
	s16 =	sshll.u32 s17, $0x1  }
0x8: {  	s17 =	smul.u32 $0x14000, s17;
	_ =	strace $0x8000004A;
	[dreg:$0x4] =	wrdreg s9  }
0x9: {  	s0 =	sadd.s32 $0x55E00, s0;
	[dreg:$0x5] =	wrdreg s10;
	s11 =	smul.u32 $0xF6, s7  }
0xa: {  	s20 =	ssub.s32 $0x2, s7;
	p0 =	seq.s32 s7, $0x0;
	s14 =	smul.u32 $0x300, s7  }
0xb: {  	s10 =	simm.s32 $0xF6;
	s21 =	smul.u32 $0x140000, s7;
	s7 =	sor.u32 s7, s16  }
0xc: {  	s12 =	sshrl.u32 s20, $0x1;
	s9 =	sshrl.u32 s19, $0x2;
	s10 =	simm.s32 @!p0 $0x4A  }
0xd: {  	s7 =	smul.u32 $0x500, s7;
	s23 =	sadd.s32 $0x4000, s17;
	s26 =	sadd.s32 $0x8000, s17  }
0xe: {  	s28 =	sadd.s32 $0xC000, s17;
	s13 =	ssub.s32 s20, s12;
	s8 =	sadd.s32 s11, s8  }
0xf: {  	s9 =	sadd.s32 s9, s1;
	s12 =	sshrl.u32 s10, $0x1;
	s22 =	sadd.s32 s21, s17  }
0x10: {  	s18 =	sadd.s32 s21, s23;
	s29 =	sadd.s32 s21, s26;
	s30 =	sadd.s32 s21, s28  }
0x11: {  	s17 =	sadd.s32 $0x10000, s17;
	s16 =	sadd.s32 s23, s1;
	s3 =	sadd.s32 s3, s7  }
0x12: {  	s25 =	sshrl.u32 s18, $0x3;
	s23 =	sadd.s32 $0x4000, s9;
	[dreg:$0x6] =	wrdreg s3  }
0x13: {  	s7 =	sadd.s32 s28, s1;
	s28 =	sadd.s32 $0xC000, s9;
	[dreg:$0x14] =	wrdreg s23  }
0x14: {  	s18 =	sshrl.u32 s30, $0x3;
	s30 =	sadd.s32 $0x10000, s9;
	[dreg:$0x18] =	wrdreg s28  }
0x15: {  	s11 =	sshll.u32 s8, $0x7;
	s3 =	sadd.s32 s0, s25;
	[dreg:$0x1a] =	wrdreg s30  }
0x16: {  	s8 =	sadd.s32 s21, s17;
	s31 =	sadd.s32 s0, s18;
	[dreg:$0x8] =	wrdreg s3  }
0x17: {  	s15 =	sand.u32 $0x1FFC00, s11;
	s20 =	sshrl.u32 s7, $0x3;
	[dreg:$0xa] =	wrdreg s31  }
0x18: {  	s18 =	sadd.s32 s17, s1;
	s25 =	sadd.s32 $0x8000, s9;
	[dreg:$0x11] =	wrdreg s20  }
0x19: {  	s14 =	sor.u32 s14, s15;
	s21 =	sshrl.u32 s18, $0x3;
	[dreg:$0x16] =	wrdreg s25  }
0x1a: {  	s15 =	sshrl.u32 s22, $0x3;
	s22 =	sadd.s32 $0x2000, s9;
	[dreg:$0x12] =	wrdreg s21  }
0x1b: {  	s3 =	sadd.s32 s26, s1;
	s26 =	sadd.s32 $0xA000, s9;
	[dreg:$0x13] =	wrdreg s22  }
0x1c: {  	s8 =	sshrl.u32 s8, $0x3;
	s31 =	sadd.s32 $0x12000, s9;
	[dreg:$0x17] =	wrdreg s26  }
0x1d: {  	s17 =	simm.s32 $0x1;
	s24 =	sadd.s32 s0, s15;
	[dreg:$0x1b] =	wrdreg s31  }
0x1e: {  	s23 =	simm.s32 $0x0;
	s19 =	sshrl.u32 s3, $0x3;
	[dreg:$0x7] =	wrdreg s24  }
0x1f: {  	s15 =	sshrl.u32 s29, $0x3;
	s29 =	sadd.s32 $0xE000, s9;
	[dreg:$0x10] =	wrdreg s19  }
0x20: {  	s18 =	simm.s32 $0x3;
	s15 =	sadd.s32 s0, s15;
	[dreg:$0x19] =	wrdreg s29  }
0x21: {  	s14 =	sshrl.u32 s14, $0x3;
	s0 =	sadd.s32 s0, s8;
	[dreg:$0x9] =	wrdreg s15  }
0x22: {  	s20 =	simm.s32 $0x9600;
	s8 =	sadd.s32 s5, s14;
	[dreg:$0xb] =	wrdreg s0  }
0x23: {  	s21 =	simm.s32 $0x5400;
	s14 =	sadd.s32 s6, s14;
	[dreg:$0xc] =	wrdreg s8  }
0x24: {  	s24 =	sadd.s32 $0x6000, s9;
	s19 =	simm.s32 $0x40;
	[dreg:$0xd] =	wrdreg s14  }
0x25: {  	s15 =	smax.u32 s13, $0x1;
	s0 =	sshrl.u32 s16, $0x3;
	[dreg:$0x15] =	wrdreg s24  }
0x26: {  	s13 =	simm.s32 $0x400;
	s14 =	simm.s32 $0x4;
	[dreg:$0xe] =	wrdreg s15  }
0x27: {  	v0 =	vimm.f32 $0.0e+00;
	s16 =	simm.s32 $0x5600;
	[dreg:$0xf] =	wrdreg s0;
	s15 =	simm.s32 $0x2C00  }
.LBB2_1:
0x28: {  	s0 =	rddreg [dreg:$0x4]  }
0x29: {  	[tilespmem:s13], [sflag:$0x4] =	stream.linear.gather [hbm4b:s0+s2], $0x2800, $0x38;
	[tilespmem:$0x1FE00] =	vst v63  }
0x2a: {  	_ =	swait.ge [sflag:s14], $0x2800  }
0x2b: {  	[sflag:s14] =	ssyncset.done $0x0  }
0x2c: {  	s31 =	rddreg [dreg:$0x5];
	[sflag:s14] =	ssyncadd.s32 $0xFFFFD800  }
0x2d: {  	[tilespmem:s15], [sflag:$0x4] =	stream.linear.gather [hbm4b:s31+s2], $0x2800, $0x38;
	[tilespmem:$0x1FE00] =	vst v63  }
0x2e: {  	_ =	swait.ge [sflag:s14], $0x2800  }
0x2f: {  	[sflag:s14] =	ssyncset.done $0x0  }
0x30: {  	s24 =	simm.s32 $0x0;
	s25 =	simm.s32 $0x200;
	[sflag:s14] =	ssyncadd.s32 $0xFFFFD800  }
.LBB2_2:
0x31: {  	p0 =	sne.s32 s25, $0x7E00;
	[tilespmem:s24+$0x5670] =	vst v0  }
0x32: {  	[tilespmem:s24+$0x5600] =	vst v0  }
0x33: {  	[tilespmem:s24+$0x5610] =	vst v0  }
.Ltmp0:
0x34: {  	[tilespmem:s24+$0x5620] =	vst v0;
	(pc) =	sbr.rel @p0 .LBB2_2-.Ltmp0, $4  }
0x35: {  	[tilespmem:s24+$0x5630] =	vst v0  }
0x36: {  	[tilespmem:s24+$0x5640] =	vst v0  }
0x37: {  	[tilespmem:s24+$0x5650] =	vst v0  }
0x38: {  	[tilespmem:s24+$0x5660] =	vst v0;
	s24 =	sshra.s32 s25, $0x2;
	s25 =	sadd.s32 $0x200, s25  }
0x39: {  	[tilespmem:s24+$0x5670] =	vst v0  }
0x3a: {  	[tilespmem:s24+$0x5600] =	vst v0  }
0x3b: {  	[tilespmem:s24+$0x5610] =	vst v0  }
0x3c: {  	[tilespmem:s24+$0x5620] =	vst v0  }
0x3d: {  	[tilespmem:s24+$0x5630] =	vst v0  }
0x3e: {  	[tilespmem:s24+$0x5640] =	vst v0  }
0x3f: {  	[tilespmem:s24+$0x5650] =	vst v0  }
0x40: {  	[tilespmem:s24+$0x5660] =	vst v0;
	s24 =	simm.s32 $0x0;
	s25 =	simm.s32 $0x200  }
.LBB2_4:
0x41: {  	p0 =	sne.s32 s25, $0x9E00;
	[tilespmem:s24+$0x9670] =	vst v0  }
0x42: {  	[tilespmem:s24+$0x9600] =	vst v0  }
0x43: {  	[tilespmem:s24+$0x9610] =	vst v0  }
.Ltmp1:
0x44: {  	[tilespmem:s24+$0x9620] =	vst v0;
	(pc) =	sbr.rel @p0 .LBB2_4-.Ltmp1, $4  }
0x45: {  	[tilespmem:s24+$0x9630] =	vst v0  }
0x46: {  	[tilespmem:s24+$0x9640] =	vst v0  }
0x47: {  	[tilespmem:s24+$0x9650] =	vst v0  }
0x48: {  	[tilespmem:s24+$0x9660] =	vst v0;
	s24 =	sshra.s32 s25, $0x2;
	s25 =	sadd.s32 $0x200, s25  }
0x49: {  	[tilespmem:s24+$0x9670] =	vst v0  }
0x4a: {  	[tilespmem:s24+$0x9600] =	vst v0  }
0x4b: {  	[tilespmem:s24+$0x9610] =	vst v0  }
0x4c: {  	[tilespmem:s24+$0x9620] =	vst v0  }
0x4d: {  	[tilespmem:s24+$0x9630] =	vst v0  }
0x4e: {  	[tilespmem:s24+$0x9640] =	vst v0  }
0x4f: {  	[tilespmem:s24+$0x9650] =	vst v0  }
0x50: {  	[tilespmem:s24+$0x9660] =	vst v0  }
0x51: {  	[spmem:s9] =	stream.linear.scatter [tilespmem:s16], [sflag:$0x1], $0x2000, $0x38;
	[tilespmem:$0x1FE00] =	vst v63  }
0x52: {  	s0 =	rddreg [dreg:$0x13]  }
0x53: {  	[spmem:s0] =	stream.linear.scatter [tilespmem:s16], [sflag:$0x1], $0x2000, $0x38;
	[tilespmem:$0x1FE00] =	vst v63  }
0x54: {  	s7 =	rddreg [dreg:$0x14]  }
0x55: {  	[spmem:s7] =	stream.linear.scatter [tilespmem:s16], [sflag:$0x1], $0x2000, $0x38;
	[tilespmem:$0x1FE00] =	vst v63  }
0x56: {  	s8 =	rddreg [dreg:$0x15]  }
0x57: {  	[spmem:s8] =	stream.linear.scatter [tilespmem:s16], [sflag:$0x1], $0x2000, $0x38;
	[tilespmem:$0x1FE00] =	vst v63  }
0x58: {  	s22 =	rddreg [dreg:$0x16]  }
0x59: {  	[spmem:s22] =	stream.linear.scatter [tilespmem:s16], [sflag:$0x1], $0x2000, $0x38;
	[tilespmem:$0x1FE00] =	vst v63  }
0x5a: {  	s24 =	rddreg [dreg:$0x17]  }
0x5b: {  	[spmem:s24] =	stream.linear.scatter [tilespmem:s16], [sflag:$0x1], $0x2000, $0x38;
	[tilespmem:$0x1FE00] =	vst v63  }
0x5c: {  	s25 =	rddreg [dreg:$0x18]  }
0x5d: {  	[spmem:s25] =	stream.linear.scatter [tilespmem:s16], [sflag:$0x1], $0x2000, $0x38;
	[tilespmem:$0x1FE00] =	vst v63  }
0x5e: {  	s26 =	rddreg [dreg:$0x19]  }
0x5f: {  	[spmem:s26] =	stream.linear.scatter [tilespmem:s16], [sflag:$0x1], $0x2000, $0x38;
	[tilespmem:$0x1FE00] =	vst v63  }
0x60: {  	s28 =	rddreg [dreg:$0x1a]  }
0x61: {  	[spmem:s28] =	stream.linear.scatter [tilespmem:s16], [sflag:$0x1], $0x2000, $0x38;
	[tilespmem:$0x1FE00] =	vst v63  }
0x62: {  	s29 =	rddreg [dreg:$0x1b]  }
0x63: {  	[spmem:s29] =	stream.linear.scatter [tilespmem:s16], [sflag:$0x1], $0x2000, $0x38;
	[tilespmem:$0x1FE00] =	vst v63  }
0x64: {  	_ =	swait.ge [sflag:s17], $0x2000  }
0x65: {  	[sflag:s17] =	ssyncset.done $0x0  }
0x66: {  	[sflag:s17] =	ssyncadd.s32 $0xFFFFE000  }
0x67: {  	_ =	swait.ge [sflag:s17], $0x2000  }
0x68: {  	[sflag:s17] =	ssyncset.done $0x0  }
0x69: {  	[sflag:s17] =	ssyncadd.s32 $0xFFFFE000  }
0x6a: {  	_ =	swait.ge [sflag:s17], $0x2000  }
0x6b: {  	[sflag:s17] =	ssyncset.done $0x0  }
0x6c: {  	[sflag:s17] =	ssyncadd.s32 $0xFFFFE000  }
0x6d: {  	_ =	swait.ge [sflag:s17], $0x2000  }
0x6e: {  	[sflag:s17] =	ssyncset.done $0x0  }
0x6f: {  	[sflag:s17] =	ssyncadd.s32 $0xFFFFE000  }
0x70: {  	_ =	swait.ge [sflag:s17], $0x2000  }
0x71: {  	[sflag:s17] =	ssyncset.done $0x0  }
0x72: {  	[sflag:s17] =	ssyncadd.s32 $0xFFFFE000  }
0x73: {  	_ =	swait.ge [sflag:s17], $0x2000  }
0x74: {  	[sflag:s17] =	ssyncset.done $0x0  }
0x75: {  	[sflag:s17] =	ssyncadd.s32 $0xFFFFE000  }
0x76: {  	_ =	swait.ge [sflag:s17], $0x2000  }
0x77: {  	[sflag:s17] =	ssyncset.done $0x0  }
0x78: {  	[sflag:s17] =	ssyncadd.s32 $0xFFFFE000  }
0x79: {  	_ =	swait.ge [sflag:s17], $0x2000  }
0x7a: {  	[sflag:s17] =	ssyncset.done $0x0  }
0x7b: {  	[sflag:s17] =	ssyncadd.s32 $0xFFFFE000  }
0x7c: {  	_ =	swait.ge [sflag:s17], $0x2000  }
0x7d: {  	[sflag:s17] =	ssyncset.done $0x0  }
0x7e: {  	[sflag:s17] =	ssyncadd.s32 $0xFFFFE000  }
0x7f: {  	_ =	swait.ge [sflag:s17], $0x2000  }
0x80: {  	[sflag:s17] =	ssyncset.done $0x0  }
0x81: {  	[sflag:s17] =	ssyncadd.s32 $0xFFFFE000  }
0x82: {  	[bflag:$0x0] =	sbarrier.arrive $0xFFFF  }
0x83: {  	s24 =	simm.s32 $0x0;
	s30 =	rddreg [dreg:$0xc]  }
0x84: {  	[tilespmem:s24], [sflag:$0x3] =	stream.linear.gather [hbm4b:s30+s24], $0x100, $0x38;
	[tilespmem:$0x1FE00] =	vst v63  }
0x85: {  	s3 =	simm.s32 $0x200;
	s31 =	rddreg [dreg:$0xd]  }
0x86: {  	[tilespmem:s3], [sflag:$0x3] =	stream.linear.gather [hbm4b:s31+s24], $0x100, $0x38;
	[tilespmem:$0x1FE00] =	vst v63  }
0x87: {  	_ =	swait.ge [sflag:s18], $0x100  }
0x88: {  	[sflag:s18] =	ssyncset.done $0x0  }
0x89: {  	[sflag:s18] =	ssyncadd.s32 $0xFFFFFF00  }
0x8a: {  	_ =	swait.ge [sflag:s18], $0x100  }
0x8b: {  	[sflag:s18] =	ssyncset.done $0x0  }
0x8c: {  	p0 =	por $0x0, $0x0;
	[sflag:s18] =	ssyncadd.s32 $0xFFFFFF00  }
0x8d: {  	[tilespmem:s16], [sflag:$0x1] =	stream.indirect.gather [hbm4b:s4+s19], $0x80, s24, s19, $0xb8;
	[tilespmem:$0x1FE00] =	vst v63  }
.LBB2_6:
0x8e: {  	s28 =	sand.u32 $0x1, s24;
	s25 =	sshrl.u32 s24, $0x1  }
0x8f: {  	p1 =	seq.s32 s24, $0x0;
	p2 =	sne.s32 s28, $0x0;
	s26 =	sadd.s32 $0x1, s25  }
0x90: {  	s29 =	simm.s32 @!p1 $0x2;
	p3 =	slt.u32 @!p2 s26, s12  }
0x91: {  	_ =	swait.ge @!p1 [sflag:s29], $0x2000;
	p2 =	por p2, !p3  }
0x92: {  	s25 =	sand.u32 $0x1, s25;
	[sflag:s29] =	ssyncset.done @!p1 $0x0;
	s26 =	sshll.u32 @!p2 s26, $0x8  }
0x93: {  	[sflag:s29] =	ssyncadd.s32 @!p1 $0xFFFFE000;
	s29 =	sshll.u32 @p2 s25, $0x8;
	s26 =	sadd.s32 @!p2 s11, s26  }
0x94: {  	s29 =	sshll.u32 @!p2 s25, $0x8;
	s26 =	sshrl.u32 @!p2 s26, $0x3  }
0x95: {  	s30 =	sxor.u32 @!p2 $0x100, s29;
	s31 =	sadd.s32 @!p2 s5, s26  }
0x96: {  	[tilespmem:s30], [sflag:$0x3] =	stream.linear.gather @!p2 [hbm4b:s31+s2], $0x100, $0x38;
	[tilespmem:$0x1FE00] =	vst v63  }
0x97: {  	s26 =	sadd.s32 @!p2 s6, s26;
	s30 =	sor.u32 @!p2 $0x200, s30  }
0x98: {  	[tilespmem:s30], [sflag:$0x3] =	stream.linear.gather @!p2 [hbm4b:s26+s2], $0x100, $0x38;
	[tilespmem:$0x1FE00] =	vst v63  }
0x99: {  	s26 =	sshll.u32 s28, $0x7  }
0x9a: {  	s29 =	sor.u32 s26, s29  }
0x9b: {  	v1 =	vld [tilespmem:s29+$0x0]  }
0x9c: {  	v2 =	vld [tilespmem:s29+$0x200];
	_ =	sdelay $0x6  }
0x9d: {  	v1 =	vld.idx.msk [tilespmem:v1+s13+$0x0], $0xffff  }
0x9e: {  	v3 =	vld.idx.msk [tilespmem:v2+s15+$0x0], $0xffff;
	_ =	sdelay $0x4  }
0x9f: {  	v1 =	vadd.f32 v3, v1;
	_ =	sdelay $0x1  }
0xa0: {  	v3 =	vmul.f32 $2.000000030e-01, v1  }
0xa1: {  	vm0 =	vgt.f32 v1, $0.0e+00  }
0xa2: {  	v1 =	vsel vm0, v1, v3  }
0xa3: {  	v1 =	vmul.f32 $1.442695020e+00, v1;
	_ =	sdelay $0x1  }
0xa4: {  	(erf) = vpow2.f32 v1;
	_ =	sdelay $0x8  }
0xa5: {  	v1 =	vpop (erf)  }
0xa6: {  	[tilespmem:$0x5400] =	vst v1  }
0xa7: {  	s30 =	sor.u32 $0x10, s29;
	[tilespmem:v2+s20+$0x0] =	vst.idx.add.f32.msk $0xffff, v1  }
0xa8: {  	v1 =	vld [tilespmem:s30+$0x0];
	s30 =	sor.u32 $0x210, s29  }
0xa9: {  	v2 =	vld [tilespmem:s30+$0x0];
	_ =	sdelay $0x6  }
0xaa: {  	v1 =	vld.idx.msk [tilespmem:v1+s13+$0x0], $0xffff  }
0xab: {  	v3 =	vld.idx.msk [tilespmem:v2+s15+$0x0], $0xffff;
	_ =	sdelay $0x4  }
0xac: {  	v1 =	vadd.f32 v3, v1;
	_ =	sdelay $0x1  }
0xad: {  	v3 =	vmul.f32 $2.000000030e-01, v1  }
0xae: {  	vm13 =	vgt.f32 v1, $0.0e+00  }
0xaf: {  	v1 =	vsel vm13, v1, v3  }
0xb0: {  	v1 =	vmul.f32 $1.442695020e+00, v1;
	_ =	sdelay $0x1  }
0xb1: {  	(erf) = vpow2.f32 v1;
	_ =	sdelay $0x8  }
0xb2: {  	v1 =	vpop (erf)  }
0xb3: {  	[tilespmem:$0x5480] =	vst v1  }
0xb4: {  	s30 =	sor.u32 $0x20, s29;
	[tilespmem:v2+s20+$0x0] =	vst.idx.add.f32.msk $0xffff, v1  }
0xb5: {  	v1 =	vld [tilespmem:s30+$0x0];
	s30 =	sor.u32 $0x220, s29  }
0xb6: {  	v2 =	vld [tilespmem:s30+$0x0];
	_ =	sdelay $0x6  }
0xb7: {  	v1 =	vld.idx.msk [tilespmem:v1+s13+$0x0], $0xffff  }
0xb8: {  	v3 =	vld.idx.msk [tilespmem:v2+s15+$0x0], $0xffff;
	_ =	sdelay $0x4  }
0xb9: {  	v1 =	vadd.f32 v3, v1;
	_ =	sdelay $0x1  }
0xba: {  	v3 =	vmul.f32 $2.000000030e-01, v1  }
0xbb: {  	vm14 =	vgt.f32 v1, $0.0e+00  }
0xbc: {  	v1 =	vsel vm14, v1, v3  }
0xbd: {  	v1 =	vmul.f32 $1.442695020e+00, v1;
	_ =	sdelay $0x1  }
0xbe: {  	(erf) = vpow2.f32 v1;
	_ =	sdelay $0x8  }
0xbf: {  	v1 =	vpop (erf)  }
0xc0: {  	[tilespmem:$0x5500] =	vst v1  }
0xc1: {  	s30 =	sor.u32 $0x30, s29;
	[tilespmem:v2+s20+$0x0] =	vst.idx.add.f32.msk $0xffff, v1  }
0xc2: {  	s29 =	sor.u32 $0x230, s29;
	v1 =	vld [tilespmem:s30+$0x0]  }
0xc3: {  	v2 =	vld [tilespmem:s29+$0x0];
	_ =	sdelay $0x6  }
0xc4: {  	v1 =	vld.idx.msk [tilespmem:v1+s13+$0x0], $0xffff  }
0xc5: {  	v3 =	vld.idx.msk [tilespmem:v2+s15+$0x0], $0xffff;
	_ =	sdelay $0x4  }
0xc6: {  	v1 =	vadd.f32 v3, v1;
	_ =	sdelay $0x1  }
0xc7: {  	v3 =	vmul.f32 $2.000000030e-01, v1  }
0xc8: {  	vm15 =	vgt.f32 v1, $0.0e+00  }
0xc9: {  	v1 =	vsel vm15, v1, v3  }
0xca: {  	v1 =	vmul.f32 $1.442695020e+00, v1;
	_ =	sdelay $0x1  }
0xcb: {  	(erf) = vpow2.f32 v1;
	_ =	sdelay $0x7  }
0xcc: {  	s24 =	sadd.s32 $0x1, s24  }
0xcd: {  	p6 =	seq.s32 s28, $0x1;
	p1 =	sge.u32 s24, s10;
	v1 =	vpop (erf)  }
0xce: {  	p2 =	por !p6, p1;
	[tilespmem:$0x5580] =	vst v1  }
0xcf: {  	s29 =	simm.s32 @!p2 $0x3;
	[tilespmem:v2+s20+$0x0] =	vst.idx.add.f32.msk $0xffff, v1  }
0xd0: {  	_ =	swait.ge @!p2 [sflag:s29], $0x100  }
0xd1: {  	[sflag:s29] =	ssyncset.done @!p2 $0x0  }
0xd2: {  	[sflag:s29] =	ssyncadd.s32 @!p2 $0xFFFFFF00  }
0xd3: {  	_ =	swait.ge @!p2 [sflag:s29], $0x100  }
0xd4: {  	s0 =	simm.s32 @!p1 $0x40;
	s28 =	sshll.u32 s28, $0xD;
	[sflag:s29] =	ssyncset.done @!p2 $0x0  }
0xd5: {  	s31 =	sshll.u32 @!p1 s24, $0x7;
	[sflag:s29] =	ssyncadd.s32 @!p2 $0xFFFFFF00;
	s29 =	sxor.u32 @!p1 $0x2000, s28  }
0xd6: {  	s31 =	sand.u32 @!p1 $0x180, s31;
	s30 =	simm.s32 $0x1;
	s29 =	sadd.s32 @!p1 $0x5600, s29  }
0xd7: {  	[tilespmem:s29], [sflag:$0x1] =	stream.indirect.gather @!p1 [hbm4b:s4+s0], $0x80, s31, s0, $0xb8;
	[tilespmem:$0x1FE00] =	vst v63  }
0xd8: {  	s30 =	simm.s32 @!p0 $0x0;
	_ =	swait.ge [sflag:s17], $0x2000  }
0xd9: {  	s7 =	sshll.u32 s30, $0xD;
	[sflag:s17] =	ssyncset.done $0x0  }
0xda: {  	s29 =	sor.u32 $0x5700, s7;
	[sflag:s17] =	ssyncadd.s32 $0xFFFFE000  }
0xdb: {  	v4 =	vld [tilespmem:s29+$0x90]  }
0xdc: {  	v3 =	vld [tilespmem:s29+$0xFFFFFFC0]  }
0xdd: {  	v5 =	vld [tilespmem:s29+$0xFFFFFFE0]  }
0xde: {  	v6 =	vld [tilespmem:s29+$0xFFFFFFF0]  }
0xdf: {  	v7 =	vld [tilespmem:s29+$0x0]  }
0xe0: {  	v8 =	vld [tilespmem:s29+$0xD0]  }
0xe1: {  	v12 =	vld [tilespmem:s29+$0x20]  }
0xe2: {  	s8 =	simm.s32 $0x0;
	s31 =	simm.s32 $0x1;
	v14 =	vld [tilespmem:s29+$0x30]  }
0xe3: {  	s30 =	simm.s32 $0x0;
	s0 =	sand.u32 $0xFFFFFF80, s8;
	s31 =	sand.u32 $0xD, s31;
	v9 =	vld [tilespmem:s29+$0x10]  }
0xe4: {  	s3 =	sand.u32 $0xC, s30;
	s7 =	simm.s32 $0x2;
	s22 =	sor.u32 s31, s0;
	v10 =	vld [tilespmem:s29+$0xC0]  }
0xe5: {  	s3 =	sor.u32 s3, s0;
	s7 =	sand.u32 $0xE, s7;
	v2 =	vmov s22;
	v13 =	vld [tilespmem:s29+$0x60]  }
0xe6: {  	s8 =	simm.s32 $0x3;
	v1 =	vmov s3;
	s7 =	sor.u32 s7, s0;
	v16 =	vld [tilespmem:s29+$0x70]  }
0xe7: {  	s8 =	sand.u32 $0xF, s8;
	v11 =	vmov s7;
	v17 =	vld [tilespmem:s29+$0xFFFFFFD0]  }
0xe8: {  	s0 =	sor.u32 s8, s0;
	v20 =	vld [tilespmem:s29+$0xFFFFFFA0]  }
0xe9: {  	v15 =	vmov s0;
	v21 =	vld [tilespmem:s29+$0xFFFFFF90]  }
0xea: {  	v18 =	vld.idx.msk [tilespmem:v2+s21+$0x0], $0xffff  }
0xeb: {  	v19 =	vld.idx.msk [tilespmem:v1+s21+$0x0], $0xffff  }
0xec: {  	v1 =	vld.idx.msk [tilespmem:v11+s21+$0x0], $0xffff  }
0xed: {  	v22 =	vld [tilespmem:s29+$0xFFFFFF80]  }
0xee: {  	v2 =	vld.idx.msk [tilespmem:v15+s21+$0x0], $0xffff  }
0xef: {  	v23 =	vld [tilespmem:s29+$0xFFFFFF70];
	v5 =	vmul.f32 v5, v18  }
0xf0: {  	v24 =	vld [tilespmem:s29+$0xFFFFFF50];
	v6 =	vmul.f32 v6, v18  }
0xf1: {  	v15 =	vld [tilespmem:s29+$0xFFFFFFB0];
	v7 =	vmul.f32 v7, v1;
	[tilespmem:s29+$0xFFFFFFE0] =	vst v5  }
0xf2: {  	v25 =	vld [tilespmem:s29+$0xFFFFFF30];
	v17 =	vmul.f32 v17, v18;
	[tilespmem:s29+$0xFFFFFFF0] =	vst v6  }
0xf3: {  	v26 =	vld [tilespmem:s29+$0xFFFFFF20];
	v4 =	vmul.f32 v4, v2;
	[tilespmem:s29+$0x0] =	vst v7  }
0xf4: {  	v27 =	vld [tilespmem:s29+$0xFFFFFF10];
	v21 =	vmul.f32 v21, v18;
	v6 =	vmul.f32 v16, v1;
	[tilespmem:s29+$0xFFFFFFD0] =	vst v17  }
0xf5: {  	v11 =	vld [tilespmem:s29+$0xA0];
	v16 =	vmul.f32 v3, v18;
	v3 =	vmul.f32 v9, v1;
	[tilespmem:s29+$0x90] =	vst v4  }
0xf6: {  	v28 =	vld [tilespmem:s29+$0xF0];
	v9 =	vmul.f32 v15, v18;
	v15 =	vmul.f32 v20, v18;
	[tilespmem:s29+$0xFFFFFF90] =	vst v21  }
0xf7: {  	v5 =	vld [tilespmem:s29+$0xFFFFFF60];
	v17 =	vmul.f32 v13, v1;
	v13 =	vmul.f32 v23, v19;
	[tilespmem:s29+$0x70] =	vst v6  }
0xf8: {  	v7 =	vld [tilespmem:s29+$0xFFFFFF40];
	v4 =	vmul.f32 v8, v2;
	v20 =	vmul.f32 v12, v1;
	[tilespmem:s29+$0x10] =	vst v3  }
0xf9: {  	v23 =	vld [tilespmem:s29+$0xFFFFFF00];
	v8 =	vmul.f32 v25, v19;
	v12 =	vmul.f32 v27, v19;
	[tilespmem:s29+$0xFFFFFFC0] =	vst v16  }
0xfa: {  	v3 =	vmul.f32 v11, v2;
	v6 =	vmul.f32 v22, v18;
	[tilespmem:s29+$0xFFFFFFB0] =	vst v9;
	v11 =	vld [tilespmem:s29+$0xE0]  }
0xfb: {  	v22 =	vmul.f32 v10, v2;
	v9 =	vmul.f32 v24, v19;
	[tilespmem:s29+$0x60] =	vst v17;
	v17 =	vld [tilespmem:s29+$0xB0]  }
0xfc: {  	[tilespmem:s29+$0xFFFFFFA0] =	vst v15;
	v15 =	vld [tilespmem:s29+$0x80];
	v18 =	vmul.f32 v14, v1;
	v10 =	vmul.f32 v5, v19  }
0xfd: {  	[tilespmem:s29+$0xD0] =	vst v4;
	v16 =	vld [tilespmem:s29+$0x50];
	v7 =	vmul.f32 v7, v19;
	v5 =	vmul.f32 v26, v19  }
0xfe: {  	s31 =	sadd.s32 $0x200, s29;
	v14 =	vld [tilespmem:s29+$0x40];
	[tilespmem:s29+$0xC0] =	vst v22;
	v4 =	vmul.f32 v23, v19;
	v19 =	vmul.f32 v28, v2  }
.LBB2_7:
0xff: {  	s0 =	sadd.s32 $0x5, s30  }
0x100: {  	s3 =	sadd.s32 $0x7, s30;
	v21 =	vld [tilespmem:s31+$0x90];
	[tilespmem:s29+$0x20] =	vst v20;
	s7 =	smov.u32 s30;
	s30 =	sadd.s32 $0x4, s30  }
0x101: {  	s8 =	sand.u32 $0xC, s30;
	s22 =	sshll.u32 s30, $0x3;
	v20 =	vld [tilespmem:s31+$0xFFFFFFC0];
	s7 =	sadd.s32 $0x6, s7;
	[tilespmem:s29+$0x30] =	vst v18;
	v17 =	vmul.f32 v17, v2  }
0x102: {  	s0 =	sand.u32 $0xD, s0;
	s22 =	sand.u32 $0xFFFFFF80, s22;
	v18 =	vld [tilespmem:s31+$0xFFFFFFE0];
	s7 =	sand.u32 $0xE, s7;
	[tilespmem:s29+$0xFFFFFF70] =	vst v13;
	v13 =	vmul.f32 v15, v2  }
0x103: {  	s3 =	sand.u32 $0xF, s3;
	s8 =	sor.u32 s8, s22;
	v15 =	vld [tilespmem:s31+$0xFFFFFFF0];
	s7 =	sor.u32 s7, s22;
	[tilespmem:s29+$0xFFFFFF80] =	vst v6;
	v6 =	vmul.f32 v16, v1  }
0x104: {  	p1 =	slt.u32 s30, $0x3C;
	v2 =	vmul.f32 v11, v2;
	s0 =	sor.u32 s0, s22;
	s3 =	sor.u32 s3, s22;
	v16 =	vmov s8;
	v22 =	vld [tilespmem:s31+$0x0];
	[tilespmem:s29+$0xFFFFFF60] =	vst v10;
	v10 =	vmul.f32 v14, v1  }
0x105: {  	v1 =	vmov s0;
	v11 =	vld [tilespmem:s31+$0xD0];
	[tilespmem:s29+$0xF0] =	vst v19  }
0x106: {  	v14 =	vmov s7;
	v19 =	vld [tilespmem:s31+$0x20];
	[tilespmem:s29+$0xFFFFFF50] =	vst v9  }
0x107: {  	v9 =	vmov s3;
	v23 =	vld [tilespmem:s31+$0x30];
	[tilespmem:s29+$0xA0] =	vst v3  }
0x108: {  	v3 =	vld [tilespmem:s31+$0x10];
	[tilespmem:s29+$0xFFFFFF40] =	vst v7  }
0x109: {  	v7 =	vld [tilespmem:s31+$0xC0];
	[tilespmem:s29+$0xB0] =	vst v17  }
0x10a: {  	v17 =	vld [tilespmem:s31+$0x60];
	[tilespmem:s29+$0xFFFFFF30] =	vst v8  }
0x10b: {  	v8 =	vld [tilespmem:s31+$0x70];
	[tilespmem:s29+$0xFFFFFF10] =	vst v12  }
0x10c: {  	v12 =	vld [tilespmem:s31+$0xFFFFFFD0];
	[tilespmem:s29+$0x80] =	vst v13  }
0x10d: {  	v16 =	vld.idx.msk [tilespmem:v16+s21+$0x0], $0xffff;
	[tilespmem:s29+$0xFFFFFF20] =	vst v5  }
0x10e: {  	v5 =	vld.idx.msk [tilespmem:v1+s21+$0x0], $0xffff;
	[tilespmem:s29+$0x50] =	vst v6  }
0x10f: {  	v1 =	vld.idx.msk [tilespmem:v14+s21+$0x0], $0xffff;
	[tilespmem:s29+$0xE0] =	vst v2  }
0x110: {  	v2 =	vld.idx.msk [tilespmem:v9+s21+$0x0], $0xffff;
	[tilespmem:s29+$0xFFFFFF00] =	vst v4  }
0x111: {  	v4 =	vld [tilespmem:s31+$0xA0];
	[tilespmem:s29+$0x40] =	vst v10;
	s29 =	smov.u32 s31  }
0x112: {  	v6 =	vld [tilespmem:s31+$0xFFFFFFB0]  }
0x113: {  	v9 =	vld [tilespmem:s31+$0xFFFFFFA0]  }
0x114: {  	v13 =	vmul.f32 v18, v5;
	v14 =	vmul.f32 v15, v5;
	v10 =	vld [tilespmem:s31+$0xFFFFFF90]  }
0x115: {  	v12 =	vmul.f32 v12, v5;
	v18 =	vmul.f32 v22, v1;
	v15 =	vld [tilespmem:s31+$0xFFFFFF80]  }
0x116: {  	v20 =	vmul.f32 v20, v5;
	v8 =	vmul.f32 v8, v1;
	v22 =	vld [tilespmem:s31+$0xFFFFFF70];
	[tilespmem:s31+$0xFFFFFFE0] =	vst v13  }
0x117: {  	v24 =	vld [tilespmem:s31+$0xFFFFFF60];
	v25 =	vmul.f32 v6, v5;
	[tilespmem:s31+$0xFFFFFFF0] =	vst v14;
	v14 =	vmul.f32 v3, v1  }
0x118: {  	v17 =	vmul.f32 v17, v1;
	v26 =	vld [tilespmem:s31+$0xFFFFFF50];
	v27 =	vmul.f32 v9, v5;
	[tilespmem:s31+$0x0] =	vst v18  }
0x119: {  	v3 =	vmul.f32 v4, v2;
	v18 =	vld [tilespmem:s31+$0xFFFFFF40];
	v28 =	vmul.f32 v10, v5;
	[tilespmem:s31+$0xFFFFFFD0] =	vst v12  }
0x11a: {  	v12 =	vmul.f32 v21, v2;
	v4 =	vld [tilespmem:s31+$0xFFFFFF30];
	v6 =	vmul.f32 v15, v5;
	[tilespmem:s31+$0x70] =	vst v8  }
0x11b: {  	v5 =	vld [tilespmem:s31+$0xFFFFFF20];
	v13 =	vmul.f32 v22, v16;
	[tilespmem:s31+$0x10] =	vst v14;
	v14 =	vmul.f32 v7, v2  }
0x11c: {  	v21 =	vmul.f32 v11, v2;
	v15 =	vld [tilespmem:s31+$0xFFFFFF10];
	v10 =	vmul.f32 v24, v16;
	[tilespmem:s31+$0xFFFFFFC0] =	vst v20  }
0x11d: {  	v20 =	vmul.f32 v19, v1;
	v22 =	vld [tilespmem:s31+$0xFFFFFF00];
	v9 =	vmul.f32 v26, v16;
	[tilespmem:s31+$0xFFFFFFB0] =	vst v25  }
0x11e: {  	v7 =	vmul.f32 v18, v16;
	v18 =	vmul.f32 v23, v1;
	[tilespmem:s31+$0x60] =	vst v17;
	v19 =	vld [tilespmem:s31+$0xF0]  }
.Ltmp2:
0x11f: {  	v8 =	vmul.f32 v4, v16;
	[tilespmem:s31+$0xFFFFFFA0] =	vst v27;
	v11 =	vld [tilespmem:s31+$0xE0];
	(pc) =	sbr.rel @p1 .LBB2_7-.Ltmp2, $4  }
0x120: {  	v5 =	vmul.f32 v5, v16;
	[tilespmem:s31+$0x90] =	vst v12;
	v17 =	vld [tilespmem:s31+$0xB0]  }
0x121: {  	v12 =	vmul.f32 v15, v16;
	v15 =	vld [tilespmem:s31+$0x80];
	[tilespmem:s31+$0xD0] =	vst v21  }
0x122: {  	v4 =	vmul.f32 v22, v16;
	v16 =	vld [tilespmem:s31+$0x50];
	[tilespmem:s31+$0xC0] =	vst v14  }
0x123: {  	s31 =	sadd.s32 $0x200, s31;
	[tilespmem:s29+$0xFFFFFF90] =	vst v28;
	v14 =	vld [tilespmem:s29+$0x40];
	v19 =	vmul.f32 v19, v2  }
0x124: {  	[tilespmem:s29+$0x20] =	vst v20  }
0x125: {  	[tilespmem:s29+$0x30] =	vst v18  }
0x126: {  	[tilespmem:s29+$0xFFFFFF70] =	vst v13  }
0x127: {  	[tilespmem:s29+$0xFFFFFF80] =	vst v6  }
0x128: {  	[tilespmem:s29+$0xFFFFFF60] =	vst v10  }
0x129: {  	[tilespmem:s29+$0xFFFFFF50] =	vst v9  }
0x12a: {  	[tilespmem:s29+$0xA0] =	vst v3  }
0x12b: {  	[tilespmem:s29+$0xFFFFFF40] =	vst v7  }
0x12c: {  	[tilespmem:s29+$0xFFFFFF30] =	vst v8  }
0x12d: {  	[tilespmem:s29+$0xFFFFFF10] =	vst v12  }
0x12e: {  	[tilespmem:s29+$0xFFFFFF20] =	vst v5  }
0x12f: {  	[tilespmem:s29+$0xFFFFFF00] =	vst v4;
	v62 =	vmul.f32 v17, v2  }
0x130: {  	[tilespmem:s29+$0xF0] =	vst v19;
	v3 =	vmul.f32 v15, v2  }
0x131: {  	p1 =	sne.s32 s24, s10;
	v2 =	vmul.f32 v11, v2;
	[tilespmem:s29+$0xB0] =	vst v62  }
.Ltmp3:
0x132: {  	v63 =	vmul.f32 v16, v1;
	[tilespmem:s29+$0x80] =	vst v3;
	(pc) =	sbr.rel @p1 .LBB2_6-.Ltmp3, $4  }
0x133: {  	s0 =	sshll.u32 s25, $0x8;
	v1 =	vmul.f32 v14, v1;
	[tilespmem:s29+$0xE0] =	vst v2  }
0x134: {  	s0 =	sor.u32 s26, s0;
	[tilespmem:s29+$0x50] =	vst v63  }
0x135: {  	s3 =	sor.u32 $0x5600, s28;
	p0 =	por !p0, !p0;
	s0 =	sor.u32 $0x200, s0;
	[tilespmem:s29+$0x40] =	vst v1  }
0x136: {  	[spmem:s1] =	stream.indirect.scatter.add.f32 [tilespmem:s3], [sflag:$0x2], $0x80, s0, s19, $0xb8;
	[tilespmem:$0x1FE00] =	vst v63  }
0x137: {  	s0 =	simm.s32 $0x2  }
0x138: {  	_ =	swait.ge [sflag:s0], $0x2000  }
0x139: {  	[sflag:s0] =	ssyncset.done $0x0  }
0x13a: {  	s3 =	rddreg [dreg:$0x6];
	[sflag:s0] =	ssyncadd.s32 $0xFFFFE000  }
0x13b: {  	[hbm4b:s3+s2] =	stream.linear.scatter [tilespmem:s20], [sflag:$0x4], $0x2800, $0x38;
	[tilespmem:$0x1FE00] =	vst v63  }
0x13c: {  	_ =	swait.ge [sflag:s14], $0x2800  }
0x13d: {  	[sflag:s14] =	ssyncset.done $0x0  }
0x13e: {  	s7 =	stileid.u32;
	[sflag:s14] =	ssyncadd.s32 $0xFFFFD800  }
0x13f: {  	s0 =	sshll.u32 s7, $0x6;
	[bflag:$0x0] =	sbarrier.arrive $0xFFFF  }
0x140: {  	s0 =	sor.u32 $0x1C04, s0;
	s3 =	sshrl.u32 s9, $0x3;
	s7 =	rddreg [dreg:$0x7]  }
0x141: {  	[hbm:s7], [sflag:s0] =	dma.local [spmem:s3], $0x800  }
0x142: {  	_ =	swait.ge [sflag:s14], $0x800  }
0x143: {  	[sflag:s14] =	ssyncset.done $0x0;
	s8 =	rddreg [dreg:$0x8]  }
0x144: {  	s22 =	rddreg [dreg:$0xf];
	[sflag:s14] =	ssyncadd.s32 $0xFFFFF800  }
0x145: {  	[hbm:s8], [sflag:s0] =	dma.local [spmem:s22], $0x800  }
0x146: {  	_ =	swait.ge [sflag:s14], $0x800  }
0x147: {  	[sflag:s14] =	ssyncset.done $0x0;
	s24 =	rddreg [dreg:$0x9]  }
0x148: {  	s25 =	rddreg [dreg:$0x10];
	[sflag:s14] =	ssyncadd.s32 $0xFFFFF800  }
0x149: {  	[hbm:s24], [sflag:s0] =	dma.local [spmem:s25], $0x800  }
0x14a: {  	_ =	swait.ge [sflag:s14], $0x800  }
0x14b: {  	[sflag:s14] =	ssyncset.done $0x0;
	s26 =	rddreg [dreg:$0xa]  }
0x14c: {  	s28 =	rddreg [dreg:$0x11];
	[sflag:s14] =	ssyncadd.s32 $0xFFFFF800  }
0x14d: {  	[hbm:s26], [sflag:s0] =	dma.local [spmem:s28], $0x800  }
0x14e: {  	_ =	swait.ge [sflag:s14], $0x800  }
0x14f: {  	[sflag:s14] =	ssyncset.done $0x0;
	s29 =	rddreg [dreg:$0xb]  }
0x150: {  	s30 =	rddreg [dreg:$0x12];
	[sflag:s14] =	ssyncadd.s32 $0xFFFFF800  }
0x151: {  	[hbm:s29], [sflag:s0] =	dma.local [spmem:s30], $0x800  }
0x152: {  	_ =	swait.ge [sflag:s14], $0x800  }
0x153: {  	s23 =	sadd.s32 $0x1, s23;
	s31 =	rddreg [dreg:$0xe]  }
0x154: {  	p0 =	sne.s32 s23, s31  }
.Ltmp4:
0x155: {  	_ = 	snop;
	(pc) =	sbr.rel @p0 .LBB2_1-.Ltmp4, $3  }
0x156: {  	_ =	sdelay $0x1  }
0x157: {  	[sflag:s14] =	ssyncset.done $0x0  }
0x158: {  	[sflag:s14] =	ssyncadd.s32 $0xFFFFF800  }
0x159: {  	_ =	sfence.sel $0x180000  }
0x15a: {  	[bflag:$0x0] =	sbarrier.arrive $0xFFFF  }
0x15b: {  	_ =	strace $0x9000004A  }
0x15c: {  	s0 =	stileid.u32;
	[bflag:$0x2] =	sbarrier.arrive $0xFFFF  }
0x15d: {  	p0 =	sne.s32 s0, $0x0;
	s0 =	rddreg [dreg:$0x3]  }
0x15e: {  	s0 =	sadd.s32 @!p0 $0x100000, s0  }
0x15f: {  	[sflag:s0] =	ssyncadd.tile.s32 @!p0 $0x1;
	_ =	shalt  }
.Lfunc_end2:
_tile_overlayer_lowered:
.L_overlay_start_2:
0x160: {  	(tag) =	ssettag $0x2  }
0x161: {  	s0 =	rddreg [dreg:$0x0];
	s2 =	stileid.u32  }
0x162: {  	s1 =	rddreg [dreg:$0x1];
	p0 =	sne.s32 s2, $0x0  }
0x163: {  	s3 =	rddreg [dreg:$0x2];
	[bflag:$0x3] =	sbarrier.arrive $0xFFFF;
	s2 =	simm.s32 @!p0 $0x1C04  }
0x164: {  	[timem:s3], [sflag:s2] =	dma.local @!p0 [hbm:s0], s1  }
0x165: {  	s0 =	simm.s32 @!p0 $0x4  }
0x166: {  	_ =	swait.ge @!p0 [sflag:s0], s1  }
0x167: {  	s1 =	ssub.s32 @!p0 $0x0, s1;
	[sflag:s0] =	ssyncset.done @!p0 $0x0  }
0x168: {  	[sflag:s0] =	ssyncadd.s32 @!p0 s1  }
0x169: {  	[bflag:$0x3] =	sbarrier.arrive $0xFFFF  }
0x16a: {  	_ =	shalt  }

// kernel: kernel.15.cloned.1.call-start
scs
__scs_entry_jumppad:
0x0: {  	(pc) =	sbr.rel $0x88, $3  }
0x1: {  	(tag) =	ssettag $0x0;
	lr =	simm.s32 $0x1  }
0x2: {  	[smem:$0x3F8E] =	sst lr;
	_ =	strace $0xD0000000  }
0x3: {  	_ = 	snop  }
0x4: {  	_ = 	snop  }
0x5: {  	_ = 	snop  }
0x6: {  	_ = 	snop  }
0x7: {  	_ = 	snop  }
__scs_overlays_trampoline_lowered:
0x8: {  	[smem:$0x3F9D] =	sst s0  }
0x9: {  	[smem:$0x3F9E] =	sst s1  }
0xa: {  	[smem:$0x3F9F] =	sst s2  }
0xb: {  	[smem:$0x3FA0] =	sst s3  }
0xc: {  	[smem:$0x3FA1] =	sst s4  }
0xd: {  	[smem:$0x3FA2] =	sst s5  }
0xe: {  	[smem:$0x3FA3] =	sst s6  }
0xf: {  	[smem:$0x3FA4] =	sst s7  }
0x10: {  	[smem:$0x3FA5] =	sst s8  }
0x11: {  	[smem:$0x3FA6] =	sst s9;
	s0 =	simm.s32 @!p0 $0x0  }
0x12: {  	s1 =	sld [smem:$0x3F8C];
	s0 =	simm.s32 @p0 $0x1  }
0x13: {  	[smem:$0x3FA7] =	sst s0;
	s0 =	simm.s32 @!p1 $0x0  }
0x14: {  	s2 =	sld [smem:$0x3F8B];
	s0 =	simm.s32 @p1 $0x1  }
0x15: {  	[smem:$0x3FA8] =	sst s0;
	s0 =	simm.s32 @!p2 $0x0  }
0x16: {  	s3 =	sld [smem:$0x3FDB];
	s0 =	simm.s32 @p2 $0x1  }
0x17: {  	s4 =	simm.s32 $0x1BF5;
	[smem:$0x3FAA] =	sst s0  }
0x18: {  	s0 =	sld [smem:$0x3F8D];
	_ =	swait.ge [sflag:s4], $0x0  }
0x19: {  	s7 =	sld [smem:$0x3F8E]  }
0x1a: {  	s8 =	sadd.s32 $0xFFFFE003, lr  }
0x1b: {  	s9 =	sadd.s32 $0xFFFFFEF7, lr;
	s5 =	simm.s32 $0xFFFFFFFF;
	p2 =	slt.u32 s8, $0xFFFFF086  }
0x1c: {  	p1 =	slt.u32 s9, $0xF7A;
	s5 =	simm.s32 @!p2 $0x0  }
0x1d: {  	s5 =	simm.s32 @p1 $0x1;
	p0 =	seq.s32 s7, s2  }
0x1e: {  	s7 =	smul.u32 @!p0 $0xF7A, s2;
	p2 =	seq.s32 @!p0 s5, $0x0  }
0x1f: {  	s9 =	smul.u32 $0xF7A, s1;
	s8 =	simm.s32 @!p0 $0x1BF5;
	p2 =	por !p2, p0  }
0x20: {  	[sflag:s8] =	ssyncset.s32 @!p0 $0xFFFFF086;
	s6 =	sadd.s32 @!p0 s3, s7;
	s7 =	simm.s32 @!p0 $0x108  }
0x21: {  	s3 =	sadd.s32 s3, s9;
	s6 =	sadd.s32 @!p0 $0x88, s6;
	s7 =	simm.s32 @p2 $0x1082  }
0x22: {  	[simem:s7], [sflag:s8] =	dma.local @!p0 [hbm:s6], $0xF7A  }
0x23: {  	s9 =	sor.u32 $0xD0000000, s2;
	s6 =	simm.s32 $0x108;
	_ =	swait.ge @!p0 [sflag:s8], $0x0  }
0x24: {  	s3 =	sadd.s32 $0x88, s3;
	s6 =	simm.s32 @!p1 $0x1082;
	[sflag:s4] =	ssyncset.s32 $0xFFFFF086  }
0x25: {  	[simem:s6], [sflag:s4] =	dma.local [hbm:s3], $0xF7A  }
0x26: {  	[smem:$0x3F8E] =	sst s1;
	(tag) =	ssettag s2;
	_ =	strace s9  }
0x27: {  	s1 =	sld [smem:$0x3F9E]  }
0x28: {  	s2 =	sld [smem:$0x3F9F]  }
0x29: {  	s4 =	sld [smem:$0x3FA1]  }
0x2a: {  	p0 =	seq.s32 s5, $0x0;
	s5 =	sld [smem:$0x3FA2]  }
0x2b: {  	s6 =	sld [smem:$0x3FA3]  }
0x2c: {  	s7 =	sld [smem:$0x3FA4]  }
0x2d: {  	s3 =	simm.s32 $0x108;
	s8 =	sld [smem:$0x3FA5]  }
0x2e: {  	s3 =	simm.s32 @!p0 $0x1082;
	s9 =	sld [smem:$0x3FA6]  }
0x2f: {  	lr =	sadd.s32 s0, s3;
	s0 =	sld [smem:$0x3F9D]  }
0x30: {  	s3 =	sld [smem:$0x3FA0]  }
0x31: {  	[smem:$0x3FA9] =	sst s10  }
0x32: {  	s10 =	sld [smem:$0x3FA7];
	_ =	sdelay $0x3  }
0x33: {  	p0 =	seq.s32 s10, $0x1;
	s10 =	sld [smem:$0x3FA9];
	_ =	sdelay $0x3  }
0x34: {  	[smem:$0x3FA9] =	sst s10  }
0x35: {  	s10 =	sld [smem:$0x3FA8];
	_ =	sdelay $0x3  }
0x36: {  	p1 =	seq.s32 s10, $0x1;
	s10 =	sld [smem:$0x3FA9];
	_ =	sdelay $0x3  }
0x37: {  	[smem:$0x3FA9] =	sst s10  }
0x38: {  	s10 =	sld [smem:$0x3FAA]  }
0x39: {  	_ = 	snop;
	(pc) =	sbr.ind lr, $3  }
0x3a: {  	_ = 	snop  }
0x3b: {  	_ = 	snop  }
0x3c: {  	p2 =	seq.s32 s10, $0x1;
	s10 =	sld [smem:$0x3FA9]  }
0x3d: {  	_ =	shalt  }
0x3e: {  	_ =	shalt  }
0x3f: {  	_ =	shalt  }
0x40: {  	_ =	shalt  }
0x41: {  	_ =	shalt  }
0x42: {  	_ =	shalt  }
0x43: {  	_ =	shalt  }
0x44: {  	_ =	shalt  }
0x45: {  	_ =	shalt  }
0x46: {  	_ =	shalt  }
0x47: {  	_ =	shalt  }
0x48: {  	_ =	shalt  }
0x49: {  	_ =	shalt  }
0x4a: {  	_ =	shalt  }
0x4b: {  	_ =	shalt  }
0x4c: {  	_ =	shalt  }
0x4d: {  	_ =	shalt  }
0x4e: {  	_ =	shalt  }
0x4f: {  	_ =	shalt  }
0x50: {  	_ =	shalt  }
0x51: {  	_ =	shalt  }
0x52: {  	_ =	shalt  }
0x53: {  	_ =	shalt  }
0x54: {  	_ =	shalt  }
0x55: {  	_ =	shalt  }
0x56: {  	_ =	shalt  }
0x57: {  	_ =	shalt  }
0x58: {  	_ =	shalt  }
0x59: {  	_ =	shalt  }
0x5a: {  	_ =	shalt  }
0x5b: {  	_ =	shalt  }
0x5c: {  	_ =	shalt  }
0x5d: {  	_ =	shalt  }
0x5e: {  	_ =	shalt  }
0x5f: {  	_ =	shalt  }
0x60: {  	_ =	shalt  }
0x61: {  	_ =	shalt  }
0x62: {  	_ =	shalt  }
0x63: {  	_ =	shalt  }
0x64: {  	_ =	shalt  }
0x65: {  	_ =	shalt  }
0x66: {  	_ =	shalt  }
0x67: {  	_ =	shalt  }
0x68: {  	_ =	shalt  }
0x69: {  	_ =	shalt  }
0x6a: {  	_ =	shalt  }
0x6b: {  	_ =	shalt  }
0x6c: {  	_ =	shalt  }
0x6d: {  	_ =	shalt  }
0x6e: {  	_ =	shalt  }
0x6f: {  	_ =	shalt  }
0x70: {  	_ =	shalt  }
0x71: {  	_ =	shalt  }
0x72: {  	_ =	shalt  }
0x73: {  	_ =	shalt  }
0x74: {  	_ =	shalt  }
0x75: {  	_ =	shalt  }
0x76: {  	_ =	shalt  }
0x77: {  	_ =	shalt  }
0x78: {  	_ =	shalt  }
0x79: {  	_ =	shalt  }
0x7a: {  	_ =	shalt  }
0x7b: {  	_ =	shalt  }
0x7c: {  	_ =	shalt  }
0x7d: {  	_ =	shalt  }
0x7e: {  	_ =	shalt  }
0x7f: {  	_ =	shalt  }
0x80: {  	_ =	shalt  }
0x81: {  	_ =	shalt  }
0x82: {  	_ =	shalt  }
0x83: {  	_ =	shalt  }
0x84: {  	_ =	shalt  }
0x85: {  	_ =	shalt  }
0x86: {  	_ =	shalt  }
0x87: {  	_ =	shalt  }
.Lfunc_end0:
.L_simem_size_0:
called_computation.2_lowered:
.L_overlay_start_0:
0x88: {  	s2 =	sld [smem:$0x3FD9]  }
0x89: {  	s3 =	sld [smem:$0x3FFE];
	_ =	sdelay $0x1  }
0x8a: {  	s1 =	srdreg.scid  }
0x8b: {  	s0 =	sand.u32 $0x1, s1  }
0x8c: {  	s17 =	sshll.u32 s0, $0xA;
	s2 =	sadd.s32 s3, s2  }
0x8d: {  	s2 =	sadd.s32 s2, s17  }
0x8e: {  	[smem:$0x3FB5] =	sst s2  }
0x8f: {  	_ = 	snop  }
0x90: {  	s2 =	sld [smem:$0x3FD0];
	(tm) =	ssettm $0x1  }
0x91: {  	s18 =	sld [smem:$0x3FFB];
	_ =	sdelay $0x3  }
0x92: {  	_ =	strace s18  }
0x93: {  	s3 =	sld [smem:$0x3FFC];
	_ =	sdelay $0x3  }
0x94: {  	_ =	strace s3  }
0x95: {  	s3 =	sld [smem:$0x3FFD];
	_ =	sdelay $0x3  }
0x96: {  	_ =	strace s3  }
0x97: {  	_ =	strace $0x8FFFFFFF  }
0x98: {  	s19 =	sld [smem:$0x3FDB];
	_ =	sdelay $0x1  }
0x99: {  	s4 =	simm.s32 $_scs_section_size  }
0x9a: {  	s5 =	simm.s32 $_size__tile_overlayer_lowered;
	s6 =	simm.s32 $_tile_overlayer_lowered  }
0x9b: {  	s22 =	simm.s32 $0x1BFF;
	s21 =	sshll.u32 s6, $0x1;
	s3 =	sadd.s32 s4, s19  }
0x9c: {  	s7 =	simm.s32 $0x0;
	s20 =	sshll.u32 s5, $0x1;
	s5 =	sadd.s32 s21, s3  }
0x9d: {  	[timem:s7], [sflag:s22] =	dma.local [hbm:s5], s20  }
0x9e: {  	_ =	swait.ge [sflag:s22], s20  }
0x9f: {  	s4 =	ssub.s32 $0x0, s20;
	[sflag:s22] =	ssyncset.done $0x0  }
0xa0: {  	[sflag:s22] =	ssyncadd.s32 s4;
	_ =	sdelay $0x1  }
0xa1: {  	s23 =	simm.s32 $0x1B8B  }
0xa2: {  	_ =	swait.ge [sflag:s23], $0x1  }
0xa3: {  	[sflag:s23] =	ssyncset.done $0x0  }
0xa4: {  	s25 =	simm.s32 $0x1B8E;
	s24 =	sld [smem:$0x3FFE];
	[sflag:s23] =	ssyncadd.s32 $0xFFFFFFFF  }
0xa5: {  	s26 =	simm.s32 $execute0_lowered;
	[smem:$0x3FD2] =	sst s25  }
0xa6: {  	s5 =	sshll.u32 s26, $0x1;
	_ =	strace $0x8000004C;
	[dreg:$0x1] =	wrdreg $0xFFFFFFFF  }
0xa7: {  	s28 =	simm.s32 $_size_execute0_lowered;
	s3 =	sadd.s32 s3, s5;
	[dreg:$0x0] =	wrdreg $0x0  }
0xa8: {  	s5 =	sshll.u32 s28, $0x1;
	[dreg:$0x2] =	wrdreg s3  }
0xa9: {  	[dreg:$0x3] =	wrdreg s5  }
0xaa: {  	[dreg:$0x4] =	wrdreg $0xC0  }
0xab: {  	_ =	task [dreg:s7], $0x5FFFF  }
0xac: {  	[dreg:$0x1] =	wrdreg $0xFFFFFFFF  }
0xad: {  	[dreg:$0x0] =	wrdreg $0x60  }
0xae: {  	[dreg:$0x2] =	wrdreg s24  }
0xaf: {  	[dreg:$0x3] =	wrdreg s2  }
0xb0: {  	[dreg:$0x4] =	wrdreg $0xBE000  }
0xb1: {  	[dreg:$0x5] =	wrdreg $0x9  }
0xb2: {  	_ =	task.clear_ibuf [dreg:s7], $0x6FFFF;
	_ =	strace $0x9000004C  }
0xb3: {  	s29 =	simm.s32 $0x9;
	_ =	strace $0x8000004E  }
0xb4: {  	_ =	swait.ge [sflag:s29], $0x1  }
0xb5: {  	[sflag:s29] =	ssyncadd.s32 $0xFFFFFFFF  }
0xb6: {  	_ =	strace $0x9000004E  }
0xb7: {  	_ =	sfence  }
0xb8: {  	s30 =	sld [smem:$0x0];
	_ =	sdelay $0x2  }
0xb9: {  	s31 =	sshll.u32 s1, $0xD;
	s1 =	sshrl.u32 s1, $0x2  }
0xba: {  	s3 =	sand.u32 $0x4000, s31;
	s1 =	sadd.s32 s1, s30  }
0xbb: {  	s0 =	sor.u32 s3, s0;
	s1 =	sshll.u32 s1, $0x11  }
0xbc: {  	s0 =	sor.u32 s1, s0  }
0xbd: {  	s0 =	sadd.s32 $0x8F2B, s0  }
0xbe: {  	[sflag:s0] =	ssyncadd.remote.s32 $0x1  }
0xbf: {  	_ =	sfence.sel $0xFFFF  }
0xc0: {  	[dreg:$0x0] =	wrdreg $0xFFFFFFFF;
	(pc) =	sbr.abs _section_cstart, $3  }
0xc1: {  	[dreg:$0x1] =	wrdreg $0xFFFFFFFF  }
0xc2: {  	_ =	task.clear_ibuf [dreg:s7], $0x2FFFF;
	_ =	strace $0x9FFFFFFF  }
0xc3: {  	(tm) =	ssettm $0x7FFFFFFF  }
tec
execute0_lowered:
.L_overlay_start_1:
0x0: {  	(tag) =	ssettag $0x1  }
0x1: {  	s0 =	rddreg [dreg:$0x0]  }
0x2: {  	s3 =	rddreg [dreg:$0x1]  }
0x3: {  	s1 =	rddreg [dreg:$0x2];
	s2 =	simm.s32 $0x0;
	s17 =	stileid.u32  }
0x4: {  	s7 =	srdreg.scid;
	[smem:$0x7FF] =	sst s2  }
0x5: {  	s4 =	sadd.s32 $0x2D200, s0;
	s5 =	sadd.s32 $0x5200, s0;
	s6 =	sadd.s32 $0x19200, s0  }
0x6: {  	s8 =	smul.u32 $0x140, s17;
	s9 =	sadd.s32 $0x55200, s0;
	s7 =	sand.u32 $0x1, s7  }
0x7: {  	s19 =	smul.u32 $0x50000, s17;
	s10 =	sadd.s32 $0x55800, s0;
	s16 =	sshll.u32 s17, $0x1  }
0x8: {  	s17 =	smul.u32 $0x14000, s17;
	_ =	strace $0x8000004D;
	[dreg:$0x4] =	wrdreg s9  }
0x9: {  	s0 =	sadd.s32 $0x55E00, s0;
	[dreg:$0x5] =	wrdreg s10;
	s11 =	smul.u32 $0xF6, s7  }
0xa: {  	s20 =	ssub.s32 $0x2, s7;
	p0 =	seq.s32 s7, $0x0;
	s14 =	smul.u32 $0x300, s7  }
0xb: {  	s10 =	simm.s32 $0xF6;
	s21 =	smul.u32 $0x140000, s7;
	s7 =	sor.u32 s7, s16  }
0xc: {  	s12 =	sshrl.u32 s20, $0x1;
	s9 =	sshrl.u32 s19, $0x2;
	s10 =	simm.s32 @!p0 $0x4A  }
0xd: {  	s7 =	smul.u32 $0x500, s7;
	s23 =	sadd.s32 $0x4000, s17;
	s26 =	sadd.s32 $0x8000, s17  }
0xe: {  	s28 =	sadd.s32 $0xC000, s17;
	s13 =	ssub.s32 s20, s12;
	s8 =	sadd.s32 s11, s8  }
0xf: {  	s9 =	sadd.s32 s9, s1;
	s12 =	sshrl.u32 s10, $0x1;
	s22 =	sadd.s32 s21, s17  }
0x10: {  	s18 =	sadd.s32 s21, s23;
	s29 =	sadd.s32 s21, s26;
	s30 =	sadd.s32 s21, s28  }
0x11: {  	s17 =	sadd.s32 $0x10000, s17;
	s16 =	sadd.s32 s23, s1;
	s3 =	sadd.s32 s3, s7  }
0x12: {  	s25 =	sshrl.u32 s18, $0x3;
	s23 =	sadd.s32 $0x4000, s9;
	[dreg:$0x6] =	wrdreg s3  }
0x13: {  	s7 =	sadd.s32 s28, s1;
	s28 =	sadd.s32 $0xC000, s9;
	[dreg:$0x14] =	wrdreg s23  }
0x14: {  	s18 =	sshrl.u32 s30, $0x3;
	s30 =	sadd.s32 $0x10000, s9;
	[dreg:$0x18] =	wrdreg s28  }
0x15: {  	s11 =	sshll.u32 s8, $0x7;
	s3 =	sadd.s32 s0, s25;
	[dreg:$0x1a] =	wrdreg s30  }
0x16: {  	s8 =	sadd.s32 s21, s17;
	s31 =	sadd.s32 s0, s18;
	[dreg:$0x8] =	wrdreg s3  }
0x17: {  	s15 =	sand.u32 $0x1FFC00, s11;
	s20 =	sshrl.u32 s7, $0x3;
	[dreg:$0xa] =	wrdreg s31  }
0x18: {  	s18 =	sadd.s32 s17, s1;
	s25 =	sadd.s32 $0x8000, s9;
	[dreg:$0x11] =	wrdreg s20  }
0x19: {  	s14 =	sor.u32 s14, s15;
	s21 =	sshrl.u32 s18, $0x3;
	[dreg:$0x16] =	wrdreg s25  }
0x1a: {  	s15 =	sshrl.u32 s22, $0x3;
	s22 =	sadd.s32 $0x2000, s9;
	[dreg:$0x12] =	wrdreg s21  }
0x1b: {  	s3 =	sadd.s32 s26, s1;
	s26 =	sadd.s32 $0xA000, s9;
	[dreg:$0x13] =	wrdreg s22  }
0x1c: {  	s8 =	sshrl.u32 s8, $0x3;
	s31 =	sadd.s32 $0x12000, s9;
	[dreg:$0x17] =	wrdreg s26  }
0x1d: {  	s17 =	simm.s32 $0x1;
	s24 =	sadd.s32 s0, s15;
	[dreg:$0x1b] =	wrdreg s31  }
0x1e: {  	s23 =	simm.s32 $0x0;
	s19 =	sshrl.u32 s3, $0x3;
	[dreg:$0x7] =	wrdreg s24  }
0x1f: {  	s15 =	sshrl.u32 s29, $0x3;
	s29 =	sadd.s32 $0xE000, s9;
	[dreg:$0x10] =	wrdreg s19  }
0x20: {  	s18 =	simm.s32 $0x3;
	s15 =	sadd.s32 s0, s15;
	[dreg:$0x19] =	wrdreg s29  }
0x21: {  	s14 =	sshrl.u32 s14, $0x3;
	s0 =	sadd.s32 s0, s8;
	[dreg:$0x9] =	wrdreg s15  }
0x22: {  	s20 =	simm.s32 $0x9600;
	s8 =	sadd.s32 s5, s14;
	[dreg:$0xb] =	wrdreg s0  }
0x23: {  	s21 =	simm.s32 $0x5400;
	s14 =	sadd.s32 s6, s14;
	[dreg:$0xc] =	wrdreg s8  }
0x24: {  	s24 =	sadd.s32 $0x6000, s9;
	s19 =	simm.s32 $0x40;
	[dreg:$0xd] =	wrdreg s14  }
0x25: {  	s15 =	smax.u32 s13, $0x1;
	s0 =	sshrl.u32 s16, $0x3;
	[dreg:$0x15] =	wrdreg s24  }
0x26: {  	s13 =	simm.s32 $0x400;
	s14 =	simm.s32 $0x4;
	[dreg:$0xe] =	wrdreg s15  }
0x27: {  	v0 =	vimm.f32 $0.0e+00;
	s16 =	simm.s32 $0x5600;
	[dreg:$0xf] =	wrdreg s0;
	s15 =	simm.s32 $0x2C00  }
.LBB2_1:
0x28: {  	s0 =	rddreg [dreg:$0x4]  }
0x29: {  	[tilespmem:s13], [sflag:$0x4] =	stream.linear.gather [hbm4b:s0+s2], $0x2800, $0x38;
	[tilespmem:$0x1FE00] =	vst v63  }
0x2a: {  	_ =	swait.ge [sflag:s14], $0x2800  }
0x2b: {  	[sflag:s14] =	ssyncset.done $0x0  }
0x2c: {  	s31 =	rddreg [dreg:$0x5];
	[sflag:s14] =	ssyncadd.s32 $0xFFFFD800  }
0x2d: {  	[tilespmem:s15], [sflag:$0x4] =	stream.linear.gather [hbm4b:s31+s2], $0x2800, $0x38;
	[tilespmem:$0x1FE00] =	vst v63  }
0x2e: {  	_ =	swait.ge [sflag:s14], $0x2800  }
0x2f: {  	[sflag:s14] =	ssyncset.done $0x0  }
0x30: {  	s24 =	simm.s32 $0x0;
	s25 =	simm.s32 $0x200;
	[sflag:s14] =	ssyncadd.s32 $0xFFFFD800  }
.LBB2_2:
0x31: {  	p0 =	sne.s32 s25, $0x7E00;
	[tilespmem:s24+$0x5670] =	vst v0  }
0x32: {  	[tilespmem:s24+$0x5600] =	vst v0  }
0x33: {  	[tilespmem:s24+$0x5610] =	vst v0  }
.Ltmp0:
0x34: {  	[tilespmem:s24+$0x5620] =	vst v0;
	(pc) =	sbr.rel @p0 .LBB2_2-.Ltmp0, $4  }
0x35: {  	[tilespmem:s24+$0x5630] =	vst v0  }
0x36: {  	[tilespmem:s24+$0x5640] =	vst v0  }
0x37: {  	[tilespmem:s24+$0x5650] =	vst v0  }
0x38: {  	[tilespmem:s24+$0x5660] =	vst v0;
	s24 =	sshra.s32 s25, $0x2;
	s25 =	sadd.s32 $0x200, s25  }
0x39: {  	[tilespmem:s24+$0x5670] =	vst v0  }
0x3a: {  	[tilespmem:s24+$0x5600] =	vst v0  }
0x3b: {  	[tilespmem:s24+$0x5610] =	vst v0  }
0x3c: {  	[tilespmem:s24+$0x5620] =	vst v0  }
0x3d: {  	[tilespmem:s24+$0x5630] =	vst v0  }
0x3e: {  	[tilespmem:s24+$0x5640] =	vst v0  }
0x3f: {  	[tilespmem:s24+$0x5650] =	vst v0  }
0x40: {  	[tilespmem:s24+$0x5660] =	vst v0;
	s24 =	simm.s32 $0x0;
	s25 =	simm.s32 $0x200  }
.LBB2_4:
0x41: {  	p0 =	sne.s32 s25, $0x9E00;
	[tilespmem:s24+$0x9670] =	vst v0  }
0x42: {  	[tilespmem:s24+$0x9600] =	vst v0  }
0x43: {  	[tilespmem:s24+$0x9610] =	vst v0  }
.Ltmp1:
0x44: {  	[tilespmem:s24+$0x9620] =	vst v0;
	(pc) =	sbr.rel @p0 .LBB2_4-.Ltmp1, $4  }
0x45: {  	[tilespmem:s24+$0x9630] =	vst v0  }
0x46: {  	[tilespmem:s24+$0x9640] =	vst v0  }
0x47: {  	[tilespmem:s24+$0x9650] =	vst v0  }
0x48: {  	[tilespmem:s24+$0x9660] =	vst v0;
	s24 =	sshra.s32 s25, $0x2;
	s25 =	sadd.s32 $0x200, s25  }
0x49: {  	[tilespmem:s24+$0x9670] =	vst v0  }
0x4a: {  	[tilespmem:s24+$0x9600] =	vst v0  }
0x4b: {  	[tilespmem:s24+$0x9610] =	vst v0  }
0x4c: {  	[tilespmem:s24+$0x9620] =	vst v0  }
0x4d: {  	[tilespmem:s24+$0x9630] =	vst v0  }
0x4e: {  	[tilespmem:s24+$0x9640] =	vst v0  }
0x4f: {  	[tilespmem:s24+$0x9650] =	vst v0  }
0x50: {  	[tilespmem:s24+$0x9660] =	vst v0  }
0x51: {  	[spmem:s9] =	stream.linear.scatter [tilespmem:s16], [sflag:$0x1], $0x2000, $0x38;
	[tilespmem:$0x1FE00] =	vst v63  }
0x52: {  	s0 =	rddreg [dreg:$0x13]  }
0x53: {  	[spmem:s0] =	stream.linear.scatter [tilespmem:s16], [sflag:$0x1], $0x2000, $0x38;
	[tilespmem:$0x1FE00] =	vst v63  }
0x54: {  	s7 =	rddreg [dreg:$0x14]  }
0x55: {  	[spmem:s7] =	stream.linear.scatter [tilespmem:s16], [sflag:$0x1], $0x2000, $0x38;
	[tilespmem:$0x1FE00] =	vst v63  }
0x56: {  	s8 =	rddreg [dreg:$0x15]  }
0x57: {  	[spmem:s8] =	stream.linear.scatter [tilespmem:s16], [sflag:$0x1], $0x2000, $0x38;
	[tilespmem:$0x1FE00] =	vst v63  }
0x58: {  	s22 =	rddreg [dreg:$0x16]  }
0x59: {  	[spmem:s22] =	stream.linear.scatter [tilespmem:s16], [sflag:$0x1], $0x2000, $0x38;
	[tilespmem:$0x1FE00] =	vst v63  }
0x5a: {  	s24 =	rddreg [dreg:$0x17]  }
0x5b: {  	[spmem:s24] =	stream.linear.scatter [tilespmem:s16], [sflag:$0x1], $0x2000, $0x38;
	[tilespmem:$0x1FE00] =	vst v63  }
0x5c: {  	s25 =	rddreg [dreg:$0x18]  }
0x5d: {  	[spmem:s25] =	stream.linear.scatter [tilespmem:s16], [sflag:$0x1], $0x2000, $0x38;
	[tilespmem:$0x1FE00] =	vst v63  }
0x5e: {  	s26 =	rddreg [dreg:$0x19]  }
0x5f: {  	[spmem:s26] =	stream.linear.scatter [tilespmem:s16], [sflag:$0x1], $0x2000, $0x38;
	[tilespmem:$0x1FE00] =	vst v63  }
0x60: {  	s28 =	rddreg [dreg:$0x1a]  }
0x61: {  	[spmem:s28] =	stream.linear.scatter [tilespmem:s16], [sflag:$0x1], $0x2000, $0x38;
	[tilespmem:$0x1FE00] =	vst v63  }
0x62: {  	s29 =	rddreg [dreg:$0x1b]  }
0x63: {  	[spmem:s29] =	stream.linear.scatter [tilespmem:s16], [sflag:$0x1], $0x2000, $0x38;
	[tilespmem:$0x1FE00] =	vst v63  }
0x64: {  	_ =	swait.ge [sflag:s17], $0x2000  }
0x65: {  	[sflag:s17] =	ssyncset.done $0x0  }
0x66: {  	[sflag:s17] =	ssyncadd.s32 $0xFFFFE000  }
0x67: {  	_ =	swait.ge [sflag:s17], $0x2000  }
0x68: {  	[sflag:s17] =	ssyncset.done $0x0  }
0x69: {  	[sflag:s17] =	ssyncadd.s32 $0xFFFFE000  }
0x6a: {  	_ =	swait.ge [sflag:s17], $0x2000  }
0x6b: {  	[sflag:s17] =	ssyncset.done $0x0  }
0x6c: {  	[sflag:s17] =	ssyncadd.s32 $0xFFFFE000  }
0x6d: {  	_ =	swait.ge [sflag:s17], $0x2000  }
0x6e: {  	[sflag:s17] =	ssyncset.done $0x0  }
0x6f: {  	[sflag:s17] =	ssyncadd.s32 $0xFFFFE000  }
0x70: {  	_ =	swait.ge [sflag:s17], $0x2000  }
0x71: {  	[sflag:s17] =	ssyncset.done $0x0  }
0x72: {  	[sflag:s17] =	ssyncadd.s32 $0xFFFFE000  }
0x73: {  	_ =	swait.ge [sflag:s17], $0x2000  }
0x74: {  	[sflag:s17] =	ssyncset.done $0x0  }
0x75: {  	[sflag:s17] =	ssyncadd.s32 $0xFFFFE000  }
0x76: {  	_ =	swait.ge [sflag:s17], $0x2000  }
0x77: {  	[sflag:s17] =	ssyncset.done $0x0  }
0x78: {  	[sflag:s17] =	ssyncadd.s32 $0xFFFFE000  }
0x79: {  	_ =	swait.ge [sflag:s17], $0x2000  }
0x7a: {  	[sflag:s17] =	ssyncset.done $0x0  }
0x7b: {  	[sflag:s17] =	ssyncadd.s32 $0xFFFFE000  }
0x7c: {  	_ =	swait.ge [sflag:s17], $0x2000  }
0x7d: {  	[sflag:s17] =	ssyncset.done $0x0  }
0x7e: {  	[sflag:s17] =	ssyncadd.s32 $0xFFFFE000  }
0x7f: {  	_ =	swait.ge [sflag:s17], $0x2000  }
0x80: {  	[sflag:s17] =	ssyncset.done $0x0  }
0x81: {  	[sflag:s17] =	ssyncadd.s32 $0xFFFFE000  }
0x82: {  	[bflag:$0x0] =	sbarrier.arrive $0xFFFF  }
0x83: {  	s24 =	simm.s32 $0x0;
	s30 =	rddreg [dreg:$0xc]  }
0x84: {  	[tilespmem:s24], [sflag:$0x3] =	stream.linear.gather [hbm4b:s30+s24], $0x100, $0x38;
	[tilespmem:$0x1FE00] =	vst v63  }
0x85: {  	s3 =	simm.s32 $0x200;
	s31 =	rddreg [dreg:$0xd]  }
0x86: {  	[tilespmem:s3], [sflag:$0x3] =	stream.linear.gather [hbm4b:s31+s24], $0x100, $0x38;
	[tilespmem:$0x1FE00] =	vst v63  }
0x87: {  	_ =	swait.ge [sflag:s18], $0x100  }
0x88: {  	[sflag:s18] =	ssyncset.done $0x0  }
0x89: {  	[sflag:s18] =	ssyncadd.s32 $0xFFFFFF00  }
0x8a: {  	_ =	swait.ge [sflag:s18], $0x100  }
0x8b: {  	[sflag:s18] =	ssyncset.done $0x0  }
0x8c: {  	p0 =	por $0x0, $0x0;
	[sflag:s18] =	ssyncadd.s32 $0xFFFFFF00  }
0x8d: {  	[tilespmem:s16], [sflag:$0x1] =	stream.indirect.gather [hbm4b:s4+s19], $0x80, s24, s19, $0xb8;
	[tilespmem:$0x1FE00] =	vst v63  }
.LBB2_6:
0x8e: {  	s28 =	sand.u32 $0x1, s24;
	s25 =	sshrl.u32 s24, $0x1  }
0x8f: {  	p1 =	seq.s32 s24, $0x0;
	p2 =	sne.s32 s28, $0x0;
	s26 =	sadd.s32 $0x1, s25  }
0x90: {  	s29 =	simm.s32 @!p1 $0x2;
	p3 =	slt.u32 @!p2 s26, s12  }
0x91: {  	_ =	swait.ge @!p1 [sflag:s29], $0x2000;
	p2 =	por p2, !p3  }
0x92: {  	s25 =	sand.u32 $0x1, s25;
	[sflag:s29] =	ssyncset.done @!p1 $0x0;
	s26 =	sshll.u32 @!p2 s26, $0x8  }
0x93: {  	[sflag:s29] =	ssyncadd.s32 @!p1 $0xFFFFE000;
	s29 =	sshll.u32 @p2 s25, $0x8;
	s26 =	sadd.s32 @!p2 s11, s26  }
0x94: {  	s29 =	sshll.u32 @!p2 s25, $0x8;
	s26 =	sshrl.u32 @!p2 s26, $0x3  }
0x95: {  	s30 =	sxor.u32 @!p2 $0x100, s29;
	s31 =	sadd.s32 @!p2 s5, s26  }
0x96: {  	[tilespmem:s30], [sflag:$0x3] =	stream.linear.gather @!p2 [hbm4b:s31+s2], $0x100, $0x38;
	[tilespmem:$0x1FE00] =	vst v63  }
0x97: {  	s26 =	sadd.s32 @!p2 s6, s26;
	s30 =	sor.u32 @!p2 $0x200, s30  }
0x98: {  	[tilespmem:s30], [sflag:$0x3] =	stream.linear.gather @!p2 [hbm4b:s26+s2], $0x100, $0x38;
	[tilespmem:$0x1FE00] =	vst v63  }
0x99: {  	s26 =	sshll.u32 s28, $0x7  }
0x9a: {  	s29 =	sor.u32 s26, s29  }
0x9b: {  	v1 =	vld [tilespmem:s29+$0x0]  }
0x9c: {  	v2 =	vld [tilespmem:s29+$0x200];
	_ =	sdelay $0x6  }
0x9d: {  	v1 =	vld.idx.msk [tilespmem:v1+s13+$0x0], $0xffff  }
0x9e: {  	v3 =	vld.idx.msk [tilespmem:v2+s15+$0x0], $0xffff;
	_ =	sdelay $0x4  }
0x9f: {  	v1 =	vadd.f32 v3, v1;
	_ =	sdelay $0x1  }
0xa0: {  	v3 =	vmul.f32 $2.000000030e-01, v1  }
0xa1: {  	vm0 =	vgt.f32 v1, $0.0e+00  }
0xa2: {  	v1 =	vsel vm0, v1, v3  }
0xa3: {  	v1 =	vmul.f32 $1.442695020e+00, v1;
	_ =	sdelay $0x1  }
0xa4: {  	(erf) = vpow2.f32 v1;
	_ =	sdelay $0x8  }
0xa5: {  	v1 =	vpop (erf)  }
0xa6: {  	[tilespmem:$0x5400] =	vst v1  }
0xa7: {  	s30 =	sor.u32 $0x10, s29;
	[tilespmem:v2+s20+$0x0] =	vst.idx.add.f32.msk $0xffff, v1  }
0xa8: {  	v1 =	vld [tilespmem:s30+$0x0];
	s30 =	sor.u32 $0x210, s29  }
0xa9: {  	v2 =	vld [tilespmem:s30+$0x0];
	_ =	sdelay $0x6  }
0xaa: {  	v1 =	vld.idx.msk [tilespmem:v1+s13+$0x0], $0xffff  }
0xab: {  	v3 =	vld.idx.msk [tilespmem:v2+s15+$0x0], $0xffff;
	_ =	sdelay $0x4  }
0xac: {  	v1 =	vadd.f32 v3, v1;
	_ =	sdelay $0x1  }
0xad: {  	v3 =	vmul.f32 $2.000000030e-01, v1  }
0xae: {  	vm13 =	vgt.f32 v1, $0.0e+00  }
0xaf: {  	v1 =	vsel vm13, v1, v3  }
0xb0: {  	v1 =	vmul.f32 $1.442695020e+00, v1;
	_ =	sdelay $0x1  }
0xb1: {  	(erf) = vpow2.f32 v1;
	_ =	sdelay $0x8  }
0xb2: {  	v1 =	vpop (erf)  }
0xb3: {  	[tilespmem:$0x5480] =	vst v1  }
0xb4: {  	s30 =	sor.u32 $0x20, s29;
	[tilespmem:v2+s20+$0x0] =	vst.idx.add.f32.msk $0xffff, v1  }
0xb5: {  	v1 =	vld [tilespmem:s30+$0x0];
	s30 =	sor.u32 $0x220, s29  }
0xb6: {  	v2 =	vld [tilespmem:s30+$0x0];
	_ =	sdelay $0x6  }
0xb7: {  	v1 =	vld.idx.msk [tilespmem:v1+s13+$0x0], $0xffff  }
0xb8: {  	v3 =	vld.idx.msk [tilespmem:v2+s15+$0x0], $0xffff;
	_ =	sdelay $0x4  }
0xb9: {  	v1 =	vadd.f32 v3, v1;
	_ =	sdelay $0x1  }
0xba: {  	v3 =	vmul.f32 $2.000000030e-01, v1  }
0xbb: {  	vm14 =	vgt.f32 v1, $0.0e+00  }
0xbc: {  	v1 =	vsel vm14, v1, v3  }
0xbd: {  	v1 =	vmul.f32 $1.442695020e+00, v1;
	_ =	sdelay $0x1  }
0xbe: {  	(erf) = vpow2.f32 v1;
	_ =	sdelay $0x8  }
0xbf: {  	v1 =	vpop (erf)  }
0xc0: {  	[tilespmem:$0x5500] =	vst v1  }
0xc1: {  	s30 =	sor.u32 $0x30, s29;
	[tilespmem:v2+s20+$0x0] =	vst.idx.add.f32.msk $0xffff, v1  }
0xc2: {  	s29 =	sor.u32 $0x230, s29;
	v1 =	vld [tilespmem:s30+$0x0]  }
0xc3: {  	v2 =	vld [tilespmem:s29+$0x0];
	_ =	sdelay $0x6  }
0xc4: {  	v1 =	vld.idx.msk [tilespmem:v1+s13+$0x0], $0xffff  }
0xc5: {  	v3 =	vld.idx.msk [tilespmem:v2+s15+$0x0], $0xffff;
	_ =	sdelay $0x4  }
0xc6: {  	v1 =	vadd.f32 v3, v1;
	_ =	sdelay $0x1  }
0xc7: {  	v3 =	vmul.f32 $2.000000030e-01, v1  }
0xc8: {  	vm15 =	vgt.f32 v1, $0.0e+00  }
0xc9: {  	v1 =	vsel vm15, v1, v3  }
0xca: {  	v1 =	vmul.f32 $1.442695020e+00, v1;
	_ =	sdelay $0x1  }
0xcb: {  	(erf) = vpow2.f32 v1;
	_ =	sdelay $0x7  }
0xcc: {  	s24 =	sadd.s32 $0x1, s24  }
0xcd: {  	p6 =	seq.s32 s28, $0x1;
	p1 =	sge.u32 s24, s10;
	v1 =	vpop (erf)  }
0xce: {  	p2 =	por !p6, p1;
	[tilespmem:$0x5580] =	vst v1  }
0xcf: {  	s29 =	simm.s32 @!p2 $0x3;
	[tilespmem:v2+s20+$0x0] =	vst.idx.add.f32.msk $0xffff, v1  }
0xd0: {  	_ =	swait.ge @!p2 [sflag:s29], $0x100  }
0xd1: {  	[sflag:s29] =	ssyncset.done @!p2 $0x0  }
0xd2: {  	[sflag:s29] =	ssyncadd.s32 @!p2 $0xFFFFFF00  }
0xd3: {  	_ =	swait.ge @!p2 [sflag:s29], $0x100  }
0xd4: {  	s0 =	simm.s32 @!p1 $0x40;
	s28 =	sshll.u32 s28, $0xD;
	[sflag:s29] =	ssyncset.done @!p2 $0x0  }
0xd5: {  	s31 =	sshll.u32 @!p1 s24, $0x7;
	[sflag:s29] =	ssyncadd.s32 @!p2 $0xFFFFFF00;
	s29 =	sxor.u32 @!p1 $0x2000, s28  }
0xd6: {  	s31 =	sand.u32 @!p1 $0x180, s31;
	s30 =	simm.s32 $0x1;
	s29 =	sadd.s32 @!p1 $0x5600, s29  }
0xd7: {  	[tilespmem:s29], [sflag:$0x1] =	stream.indirect.gather @!p1 [hbm4b:s4+s0], $0x80, s31, s0, $0xb8;
	[tilespmem:$0x1FE00] =	vst v63  }
0xd8: {  	s30 =	simm.s32 @!p0 $0x0;
	_ =	swait.ge [sflag:s17], $0x2000  }
0xd9: {  	s7 =	sshll.u32 s30, $0xD;
	[sflag:s17] =	ssyncset.done $0x0  }
0xda: {  	s29 =	sor.u32 $0x5700, s7;
	[sflag:s17] =	ssyncadd.s32 $0xFFFFE000  }
0xdb: {  	v4 =	vld [tilespmem:s29+$0x90]  }
0xdc: {  	v3 =	vld [tilespmem:s29+$0xFFFFFFC0]  }
0xdd: {  	v5 =	vld [tilespmem:s29+$0xFFFFFFE0]  }
0xde: {  	v6 =	vld [tilespmem:s29+$0xFFFFFFF0]  }
0xdf: {  	v7 =	vld [tilespmem:s29+$0x0]  }
0xe0: {  	v8 =	vld [tilespmem:s29+$0xD0]  }
0xe1: {  	v12 =	vld [tilespmem:s29+$0x20]  }
0xe2: {  	s8 =	simm.s32 $0x0;
	s31 =	simm.s32 $0x1;
	v14 =	vld [tilespmem:s29+$0x30]  }
0xe3: {  	s30 =	simm.s32 $0x0;
	s0 =	sand.u32 $0xFFFFFF80, s8;
	s31 =	sand.u32 $0xD, s31;
	v9 =	vld [tilespmem:s29+$0x10]  }
0xe4: {  	s3 =	sand.u32 $0xC, s30;
	s7 =	simm.s32 $0x2;
	s22 =	sor.u32 s31, s0;
	v10 =	vld [tilespmem:s29+$0xC0]  }
0xe5: {  	s3 =	sor.u32 s3, s0;
	s7 =	sand.u32 $0xE, s7;
	v2 =	vmov s22;
	v13 =	vld [tilespmem:s29+$0x60]  }
0xe6: {  	s8 =	simm.s32 $0x3;
	v1 =	vmov s3;
	s7 =	sor.u32 s7, s0;
	v16 =	vld [tilespmem:s29+$0x70]  }
0xe7: {  	s8 =	sand.u32 $0xF, s8;
	v11 =	vmov s7;
	v17 =	vld [tilespmem:s29+$0xFFFFFFD0]  }
0xe8: {  	s0 =	sor.u32 s8, s0;
	v20 =	vld [tilespmem:s29+$0xFFFFFFA0]  }
0xe9: {  	v15 =	vmov s0;
	v21 =	vld [tilespmem:s29+$0xFFFFFF90]  }
0xea: {  	v18 =	vld.idx.msk [tilespmem:v2+s21+$0x0], $0xffff  }
0xeb: {  	v19 =	vld.idx.msk [tilespmem:v1+s21+$0x0], $0xffff  }
0xec: {  	v1 =	vld.idx.msk [tilespmem:v11+s21+$0x0], $0xffff  }
0xed: {  	v22 =	vld [tilespmem:s29+$0xFFFFFF80]  }
0xee: {  	v2 =	vld.idx.msk [tilespmem:v15+s21+$0x0], $0xffff  }
0xef: {  	v23 =	vld [tilespmem:s29+$0xFFFFFF70];
	v5 =	vmul.f32 v5, v18  }
0xf0: {  	v24 =	vld [tilespmem:s29+$0xFFFFFF50];
	v6 =	vmul.f32 v6, v18  }
0xf1: {  	v15 =	vld [tilespmem:s29+$0xFFFFFFB0];
	v7 =	vmul.f32 v7, v1;
	[tilespmem:s29+$0xFFFFFFE0] =	vst v5  }
0xf2: {  	v25 =	vld [tilespmem:s29+$0xFFFFFF30];
	v17 =	vmul.f32 v17, v18;
	[tilespmem:s29+$0xFFFFFFF0] =	vst v6  }
0xf3: {  	v26 =	vld [tilespmem:s29+$0xFFFFFF20];
	v4 =	vmul.f32 v4, v2;
	[tilespmem:s29+$0x0] =	vst v7  }
0xf4: {  	v27 =	vld [tilespmem:s29+$0xFFFFFF10];
	v21 =	vmul.f32 v21, v18;
	v6 =	vmul.f32 v16, v1;
	[tilespmem:s29+$0xFFFFFFD0] =	vst v17  }
0xf5: {  	v11 =	vld [tilespmem:s29+$0xA0];
	v16 =	vmul.f32 v3, v18;
	v3 =	vmul.f32 v9, v1;
	[tilespmem:s29+$0x90] =	vst v4  }
0xf6: {  	v28 =	vld [tilespmem:s29+$0xF0];
	v9 =	vmul.f32 v15, v18;
	v15 =	vmul.f32 v20, v18;
	[tilespmem:s29+$0xFFFFFF90] =	vst v21  }
0xf7: {  	v5 =	vld [tilespmem:s29+$0xFFFFFF60];
	v17 =	vmul.f32 v13, v1;
	v13 =	vmul.f32 v23, v19;
	[tilespmem:s29+$0x70] =	vst v6  }
0xf8: {  	v7 =	vld [tilespmem:s29+$0xFFFFFF40];
	v4 =	vmul.f32 v8, v2;
	v20 =	vmul.f32 v12, v1;
	[tilespmem:s29+$0x10] =	vst v3  }
0xf9: {  	v23 =	vld [tilespmem:s29+$0xFFFFFF00];
	v8 =	vmul.f32 v25, v19;
	v12 =	vmul.f32 v27, v19;
	[tilespmem:s29+$0xFFFFFFC0] =	vst v16  }
0xfa: {  	v3 =	vmul.f32 v11, v2;
	v6 =	vmul.f32 v22, v18;
	[tilespmem:s29+$0xFFFFFFB0] =	vst v9;
	v11 =	vld [tilespmem:s29+$0xE0]  }
0xfb: {  	v22 =	vmul.f32 v10, v2;
	v9 =	vmul.f32 v24, v19;
	[tilespmem:s29+$0x60] =	vst v17;
	v17 =	vld [tilespmem:s29+$0xB0]  }
0xfc: {  	[tilespmem:s29+$0xFFFFFFA0] =	vst v15;
	v15 =	vld [tilespmem:s29+$0x80];
	v18 =	vmul.f32 v14, v1;
	v10 =	vmul.f32 v5, v19  }
0xfd: {  	[tilespmem:s29+$0xD0] =	vst v4;
	v16 =	vld [tilespmem:s29+$0x50];
	v7 =	vmul.f32 v7, v19;
	v5 =	vmul.f32 v26, v19  }
0xfe: {  	s31 =	sadd.s32 $0x200, s29;
	v14 =	vld [tilespmem:s29+$0x40];
	[tilespmem:s29+$0xC0] =	vst v22;
	v4 =	vmul.f32 v23, v19;
	v19 =	vmul.f32 v28, v2  }
.LBB2_7:
0xff: {  	s0 =	sadd.s32 $0x5, s30  }
0x100: {  	s3 =	sadd.s32 $0x7, s30;
	v21 =	vld [tilespmem:s31+$0x90];
	[tilespmem:s29+$0x20] =	vst v20;
	s7 =	smov.u32 s30;
	s30 =	sadd.s32 $0x4, s30  }
0x101: {  	s8 =	sand.u32 $0xC, s30;
	s22 =	sshll.u32 s30, $0x3;
	v20 =	vld [tilespmem:s31+$0xFFFFFFC0];
	s7 =	sadd.s32 $0x6, s7;
	[tilespmem:s29+$0x30] =	vst v18;
	v17 =	vmul.f32 v17, v2  }
0x102: {  	s0 =	sand.u32 $0xD, s0;
	s22 =	sand.u32 $0xFFFFFF80, s22;
	v18 =	vld [tilespmem:s31+$0xFFFFFFE0];
	s7 =	sand.u32 $0xE, s7;
	[tilespmem:s29+$0xFFFFFF70] =	vst v13;
	v13 =	vmul.f32 v15, v2  }
0x103: {  	s3 =	sand.u32 $0xF, s3;
	s8 =	sor.u32 s8, s22;
	v15 =	vld [tilespmem:s31+$0xFFFFFFF0];
	s7 =	sor.u32 s7, s22;
	[tilespmem:s29+$0xFFFFFF80] =	vst v6;
	v6 =	vmul.f32 v16, v1  }
0x104: {  	p1 =	slt.u32 s30, $0x3C;
	v2 =	vmul.f32 v11, v2;
	s0 =	sor.u32 s0, s22;
	s3 =	sor.u32 s3, s22;
	v16 =	vmov s8;
	v22 =	vld [tilespmem:s31+$0x0];
	[tilespmem:s29+$0xFFFFFF60] =	vst v10;
	v10 =	vmul.f32 v14, v1  }
0x105: {  	v1 =	vmov s0;
	v11 =	vld [tilespmem:s31+$0xD0];
	[tilespmem:s29+$0xF0] =	vst v19  }
0x106: {  	v14 =	vmov s7;
	v19 =	vld [tilespmem:s31+$0x20];
	[tilespmem:s29+$0xFFFFFF50] =	vst v9  }
0x107: {  	v9 =	vmov s3;
	v23 =	vld [tilespmem:s31+$0x30];
	[tilespmem:s29+$0xA0] =	vst v3  }
0x108: {  	v3 =	vld [tilespmem:s31+$0x10];
	[tilespmem:s29+$0xFFFFFF40] =	vst v7  }
0x109: {  	v7 =	vld [tilespmem:s31+$0xC0];
	[tilespmem:s29+$0xB0] =	vst v17  }
0x10a: {  	v17 =	vld [tilespmem:s31+$0x60];
	[tilespmem:s29+$0xFFFFFF30] =	vst v8  }
0x10b: {  	v8 =	vld [tilespmem:s31+$0x70];
	[tilespmem:s29+$0xFFFFFF10] =	vst v12  }
0x10c: {  	v12 =	vld [tilespmem:s31+$0xFFFFFFD0];
	[tilespmem:s29+$0x80] =	vst v13  }
0x10d: {  	v16 =	vld.idx.msk [tilespmem:v16+s21+$0x0], $0xffff;
	[tilespmem:s29+$0xFFFFFF20] =	vst v5  }
0x10e: {  	v5 =	vld.idx.msk [tilespmem:v1+s21+$0x0], $0xffff;
	[tilespmem:s29+$0x50] =	vst v6  }
0x10f: {  	v1 =	vld.idx.msk [tilespmem:v14+s21+$0x0], $0xffff;
	[tilespmem:s29+$0xE0] =	vst v2  }
0x110: {  	v2 =	vld.idx.msk [tilespmem:v9+s21+$0x0], $0xffff;
	[tilespmem:s29+$0xFFFFFF00] =	vst v4  }
0x111: {  	v4 =	vld [tilespmem:s31+$0xA0];
	[tilespmem:s29+$0x40] =	vst v10;
	s29 =	smov.u32 s31  }
0x112: {  	v6 =	vld [tilespmem:s31+$0xFFFFFFB0]  }
0x113: {  	v9 =	vld [tilespmem:s31+$0xFFFFFFA0]  }
0x114: {  	v13 =	vmul.f32 v18, v5;
	v14 =	vmul.f32 v15, v5;
	v10 =	vld [tilespmem:s31+$0xFFFFFF90]  }
0x115: {  	v12 =	vmul.f32 v12, v5;
	v18 =	vmul.f32 v22, v1;
	v15 =	vld [tilespmem:s31+$0xFFFFFF80]  }
0x116: {  	v20 =	vmul.f32 v20, v5;
	v8 =	vmul.f32 v8, v1;
	v22 =	vld [tilespmem:s31+$0xFFFFFF70];
	[tilespmem:s31+$0xFFFFFFE0] =	vst v13  }
0x117: {  	v24 =	vld [tilespmem:s31+$0xFFFFFF60];
	v25 =	vmul.f32 v6, v5;
	[tilespmem:s31+$0xFFFFFFF0] =	vst v14;
	v14 =	vmul.f32 v3, v1  }
0x118: {  	v17 =	vmul.f32 v17, v1;
	v26 =	vld [tilespmem:s31+$0xFFFFFF50];
	v27 =	vmul.f32 v9, v5;
	[tilespmem:s31+$0x0] =	vst v18  }
0x119: {  	v3 =	vmul.f32 v4, v2;
	v18 =	vld [tilespmem:s31+$0xFFFFFF40];
	v28 =	vmul.f32 v10, v5;
	[tilespmem:s31+$0xFFFFFFD0] =	vst v12  }
0x11a: {  	v12 =	vmul.f32 v21, v2;
	v4 =	vld [tilespmem:s31+$0xFFFFFF30];
	v6 =	vmul.f32 v15, v5;
	[tilespmem:s31+$0x70] =	vst v8  }
0x11b: {  	v5 =	vld [tilespmem:s31+$0xFFFFFF20];
	v13 =	vmul.f32 v22, v16;
	[tilespmem:s31+$0x10] =	vst v14;
	v14 =	vmul.f32 v7, v2  }
0x11c: {  	v21 =	vmul.f32 v11, v2;
	v15 =	vld [tilespmem:s31+$0xFFFFFF10];
	v10 =	vmul.f32 v24, v16;
	[tilespmem:s31+$0xFFFFFFC0] =	vst v20  }
0x11d: {  	v20 =	vmul.f32 v19, v1;
	v22 =	vld [tilespmem:s31+$0xFFFFFF00];
	v9 =	vmul.f32 v26, v16;
	[tilespmem:s31+$0xFFFFFFB0] =	vst v25  }
0x11e: {  	v7 =	vmul.f32 v18, v16;
	v18 =	vmul.f32 v23, v1;
	[tilespmem:s31+$0x60] =	vst v17;
	v19 =	vld [tilespmem:s31+$0xF0]  }
.Ltmp2:
0x11f: {  	v8 =	vmul.f32 v4, v16;
	[tilespmem:s31+$0xFFFFFFA0] =	vst v27;
	v11 =	vld [tilespmem:s31+$0xE0];
	(pc) =	sbr.rel @p1 .LBB2_7-.Ltmp2, $4  }
0x120: {  	v5 =	vmul.f32 v5, v16;
	[tilespmem:s31+$0x90] =	vst v12;
	v17 =	vld [tilespmem:s31+$0xB0]  }
0x121: {  	v12 =	vmul.f32 v15, v16;
	v15 =	vld [tilespmem:s31+$0x80];
	[tilespmem:s31+$0xD0] =	vst v21  }
0x122: {  	v4 =	vmul.f32 v22, v16;
	v16 =	vld [tilespmem:s31+$0x50];
	[tilespmem:s31+$0xC0] =	vst v14  }
0x123: {  	s31 =	sadd.s32 $0x200, s31;
	[tilespmem:s29+$0xFFFFFF90] =	vst v28;
	v14 =	vld [tilespmem:s29+$0x40];
	v19 =	vmul.f32 v19, v2  }
0x124: {  	[tilespmem:s29+$0x20] =	vst v20  }
0x125: {  	[tilespmem:s29+$0x30] =	vst v18  }
0x126: {  	[tilespmem:s29+$0xFFFFFF70] =	vst v13  }
0x127: {  	[tilespmem:s29+$0xFFFFFF80] =	vst v6  }
0x128: {  	[tilespmem:s29+$0xFFFFFF60] =	vst v10  }
0x129: {  	[tilespmem:s29+$0xFFFFFF50] =	vst v9  }
0x12a: {  	[tilespmem:s29+$0xA0] =	vst v3  }
0x12b: {  	[tilespmem:s29+$0xFFFFFF40] =	vst v7  }
0x12c: {  	[tilespmem:s29+$0xFFFFFF30] =	vst v8  }
0x12d: {  	[tilespmem:s29+$0xFFFFFF10] =	vst v12  }
0x12e: {  	[tilespmem:s29+$0xFFFFFF20] =	vst v5  }
0x12f: {  	[tilespmem:s29+$0xFFFFFF00] =	vst v4;
	v62 =	vmul.f32 v17, v2  }
0x130: {  	[tilespmem:s29+$0xF0] =	vst v19;
	v3 =	vmul.f32 v15, v2  }
0x131: {  	p1 =	sne.s32 s24, s10;
	v2 =	vmul.f32 v11, v2;
	[tilespmem:s29+$0xB0] =	vst v62  }
.Ltmp3:
0x132: {  	v63 =	vmul.f32 v16, v1;
	[tilespmem:s29+$0x80] =	vst v3;
	(pc) =	sbr.rel @p1 .LBB2_6-.Ltmp3, $4  }
0x133: {  	s0 =	sshll.u32 s25, $0x8;
	v1 =	vmul.f32 v14, v1;
	[tilespmem:s29+$0xE0] =	vst v2  }
0x134: {  	s0 =	sor.u32 s26, s0;
	[tilespmem:s29+$0x50] =	vst v63  }
0x135: {  	s3 =	sor.u32 $0x5600, s28;
	p0 =	por !p0, !p0;
	s0 =	sor.u32 $0x200, s0;
	[tilespmem:s29+$0x40] =	vst v1  }
0x136: {  	[spmem:s1] =	stream.indirect.scatter.add.f32 [tilespmem:s3], [sflag:$0x2], $0x80, s0, s19, $0xb8;
	[tilespmem:$0x1FE00] =	vst v63  }
0x137: {  	s0 =	simm.s32 $0x2  }
0x138: {  	_ =	swait.ge [sflag:s0], $0x2000  }
0x139: {  	[sflag:s0] =	ssyncset.done $0x0  }
0x13a: {  	s3 =	rddreg [dreg:$0x6];
	[sflag:s0] =	ssyncadd.s32 $0xFFFFE000  }
0x13b: {  	[hbm4b:s3+s2] =	stream.linear.scatter [tilespmem:s20], [sflag:$0x4], $0x2800, $0x38;
	[tilespmem:$0x1FE00] =	vst v63  }
0x13c: {  	_ =	swait.ge [sflag:s14], $0x2800  }
0x13d: {  	[sflag:s14] =	ssyncset.done $0x0  }
0x13e: {  	s7 =	stileid.u32;
	[sflag:s14] =	ssyncadd.s32 $0xFFFFD800  }
0x13f: {  	s0 =	sshll.u32 s7, $0x6;
	[bflag:$0x0] =	sbarrier.arrive $0xFFFF  }
0x140: {  	s0 =	sor.u32 $0x1C04, s0;
	s3 =	sshrl.u32 s9, $0x3;
	s7 =	rddreg [dreg:$0x7]  }
0x141: {  	[hbm:s7], [sflag:s0] =	dma.local [spmem:s3], $0x800  }
0x142: {  	_ =	swait.ge [sflag:s14], $0x800  }
0x143: {  	[sflag:s14] =	ssyncset.done $0x0;
	s8 =	rddreg [dreg:$0x8]  }
0x144: {  	s22 =	rddreg [dreg:$0xf];
	[sflag:s14] =	ssyncadd.s32 $0xFFFFF800  }
0x145: {  	[hbm:s8], [sflag:s0] =	dma.local [spmem:s22], $0x800  }
0x146: {  	_ =	swait.ge [sflag:s14], $0x800  }
0x147: {  	[sflag:s14] =	ssyncset.done $0x0;
	s24 =	rddreg [dreg:$0x9]  }
0x148: {  	s25 =	rddreg [dreg:$0x10];
	[sflag:s14] =	ssyncadd.s32 $0xFFFFF800  }
0x149: {  	[hbm:s24], [sflag:s0] =	dma.local [spmem:s25], $0x800  }
0x14a: {  	_ =	swait.ge [sflag:s14], $0x800  }
0x14b: {  	[sflag:s14] =	ssyncset.done $0x0;
	s26 =	rddreg [dreg:$0xa]  }
0x14c: {  	s28 =	rddreg [dreg:$0x11];
	[sflag:s14] =	ssyncadd.s32 $0xFFFFF800  }
0x14d: {  	[hbm:s26], [sflag:s0] =	dma.local [spmem:s28], $0x800  }
0x14e: {  	_ =	swait.ge [sflag:s14], $0x800  }
0x14f: {  	[sflag:s14] =	ssyncset.done $0x0;
	s29 =	rddreg [dreg:$0xb]  }
0x150: {  	s30 =	rddreg [dreg:$0x12];
	[sflag:s14] =	ssyncadd.s32 $0xFFFFF800  }
0x151: {  	[hbm:s29], [sflag:s0] =	dma.local [spmem:s30], $0x800  }
0x152: {  	_ =	swait.ge [sflag:s14], $0x800  }
0x153: {  	s23 =	sadd.s32 $0x1, s23;
	s31 =	rddreg [dreg:$0xe]  }
0x154: {  	p0 =	sne.s32 s23, s31  }
.Ltmp4:
0x155: {  	_ = 	snop;
	(pc) =	sbr.rel @p0 .LBB2_1-.Ltmp4, $3  }
0x156: {  	_ =	sdelay $0x1  }
0x157: {  	[sflag:s14] =	ssyncset.done $0x0  }
0x158: {  	[sflag:s14] =	ssyncadd.s32 $0xFFFFF800  }
0x159: {  	_ =	sfence.sel $0x180000  }
0x15a: {  	[bflag:$0x0] =	sbarrier.arrive $0xFFFF  }
0x15b: {  	_ =	strace $0x9000004D  }
0x15c: {  	s0 =	stileid.u32;
	[bflag:$0x2] =	sbarrier.arrive $0xFFFF  }
0x15d: {  	p0 =	sne.s32 s0, $0x0;
	s0 =	rddreg [dreg:$0x3]  }
0x15e: {  	s0 =	sadd.s32 @!p0 $0x100000, s0  }
0x15f: {  	[sflag:s0] =	ssyncadd.tile.s32 @!p0 $0x1;
	_ =	shalt  }
.Lfunc_end2:
_tile_overlayer_lowered:
.L_overlay_start_2:
0x160: {  	(tag) =	ssettag $0x2  }
0x161: {  	s0 =	rddreg [dreg:$0x0];
	s2 =	stileid.u32  }
0x162: {  	s1 =	rddreg [dreg:$0x1];
	p0 =	sne.s32 s2, $0x0  }
0x163: {  	s3 =	rddreg [dreg:$0x2];
	[bflag:$0x3] =	sbarrier.arrive $0xFFFF;
	s2 =	simm.s32 @!p0 $0x1C04  }
0x164: {  	[timem:s3], [sflag:s2] =	dma.local @!p0 [hbm:s0], s1  }
0x165: {  	s0 =	simm.s32 @!p0 $0x4  }
0x166: {  	_ =	swait.ge @!p0 [sflag:s0], s1  }
0x167: {  	s1 =	ssub.s32 @!p0 $0x0, s1;
	[sflag:s0] =	ssyncset.done @!p0 $0x0  }
0x168: {  	[sflag:s0] =	ssyncadd.s32 @!p0 s1  }
0x169: {  	[bflag:$0x3] =	sbarrier.arrive $0xFFFF  }
0x16a: {  	_ =	shalt  }

// kernel: kernel.9.cloned.1.call-start
scs
__scs_entry_jumppad:
0x0: {  	(pc) =	sbr.rel $0x88, $3  }
0x1: {  	(tag) =	ssettag $0x0;
	lr =	simm.s32 $0x1  }
0x2: {  	[smem:$0x3F8E] =	sst lr;
	_ =	strace $0xD0000000  }
0x3: {  	_ = 	snop  }
0x4: {  	_ = 	snop  }
0x5: {  	_ = 	snop  }
0x6: {  	_ = 	snop  }
0x7: {  	_ = 	snop  }
__scs_overlays_trampoline_lowered:
0x8: {  	[smem:$0x3F9D] =	sst s0  }
0x9: {  	[smem:$0x3F9E] =	sst s1  }
0xa: {  	[smem:$0x3F9F] =	sst s2  }
0xb: {  	[smem:$0x3FA0] =	sst s3  }
0xc: {  	[smem:$0x3FA1] =	sst s4  }
0xd: {  	[smem:$0x3FA2] =	sst s5  }
0xe: {  	[smem:$0x3FA3] =	sst s6  }
0xf: {  	[smem:$0x3FA4] =	sst s7  }
0x10: {  	[smem:$0x3FA5] =	sst s8  }
0x11: {  	[smem:$0x3FA6] =	sst s9;
	s0 =	simm.s32 @!p0 $0x0  }
0x12: {  	s1 =	sld [smem:$0x3F8C];
	s0 =	simm.s32 @p0 $0x1  }
0x13: {  	[smem:$0x3FA7] =	sst s0;
	s0 =	simm.s32 @!p1 $0x0  }
0x14: {  	s2 =	sld [smem:$0x3F8B];
	s0 =	simm.s32 @p1 $0x1  }
0x15: {  	[smem:$0x3FA8] =	sst s0;
	s0 =	simm.s32 @!p2 $0x0  }
0x16: {  	s3 =	sld [smem:$0x3FDB];
	s0 =	simm.s32 @p2 $0x1  }
0x17: {  	s4 =	simm.s32 $0x1BF5;
	[smem:$0x3FAA] =	sst s0  }
0x18: {  	s0 =	sld [smem:$0x3F8D];
	_ =	swait.ge [sflag:s4], $0x0  }
0x19: {  	s7 =	sld [smem:$0x3F8E]  }
0x1a: {  	s8 =	sadd.s32 $0xFFFFE003, lr  }
0x1b: {  	s9 =	sadd.s32 $0xFFFFFEF7, lr;
	s5 =	simm.s32 $0xFFFFFFFF;
	p2 =	slt.u32 s8, $0xFFFFF086  }
0x1c: {  	p1 =	slt.u32 s9, $0xF7A;
	s5 =	simm.s32 @!p2 $0x0  }
0x1d: {  	s5 =	simm.s32 @p1 $0x1;
	p0 =	seq.s32 s7, s2  }
0x1e: {  	s7 =	smul.u32 @!p0 $0xF7A, s2;
	p2 =	seq.s32 @!p0 s5, $0x0  }
0x1f: {  	s9 =	smul.u32 $0xF7A, s1;
	s8 =	simm.s32 @!p0 $0x1BF5;
	p2 =	por !p2, p0  }
0x20: {  	[sflag:s8] =	ssyncset.s32 @!p0 $0xFFFFF086;
	s6 =	sadd.s32 @!p0 s3, s7;
	s7 =	simm.s32 @!p0 $0x108  }
0x21: {  	s3 =	sadd.s32 s3, s9;
	s6 =	sadd.s32 @!p0 $0x88, s6;
	s7 =	simm.s32 @p2 $0x1082  }
0x22: {  	[simem:s7], [sflag:s8] =	dma.local @!p0 [hbm:s6], $0xF7A  }
0x23: {  	s9 =	sor.u32 $0xD0000000, s2;
	s6 =	simm.s32 $0x108;
	_ =	swait.ge @!p0 [sflag:s8], $0x0  }
0x24: {  	s3 =	sadd.s32 $0x88, s3;
	s6 =	simm.s32 @!p1 $0x1082;
	[sflag:s4] =	ssyncset.s32 $0xFFFFF086  }
0x25: {  	[simem:s6], [sflag:s4] =	dma.local [hbm:s3], $0xF7A  }
0x26: {  	[smem:$0x3F8E] =	sst s1;
	(tag) =	ssettag s2;
	_ =	strace s9  }
0x27: {  	s1 =	sld [smem:$0x3F9E]  }
0x28: {  	s2 =	sld [smem:$0x3F9F]  }
0x29: {  	s4 =	sld [smem:$0x3FA1]  }
0x2a: {  	p0 =	seq.s32 s5, $0x0;
	s5 =	sld [smem:$0x3FA2]  }
0x2b: {  	s6 =	sld [smem:$0x3FA3]  }
0x2c: {  	s7 =	sld [smem:$0x3FA4]  }
0x2d: {  	s3 =	simm.s32 $0x108;
	s8 =	sld [smem:$0x3FA5]  }
0x2e: {  	s3 =	simm.s32 @!p0 $0x1082;
	s9 =	sld [smem:$0x3FA6]  }
0x2f: {  	lr =	sadd.s32 s0, s3;
	s0 =	sld [smem:$0x3F9D]  }
0x30: {  	s3 =	sld [smem:$0x3FA0]  }
0x31: {  	[smem:$0x3FA9] =	sst s10  }
0x32: {  	s10 =	sld [smem:$0x3FA7];
	_ =	sdelay $0x3  }
0x33: {  	p0 =	seq.s32 s10, $0x1;
	s10 =	sld [smem:$0x3FA9];
	_ =	sdelay $0x3  }
0x34: {  	[smem:$0x3FA9] =	sst s10  }
0x35: {  	s10 =	sld [smem:$0x3FA8];
	_ =	sdelay $0x3  }
0x36: {  	p1 =	seq.s32 s10, $0x1;
	s10 =	sld [smem:$0x3FA9];
	_ =	sdelay $0x3  }
0x37: {  	[smem:$0x3FA9] =	sst s10  }
0x38: {  	s10 =	sld [smem:$0x3FAA]  }
0x39: {  	_ = 	snop;
	(pc) =	sbr.ind lr, $3  }
0x3a: {  	_ = 	snop  }
0x3b: {  	_ = 	snop  }
0x3c: {  	p2 =	seq.s32 s10, $0x1;
	s10 =	sld [smem:$0x3FA9]  }
0x3d: {  	_ =	shalt  }
0x3e: {  	_ =	shalt  }
0x3f: {  	_ =	shalt  }
0x40: {  	_ =	shalt  }
0x41: {  	_ =	shalt  }
0x42: {  	_ =	shalt  }
0x43: {  	_ =	shalt  }
0x44: {  	_ =	shalt  }
0x45: {  	_ =	shalt  }
0x46: {  	_ =	shalt  }
0x47: {  	_ =	shalt  }
0x48: {  	_ =	shalt  }
0x49: {  	_ =	shalt  }
0x4a: {  	_ =	shalt  }
0x4b: {  	_ =	shalt  }
0x4c: {  	_ =	shalt  }
0x4d: {  	_ =	shalt  }
0x4e: {  	_ =	shalt  }
0x4f: {  	_ =	shalt  }
0x50: {  	_ =	shalt  }
0x51: {  	_ =	shalt  }
0x52: {  	_ =	shalt  }
0x53: {  	_ =	shalt  }
0x54: {  	_ =	shalt  }
0x55: {  	_ =	shalt  }
0x56: {  	_ =	shalt  }
0x57: {  	_ =	shalt  }
0x58: {  	_ =	shalt  }
0x59: {  	_ =	shalt  }
0x5a: {  	_ =	shalt  }
0x5b: {  	_ =	shalt  }
0x5c: {  	_ =	shalt  }
0x5d: {  	_ =	shalt  }
0x5e: {  	_ =	shalt  }
0x5f: {  	_ =	shalt  }
0x60: {  	_ =	shalt  }
0x61: {  	_ =	shalt  }
0x62: {  	_ =	shalt  }
0x63: {  	_ =	shalt  }
0x64: {  	_ =	shalt  }
0x65: {  	_ =	shalt  }
0x66: {  	_ =	shalt  }
0x67: {  	_ =	shalt  }
0x68: {  	_ =	shalt  }
0x69: {  	_ =	shalt  }
0x6a: {  	_ =	shalt  }
0x6b: {  	_ =	shalt  }
0x6c: {  	_ =	shalt  }
0x6d: {  	_ =	shalt  }
0x6e: {  	_ =	shalt  }
0x6f: {  	_ =	shalt  }
0x70: {  	_ =	shalt  }
0x71: {  	_ =	shalt  }
0x72: {  	_ =	shalt  }
0x73: {  	_ =	shalt  }
0x74: {  	_ =	shalt  }
0x75: {  	_ =	shalt  }
0x76: {  	_ =	shalt  }
0x77: {  	_ =	shalt  }
0x78: {  	_ =	shalt  }
0x79: {  	_ =	shalt  }
0x7a: {  	_ =	shalt  }
0x7b: {  	_ =	shalt  }
0x7c: {  	_ =	shalt  }
0x7d: {  	_ =	shalt  }
0x7e: {  	_ =	shalt  }
0x7f: {  	_ =	shalt  }
0x80: {  	_ =	shalt  }
0x81: {  	_ =	shalt  }
0x82: {  	_ =	shalt  }
0x83: {  	_ =	shalt  }
0x84: {  	_ =	shalt  }
0x85: {  	_ =	shalt  }
0x86: {  	_ =	shalt  }
0x87: {  	_ =	shalt  }
.Lfunc_end0:
.L_simem_size_0:
called_computation_lowered:
.L_overlay_start_0:
0x88: {  	s2 =	sld [smem:$0x3FD9]  }
0x89: {  	s3 =	sld [smem:$0x3FFE];
	_ =	sdelay $0x1  }
0x8a: {  	s1 =	srdreg.scid  }
0x8b: {  	s0 =	sand.u32 $0x1, s1  }
0x8c: {  	s17 =	sshll.u32 s0, $0xA;
	s2 =	sadd.s32 s3, s2  }
0x8d: {  	s2 =	sadd.s32 s2, s17  }
0x8e: {  	[smem:$0x3FB5] =	sst s2  }
0x8f: {  	_ = 	snop  }
0x90: {  	s2 =	sld [smem:$0x3FD0];
	(tm) =	ssettm $0x1  }
0x91: {  	s18 =	sld [smem:$0x3FFB];
	_ =	sdelay $0x3  }
0x92: {  	_ =	strace s18  }
0x93: {  	s3 =	sld [smem:$0x3FFC];
	_ =	sdelay $0x3  }
0x94: {  	_ =	strace s3  }
0x95: {  	s3 =	sld [smem:$0x3FFD];
	_ =	sdelay $0x3  }
0x96: {  	_ =	strace s3  }
0x97: {  	_ =	strace $0x8FFFFFFF  }
0x98: {  	s19 =	sld [smem:$0x3FDB];
	_ =	sdelay $0x1  }
0x99: {  	s4 =	simm.s32 $_scs_section_size  }
0x9a: {  	s5 =	simm.s32 $_size__tile_overlayer_lowered;
	s6 =	simm.s32 $_tile_overlayer_lowered  }
0x9b: {  	s22 =	simm.s32 $0x1BFF;
	s21 =	sshll.u32 s6, $0x1;
	s3 =	sadd.s32 s4, s19  }
0x9c: {  	s7 =	simm.s32 $0x0;
	s20 =	sshll.u32 s5, $0x1;
	s5 =	sadd.s32 s21, s3  }
0x9d: {  	[timem:s7], [sflag:s22] =	dma.local [hbm:s5], s20  }
0x9e: {  	_ =	swait.ge [sflag:s22], s20  }
0x9f: {  	s4 =	ssub.s32 $0x0, s20;
	[sflag:s22] =	ssyncset.done $0x0  }
0xa0: {  	[sflag:s22] =	ssyncadd.s32 s4;
	_ =	sdelay $0x1  }
0xa1: {  	s23 =	simm.s32 $0x1B8B  }
0xa2: {  	_ =	swait.ge [sflag:s23], $0x1  }
0xa3: {  	[sflag:s23] =	ssyncset.done $0x0  }
0xa4: {  	s25 =	simm.s32 $0x1B8E;
	s24 =	sld [smem:$0x3FFE];
	[sflag:s23] =	ssyncadd.s32 $0xFFFFFFFF  }
0xa5: {  	s26 =	simm.s32 $execute0_lowered;
	[smem:$0x3FD2] =	sst s25  }
0xa6: {  	s5 =	sshll.u32 s26, $0x1;
	_ =	strace $0x80000046;
	[dreg:$0x1] =	wrdreg $0xFFFFFFFF  }
0xa7: {  	s28 =	simm.s32 $_size_execute0_lowered;
	s3 =	sadd.s32 s3, s5;
	[dreg:$0x0] =	wrdreg $0x0  }
0xa8: {  	s5 =	sshll.u32 s28, $0x1;
	[dreg:$0x2] =	wrdreg s3  }
0xa9: {  	[dreg:$0x3] =	wrdreg s5  }
0xaa: {  	[dreg:$0x4] =	wrdreg $0xC0  }
0xab: {  	_ =	task [dreg:s7], $0x5FFFF  }
0xac: {  	[dreg:$0x1] =	wrdreg $0xFFFFFFFF  }
0xad: {  	[dreg:$0x0] =	wrdreg $0x60  }
0xae: {  	[dreg:$0x2] =	wrdreg s24  }
0xaf: {  	[dreg:$0x3] =	wrdreg s2  }
0xb0: {  	[dreg:$0x4] =	wrdreg $0xBE000  }
0xb1: {  	[dreg:$0x5] =	wrdreg $0x9  }
0xb2: {  	_ =	task.clear_ibuf [dreg:s7], $0x6FFFF;
	_ =	strace $0x90000046  }
0xb3: {  	s29 =	simm.s32 $0x9;
	_ =	strace $0x80000048  }
0xb4: {  	_ =	swait.ge [sflag:s29], $0x1  }
0xb5: {  	[sflag:s29] =	ssyncadd.s32 $0xFFFFFFFF  }
0xb6: {  	_ =	strace $0x90000048  }
0xb7: {  	_ =	sfence  }
0xb8: {  	s30 =	sld [smem:$0x0];
	_ =	sdelay $0x2  }
0xb9: {  	s31 =	sshll.u32 s1, $0xD;
	s1 =	sshrl.u32 s1, $0x2  }
0xba: {  	s3 =	sand.u32 $0x4000, s31;
	s1 =	sadd.s32 s1, s30  }
0xbb: {  	s0 =	sor.u32 s3, s0;
	s1 =	sshll.u32 s1, $0x11  }
0xbc: {  	s0 =	sor.u32 s1, s0  }
0xbd: {  	s0 =	sadd.s32 $0x8F2B, s0  }
0xbe: {  	[sflag:s0] =	ssyncadd.remote.s32 $0x1  }
0xbf: {  	_ =	sfence.sel $0xFFFF  }
0xc0: {  	[dreg:$0x0] =	wrdreg $0xFFFFFFFF;
	(pc) =	sbr.abs _section_cstart, $3  }
0xc1: {  	[dreg:$0x1] =	wrdreg $0xFFFFFFFF  }
0xc2: {  	_ =	task.clear_ibuf [dreg:s7], $0x2FFFF;
	_ =	strace $0x9FFFFFFF  }
0xc3: {  	(tm) =	ssettm $0x7FFFFFFF  }
tec
execute0_lowered:
.L_overlay_start_1:
0x0: {  	(tag) =	ssettag $0x1  }
0x1: {  	s0 =	rddreg [dreg:$0x0]  }
0x2: {  	s3 =	rddreg [dreg:$0x1]  }
0x3: {  	s1 =	rddreg [dreg:$0x2];
	s2 =	simm.s32 $0x0;
	s17 =	stileid.u32  }
0x4: {  	s7 =	srdreg.scid;
	[smem:$0x7FF] =	sst s2  }
0x5: {  	s4 =	sadd.s32 $0x2D200, s0;
	s5 =	sadd.s32 $0x5200, s0;
	s6 =	sadd.s32 $0x19200, s0  }
0x6: {  	s8 =	smul.u32 $0x140, s17;
	s9 =	sadd.s32 $0x55200, s0;
	s7 =	sand.u32 $0x1, s7  }
0x7: {  	s19 =	smul.u32 $0x50000, s17;
	s10 =	sadd.s32 $0x55800, s0;
	s16 =	sshll.u32 s17, $0x1  }
0x8: {  	s17 =	smul.u32 $0x14000, s17;
	_ =	strace $0x80000047;
	[dreg:$0x4] =	wrdreg s9  }
0x9: {  	s0 =	sadd.s32 $0x55E00, s0;
	[dreg:$0x5] =	wrdreg s10;
	s11 =	smul.u32 $0xF6, s7  }
0xa: {  	s20 =	ssub.s32 $0x2, s7;
	p0 =	seq.s32 s7, $0x0;
	s14 =	smul.u32 $0x300, s7  }
0xb: {  	s10 =	simm.s32 $0xF6;
	s21 =	smul.u32 $0x140000, s7;
	s7 =	sor.u32 s7, s16  }
0xc: {  	s12 =	sshrl.u32 s20, $0x1;
	s9 =	sshrl.u32 s19, $0x2;
	s10 =	simm.s32 @!p0 $0x4A  }
0xd: {  	s7 =	smul.u32 $0x500, s7;
	s23 =	sadd.s32 $0x4000, s17;
	s26 =	sadd.s32 $0x8000, s17  }
0xe: {  	s28 =	sadd.s32 $0xC000, s17;
	s13 =	ssub.s32 s20, s12;
	s8 =	sadd.s32 s11, s8  }
0xf: {  	s9 =	sadd.s32 s9, s1;
	s12 =	sshrl.u32 s10, $0x1;
	s22 =	sadd.s32 s21, s17  }
0x10: {  	s18 =	sadd.s32 s21, s23;
	s29 =	sadd.s32 s21, s26;
	s30 =	sadd.s32 s21, s28  }
0x11: {  	s17 =	sadd.s32 $0x10000, s17;
	s16 =	sadd.s32 s23, s1;
	s3 =	sadd.s32 s3, s7  }
0x12: {  	s25 =	sshrl.u32 s18, $0x3;
	s23 =	sadd.s32 $0x4000, s9;
	[dreg:$0x6] =	wrdreg s3  }
0x13: {  	s7 =	sadd.s32 s28, s1;
	s28 =	sadd.s32 $0xC000, s9;
	[dreg:$0x14] =	wrdreg s23  }
0x14: {  	s18 =	sshrl.u32 s30, $0x3;
	s30 =	sadd.s32 $0x10000, s9;
	[dreg:$0x18] =	wrdreg s28  }
0x15: {  	s11 =	sshll.u32 s8, $0x7;
	s3 =	sadd.s32 s0, s25;
	[dreg:$0x1a] =	wrdreg s30  }
0x16: {  	s8 =	sadd.s32 s21, s17;
	s31 =	sadd.s32 s0, s18;
	[dreg:$0x8] =	wrdreg s3  }
0x17: {  	s15 =	sand.u32 $0x1FFC00, s11;
	s20 =	sshrl.u32 s7, $0x3;
	[dreg:$0xa] =	wrdreg s31  }
0x18: {  	s18 =	sadd.s32 s17, s1;
	s25 =	sadd.s32 $0x8000, s9;
	[dreg:$0x11] =	wrdreg s20  }
0x19: {  	s14 =	sor.u32 s14, s15;
	s21 =	sshrl.u32 s18, $0x3;
	[dreg:$0x16] =	wrdreg s25  }
0x1a: {  	s15 =	sshrl.u32 s22, $0x3;
	s22 =	sadd.s32 $0x2000, s9;
	[dreg:$0x12] =	wrdreg s21  }
0x1b: {  	s3 =	sadd.s32 s26, s1;
	s26 =	sadd.s32 $0xA000, s9;
	[dreg:$0x13] =	wrdreg s22  }
0x1c: {  	s8 =	sshrl.u32 s8, $0x3;
	s31 =	sadd.s32 $0x12000, s9;
	[dreg:$0x17] =	wrdreg s26  }
0x1d: {  	s17 =	simm.s32 $0x1;
	s24 =	sadd.s32 s0, s15;
	[dreg:$0x1b] =	wrdreg s31  }
0x1e: {  	s23 =	simm.s32 $0x0;
	s19 =	sshrl.u32 s3, $0x3;
	[dreg:$0x7] =	wrdreg s24  }
0x1f: {  	s15 =	sshrl.u32 s29, $0x3;
	s29 =	sadd.s32 $0xE000, s9;
	[dreg:$0x10] =	wrdreg s19  }
0x20: {  	s18 =	simm.s32 $0x3;
	s15 =	sadd.s32 s0, s15;
	[dreg:$0x19] =	wrdreg s29  }
0x21: {  	s14 =	sshrl.u32 s14, $0x3;
	s0 =	sadd.s32 s0, s8;
	[dreg:$0x9] =	wrdreg s15  }
0x22: {  	s20 =	simm.s32 $0x9600;
	s8 =	sadd.s32 s5, s14;
	[dreg:$0xb] =	wrdreg s0  }
0x23: {  	s21 =	simm.s32 $0x5400;
	s14 =	sadd.s32 s6, s14;
	[dreg:$0xc] =	wrdreg s8  }
0x24: {  	s24 =	sadd.s32 $0x6000, s9;
	s19 =	simm.s32 $0x40;
	[dreg:$0xd] =	wrdreg s14  }
0x25: {  	s15 =	smax.u32 s13, $0x1;
	s0 =	sshrl.u32 s16, $0x3;
	[dreg:$0x15] =	wrdreg s24  }
0x26: {  	s13 =	simm.s32 $0x400;
	s14 =	simm.s32 $0x4;
	[dreg:$0xe] =	wrdreg s15  }
0x27: {  	v0 =	vimm.f32 $0.0e+00;
	s16 =	simm.s32 $0x5600;
	[dreg:$0xf] =	wrdreg s0;
	s15 =	simm.s32 $0x2C00  }
.LBB2_1:
0x28: {  	s0 =	rddreg [dreg:$0x4]  }
0x29: {  	[tilespmem:s13], [sflag:$0x4] =	stream.linear.gather [hbm4b:s0+s2], $0x2800, $0x38;
	[tilespmem:$0x1FE00] =	vst v63  }
0x2a: {  	_ =	swait.ge [sflag:s14], $0x2800  }
0x2b: {  	[sflag:s14] =	ssyncset.done $0x0  }
0x2c: {  	s31 =	rddreg [dreg:$0x5];
	[sflag:s14] =	ssyncadd.s32 $0xFFFFD800  }
0x2d: {  	[tilespmem:s15], [sflag:$0x4] =	stream.linear.gather [hbm4b:s31+s2], $0x2800, $0x38;
	[tilespmem:$0x1FE00] =	vst v63  }
0x2e: {  	_ =	swait.ge [sflag:s14], $0x2800  }
0x2f: {  	[sflag:s14] =	ssyncset.done $0x0  }
0x30: {  	s24 =	simm.s32 $0x0;
	s25 =	simm.s32 $0x200;
	[sflag:s14] =	ssyncadd.s32 $0xFFFFD800  }
.LBB2_2:
0x31: {  	p0 =	sne.s32 s25, $0x7E00;
	[tilespmem:s24+$0x5670] =	vst v0  }
0x32: {  	[tilespmem:s24+$0x5600] =	vst v0  }
0x33: {  	[tilespmem:s24+$0x5610] =	vst v0  }
.Ltmp0:
0x34: {  	[tilespmem:s24+$0x5620] =	vst v0;
	(pc) =	sbr.rel @p0 .LBB2_2-.Ltmp0, $4  }
0x35: {  	[tilespmem:s24+$0x5630] =	vst v0  }
0x36: {  	[tilespmem:s24+$0x5640] =	vst v0  }
0x37: {  	[tilespmem:s24+$0x5650] =	vst v0  }
0x38: {  	[tilespmem:s24+$0x5660] =	vst v0;
	s24 =	sshra.s32 s25, $0x2;
	s25 =	sadd.s32 $0x200, s25  }
0x39: {  	[tilespmem:s24+$0x5670] =	vst v0  }
0x3a: {  	[tilespmem:s24+$0x5600] =	vst v0  }
0x3b: {  	[tilespmem:s24+$0x5610] =	vst v0  }
0x3c: {  	[tilespmem:s24+$0x5620] =	vst v0  }
0x3d: {  	[tilespmem:s24+$0x5630] =	vst v0  }
0x3e: {  	[tilespmem:s24+$0x5640] =	vst v0  }
0x3f: {  	[tilespmem:s24+$0x5650] =	vst v0  }
0x40: {  	[tilespmem:s24+$0x5660] =	vst v0;
	s24 =	simm.s32 $0x0;
	s25 =	simm.s32 $0x200  }
.LBB2_4:
0x41: {  	p0 =	sne.s32 s25, $0x9E00;
	[tilespmem:s24+$0x9670] =	vst v0  }
0x42: {  	[tilespmem:s24+$0x9600] =	vst v0  }
0x43: {  	[tilespmem:s24+$0x9610] =	vst v0  }
.Ltmp1:
0x44: {  	[tilespmem:s24+$0x9620] =	vst v0;
	(pc) =	sbr.rel @p0 .LBB2_4-.Ltmp1, $4  }
0x45: {  	[tilespmem:s24+$0x9630] =	vst v0  }
0x46: {  	[tilespmem:s24+$0x9640] =	vst v0  }
0x47: {  	[tilespmem:s24+$0x9650] =	vst v0  }
0x48: {  	[tilespmem:s24+$0x9660] =	vst v0;
	s24 =	sshra.s32 s25, $0x2;
	s25 =	sadd.s32 $0x200, s25  }
0x49: {  	[tilespmem:s24+$0x9670] =	vst v0  }
0x4a: {  	[tilespmem:s24+$0x9600] =	vst v0  }
0x4b: {  	[tilespmem:s24+$0x9610] =	vst v0  }
0x4c: {  	[tilespmem:s24+$0x9620] =	vst v0  }
0x4d: {  	[tilespmem:s24+$0x9630] =	vst v0  }
0x4e: {  	[tilespmem:s24+$0x9640] =	vst v0  }
0x4f: {  	[tilespmem:s24+$0x9650] =	vst v0  }
0x50: {  	[tilespmem:s24+$0x9660] =	vst v0  }
0x51: {  	[spmem:s9] =	stream.linear.scatter [tilespmem:s16], [sflag:$0x1], $0x2000, $0x38;
	[tilespmem:$0x1FE00] =	vst v63  }
0x52: {  	s0 =	rddreg [dreg:$0x13]  }
0x53: {  	[spmem:s0] =	stream.linear.scatter [tilespmem:s16], [sflag:$0x1], $0x2000, $0x38;
	[tilespmem:$0x1FE00] =	vst v63  }
0x54: {  	s7 =	rddreg [dreg:$0x14]  }
0x55: {  	[spmem:s7] =	stream.linear.scatter [tilespmem:s16], [sflag:$0x1], $0x2000, $0x38;
	[tilespmem:$0x1FE00] =	vst v63  }
0x56: {  	s8 =	rddreg [dreg:$0x15]  }
0x57: {  	[spmem:s8] =	stream.linear.scatter [tilespmem:s16], [sflag:$0x1], $0x2000, $0x38;
	[tilespmem:$0x1FE00] =	vst v63  }
0x58: {  	s22 =	rddreg [dreg:$0x16]  }
0x59: {  	[spmem:s22] =	stream.linear.scatter [tilespmem:s16], [sflag:$0x1], $0x2000, $0x38;
	[tilespmem:$0x1FE00] =	vst v63  }
0x5a: {  	s24 =	rddreg [dreg:$0x17]  }
0x5b: {  	[spmem:s24] =	stream.linear.scatter [tilespmem:s16], [sflag:$0x1], $0x2000, $0x38;
	[tilespmem:$0x1FE00] =	vst v63  }
0x5c: {  	s25 =	rddreg [dreg:$0x18]  }
0x5d: {  	[spmem:s25] =	stream.linear.scatter [tilespmem:s16], [sflag:$0x1], $0x2000, $0x38;
	[tilespmem:$0x1FE00] =	vst v63  }
0x5e: {  	s26 =	rddreg [dreg:$0x19]  }
0x5f: {  	[spmem:s26] =	stream.linear.scatter [tilespmem:s16], [sflag:$0x1], $0x2000, $0x38;
	[tilespmem:$0x1FE00] =	vst v63  }
0x60: {  	s28 =	rddreg [dreg:$0x1a]  }
0x61: {  	[spmem:s28] =	stream.linear.scatter [tilespmem:s16], [sflag:$0x1], $0x2000, $0x38;
	[tilespmem:$0x1FE00] =	vst v63  }
0x62: {  	s29 =	rddreg [dreg:$0x1b]  }
0x63: {  	[spmem:s29] =	stream.linear.scatter [tilespmem:s16], [sflag:$0x1], $0x2000, $0x38;
	[tilespmem:$0x1FE00] =	vst v63  }
0x64: {  	_ =	swait.ge [sflag:s17], $0x2000  }
0x65: {  	[sflag:s17] =	ssyncset.done $0x0  }
0x66: {  	[sflag:s17] =	ssyncadd.s32 $0xFFFFE000  }
0x67: {  	_ =	swait.ge [sflag:s17], $0x2000  }
0x68: {  	[sflag:s17] =	ssyncset.done $0x0  }
0x69: {  	[sflag:s17] =	ssyncadd.s32 $0xFFFFE000  }
0x6a: {  	_ =	swait.ge [sflag:s17], $0x2000  }
0x6b: {  	[sflag:s17] =	ssyncset.done $0x0  }
0x6c: {  	[sflag:s17] =	ssyncadd.s32 $0xFFFFE000  }
0x6d: {  	_ =	swait.ge [sflag:s17], $0x2000  }
0x6e: {  	[sflag:s17] =	ssyncset.done $0x0  }
0x6f: {  	[sflag:s17] =	ssyncadd.s32 $0xFFFFE000  }
0x70: {  	_ =	swait.ge [sflag:s17], $0x2000  }
0x71: {  	[sflag:s17] =	ssyncset.done $0x0  }
0x72: {  	[sflag:s17] =	ssyncadd.s32 $0xFFFFE000  }
0x73: {  	_ =	swait.ge [sflag:s17], $0x2000  }
0x74: {  	[sflag:s17] =	ssyncset.done $0x0  }
0x75: {  	[sflag:s17] =	ssyncadd.s32 $0xFFFFE000  }
0x76: {  	_ =	swait.ge [sflag:s17], $0x2000  }
0x77: {  	[sflag:s17] =	ssyncset.done $0x0  }
0x78: {  	[sflag:s17] =	ssyncadd.s32 $0xFFFFE000  }
0x79: {  	_ =	swait.ge [sflag:s17], $0x2000  }
0x7a: {  	[sflag:s17] =	ssyncset.done $0x0  }
0x7b: {  	[sflag:s17] =	ssyncadd.s32 $0xFFFFE000  }
0x7c: {  	_ =	swait.ge [sflag:s17], $0x2000  }
0x7d: {  	[sflag:s17] =	ssyncset.done $0x0  }
0x7e: {  	[sflag:s17] =	ssyncadd.s32 $0xFFFFE000  }
0x7f: {  	_ =	swait.ge [sflag:s17], $0x2000  }
0x80: {  	[sflag:s17] =	ssyncset.done $0x0  }
0x81: {  	[sflag:s17] =	ssyncadd.s32 $0xFFFFE000  }
0x82: {  	[bflag:$0x0] =	sbarrier.arrive $0xFFFF  }
0x83: {  	s24 =	simm.s32 $0x0;
	s30 =	rddreg [dreg:$0xc]  }
0x84: {  	[tilespmem:s24], [sflag:$0x3] =	stream.linear.gather [hbm4b:s30+s24], $0x100, $0x38;
	[tilespmem:$0x1FE00] =	vst v63  }
0x85: {  	s3 =	simm.s32 $0x200;
	s31 =	rddreg [dreg:$0xd]  }
0x86: {  	[tilespmem:s3], [sflag:$0x3] =	stream.linear.gather [hbm4b:s31+s24], $0x100, $0x38;
	[tilespmem:$0x1FE00] =	vst v63  }
0x87: {  	_ =	swait.ge [sflag:s18], $0x100  }
0x88: {  	[sflag:s18] =	ssyncset.done $0x0  }
0x89: {  	[sflag:s18] =	ssyncadd.s32 $0xFFFFFF00  }
0x8a: {  	_ =	swait.ge [sflag:s18], $0x100  }
0x8b: {  	[sflag:s18] =	ssyncset.done $0x0  }
0x8c: {  	p0 =	por $0x0, $0x0;
	[sflag:s18] =	ssyncadd.s32 $0xFFFFFF00  }
0x8d: {  	[tilespmem:s16], [sflag:$0x1] =	stream.indirect.gather [hbm4b:s4+s19], $0x80, s24, s19, $0xb8;
	[tilespmem:$0x1FE00] =	vst v63  }
.LBB2_6:
0x8e: {  	s28 =	sand.u32 $0x1, s24;
	s25 =	sshrl.u32 s24, $0x1  }
0x8f: {  	p1 =	seq.s32 s24, $0x0;
	p2 =	sne.s32 s28, $0x0;
	s26 =	sadd.s32 $0x1, s25  }
0x90: {  	s29 =	simm.s32 @!p1 $0x2;
	p3 =	slt.u32 @!p2 s26, s12  }
0x91: {  	_ =	swait.ge @!p1 [sflag:s29], $0x2000;
	p2 =	por p2, !p3  }
0x92: {  	s25 =	sand.u32 $0x1, s25;
	[sflag:s29] =	ssyncset.done @!p1 $0x0;
	s26 =	sshll.u32 @!p2 s26, $0x8  }
0x93: {  	[sflag:s29] =	ssyncadd.s32 @!p1 $0xFFFFE000;
	s29 =	sshll.u32 @p2 s25, $0x8;
	s26 =	sadd.s32 @!p2 s11, s26  }
0x94: {  	s29 =	sshll.u32 @!p2 s25, $0x8;
	s26 =	sshrl.u32 @!p2 s26, $0x3  }
0x95: {  	s30 =	sxor.u32 @!p2 $0x100, s29;
	s31 =	sadd.s32 @!p2 s5, s26  }
0x96: {  	[tilespmem:s30], [sflag:$0x3] =	stream.linear.gather @!p2 [hbm4b:s31+s2], $0x100, $0x38;
	[tilespmem:$0x1FE00] =	vst v63  }
0x97: {  	s26 =	sadd.s32 @!p2 s6, s26;
	s30 =	sor.u32 @!p2 $0x200, s30  }
0x98: {  	[tilespmem:s30], [sflag:$0x3] =	stream.linear.gather @!p2 [hbm4b:s26+s2], $0x100, $0x38;
	[tilespmem:$0x1FE00] =	vst v63  }
0x99: {  	s26 =	sshll.u32 s28, $0x7  }
0x9a: {  	s29 =	sor.u32 s26, s29  }
0x9b: {  	v1 =	vld [tilespmem:s29+$0x0]  }
0x9c: {  	v2 =	vld [tilespmem:s29+$0x200];
	_ =	sdelay $0x6  }
0x9d: {  	v1 =	vld.idx.msk [tilespmem:v1+s13+$0x0], $0xffff  }
0x9e: {  	v3 =	vld.idx.msk [tilespmem:v2+s15+$0x0], $0xffff;
	_ =	sdelay $0x4  }
0x9f: {  	v1 =	vadd.f32 v3, v1;
	_ =	sdelay $0x1  }
0xa0: {  	v3 =	vmul.f32 $2.000000030e-01, v1  }
0xa1: {  	vm0 =	vgt.f32 v1, $0.0e+00  }
0xa2: {  	v1 =	vsel vm0, v1, v3  }
0xa3: {  	v1 =	vmul.f32 $1.442695020e+00, v1;
	_ =	sdelay $0x1  }
0xa4: {  	(erf) = vpow2.f32 v1;
	_ =	sdelay $0x8  }
0xa5: {  	v1 =	vpop (erf)  }
0xa6: {  	[tilespmem:$0x5400] =	vst v1  }
0xa7: {  	s30 =	sor.u32 $0x10, s29;
	[tilespmem:v2+s20+$0x0] =	vst.idx.add.f32.msk $0xffff, v1  }
0xa8: {  	v1 =	vld [tilespmem:s30+$0x0];
	s30 =	sor.u32 $0x210, s29  }
0xa9: {  	v2 =	vld [tilespmem:s30+$0x0];
	_ =	sdelay $0x6  }
0xaa: {  	v1 =	vld.idx.msk [tilespmem:v1+s13+$0x0], $0xffff  }
0xab: {  	v3 =	vld.idx.msk [tilespmem:v2+s15+$0x0], $0xffff;
	_ =	sdelay $0x4  }
0xac: {  	v1 =	vadd.f32 v3, v1;
	_ =	sdelay $0x1  }
0xad: {  	v3 =	vmul.f32 $2.000000030e-01, v1  }
0xae: {  	vm13 =	vgt.f32 v1, $0.0e+00  }
0xaf: {  	v1 =	vsel vm13, v1, v3  }
0xb0: {  	v1 =	vmul.f32 $1.442695020e+00, v1;
	_ =	sdelay $0x1  }
0xb1: {  	(erf) = vpow2.f32 v1;
	_ =	sdelay $0x8  }
0xb2: {  	v1 =	vpop (erf)  }
0xb3: {  	[tilespmem:$0x5480] =	vst v1  }
0xb4: {  	s30 =	sor.u32 $0x20, s29;
	[tilespmem:v2+s20+$0x0] =	vst.idx.add.f32.msk $0xffff, v1  }
0xb5: {  	v1 =	vld [tilespmem:s30+$0x0];
	s30 =	sor.u32 $0x220, s29  }
0xb6: {  	v2 =	vld [tilespmem:s30+$0x0];
	_ =	sdelay $0x6  }
0xb7: {  	v1 =	vld.idx.msk [tilespmem:v1+s13+$0x0], $0xffff  }
0xb8: {  	v3 =	vld.idx.msk [tilespmem:v2+s15+$0x0], $0xffff;
	_ =	sdelay $0x4  }
0xb9: {  	v1 =	vadd.f32 v3, v1;
	_ =	sdelay $0x1  }
0xba: {  	v3 =	vmul.f32 $2.000000030e-01, v1  }
0xbb: {  	vm14 =	vgt.f32 v1, $0.0e+00  }
0xbc: {  	v1 =	vsel vm14, v1, v3  }
0xbd: {  	v1 =	vmul.f32 $1.442695020e+00, v1;
	_ =	sdelay $0x1  }
0xbe: {  	(erf) = vpow2.f32 v1;
	_ =	sdelay $0x8  }
0xbf: {  	v1 =	vpop (erf)  }
0xc0: {  	[tilespmem:$0x5500] =	vst v1  }
0xc1: {  	s30 =	sor.u32 $0x30, s29;
	[tilespmem:v2+s20+$0x0] =	vst.idx.add.f32.msk $0xffff, v1  }
0xc2: {  	s29 =	sor.u32 $0x230, s29;
	v1 =	vld [tilespmem:s30+$0x0]  }
0xc3: {  	v2 =	vld [tilespmem:s29+$0x0];
	_ =	sdelay $0x6  }
0xc4: {  	v1 =	vld.idx.msk [tilespmem:v1+s13+$0x0], $0xffff  }
0xc5: {  	v3 =	vld.idx.msk [tilespmem:v2+s15+$0x0], $0xffff;
	_ =	sdelay $0x4  }
0xc6: {  	v1 =	vadd.f32 v3, v1;
	_ =	sdelay $0x1  }
0xc7: {  	v3 =	vmul.f32 $2.000000030e-01, v1  }
0xc8: {  	vm15 =	vgt.f32 v1, $0.0e+00  }
0xc9: {  	v1 =	vsel vm15, v1, v3  }
0xca: {  	v1 =	vmul.f32 $1.442695020e+00, v1;
	_ =	sdelay $0x1  }
0xcb: {  	(erf) = vpow2.f32 v1;
	_ =	sdelay $0x7  }
0xcc: {  	s24 =	sadd.s32 $0x1, s24  }
0xcd: {  	p6 =	seq.s32 s28, $0x1;
	p1 =	sge.u32 s24, s10;
	v1 =	vpop (erf)  }
0xce: {  	p2 =	por !p6, p1;
	[tilespmem:$0x5580] =	vst v1  }
0xcf: {  	s29 =	simm.s32 @!p2 $0x3;
	[tilespmem:v2+s20+$0x0] =	vst.idx.add.f32.msk $0xffff, v1  }
0xd0: {  	_ =	swait.ge @!p2 [sflag:s29], $0x100  }
0xd1: {  	[sflag:s29] =	ssyncset.done @!p2 $0x0  }
0xd2: {  	[sflag:s29] =	ssyncadd.s32 @!p2 $0xFFFFFF00  }
0xd3: {  	_ =	swait.ge @!p2 [sflag:s29], $0x100  }
0xd4: {  	s0 =	simm.s32 @!p1 $0x40;
	s28 =	sshll.u32 s28, $0xD;
	[sflag:s29] =	ssyncset.done @!p2 $0x0  }
0xd5: {  	s31 =	sshll.u32 @!p1 s24, $0x7;
	[sflag:s29] =	ssyncadd.s32 @!p2 $0xFFFFFF00;
	s29 =	sxor.u32 @!p1 $0x2000, s28  }
0xd6: {  	s31 =	sand.u32 @!p1 $0x180, s31;
	s30 =	simm.s32 $0x1;
	s29 =	sadd.s32 @!p1 $0x5600, s29  }
0xd7: {  	[tilespmem:s29], [sflag:$0x1] =	stream.indirect.gather @!p1 [hbm4b:s4+s0], $0x80, s31, s0, $0xb8;
	[tilespmem:$0x1FE00] =	vst v63  }
0xd8: {  	s30 =	simm.s32 @!p0 $0x0;
	_ =	swait.ge [sflag:s17], $0x2000  }
0xd9: {  	s7 =	sshll.u32 s30, $0xD;
	[sflag:s17] =	ssyncset.done $0x0  }
0xda: {  	s29 =	sor.u32 $0x5700, s7;
	[sflag:s17] =	ssyncadd.s32 $0xFFFFE000  }
0xdb: {  	v4 =	vld [tilespmem:s29+$0x90]  }
0xdc: {  	v3 =	vld [tilespmem:s29+$0xFFFFFFC0]  }
0xdd: {  	v5 =	vld [tilespmem:s29+$0xFFFFFFE0]  }
0xde: {  	v6 =	vld [tilespmem:s29+$0xFFFFFFF0]  }
0xdf: {  	v7 =	vld [tilespmem:s29+$0x0]  }
0xe0: {  	v8 =	vld [tilespmem:s29+$0xD0]  }
0xe1: {  	v12 =	vld [tilespmem:s29+$0x20]  }
0xe2: {  	s8 =	simm.s32 $0x0;
	s31 =	simm.s32 $0x1;
	v14 =	vld [tilespmem:s29+$0x30]  }
0xe3: {  	s30 =	simm.s32 $0x0;
	s0 =	sand.u32 $0xFFFFFF80, s8;
	s31 =	sand.u32 $0xD, s31;
	v9 =	vld [tilespmem:s29+$0x10]  }
0xe4: {  	s3 =	sand.u32 $0xC, s30;
	s7 =	simm.s32 $0x2;
	s22 =	sor.u32 s31, s0;
	v10 =	vld [tilespmem:s29+$0xC0]  }
0xe5: {  	s3 =	sor.u32 s3, s0;
	s7 =	sand.u32 $0xE, s7;
	v2 =	vmov s22;
	v13 =	vld [tilespmem:s29+$0x60]  }
0xe6: {  	s8 =	simm.s32 $0x3;
	v1 =	vmov s3;
	s7 =	sor.u32 s7, s0;
	v16 =	vld [tilespmem:s29+$0x70]  }
0xe7: {  	s8 =	sand.u32 $0xF, s8;
	v11 =	vmov s7;
	v17 =	vld [tilespmem:s29+$0xFFFFFFD0]  }
0xe8: {  	s0 =	sor.u32 s8, s0;
	v20 =	vld [tilespmem:s29+$0xFFFFFFA0]  }
0xe9: {  	v15 =	vmov s0;
	v21 =	vld [tilespmem:s29+$0xFFFFFF90]  }
0xea: {  	v18 =	vld.idx.msk [tilespmem:v2+s21+$0x0], $0xffff  }
0xeb: {  	v19 =	vld.idx.msk [tilespmem:v1+s21+$0x0], $0xffff  }
0xec: {  	v1 =	vld.idx.msk [tilespmem:v11+s21+$0x0], $0xffff  }
0xed: {  	v22 =	vld [tilespmem:s29+$0xFFFFFF80]  }
0xee: {  	v2 =	vld.idx.msk [tilespmem:v15+s21+$0x0], $0xffff  }
0xef: {  	v23 =	vld [tilespmem:s29+$0xFFFFFF70];
	v5 =	vmul.f32 v5, v18  }
0xf0: {  	v24 =	vld [tilespmem:s29+$0xFFFFFF50];
	v6 =	vmul.f32 v6, v18  }
0xf1: {  	v15 =	vld [tilespmem:s29+$0xFFFFFFB0];
	v7 =	vmul.f32 v7, v1;
	[tilespmem:s29+$0xFFFFFFE0] =	vst v5  }
0xf2: {  	v25 =	vld [tilespmem:s29+$0xFFFFFF30];
	v17 =	vmul.f32 v17, v18;
	[tilespmem:s29+$0xFFFFFFF0] =	vst v6  }
0xf3: {  	v26 =	vld [tilespmem:s29+$0xFFFFFF20];
	v4 =	vmul.f32 v4, v2;
	[tilespmem:s29+$0x0] =	vst v7  }
0xf4: {  	v27 =	vld [tilespmem:s29+$0xFFFFFF10];
	v21 =	vmul.f32 v21, v18;
	v6 =	vmul.f32 v16, v1;
	[tilespmem:s29+$0xFFFFFFD0] =	vst v17  }
0xf5: {  	v11 =	vld [tilespmem:s29+$0xA0];
	v16 =	vmul.f32 v3, v18;
	v3 =	vmul.f32 v9, v1;
	[tilespmem:s29+$0x90] =	vst v4  }
0xf6: {  	v28 =	vld [tilespmem:s29+$0xF0];
	v9 =	vmul.f32 v15, v18;
	v15 =	vmul.f32 v20, v18;
	[tilespmem:s29+$0xFFFFFF90] =	vst v21  }
0xf7: {  	v5 =	vld [tilespmem:s29+$0xFFFFFF60];
	v17 =	vmul.f32 v13, v1;
	v13 =	vmul.f32 v23, v19;
	[tilespmem:s29+$0x70] =	vst v6  }
0xf8: {  	v7 =	vld [tilespmem:s29+$0xFFFFFF40];
	v4 =	vmul.f32 v8, v2;
	v20 =	vmul.f32 v12, v1;
	[tilespmem:s29+$0x10] =	vst v3  }
0xf9: {  	v23 =	vld [tilespmem:s29+$0xFFFFFF00];
	v8 =	vmul.f32 v25, v19;
	v12 =	vmul.f32 v27, v19;
	[tilespmem:s29+$0xFFFFFFC0] =	vst v16  }
0xfa: {  	v3 =	vmul.f32 v11, v2;
	v6 =	vmul.f32 v22, v18;
	[tilespmem:s29+$0xFFFFFFB0] =	vst v9;
	v11 =	vld [tilespmem:s29+$0xE0]  }
0xfb: {  	v22 =	vmul.f32 v10, v2;
	v9 =	vmul.f32 v24, v19;
	[tilespmem:s29+$0x60] =	vst v17;
	v17 =	vld [tilespmem:s29+$0xB0]  }
0xfc: {  	[tilespmem:s29+$0xFFFFFFA0] =	vst v15;
	v15 =	vld [tilespmem:s29+$0x80];
	v18 =	vmul.f32 v14, v1;
	v10 =	vmul.f32 v5, v19  }
0xfd: {  	[tilespmem:s29+$0xD0] =	vst v4;
	v16 =	vld [tilespmem:s29+$0x50];
	v7 =	vmul.f32 v7, v19;
	v5 =	vmul.f32 v26, v19  }
0xfe: {  	s31 =	sadd.s32 $0x200, s29;
	v14 =	vld [tilespmem:s29+$0x40];
	[tilespmem:s29+$0xC0] =	vst v22;
	v4 =	vmul.f32 v23, v19;
	v19 =	vmul.f32 v28, v2  }
.LBB2_7:
0xff: {  	s0 =	sadd.s32 $0x5, s30  }
0x100: {  	s3 =	sadd.s32 $0x7, s30;
	v21 =	vld [tilespmem:s31+$0x90];
	[tilespmem:s29+$0x20] =	vst v20;
	s7 =	smov.u32 s30;
	s30 =	sadd.s32 $0x4, s30  }
0x101: {  	s8 =	sand.u32 $0xC, s30;
	s22 =	sshll.u32 s30, $0x3;
	v20 =	vld [tilespmem:s31+$0xFFFFFFC0];
	s7 =	sadd.s32 $0x6, s7;
	[tilespmem:s29+$0x30] =	vst v18;
	v17 =	vmul.f32 v17, v2  }
0x102: {  	s0 =	sand.u32 $0xD, s0;
	s22 =	sand.u32 $0xFFFFFF80, s22;
	v18 =	vld [tilespmem:s31+$0xFFFFFFE0];
	s7 =	sand.u32 $0xE, s7;
	[tilespmem:s29+$0xFFFFFF70] =	vst v13;
	v13 =	vmul.f32 v15, v2  }
0x103: {  	s3 =	sand.u32 $0xF, s3;
	s8 =	sor.u32 s8, s22;
	v15 =	vld [tilespmem:s31+$0xFFFFFFF0];
	s7 =	sor.u32 s7, s22;
	[tilespmem:s29+$0xFFFFFF80] =	vst v6;
	v6 =	vmul.f32 v16, v1  }
0x104: {  	p1 =	slt.u32 s30, $0x3C;
	v2 =	vmul.f32 v11, v2;
	s0 =	sor.u32 s0, s22;
	s3 =	sor.u32 s3, s22;
	v16 =	vmov s8;
	v22 =	vld [tilespmem:s31+$0x0];
	[tilespmem:s29+$0xFFFFFF60] =	vst v10;
	v10 =	vmul.f32 v14, v1  }
0x105: {  	v1 =	vmov s0;
	v11 =	vld [tilespmem:s31+$0xD0];
	[tilespmem:s29+$0xF0] =	vst v19  }
0x106: {  	v14 =	vmov s7;
	v19 =	vld [tilespmem:s31+$0x20];
	[tilespmem:s29+$0xFFFFFF50] =	vst v9  }
0x107: {  	v9 =	vmov s3;
	v23 =	vld [tilespmem:s31+$0x30];
	[tilespmem:s29+$0xA0] =	vst v3  }
0x108: {  	v3 =	vld [tilespmem:s31+$0x10];
	[tilespmem:s29+$0xFFFFFF40] =	vst v7  }
0x109: {  	v7 =	vld [tilespmem:s31+$0xC0];
	[tilespmem:s29+$0xB0] =	vst v17  }
0x10a: {  	v17 =	vld [tilespmem:s31+$0x60];
	[tilespmem:s29+$0xFFFFFF30] =	vst v8  }
0x10b: {  	v8 =	vld [tilespmem:s31+$0x70];
	[tilespmem:s29+$0xFFFFFF10] =	vst v12  }
0x10c: {  	v12 =	vld [tilespmem:s31+$0xFFFFFFD0];
	[tilespmem:s29+$0x80] =	vst v13  }
0x10d: {  	v16 =	vld.idx.msk [tilespmem:v16+s21+$0x0], $0xffff;
	[tilespmem:s29+$0xFFFFFF20] =	vst v5  }
0x10e: {  	v5 =	vld.idx.msk [tilespmem:v1+s21+$0x0], $0xffff;
	[tilespmem:s29+$0x50] =	vst v6  }
0x10f: {  	v1 =	vld.idx.msk [tilespmem:v14+s21+$0x0], $0xffff;
	[tilespmem:s29+$0xE0] =	vst v2  }
0x110: {  	v2 =	vld.idx.msk [tilespmem:v9+s21+$0x0], $0xffff;
	[tilespmem:s29+$0xFFFFFF00] =	vst v4  }
0x111: {  	v4 =	vld [tilespmem:s31+$0xA0];
	[tilespmem:s29+$0x40] =	vst v10;
	s29 =	smov.u32 s31  }
0x112: {  	v6 =	vld [tilespmem:s31+$0xFFFFFFB0]  }
0x113: {  	v9 =	vld [tilespmem:s31+$0xFFFFFFA0]  }
0x114: {  	v13 =	vmul.f32 v18, v5;
	v14 =	vmul.f32 v15, v5;
	v10 =	vld [tilespmem:s31+$0xFFFFFF90]  }
0x115: {  	v12 =	vmul.f32 v12, v5;
	v18 =	vmul.f32 v22, v1;
	v15 =	vld [tilespmem:s31+$0xFFFFFF80]  }
0x116: {  	v20 =	vmul.f32 v20, v5;
	v8 =	vmul.f32 v8, v1;
	v22 =	vld [tilespmem:s31+$0xFFFFFF70];
	[tilespmem:s31+$0xFFFFFFE0] =	vst v13  }
0x117: {  	v24 =	vld [tilespmem:s31+$0xFFFFFF60];
	v25 =	vmul.f32 v6, v5;
	[tilespmem:s31+$0xFFFFFFF0] =	vst v14;
	v14 =	vmul.f32 v3, v1  }
0x118: {  	v17 =	vmul.f32 v17, v1;
	v26 =	vld [tilespmem:s31+$0xFFFFFF50];
	v27 =	vmul.f32 v9, v5;
	[tilespmem:s31+$0x0] =	vst v18  }
0x119: {  	v3 =	vmul.f32 v4, v2;
	v18 =	vld [tilespmem:s31+$0xFFFFFF40];
	v28 =	vmul.f32 v10, v5;
	[tilespmem:s31+$0xFFFFFFD0] =	vst v12  }
0x11a: {  	v12 =	vmul.f32 v21, v2;
	v4 =	vld [tilespmem:s31+$0xFFFFFF30];
	v6 =	vmul.f32 v15, v5;
	[tilespmem:s31+$0x70] =	vst v8  }
0x11b: {  	v5 =	vld [tilespmem:s31+$0xFFFFFF20];
	v13 =	vmul.f32 v22, v16;
	[tilespmem:s31+$0x10] =	vst v14;
	v14 =	vmul.f32 v7, v2  }
0x11c: {  	v21 =	vmul.f32 v11, v2;
	v15 =	vld [tilespmem:s31+$0xFFFFFF10];
	v10 =	vmul.f32 v24, v16;
	[tilespmem:s31+$0xFFFFFFC0] =	vst v20  }
0x11d: {  	v20 =	vmul.f32 v19, v1;
	v22 =	vld [tilespmem:s31+$0xFFFFFF00];
	v9 =	vmul.f32 v26, v16;
	[tilespmem:s31+$0xFFFFFFB0] =	vst v25  }
0x11e: {  	v7 =	vmul.f32 v18, v16;
	v18 =	vmul.f32 v23, v1;
	[tilespmem:s31+$0x60] =	vst v17;
	v19 =	vld [tilespmem:s31+$0xF0]  }
.Ltmp2:
0x11f: {  	v8 =	vmul.f32 v4, v16;
	[tilespmem:s31+$0xFFFFFFA0] =	vst v27;
	v11 =	vld [tilespmem:s31+$0xE0];
	(pc) =	sbr.rel @p1 .LBB2_7-.Ltmp2, $4  }
0x120: {  	v5 =	vmul.f32 v5, v16;
	[tilespmem:s31+$0x90] =	vst v12;
	v17 =	vld [tilespmem:s31+$0xB0]  }
0x121: {  	v12 =	vmul.f32 v15, v16;
	v15 =	vld [tilespmem:s31+$0x80];
	[tilespmem:s31+$0xD0] =	vst v21  }
0x122: {  	v4 =	vmul.f32 v22, v16;
	v16 =	vld [tilespmem:s31+$0x50];
	[tilespmem:s31+$0xC0] =	vst v14  }
0x123: {  	s31 =	sadd.s32 $0x200, s31;
	[tilespmem:s29+$0xFFFFFF90] =	vst v28;
	v14 =	vld [tilespmem:s29+$0x40];
	v19 =	vmul.f32 v19, v2  }
0x124: {  	[tilespmem:s29+$0x20] =	vst v20  }
0x125: {  	[tilespmem:s29+$0x30] =	vst v18  }
0x126: {  	[tilespmem:s29+$0xFFFFFF70] =	vst v13  }
0x127: {  	[tilespmem:s29+$0xFFFFFF80] =	vst v6  }
0x128: {  	[tilespmem:s29+$0xFFFFFF60] =	vst v10  }
0x129: {  	[tilespmem:s29+$0xFFFFFF50] =	vst v9  }
0x12a: {  	[tilespmem:s29+$0xA0] =	vst v3  }
0x12b: {  	[tilespmem:s29+$0xFFFFFF40] =	vst v7  }
0x12c: {  	[tilespmem:s29+$0xFFFFFF30] =	vst v8  }
0x12d: {  	[tilespmem:s29+$0xFFFFFF10] =	vst v12  }
0x12e: {  	[tilespmem:s29+$0xFFFFFF20] =	vst v5  }
0x12f: {  	[tilespmem:s29+$0xFFFFFF00] =	vst v4;
	v62 =	vmul.f32 v17, v2  }
0x130: {  	[tilespmem:s29+$0xF0] =	vst v19;
	v3 =	vmul.f32 v15, v2  }
0x131: {  	p1 =	sne.s32 s24, s10;
	v2 =	vmul.f32 v11, v2;
	[tilespmem:s29+$0xB0] =	vst v62  }
.Ltmp3:
0x132: {  	v63 =	vmul.f32 v16, v1;
	[tilespmem:s29+$0x80] =	vst v3;
	(pc) =	sbr.rel @p1 .LBB2_6-.Ltmp3, $4  }
0x133: {  	s0 =	sshll.u32 s25, $0x8;
	v1 =	vmul.f32 v14, v1;
	[tilespmem:s29+$0xE0] =	vst v2  }
0x134: {  	s0 =	sor.u32 s26, s0;
	[tilespmem:s29+$0x50] =	vst v63  }
0x135: {  	s3 =	sor.u32 $0x5600, s28;
	p0 =	por !p0, !p0;
	s0 =	sor.u32 $0x200, s0;
	[tilespmem:s29+$0x40] =	vst v1  }
0x136: {  	[spmem:s1] =	stream.indirect.scatter.add.f32 [tilespmem:s3], [sflag:$0x2], $0x80, s0, s19, $0xb8;
	[tilespmem:$0x1FE00] =	vst v63  }
0x137: {  	s0 =	simm.s32 $0x2  }
0x138: {  	_ =	swait.ge [sflag:s0], $0x2000  }
0x139: {  	[sflag:s0] =	ssyncset.done $0x0  }
0x13a: {  	s3 =	rddreg [dreg:$0x6];
	[sflag:s0] =	ssyncadd.s32 $0xFFFFE000  }
0x13b: {  	[hbm4b:s3+s2] =	stream.linear.scatter [tilespmem:s20], [sflag:$0x4], $0x2800, $0x38;
	[tilespmem:$0x1FE00] =	vst v63  }
0x13c: {  	_ =	swait.ge [sflag:s14], $0x2800  }
0x13d: {  	[sflag:s14] =	ssyncset.done $0x0  }
0x13e: {  	s7 =	stileid.u32;
	[sflag:s14] =	ssyncadd.s32 $0xFFFFD800  }
0x13f: {  	s0 =	sshll.u32 s7, $0x6;
	[bflag:$0x0] =	sbarrier.arrive $0xFFFF  }
0x140: {  	s0 =	sor.u32 $0x1C04, s0;
	s3 =	sshrl.u32 s9, $0x3;
	s7 =	rddreg [dreg:$0x7]  }
0x141: {  	[hbm:s7], [sflag:s0] =	dma.local [spmem:s3], $0x800  }
0x142: {  	_ =	swait.ge [sflag:s14], $0x800  }
0x143: {  	[sflag:s14] =	ssyncset.done $0x0;
	s8 =	rddreg [dreg:$0x8]  }
0x144: {  	s22 =	rddreg [dreg:$0xf];
	[sflag:s14] =	ssyncadd.s32 $0xFFFFF800  }
0x145: {  	[hbm:s8], [sflag:s0] =	dma.local [spmem:s22], $0x800  }
0x146: {  	_ =	swait.ge [sflag:s14], $0x800  }
0x147: {  	[sflag:s14] =	ssyncset.done $0x0;
	s24 =	rddreg [dreg:$0x9]  }
0x148: {  	s25 =	rddreg [dreg:$0x10];
	[sflag:s14] =	ssyncadd.s32 $0xFFFFF800  }
0x149: {  	[hbm:s24], [sflag:s0] =	dma.local [spmem:s25], $0x800  }
0x14a: {  	_ =	swait.ge [sflag:s14], $0x800  }
0x14b: {  	[sflag:s14] =	ssyncset.done $0x0;
	s26 =	rddreg [dreg:$0xa]  }
0x14c: {  	s28 =	rddreg [dreg:$0x11];
	[sflag:s14] =	ssyncadd.s32 $0xFFFFF800  }
0x14d: {  	[hbm:s26], [sflag:s0] =	dma.local [spmem:s28], $0x800  }
0x14e: {  	_ =	swait.ge [sflag:s14], $0x800  }
0x14f: {  	[sflag:s14] =	ssyncset.done $0x0;
	s29 =	rddreg [dreg:$0xb]  }
0x150: {  	s30 =	rddreg [dreg:$0x12];
	[sflag:s14] =	ssyncadd.s32 $0xFFFFF800  }
0x151: {  	[hbm:s29], [sflag:s0] =	dma.local [spmem:s30], $0x800  }
0x152: {  	_ =	swait.ge [sflag:s14], $0x800  }
0x153: {  	s23 =	sadd.s32 $0x1, s23;
	s31 =	rddreg [dreg:$0xe]  }
0x154: {  	p0 =	sne.s32 s23, s31  }
.Ltmp4:
0x155: {  	_ = 	snop;
	(pc) =	sbr.rel @p0 .LBB2_1-.Ltmp4, $3  }
0x156: {  	_ =	sdelay $0x1  }
0x157: {  	[sflag:s14] =	ssyncset.done $0x0  }
0x158: {  	[sflag:s14] =	ssyncadd.s32 $0xFFFFF800  }
0x159: {  	_ =	sfence.sel $0x180000  }
0x15a: {  	[bflag:$0x0] =	sbarrier.arrive $0xFFFF  }
0x15b: {  	_ =	strace $0x90000047  }
0x15c: {  	s0 =	stileid.u32;
	[bflag:$0x2] =	sbarrier.arrive $0xFFFF  }
0x15d: {  	p0 =	sne.s32 s0, $0x0;
	s0 =	rddreg [dreg:$0x3]  }
0x15e: {  	s0 =	sadd.s32 @!p0 $0x100000, s0  }
0x15f: {  	[sflag:s0] =	ssyncadd.tile.s32 @!p0 $0x1;
	_ =	shalt  }
.Lfunc_end2:
_tile_overlayer_lowered:
.L_overlay_start_2:
0x160: {  	(tag) =	ssettag $0x2  }
0x161: {  	s0 =	rddreg [dreg:$0x0];
	s2 =	stileid.u32  }
0x162: {  	s1 =	rddreg [dreg:$0x1];
	p0 =	sne.s32 s2, $0x0  }
0x163: {  	s3 =	rddreg [dreg:$0x2];
	[bflag:$0x3] =	sbarrier.arrive $0xFFFF;
	s2 =	simm.s32 @!p0 $0x1C04  }
0x164: {  	[timem:s3], [sflag:s2] =	dma.local @!p0 [hbm:s0], s1  }
0x165: {  	s0 =	simm.s32 @!p0 $0x4  }
0x166: {  	_ =	swait.ge @!p0 [sflag:s0], s1  }
0x167: {  	s1 =	ssub.s32 @!p0 $0x0, s1;
	[sflag:s0] =	ssyncset.done @!p0 $0x0  }
0x168: {  	[sflag:s0] =	ssyncadd.s32 @!p0 s1  }
0x169: {  	[bflag:$0x3] =	sbarrier.arrive $0xFFFF  }
0x16a: {  	_ =	shalt  }

</sc_bundles>
